<compile_context>
chip_gen: v7x
topology: tpu7x:2x2x1
jax: 0.10.2.dev20260603
libtpu: 0.0.44.dev20260713+nightly
codegen_flags: <defaults>
</compile_context>

<pallas_src>
import functools

import jax
import jax.numpy as jnp
from jax import lax
from jax.experimental import pallas as pl
from jax.experimental.pallas import tpu as pltpu
from jax.experimental.pallas import tpu_sc as plsc

NC = 2
NS = 16
NW = NC * NS

CH = 80
NB = 4
NI = 8
EPT = 10000
ZCH = 640
NPAD = NS * ZCH

_mesh = plsc.VectorSubcoreMesh(core_axis_name="c", subcore_axis_name="s")


def _deg_body(nch, dst_hbm, deg_out, degacc, dstb, zeros_v, ones_v, *sems):
    c = lax.axis_index("c")
    s = lax.axis_index("s")
    wid = c * NS + s

    pltpu.sync_copy(dst_hbm.at[wid], dstb)

    def _z(i, _):
        zeros_v[pl.ds(i * 16, 16)] = jnp.zeros((16,), jnp.float32)
        return 0
    lax.fori_loop(0, ZCH // 16, _z, 0)

    def _o(i, _):
        ones_v[pl.ds(i * 16, 16)] = jnp.ones((16,), jnp.float32)
        return 0
    lax.fori_loop(0, CH // 16, _o, 0)

    pltpu.sync_copy(zeros_v, degacc.at[pl.ds(s * ZCH, ZCH)])
    plsc.subcore_barrier()

    def _issue(g, u):
        pltpu.async_copy(ones_v, degacc.at[dstb.at[g]], sems[u], add=True)

    def _wait(u):
        pltpu.make_async_copy(ones_v, degacc.at[dstb.at[0]], sems[u]).wait()

    for u in range(NB):
        _issue(u, u)

    def _body(b, _):
        for u in range(NB):
            _wait(u)
            _issue(NB * b + u, u)
        return 0
    lax.fori_loop(1, nch // NB, _body, 0)

    for g in range((nch // NB) * NB, nch):
        _wait(g % NB)
        _issue(g, g % NB)

    for u in range(NB):
        _wait(u)

    plsc.subcore_barrier()
    pltpu.sync_copy(degacc.at[pl.ds(s * ZCH, ZCH)],
                    deg_out.at[c, 0, pl.ds(s * ZCH, ZCH)])


def _prop_body(N, D, nch, hs_hbm, src_hbm, dst_hbm, out_hbm, acc,
               sib, dib, rows, isem, gsem, ssem):
    c = lax.axis_index("c")
    s = lax.axis_index("s")
    wid = c * NS + s
    kd = D // 16
    base = wid * EPT
    r0 = rows[0]

    stripe0 = s * ((N // NS) // 8 * 8)
    slen = N - (NS - 1) * ((N // NS) // 8 * 8)

    def _z(r, _):
        for k in range(kd):
            r0[r, pl.ds(k * 16, 16)] = jnp.zeros((16,), jnp.float32)
        return 0
    lax.fori_loop(0, CH, _z, 0)

    def _zc(j, _):
        pltpu.sync_copy(r0.at[pl.ds(0, 40)], acc.at[pl.ds(stripe0 + j * 40, 40)])
        return 0
    lax.fori_loop(0, slen // 40, _zc, 0)
    plsc.subcore_barrier()

    def _ld_idx(g, b):
        pltpu.async_copy(src_hbm.at[pl.ds(base + g * CH, CH)], sib[b], isem[b])
        pltpu.async_copy(dst_hbm.at[pl.ds(base + g * CH, CH)], dib[b], isem[b])

    def _wait_idx(b):
        pltpu.make_async_copy(src_hbm.at[pl.ds(base, CH)], sib[b], isem[b]).wait()
        pltpu.make_async_copy(dst_hbm.at[pl.ds(base, CH)], dib[b], isem[b]).wait()

    def _gather(b, u):
        pltpu.async_copy(hs_hbm.at[sib[b]], rows[u], gsem[u])

    def _wait_gather(u):
        pltpu.make_async_copy(hs_hbm.at[sib[0]], rows[u], gsem[u]).wait()

    def _scat(b, u):
        pltpu.async_copy(rows[u], acc.at[dib[b]], ssem[u], add=True)

    def _wait_scat(u):
        pltpu.make_async_copy(rows[u], acc.at[dib[0]], ssem[u]).wait()

    for g0 in range(NI - 1):
        _ld_idx(g0, g0)
    for g0 in range(NB - 1):
        _wait_idx(g0)
        _gather(g0, g0)
    _wait_idx(3)
    _gather(3, 3)
    _ld_idx(NI - 1, NI - 1)
    _wait_gather(0)
    _scat(0, 0)

    def _step(g, v):
        u = (v + 0) % NB
        w = (v + NB - 1) % NB
        b3 = (v + NB - 1) % NI
        b7 = (v + NI - 1) % NI
        _wait_scat(w)
        _wait_idx(b3)
        _gather(b3, w)
        _ld_idx(g + NI - 1, b7)
        _wait_gather(u)
        _scat(v % NI, u)

    nfull = (nch - NI) // NI * NI

    def _body(bo, _):
        for v in range(NI):
            _step(NI * bo + 1 + v, 1 + v)
        return 0
    lax.fori_loop(0, nfull // NI, _body, 0)

    for g in range(nfull + 1, nch - NI + 1):
        _step(g, g % NI)
    for g in range(nch - NI + 1, nch - NB + 1):
        v = g % NI
        u = g % NB
        w = (g + NB - 1) % NB
        _wait_scat(w)
        _wait_idx((g + NB - 1) % NI)
        _gather((g + NB - 1) % NI, w)
        _wait_gather(u)
        _scat(v, u)
    for g in range(nch - NB + 1, nch):
        u = g % NB
        _wait_gather(u)
        _scat(g % NI, u)

    for u in range(NB):
        _wait_scat(u)

    plsc.subcore_barrier()
    pltpu.sync_copy(acc.at[pl.ds(stripe0, slen)],
                    out_hbm.at[c, pl.ds(stripe0, slen)])


def _deg_call(dst3, nch):
    return pl.kernel(
        functools.partial(_deg_body, nch),
        out_type=jax.ShapeDtypeStruct((NC, 1, NPAD), jnp.float32),
        mesh=_mesh,
        scratch_types=[
            pltpu.VMEM_SHARED((NPAD,), jnp.float32),
            pltpu.VMEM((nch, CH), jnp.int32),
            pltpu.VMEM((ZCH,), jnp.float32),
            pltpu.VMEM((CH,), jnp.float32),
        ] + [pltpu.SemaphoreType.DMA] * NB,
    )(dst3)


def _prop_call(hs, srcp, dstp, N, D, nch):
    return pl.kernel(
        functools.partial(_prop_body, N, D, nch),
        out_type=jax.ShapeDtypeStruct((NC, N, D), jnp.float32),
        mesh=_mesh,
        scratch_types=[
            pltpu.VMEM_SHARED((N, D), jnp.float32),
            tuple(pltpu.VMEM((CH,), jnp.int32) for _ in range(NI)),
            tuple(pltpu.VMEM((CH,), jnp.int32) for _ in range(NI)),
            tuple(pltpu.VMEM((CH, D), jnp.float32) for _ in range(NB)),
            tuple(pltpu.SemaphoreType.DMA for _ in range(NI)),
            tuple(pltpu.SemaphoreType.DMA for _ in range(NB)),
            tuple(pltpu.SemaphoreType.DMA for _ in range(NB)),
        ],
    )(hs, srcp, dstp)



BLK = 2000


def _mm_scale_body(x_ref, w_ref, deg_ref, hs_ref):
    dinv = lax.rsqrt(deg_ref[:, 0:1] + deg_ref[:, 1:2] + 1.0)
    hs_ref[...] = jnp.dot(x_ref[...], w_ref[...],
                          preferred_element_type=jnp.float32) * dinv


def _mid_body(a_ref, hs_ref, deg_ref, b_ref, w_ref, out_ref):
    dinv = lax.rsqrt(deg_ref[:, 0:1] + deg_ref[:, 1:2] + 1.0)
    h = (a_ref[0] + a_ref[1] + hs_ref[...]) * dinv + b_ref[...]
    h = jnp.maximum(h, 0.0)
    out_ref[...] = jnp.dot(h, w_ref[...],
                           preferred_element_type=jnp.float32) * dinv


def _final_body(a_ref, hs_ref, deg_ref, b_ref, out_ref):
    dinv = lax.rsqrt(deg_ref[:, 0:1] + deg_ref[:, 1:2] + 1.0)
    out_ref[...] = (a_ref[0] + a_ref[1] + hs_ref[...]) * dinv + b_ref[...]


def _row_spec(D):
    return pl.BlockSpec((BLK, D), lambda i: (i, 0))


def _acc_spec(D):
    return pl.BlockSpec((NC, BLK, D), lambda i: (0, i, 0))


def _mm_scale(x, W, degT, N, D):
    return pl.pallas_call(
        _mm_scale_body,
        grid=(N // BLK,),
        in_specs=[
            _row_spec(D),
            pl.BlockSpec((D, D), lambda i: (0, 0)),
            pl.BlockSpec((BLK, 2), lambda i: (i, 0)),
        ],
        out_specs=_row_spec(D),
        out_shape=jax.ShapeDtypeStruct((N, D), jnp.float32),
    )(x, W, degT)


def _mid(acc, hs, degT, b, W, N, D):
    return pl.pallas_call(
        _mid_body,
        grid=(N // BLK,),
        in_specs=[
            _acc_spec(D), _row_spec(D),
            pl.BlockSpec((BLK, 2), lambda i: (i, 0)),
            pl.BlockSpec((1, D), lambda i: (0, 0)),
            pl.BlockSpec((D, D), lambda i: (0, 0)),
        ],
        out_specs=_row_spec(D),
        out_shape=jax.ShapeDtypeStruct((N, D), jnp.float32),
    )(acc, hs, degT, b, W)


def _final(acc, hs, degT, b, N, D):
    return pl.pallas_call(
        _final_body,
        grid=(N // BLK,),
        in_specs=[
            _acc_spec(D), _row_spec(D),
            pl.BlockSpec((BLK, 2), lambda i: (i, 0)),
            pl.BlockSpec((1, D), lambda i: (0, 0)),
        ],
        out_specs=_row_spec(D),
        out_shape=jax.ShapeDtypeStruct((N, D), jnp.float32),
    )(acc, hs, degT, b)


def kernel(x, edge_index, cache_name, W1, b1, W2, b2):
    N, D = x.shape
    E = edge_index.shape[1]
    nch = EPT // CH
    dstp = lax.optimization_barrier(edge_index[1])
    srcp = lax.optimization_barrier(edge_index[0])
    dst3 = dstp.reshape(NW, nch, CH)

    deg_parts = _deg_call(dst3, nch)
    degT = deg_parts[:, 0, :].T[:N]

    hs1 = _mm_scale(x, W1, degT, N, D)
    acc1 = _prop_call(hs1, srcp, dstp, N, D, nch)
    hs2 = _mid(acc1, hs1, degT, b1.reshape(1, D), W2, N, D)
    acc2 = _prop_call(hs2, srcp, dstp, N, D, nch)
    return _final(acc2, hs2, degT, b2.reshape(1, D), N, D)

# --- scband reference (transcript-rebuilt; emitter-appended) ---
"""Pipeline reference for scband-simple-ppmiencoder-28948079575202 (READ-ONLY COPY).

The authoritative reference and input builder live on the scoring server;
editing this copy changes nothing except your own understanding.
"""

import jax, jax.numpy as jnp
import numpy as np

N = 10000
E = 320000
D = 128

def setup_inputs(seed: int = 0) -> dict:
    key = jax.random.key(seed)
    k1, k2, k3, k4, k5 = jax.random.split(key, 5)
    x = jax.random.normal(k1, (N, D), dtype=jnp.float32)
    edge_index = jax.random.randint(k2, (2, E), 0, N, dtype=jnp.int32)
    s = 1.0 / np.sqrt(D)
    W1 = jax.random.uniform(k3, (D, D), dtype=jnp.float32, minval=-s, maxval=s)
    b1 = jnp.zeros((D,), dtype=jnp.float32)
    W2 = jax.random.uniform(k4, (D, D), dtype=jnp.float32, minval=-s, maxval=s)
    b2 = jnp.zeros((D,), dtype=jnp.float32)
    return {"x": x, "edge_index": edge_index, "cache_name": 0, "W1": W1, "b1": b1, "W2": W2, "b2": b2}

def _gcn_propagate(h, src, dst, n):
    # add self loops (GCN/PPMI-style normalized propagation)
    loop = jnp.arange(n, dtype=src.dtype)
    src2 = jnp.concatenate([src, loop])
    dst2 = jnp.concatenate([dst, loop])
    deg = jax.ops.segment_sum(jnp.ones_like(dst2, dtype=h.dtype), dst2, num_segments=n)
    dinv = jax.lax.rsqrt(jnp.maximum(deg, 1.0))
    norm = dinv[src2] * dinv[dst2]
    msgs = h[src2] * norm[:, None]
    return jax.ops.segment_sum(msgs, dst2, num_segments=n)

def _conv(x, edge_index, W, b):
    h = x @ W
    out = _gcn_propagate(h, edge_index[0], edge_index[1], x.shape[0])
    return out + b

def reference(x, edge_index, cache_name, W1, b1, W2, b2):
    # cache_name is a cache key in the original module; no numeric effect
    h = jax.nn.relu(_conv(x, edge_index, W1, b1))
    out = _conv(h, edge_index, W2, b2)
    return out

if __name__ == "__main__":
    import jax
    _d = setup_inputs()
    print(jax.jit(kernel)(*tuple(_d.values())))

</pallas_src>

<mosaic_0001>
#map = affine_map<(d0, d1) -> (0, 0)>
#map1 = affine_map<(d0, d1) -> (0)>
#map2 = affine_map<(d0, d1) -> (0, 0, 0)>
module attributes {stable_mosaic.version = 14 : i64} {
  func.func @_prop_body(%arg0: i32, %arg1: i32, %arg2: memref<10000x128xf32, #tpu.memory_space<hbm>>, %arg3: memref<320000xi32, #tpu.memory_space<hbm>>, %arg4: memref<320000xi32, #tpu.memory_space<hbm>>, %arg5: memref<2x10000x128xf32, #tpu.memory_space<hbm>>, %arg6: memref<10000x128xf32, #tpu.memory_space<vmem_shared>>, %arg7: memref<80xi32, #tpu.memory_space<vmem>>, %arg8: memref<80xi32, #tpu.memory_space<vmem>>, %arg9: memref<80xi32, #tpu.memory_space<vmem>>, %arg10: memref<80xi32, #tpu.memory_space<vmem>>, %arg11: memref<80xi32, #tpu.memory_space<vmem>>, %arg12: memref<80xi32, #tpu.memory_space<vmem>>, %arg13: memref<80xi32, #tpu.memory_space<vmem>>, %arg14: memref<80xi32, #tpu.memory_space<vmem>>, %arg15: memref<80xi32, #tpu.memory_space<vmem>>, %arg16: memref<80xi32, #tpu.memory_space<vmem>>, %arg17: memref<80xi32, #tpu.memory_space<vmem>>, %arg18: memref<80xi32, #tpu.memory_space<vmem>>, %arg19: memref<80xi32, #tpu.memory_space<vmem>>, %arg20: memref<80xi32, #tpu.memory_space<vmem>>, %arg21: memref<80xi32, #tpu.memory_space<vmem>>, %arg22: memref<80xi32, #tpu.memory_space<vmem>>, %arg23: memref<80x128xf32, #tpu.memory_space<vmem>>, %arg24: memref<80x128xf32, #tpu.memory_space<vmem>>, %arg25: memref<80x128xf32, #tpu.memory_space<vmem>>, %arg26: memref<80x128xf32, #tpu.memory_space<vmem>>, %arg27: memref<!tpu.dma_semaphore, #tpu.memory_space<semaphore_mem>>, %arg28: memref<!tpu.dma_semaphore, #tpu.memory_space<semaphore_mem>>, %arg29: memref<!tpu.dma_semaphore, #tpu.memory_space<semaphore_mem>>, %arg30: memref<!tpu.dma_semaphore, #tpu.memory_space<semaphore_mem>>, %arg31: memref<!tpu.dma_semaphore, #tpu.memory_space<semaphore_mem>>, %arg32: memref<!tpu.dma_semaphore, #tpu.memory_space<semaphore_mem>>, %arg33: memref<!tpu.dma_semaphore, #tpu.memory_space<semaphore_mem>>, %arg34: memref<!tpu.dma_semaphore, #tpu.memory_space<semaphore_mem>>, %arg35: memref<!tpu.dma_semaphore, #tpu.memory_space<semaphore_mem>>, %arg36: memref<!tpu.dma_semaphore, #tpu.memory_space<semaphore_mem>>, %arg37: memref<!tpu.dma_semaphore, #tpu.memory_space<semaphore_mem>>, %arg38: memref<!tpu.dma_semaphore, #tpu.memory_space<semaphore_mem>>, %arg39: memref<!tpu.dma_semaphore, #tpu.memory_space<semaphore_mem>>, %arg40: memref<!tpu.dma_semaphore, #tpu.memory_space<semaphore_mem>>, %arg41: memref<!tpu.dma_semaphore, #tpu.memory_space<semaphore_mem>>, %arg42: memref<!tpu.dma_semaphore, #tpu.memory_space<semaphore_mem>>) attributes {dimension_semantics = [#tpu.dimension_semantics<core_parallel>, #tpu.dimension_semantics<subcore_parallel>], iteration_bounds = array<i64: 2, 16>, scalar_prefetch = 0 : i64, scratch_operands = 37 : i64, tpu.core_type = #tpu.core_type<sc_vector_subcore>, window_params = [{transform_indices = #map}, {transform_indices = #map1}, {transform_indices = #map1}, {transform_indices = #map2}]} {
    %mul3A = arith.constant 16 : i32
    %mul3A_0 = arith.muli %arg0, %mul3A : i32
    %add3A = arith.addi %mul3A_0, %arg1 : i32
    %mul3A_1 = arith.constant 10000 : i32
    %mul3A_2 = arith.muli %add3A, %mul3A_1 : i32
    %mul3A_3 = arith.constant 624 : i32
    %mul3A_4 = arith.muli %arg1, %mul3A_3 : i32
    %scan3A = arith.constant 0 : i32
    %scan3A_5 = arith.constant 0 : i32
    %scan3A_6 = arith.constant 80 : i32
    %scan3A_7 = arith.addi %scan3A_5, %scan3A_6 : i32
    %scan3A_8 = arith.constant 1 : i32
    %scan3A_9 = scf.for %scan3A_336 = %scan3A_5 to %scan3A_7 step %scan3A_8 iter_args(%scan3A_337 = %scan3A) -> (i32)  : i32 {
      %broadcast_in_dim3A = arith.constant 0.000000e+00 : f32
      %broadcast_in_dim3A_338 = vector.broadcast %broadcast_in_dim3A : f32 to vector<16xf32>
      %swap3A = arith.index_cast %scan3A_336 : i32 to index
      %swap3A_339 = arith.constant 0 : index
      %swap3A_340 = tpu.vector_load %arg23[%swap3A, %swap3A_339] {strides = array<i32>} : memref<80x128xf32, #tpu.memory_space<vmem>>, vector<1x16xf32>,
      %swap3A_341 = vector.shape_cast %swap3A_340 : vector<1x16xf32> to vector<16xf32>
      %swap3A_342 = vector.shape_cast %broadcast_in_dim3A_338 : vector<16xf32> to vector<1x16xf32>
      tpu.vector_store %arg23[%swap3A, %swap3A_339], %swap3A_342 {strides = array<i32>} : memref<80x128xf32, #tpu.memory_space<vmem>>, vector<1x16xf32>,
      %broadcast_in_dim3A_343 = arith.constant 0.000000e+00 : f32
      %broadcast_in_dim3A_344 = vector.broadcast %broadcast_in_dim3A_343 : f32 to vector<16xf32>
      %swap3A_345 = arith.index_cast %scan3A_336 : i32 to index
      %swap3A_346 = arith.constant 16 : index
      %swap3A_347 = tpu.vector_load %arg23[%swap3A_345, %swap3A_346] {strides = array<i32>} : memref<80x128xf32, #tpu.memory_space<vmem>>, vector<1x16xf32>,
      %swap3A_348 = vector.shape_cast %swap3A_347 : vector<1x16xf32> to vector<16xf32>
      %swap3A_349 = vector.shape_cast %broadcast_in_dim3A_344 : vector<16xf32> to vector<1x16xf32>
      tpu.vector_store %arg23[%swap3A_345, %swap3A_346], %swap3A_349 {strides = array<i32>} : memref<80x128xf32, #tpu.memory_space<vmem>>, vector<1x16xf32>,
      %broadcast_in_dim3A_350 = arith.constant 0.000000e+00 : f32
      %broadcast_in_dim3A_351 = vector.broadcast %broadcast_in_dim3A_350 : f32 to vector<16xf32>
      %swap3A_352 = arith.index_cast %scan3A_336 : i32 to index
      %swap3A_353 = arith.constant 32 : index
      %swap3A_354 = tpu.vector_load %arg23[%swap3A_352, %swap3A_353] {strides = array<i32>} : memref<80x128xf32, #tpu.memory_space<vmem>>, vector<1x16xf32>,
      %swap3A_355 = vector.shape_cast %swap3A_354 : vector<1x16xf32> to vector<16xf32>
      %swap3A_356 = vector.shape_cast %broadcast_in_dim3A_351 : vector<16xf32> to vector<1x16xf32>
      tpu.vector_store %arg23[%swap3A_352, %swap3A_353], %swap3A_356 {strides = array<i32>} : memref<80x128xf32, #tpu.memory_space<vmem>>, vector<1x16xf32>,
      %broadcast_in_dim3A_357 = arith.constant 0.000000e+00 : f32
      %broadcast_in_dim3A_358 = vector.broadcast %broadcast_in_dim3A_357 : f32 to vector<16xf32>
      %swap3A_359 = arith.index_cast %scan3A_336 : i32 to index
      %swap3A_360 = arith.constant 48 : index
      %swap3A_361 = tpu.vector_load %arg23[%swap3A_359, %swap3A_360] {strides = array<i32>} : memref<80x128xf32, #tpu.memory_space<vmem>>, vector<1x16xf32>,
      %swap3A_362 = vector.shape_cast %swap3A_361 : vector<1x16xf32> to vector<16xf32>
      %swap3A_363 = vector.shape_cast %broadcast_in_dim3A_358 : vector<16xf32> to vector<1x16xf32>
      tpu.vector_store %arg23[%swap3A_359, %swap3A_360], %swap3A_363 {strides = array<i32>} : memref<80x128xf32, #tpu.memory_space<vmem>>, vector<1x16xf32>,
      %broadcast_in_dim3A_364 = arith.constant 0.000000e+00 : f32
      %broadcast_in_dim3A_365 = vector.broadcast %broadcast_in_dim3A_364 : f32 to vector<16xf32>
      %swap3A_366 = arith.index_cast %scan3A_336 : i32 to index
      %swap3A_367 = arith.constant 64 : index
      %swap3A_368 = tpu.vector_load %arg23[%swap3A_366, %swap3A_367] {strides = array<i32>} : memref<80x128xf32, #tpu.memory_space<vmem>>, vector<1x16xf32>,
      %swap3A_369 = vector.shape_cast %swap3A_368 : vector<1x16xf32> to vector<16xf32>
      %swap3A_370 = vector.shape_cast %broadcast_in_dim3A_365 : vector<16xf32> to vector<1x16xf32>
      tpu.vector_store %arg23[%swap3A_366, %swap3A_367], %swap3A_370 {strides = array<i32>} : memref<80x128xf32, #tpu.memory_space<vmem>>, vector<1x16xf32>,
      %broadcast_in_dim3A_371 = arith.constant 0.000000e+00 : f32
      %broadcast_in_dim3A_372 = vector.broadcast %broadcast_in_dim3A_371 : f32 to vector<16xf32>
      %swap3A_373 = arith.index_cast %scan3A_336 : i32 to index
      %swap3A_374 = arith.constant 80 : index
      %swap3A_375 = tpu.vector_load %arg23[%swap3A_373, %swap3A_374] {strides = array<i32>} : memref<80x128xf32, #tpu.memory_space<vmem>>, vector<1x16xf32>,
      %swap3A_376 = vector.shape_cast %swap3A_375 : vector<1x16xf32> to vector<16xf32>
      %swap3A_377 = vector.shape_cast %broadcast_in_dim3A_372 : vector<16xf32> to vector<1x16xf32>
      tpu.vector_store %arg23[%swap3A_373, %swap3A_374], %swap3A_377 {strides = array<i32>} : memref<80x128xf32, #tpu.memory_space<vmem>>, vector<1x16xf32>,
      %broadcast_in_dim3A_378 = arith.constant 0.000000e+00 : f32
      %broadcast_in_dim3A_379 = vector.broadcast %broadcast_in_dim3A_378 : f32 to vector<16xf32>
      %swap3A_380 = arith.index_cast %scan3A_336 : i32 to index
      %swap3A_381 = arith.constant 96 : index
      %swap3A_382 = tpu.vector_load %arg23[%swap3A_380, %swap3A_381] {strides = array<i32>} : memref<80x128xf32, #tpu.memory_space<vmem>>, vector<1x16xf32>,
      %swap3A_383 = vector.shape_cast %swap3A_382 : vector<1x16xf32> to vector<16xf32>
      %swap3A_384 = vector.shape_cast %broadcast_in_dim3A_379 : vector<16xf32> to vector<1x16xf32>
      tpu.vector_store %arg23[%swap3A_380, %swap3A_381], %swap3A_384 {strides = array<i32>} : memref<80x128xf32, #tpu.memory_space<vmem>>, vector<1x16xf32>,
      %broadcast_in_dim3A_385 = arith.constant 0.000000e+00 : f32
      %broadcast_in_dim3A_386 = vector.broadcast %broadcast_in_dim3A_385 : f32 to vector<16xf32>
      %swap3A_387 = arith.index_cast %scan3A_336 : i32 to index
      %swap3A_388 = arith.constant 112 : index
      %swap3A_389 = tpu.vector_load %arg23[%swap3A_387, %swap3A_388] {strides = array<i32>} : memref<80x128xf32, #tpu.memory_space<vmem>>, vector<1x16xf32>,
      %swap3A_390 = vector.shape_cast %swap3A_389 : vector<1x16xf32> to vector<16xf32>
      %swap3A_391 = vector.shape_cast %broadcast_in_dim3A_386 : vector<16xf32> to vector<1x16xf32>
      tpu.vector_store %arg23[%swap3A_387, %swap3A_388], %swap3A_391 {strides = array<i32>} : memref<80x128xf32, #tpu.memory_space<vmem>>, vector<1x16xf32>,
      %scan3A_392 = arith.constant 0 : i32
      scf.yield %scan3A_392 : i32
    }
    %scan3A_10 = arith.constant 80 : i32
    %scan3A_11 = arith.constant 0 : i32
    %scan3A_12 = arith.constant 0 : i32
    %scan3A_13 = arith.constant 16 : i32
    %scan3A_14 = arith.addi %scan3A_12, %scan3A_13 : i32
    %scan3A_15 = arith.constant 1 : i32
    %scan3A_16 = scf.for %scan3A_336 = %scan3A_12 to %scan3A_14 step %scan3A_15 iter_args(%scan3A_337 = %scan3A_11) -> (i32)  : i32 {
      %mul3A_338 = arith.constant 40 : i32
      %mul3A_339 = arith.muli %scan3A_336, %mul3A_338 : i32
      %add3A_340 = arith.addi %mul3A_4, %mul3A_339 : i32
      "tpu.region"() ({
        %run_scoped3A = tpu.sem_alloc : memref<!tpu.dma_semaphore, #tpu.memory_space<semaphore_mem>>
        %dma_start3A_342 = arith.constant 0 : i32
        %dma_start3A_343 = arith.constant 0 : i32
        %dma_start3A_344 = tpu.memref_slice %arg23[%dma_start3A_342, %dma_start3A_343] : memref<80x128xf32, #tpu.memory_space<vmem>> -> memref<40x128xf32, #tpu.memory_space<vmem>>
        %dma_start3A_345 = arith.constant 0 : i32
        %dma_start3A_346 = tpu.memref_slice %arg6[%add3A_340, %dma_start3A_345] : memref<10000x128xf32, #tpu.memory_space<vmem_shared>> -> memref<40x128xf32, #tpu.memory_space<vmem_shared>>
        %dma_start3A_347 = arith.constant 0 : i32
        %dma_start3A_348 = tpu.memref_slice %arg6[%add3A_340, %dma_start3A_347] : memref<10000x128xf32, #tpu.memory_space<vmem_shared>> -> memref<40x128xf32, #tpu.memory_space<vmem_shared>>
        %dma_start3A_349 = arith.constant 0 : i32
        %dma_start3A_350 = arith.constant 0 : i32
        %dma_start3A_351 = tpu.memref_slice %arg23[%dma_start3A_349, %dma_start3A_350] : memref<80x128xf32, #tpu.memory_space<vmem>> -> memref<40x128xf32, #tpu.memory_space<vmem>>
        tpu.enqueue_dma source(%dma_start3A_351 : memref<40x128xf32, #tpu.memory_space<vmem>>) target(%dma_start3A_348 : memref<40x128xf32, #tpu.memory_space<vmem_shared>>) target_semaphore(%run_scoped3A : memref<!tpu.dma_semaphore, #tpu.memory_space<semaphore_mem>>)
        %dma_wait3A_352 = arith.constant 0 : i32
        %dma_wait3A_353 = arith.constant 0 : i32
        %dma_wait3A_354 = tpu.memref_slice %arg23[%dma_wait3A_352, %dma_wait3A_353] : memref<80x128xf32, #tpu.memory_space<vmem>> -> memref<40x128xf32, #tpu.memory_space<vmem>>
        %dma_wait3A_355 = arith.constant 0 : i32
        %dma_wait3A_356 = tpu.memref_slice %arg6[%add3A_340, %dma_wait3A_355] : memref<10000x128xf32, #tpu.memory_space<vmem_shared>> -> memref<40x128xf32, #tpu.memory_space<vmem_shared>>
        %dma_wait3A_357 = arith.constant 0 : i32
        %dma_wait3A_358 = tpu.memref_slice %arg6[%add3A_340, %dma_wait3A_357] : memref<10000x128xf32, #tpu.memory_space<vmem_shared>> -> memref<40x128xf32, #tpu.memory_space<vmem_shared>>
        %dma_wait3A_359 = arith.constant 0 : i32
        %dma_wait3A_360 = arith.constant 0 : i32
        %dma_wait3A_361 = tpu.memref_slice %arg23[%dma_wait3A_359, %dma_wait3A_360] : memref<80x128xf32, #tpu.memory_space<vmem>> -> memref<40x128xf32, #tpu.memory_space<vmem>>
        tpu.wait_dma2 semaphore(%run_scoped3A : memref<!tpu.dma_semaphore, #tpu.memory_space<semaphore_mem>>) src(%dma_wait3A_361 : memref<40x128xf32, #tpu.memory_space<vmem>>) dst(%dma_wait3A_358 : memref<40x128xf32, #tpu.memory_space<vmem_shared>>)
        tpu.yield
      }) : () -> ()
      %scan3A_341 = arith.constant 0 : i32
      scf.yield %scan3A_341 : i32
    }
    %scan3A_17 = arith.constant 16 : i32
    %barrier3A = arith.constant 0 : index
    tpu.barrier barrier_id(%barrier3A)
    %add3A_18 = arith.constant 0 : i32
    %add3A_19 = arith.addi %mul3A_2, %add3A_18 : i32
    %dma_start3A = tpu.memref_slice %arg3[%add3A_19] : memref<320000xi32, #tpu.memory_space<hbm>> -> memref<80xi32, #tpu.memory_space<hbm>>
    %dma_start3A_20 = tpu.memref_slice %arg3[%add3A_19] : memref<320000xi32, #tpu.memory_space<hbm>> -> memref<80xi32, #tpu.memory_space<hbm>>
    tpu.enqueue_dma source(%dma_start3A_20 : memref<80xi32, #tpu.memory_space<hbm>>) target(%arg7 : memref<80xi32, #tpu.memory_space<vmem>>) target_semaphore(%arg27 : memref<!tpu.dma_semaphore, #tpu.memory_space<semaphore_mem>>)
    %add3A_21 = arith.constant 0 : i32
    %add3A_22 = arith.addi %mul3A_2, %add3A_21 : i32
    %dma_start3A_23 = tpu.memref_slice %arg4[%add3A_22] : memref<320000xi32, #tpu.memory_space<hbm>> -> memref<80xi32, #tpu.memory_space<hbm>>
    %dma_start3A_24 = tpu.memref_slice %arg4[%add3A_22] : memref<320000xi32, #tpu.memory_space<hbm>> -> memref<80xi32, #tpu.memory_space<hbm>>
    tpu.enqueue_dma source(%dma_start3A_24 : memref<80xi32, #tpu.memory_space<hbm>>) target(%arg15 : memref<80xi32, #tpu.memory_space<vmem>>) target_semaphore(%arg27 : memref<!tpu.dma_semaphore, #tpu.memory_space<semaphore_mem>>)
    %add3A_25 = arith.constant 80 : i32
    %add3A_26 = arith.addi %mul3A_2, %add3A_25 : i32
    %dma_start3A_27 = tpu.memref_slice %arg3[%add3A_26] : memref<320000xi32, #tpu.memory_space<hbm>> -> memref<80xi32, #tpu.memory_space<hbm>>
    %dma_start3A_28 = tpu.memref_slice %arg3[%add3A_26] : memref<320000xi32, #tpu.memory_space<hbm>> -> memref<80xi32, #tpu.memory_space<hbm>>
    tpu.enqueue_dma source(%dma_start3A_28 : memref<80xi32, #tpu.memory_space<hbm>>) target(%arg8 : memref<80xi32, #tpu.memory_space<vmem>>) target_semaphore(%arg28 : memref<!tpu.dma_semaphore, #tpu.memory_space<semaphore_mem>>)
    %add3A_29 = arith.constant 80 : i32
    %add3A_30 = arith.addi %mul3A_2, %add3A_29 : i32
    %dma_start3A_31 = tpu.memref_slice %arg4[%add3A_30] : memref<320000xi32, #tpu.memory_space<hbm>> -> memref<80xi32, #tpu.memory_space<hbm>>
    %dma_start3A_32 = tpu.memref_slice %arg4[%add3A_30] : memref<320000xi32, #tpu.memory_space<hbm>> -> memref<80xi32, #tpu.memory_space<hbm>>
    tpu.enqueue_dma source(%dma_start3A_32 : memref<80xi32, #tpu.memory_space<hbm>>) target(%arg16 : memref<80xi32, #tpu.memory_space<vmem>>) target_semaphore(%arg28 : memref<!tpu.dma_semaphore, #tpu.memory_space<semaphore_mem>>)
    %add3A_33 = arith.constant 160 : i32
    %add3A_34 = arith.addi %mul3A_2, %add3A_33 : i32
    %dma_start3A_35 = tpu.memref_slice %arg3[%add3A_34] : memref<320000xi32, #tpu.memory_space<hbm>> -> memref<80xi32, #tpu.memory_space<hbm>>
    %dma_start3A_36 = tpu.memref_slice %arg3[%add3A_34] : memref<320000xi32, #tpu.memory_space<hbm>> -> memref<80xi32, #tpu.memory_space<hbm>>
    tpu.enqueue_dma source(%dma_start3A_36 : memref<80xi32, #tpu.memory_space<hbm>>) target(%arg9 : memref<80xi32, #tpu.memory_space<vmem>>) target_semaphore(%arg29 : memref<!tpu.dma_semaphore, #tpu.memory_space<semaphore_mem>>)
    %add3A_37 = arith.constant 160 : i32
    %add3A_38 = arith.addi %mul3A_2, %add3A_37 : i32
    %dma_start3A_39 = tpu.memref_slice %arg4[%add3A_38] : memref<320000xi32, #tpu.memory_space<hbm>> -> memref<80xi32, #tpu.memory_space<hbm>>
    %dma_start3A_40 = tpu.memref_slice %arg4[%add3A_38] : memref<320000xi32, #tpu.memory_space<hbm>> -> memref<80xi32, #tpu.memory_space<hbm>>
    tpu.enqueue_dma source(%dma_start3A_40 : memref<80xi32, #tpu.memory_space<hbm>>) target(%arg17 : memref<80xi32, #tpu.memory_space<vmem>>) target_semaphore(%arg29 : memref<!tpu.dma_semaphore, #tpu.memory_space<semaphore_mem>>)
    %add3A_41 = arith.constant 240 : i32
    %add3A_42 = arith.addi %mul3A_2, %add3A_41 : i32
    %dma_start3A_43 = tpu.memref_slice %arg3[%add3A_42] : memref<320000xi32, #tpu.memory_space<hbm>> -> memref<80xi32, #tpu.memory_space<hbm>>
    %dma_start3A_44 = tpu.memref_slice %arg3[%add3A_42] : memref<320000xi32, #tpu.memory_space<hbm>> -> memref<80xi32, #tpu.memory_space<hbm>>
    tpu.enqueue_dma source(%dma_start3A_44 : memref<80xi32, #tpu.memory_space<hbm>>) target(%arg10 : memref<80xi32, #tpu.memory_space<vmem>>) target_semaphore(%arg30 : memref<!tpu.dma_semaphore, #tpu.memory_space<semaphore_mem>>)
    %add3A_45 = arith.constant 240 : i32
    %add3A_46 = arith.addi %mul3A_2, %add3A_45 : i32
    %dma_start3A_47 = tpu.memref_slice %arg4[%add3A_46] : memref<320000xi32, #tpu.memory_space<hbm>> -> memref<80xi32, #tpu.memory_space<hbm>>
    %dma_start3A_48 = tpu.memref_slice %arg4[%add3A_46] : memref<320000xi32, #tpu.memory_space<hbm>> -> memref<80xi32, #tpu.memory_space<hbm>>
    tpu.enqueue_dma source(%dma_start3A_48 : memref<80xi32, #tpu.memory_space<hbm>>) target(%arg18 : memref<80xi32, #tpu.memory_space<vmem>>) target_semaphore(%arg30 : memref<!tpu.dma_semaphore, #tpu.memory_space<semaphore_mem>>)
    %add3A_49 = arith.constant 320 : i32
    %add3A_50 = arith.addi %mul3A_2, %add3A_49 : i32
    %dma_start3A_51 = tpu.memref_slice %arg3[%add3A_50] : memref<320000xi32, #tpu.memory_space<hbm>> -> memref<80xi32, #tpu.memory_space<hbm>>
    %dma_start3A_52 = tpu.memref_slice %arg3[%add3A_50] : memref<320000xi32, #tpu.memory_space<hbm>> -> memref<80xi32, #tpu.memory_space<hbm>>
    tpu.enqueue_dma source(%dma_start3A_52 : memref<80xi32, #tpu.memory_space<hbm>>) target(%arg11 : memref<80xi32, #tpu.memory_space<vmem>>) target_semaphore(%arg31 : memref<!tpu.dma_semaphore, #tpu.memory_space<semaphore_mem>>)
    %add3A_53 = arith.constant 320 : i32
    %add3A_54 = arith.addi %mul3A_2, %add3A_53 : i32
    %dma_start3A_55 = tpu.memref_slice %arg4[%add3A_54] : memref<320000xi32, #tpu.memory_space<hbm>> -> memref<80xi32, #tpu.memory_space<hbm>>
    %dma_start3A_56 = tpu.memref_slice %arg4[%add3A_54] : memref<320000xi32, #tpu.memory_space<hbm>> -> memref<80xi32, #tpu.memory_space<hbm>>
    tpu.enqueue_dma source(%dma_start3A_56 : memref<80xi32, #tpu.memory_space<hbm>>) target(%arg19 : memref<80xi32, #tpu.memory_space<vmem>>) target_semaphore(%arg31 : memref<!tpu.dma_semaphore, #tpu.memory_space<semaphore_mem>>)
    %add3A_57 = arith.constant 400 : i32
    %add3A_58 = arith.addi %mul3A_2, %add3A_57 : i32
    %dma_start3A_59 = tpu.memref_slice %arg3[%add3A_58] : memref<320000xi32, #tpu.memory_space<hbm>> -> memref<80xi32, #tpu.memory_space<hbm>>
    %dma_start3A_60 = tpu.memref_slice %arg3[%add3A_58] : memref<320000xi32, #tpu.memory_space<hbm>> -> memref<80xi32, #tpu.memory_space<hbm>>
    tpu.enqueue_dma source(%dma_start3A_60 : memref<80xi32, #tpu.memory_space<hbm>>) target(%arg12 : memref<80xi32, #tpu.memory_space<vmem>>) target_semaphore(%arg32 : memref<!tpu.dma_semaphore, #tpu.memory_space<semaphore_mem>>)
    %add3A_61 = arith.constant 400 : i32
    %add3A_62 = arith.addi %mul3A_2, %add3A_61 : i32
    %dma_start3A_63 = tpu.memref_slice %arg4[%add3A_62] : memref<320000xi32, #tpu.memory_space<hbm>> -> memref<80xi32, #tpu.memory_space<hbm>>
    %dma_start3A_64 = tpu.memref_slice %arg4[%add3A_62] : memref<320000xi32, #tpu.memory_space<hbm>> -> memref<80xi32, #tpu.memory_space<hbm>>
    tpu.enqueue_dma source(%dma_start3A_64 : memref<80xi32, #tpu.memory_space<hbm>>) target(%arg20 : memref<80xi32, #tpu.memory_space<vmem>>) target_semaphore(%arg32 : memref<!tpu.dma_semaphore, #tpu.memory_space<semaphore_mem>>)
    %add3A_65 = arith.constant 480 : i32
    %add3A_66 = arith.addi %mul3A_2, %add3A_65 : i32
    %dma_start3A_67 = tpu.memref_slice %arg3[%add3A_66] : memref<320000xi32, #tpu.memory_space<hbm>> -> memref<80xi32, #tpu.memory_space<hbm>>
    %dma_start3A_68 = tpu.memref_slice %arg3[%add3A_66] : memref<320000xi32, #tpu.memory_space<hbm>> -> memref<80xi32, #tpu.memory_space<hbm>>
    tpu.enqueue_dma source(%dma_start3A_68 : memref<80xi32, #tpu.memory_space<hbm>>) target(%arg13 : memref<80xi32, #tpu.memory_space<vmem>>) target_semaphore(%arg33 : memref<!tpu.dma_semaphore, #tpu.memory_space<semaphore_mem>>)
    %add3A_69 = arith.constant 480 : i32
    %add3A_70 = arith.addi %mul3A_2, %add3A_69 : i32
    %dma_start3A_71 = tpu.memref_slice %arg4[%add3A_70] : memref<320000xi32, #tpu.memory_space<hbm>> -> memref<80xi32, #tpu.memory_space<hbm>>
    %dma_start3A_72 = tpu.memref_slice %arg4[%add3A_70] : memref<320000xi32, #tpu.memory_space<hbm>> -> memref<80xi32, #tpu.memory_space<hbm>>
    tpu.enqueue_dma source(%dma_start3A_72 : memref<80xi32, #tpu.memory_space<hbm>>) target(%arg21 : memref<80xi32, #tpu.memory_space<vmem>>) target_semaphore(%arg33 : memref<!tpu.dma_semaphore, #tpu.memory_space<semaphore_mem>>)
    %dma_wait3A = tpu.memref_slice %arg3[%mul3A_2] : memref<320000xi32, #tpu.memory_space<hbm>> -> memref<80xi32, #tpu.memory_space<hbm>>
    %dma_wait3A_73 = tpu.memref_slice %arg3[%mul3A_2] : memref<320000xi32, #tpu.memory_space<hbm>> -> memref<80xi32, #tpu.memory_space<hbm>>
    tpu.wait_dma2 semaphore(%arg27 : memref<!tpu.dma_semaphore, #tpu.memory_space<semaphore_mem>>) src(%dma_wait3A_73 : memref<80xi32, #tpu.memory_space<hbm>>) dst(%arg7 : memref<80xi32, #tpu.memory_space<vmem>>)
    %dma_wait3A_74 = tpu.memref_slice %arg4[%mul3A_2] : memref<320000xi32, #tpu.memory_space<hbm>> -> memref<80xi32, #tpu.memory_space<hbm>>
    %dma_wait3A_75 = tpu.memref_slice %arg4[%mul3A_2] : memref<320000xi32, #tpu.memory_space<hbm>> -> memref<80xi32, #tpu.memory_space<hbm>>
    tpu.wait_dma2 semaphore(%arg27 : memref<!tpu.dma_semaphore, #tpu.memory_space<semaphore_mem>>) src(%dma_wait3A_75 : memref<80xi32, #tpu.memory_space<hbm>>) dst(%arg15 : memref<80xi32, #tpu.memory_space<vmem>>)
    %dma_start3A_76 = arith.constant 0 : i32
    %dma_start3A_77 = arith.constant 0 : i32
    %dma_start3A_78 = tpu.memref_slice %arg2[%dma_start3A_76, %dma_start3A_77] : memref<10000x128xf32, #tpu.memory_space<hbm>> -> memref<10000x128xf32, #tpu.memory_space<hbm>>
    tpu.enqueue_indirect_dma source(%dma_start3A_78 : memref<10000x128xf32, #tpu.memory_space<hbm>>) target(%arg23 : memref<80x128xf32, #tpu.memory_space<vmem>>) offsets(%arg7 : memref<80xi32, #tpu.memory_space<vmem>>) semaphore(%arg35 : memref<!tpu.dma_semaphore, #tpu.memory_space<semaphore_mem>>)
    %dma_wait3A_79 = tpu.memref_slice %arg3[%mul3A_2] : memref<320000xi32, #tpu.memory_space<hbm>> -> memref<80xi32, #tpu.memory_space<hbm>>
    %dma_wait3A_80 = tpu.memref_slice %arg3[%mul3A_2] : memref<320000xi32, #tpu.memory_space<hbm>> -> memref<80xi32, #tpu.memory_space<hbm>>
    tpu.wait_dma2 semaphore(%arg28 : memref<!tpu.dma_semaphore, #tpu.memory_space<semaphore_mem>>) src(%dma_wait3A_80 : memref<80xi32, #tpu.memory_space<hbm>>) dst(%arg8 : memref<80xi32, #tpu.memory_space<vmem>>)
    %dma_wait3A_81 = tpu.memref_slice %arg4[%mul3A_2] : memref<320000xi32, #tpu.memory_space<hbm>> -> memref<80xi32, #tpu.memory_space<hbm>>
    %dma_wait3A_82 = tpu.memref_slice %arg4[%mul3A_2] : memref<320000xi32, #tpu.memory_space<hbm>> -> memref<80xi32, #tpu.memory_space<hbm>>
    tpu.wait_dma2 semaphore(%arg28 : memref<!tpu.dma_semaphore, #tpu.memory_space<semaphore_mem>>) src(%dma_wait3A_82 : memref<80xi32, #tpu.memory_space<hbm>>) dst(%arg16 : memref<80xi32, #tpu.memory_space<vmem>>)
    %dma_start3A_83 = arith.constant 0 : i32
    %dma_start3A_84 = arith.constant 0 : i32
    %dma_start3A_85 = tpu.memref_slice %arg2[%dma_start3A_83, %dma_start3A_84] : memref<10000x128xf32, #tpu.memory_space<hbm>> -> memref<10000x128xf32, #tpu.memory_space<hbm>>
    tpu.enqueue_indirect_dma source(%dma_start3A_85 : memref<10000x128xf32, #tpu.memory_space<hbm>>) target(%arg24 : memref<80x128xf32, #tpu.memory_space<vmem>>) offsets(%arg8 : memref<80xi32, #tpu.memory_space<vmem>>) semaphore(%arg36 : memref<!tpu.dma_semaphore, #tpu.memory_space<semaphore_mem>>)
    %dma_wait3A_86 = tpu.memref_slice %arg3[%mul3A_2] : memref<320000xi32, #tpu.memory_space<hbm>> -> memref<80xi32, #tpu.memory_space<hbm>>
    %dma_wait3A_87 = tpu.memref_slice %arg3[%mul3A_2] : memref<320000xi32, #tpu.memory_space<hbm>> -> memref<80xi32, #tpu.memory_space<hbm>>
    tpu.wait_dma2 semaphore(%arg29 : memref<!tpu.dma_semaphore, #tpu.memory_space<semaphore_mem>>) src(%dma_wait3A_87 : memref<80xi32, #tpu.memory_space<hbm>>) dst(%arg9 : memref<80xi32, #tpu.memory_space<vmem>>)
    %dma_wait3A_88 = tpu.memref_slice %arg4[%mul3A_2] : memref<320000xi32, #tpu.memory_space<hbm>> -> memref<80xi32, #tpu.memory_space<hbm>>
    %dma_wait3A_89 = tpu.memref_slice %arg4[%mul3A_2] : memref<320000xi32, #tpu.memory_space<hbm>> -> memref<80xi32, #tpu.memory_space<hbm>>
    tpu.wait_dma2 semaphore(%arg29 : memref<!tpu.dma_semaphore, #tpu.memory_space<semaphore_mem>>) src(%dma_wait3A_89 : memref<80xi32, #tpu.memory_space<hbm>>) dst(%arg17 : memref<80xi32, #tpu.memory_space<vmem>>)
    %dma_start3A_90 = arith.constant 0 : i32
    %dma_start3A_91 = arith.constant 0 : i32
    %dma_start3A_92 = tpu.memref_slice %arg2[%dma_start3A_90, %dma_start3A_91] : memref<10000x128xf32, #tpu.memory_space<hbm>> -> memref<10000x128xf32, #tpu.memory_space<hbm>>
    tpu.enqueue_indirect_dma source(%dma_start3A_92 : memref<10000x128xf32, #tpu.memory_space<hbm>>) target(%arg25 : memref<80x128xf32, #tpu.memory_space<vmem>>) offsets(%arg9 : memref<80xi32, #tpu.memory_space<vmem>>) semaphore(%arg37 : memref<!tpu.dma_semaphore, #tpu.memory_space<semaphore_mem>>)
    %dma_wait3A_93 = tpu.memref_slice %arg3[%mul3A_2] : memref<320000xi32, #tpu.memory_space<hbm>> -> memref<80xi32, #tpu.memory_space<hbm>>
    %dma_wait3A_94 = tpu.memref_slice %arg3[%mul3A_2] : memref<320000xi32, #tpu.memory_space<hbm>> -> memref<80xi32, #tpu.memory_space<hbm>>
    tpu.wait_dma2 semaphore(%arg30 : memref<!tpu.dma_semaphore, #tpu.memory_space<semaphore_mem>>) src(%dma_wait3A_94 : memref<80xi32, #tpu.memory_space<hbm>>) dst(%arg10 : memref<80xi32, #tpu.memory_space<vmem>>)
    %dma_wait3A_95 = tpu.memref_slice %arg4[%mul3A_2] : memref<320000xi32, #tpu.memory_space<hbm>> -> memref<80xi32, #tpu.memory_space<hbm>>
    %dma_wait3A_96 = tpu.memref_slice %arg4[%mul3A_2] : memref<320000xi32, #tpu.memory_space<hbm>> -> memref<80xi32, #tpu.memory_space<hbm>>
    tpu.wait_dma2 semaphore(%arg30 : memref<!tpu.dma_semaphore, #tpu.memory_space<semaphore_mem>>) src(%dma_wait3A_96 : memref<80xi32, #tpu.memory_space<hbm>>) dst(%arg18 : memref<80xi32, #tpu.memory_space<vmem>>)
    %dma_start3A_97 = arith.constant 0 : i32
    %dma_start3A_98 = arith.constant 0 : i32
    %dma_start3A_99 = tpu.memref_slice %arg2[%dma_start3A_97, %dma_start3A_98] : memref<10000x128xf32, #tpu.memory_space<hbm>> -> memref<10000x128xf32, #tpu.memory_space<hbm>>
    tpu.enqueue_indirect_dma source(%dma_start3A_99 : memref<10000x128xf32, #tpu.memory_space<hbm>>) target(%arg26 : memref<80x128xf32, #tpu.memory_space<vmem>>) offsets(%arg10 : memref<80xi32, #tpu.memory_space<vmem>>) semaphore(%arg38 : memref<!tpu.dma_semaphore, #tpu.memory_space<semaphore_mem>>)
    %add3A_100 = arith.constant 560 : i32
    %add3A_101 = arith.addi %mul3A_2, %add3A_100 : i32
    %dma_start3A_102 = tpu.memref_slice %arg3[%add3A_101] : memref<320000xi32, #tpu.memory_space<hbm>> -> memref<80xi32, #tpu.memory_space<hbm>>
    %dma_start3A_103 = tpu.memref_slice %arg3[%add3A_101] : memref<320000xi32, #tpu.memory_space<hbm>> -> memref<80xi32, #tpu.memory_space<hbm>>
    tpu.enqueue_dma source(%dma_start3A_103 : memref<80xi32, #tpu.memory_space<hbm>>) target(%arg14 : memref<80xi32, #tpu.memory_space<vmem>>) target_semaphore(%arg34 : memref<!tpu.dma_semaphore, #tpu.memory_space<semaphore_mem>>)
    %add3A_104 = arith.constant 560 : i32
    %add3A_105 = arith.addi %mul3A_2, %add3A_104 : i32
    %dma_start3A_106 = tpu.memref_slice %arg4[%add3A_105] : memref<320000xi32, #tpu.memory_space<hbm>> -> memref<80xi32, #tpu.memory_space<hbm>>
    %dma_start3A_107 = tpu.memref_slice %arg4[%add3A_105] : memref<320000xi32, #tpu.memory_space<hbm>> -> memref<80xi32, #tpu.memory_space<hbm>>
    tpu.enqueue_dma source(%dma_start3A_107 : memref<80xi32, #tpu.memory_space<hbm>>) target(%arg22 : memref<80xi32, #tpu.memory_space<vmem>>) target_semaphore(%arg34 : memref<!tpu.dma_semaphore, #tpu.memory_space<semaphore_mem>>)
    %dma_wait3A_108 = arith.constant 0 : i32
    %dma_wait3A_109 = arith.constant 0 : i32
    %dma_wait3A_110 = tpu.memref_slice %arg2[%dma_wait3A_108, %dma_wait3A_109] : memref<10000x128xf32, #tpu.memory_space<hbm>> -> memref<10000x128xf32, #tpu.memory_space<hbm>>
    tpu.wait_indirect_dma semaphore(%arg35 : memref<!tpu.dma_semaphore, #tpu.memory_space<semaphore_mem>>) src(%dma_wait3A_110 : memref<10000x128xf32, #tpu.memory_space<hbm>>) dst(%arg23 : memref<80x128xf32, #tpu.memory_space<vmem>>)
    %dma_start3A_111 = arith.constant 0 : i32
    %dma_start3A_112 = arith.constant 0 : i32
    %dma_start3A_113 = tpu.memref_slice %arg6[%dma_start3A_111, %dma_start3A_112] : memref<10000x128xf32, #tpu.memory_space<vmem_shared>> -> memref<10000x128xf32, #tpu.memory_space<vmem_shared>>
    tpu.enqueue_indirect_dma source(%arg23 : memref<80x128xf32, #tpu.memory_space<vmem>>) target(%dma_start3A_113 : memref<10000x128xf32, #tpu.memory_space<vmem_shared>>) offsets(%arg15 : memref<80xi32, #tpu.memory_space<vmem>>) semaphore(%arg39 : memref<!tpu.dma_semaphore, #tpu.memory_space<semaphore_mem>>) {add = true}
    %scan3A_114 = arith.constant 0 : i32
    %scan3A_115 = arith.constant 0 : i32
    %scan3A_116 = arith.constant 14 : i32
    %scan3A_117 = arith.addi %scan3A_115, %scan3A_116 : i32
    %scan3A_118 = arith.constant 1 : i32
    %scan3A_119 = scf.for %scan3A_336 = %scan3A_115 to %scan3A_117 step %scan3A_118 iter_args(%scan3A_337 = %scan3A_114) -> (i32)  : i32 {
      %mul3A_338 = arith.constant 8 : i32
      %mul3A_339 = arith.muli %mul3A_338, %scan3A_336 : i32
      %add3A_340 = arith.constant 1 : i32
      %add3A_341 = arith.addi %mul3A_339, %add3A_340 : i32
      %add3A_342 = arith.constant 0 : i32
      %add3A_343 = arith.addi %add3A_341, %add3A_342 : i32
      %dma_wait3A_344 = arith.constant 0 : i32
      %dma_wait3A_345 = arith.constant 0 : i32
      %dma_wait3A_346 = tpu.memref_slice %arg6[%dma_wait3A_344, %dma_wait3A_345] : memref<10000x128xf32, #tpu.memory_space<vmem_shared>> -> memref<10000x128xf32, #tpu.memory_space<vmem_shared>>
      tpu.wait_indirect_dma semaphore(%arg39 : memref<!tpu.dma_semaphore, #tpu.memory_space<semaphore_mem>>) src(%arg23 : memref<80x128xf32, #tpu.memory_space<vmem>>) dst(%dma_wait3A_346 : memref<10000x128xf32, #tpu.memory_space<vmem_shared>>)
      %dma_wait3A_347 = tpu.memref_slice %arg3[%mul3A_2] : memref<320000xi32, #tpu.memory_space<hbm>> -> memref<80xi32, #tpu.memory_space<hbm>>
      %dma_wait3A_348 = tpu.memref_slice %arg3[%mul3A_2] : memref<320000xi32, #tpu.memory_space<hbm>> -> memref<80xi32, #tpu.memory_space<hbm>>
      tpu.wait_dma2 semaphore(%arg31 : memref<!tpu.dma_semaphore, #tpu.memory_space<semaphore_mem>>) src(%dma_wait3A_348 : memref<80xi32, #tpu.memory_space<hbm>>) dst(%arg11 : memref<80xi32, #tpu.memory_space<vmem>>)
      %dma_wait3A_349 = tpu.memref_slice %arg4[%mul3A_2] : memref<320000xi32, #tpu.memory_space<hbm>> -> memref<80xi32, #tpu.memory_space<hbm>>
      %dma_wait3A_350 = tpu.memref_slice %arg4[%mul3A_2] : memref<320000xi32, #tpu.memory_space<hbm>> -> memref<80xi32, #tpu.memory_space<hbm>>
      tpu.wait_dma2 semaphore(%arg31 : memref<!tpu.dma_semaphore, #tpu.memory_space<semaphore_mem>>) src(%dma_wait3A_350 : memref<80xi32, #tpu.memory_space<hbm>>) dst(%arg19 : memref<80xi32, #tpu.memory_space<vmem>>)
      %dma_start3A_351 = arith.constant 0 : i32
      %dma_start3A_352 = arith.constant 0 : i32
      %dma_start3A_353 = tpu.memref_slice %arg2[%dma_start3A_351, %dma_start3A_352] : memref<10000x128xf32, #tpu.memory_space<hbm>> -> memref<10000x128xf32, #tpu.memory_space<hbm>>
      tpu.enqueue_indirect_dma source(%dma_start3A_353 : memref<10000x128xf32, #tpu.memory_space<hbm>>) target(%arg23 : memref<80x128xf32, #tpu.memory_space<vmem>>) offsets(%arg11 : memref<80xi32, #tpu.memory_space<vmem>>) semaphore(%arg35 : memref<!tpu.dma_semaphore, #tpu.memory_space<semaphore_mem>>)
      %add3A_354 = arith.constant 8 : i32
      %add3A_355 = arith.addi %add3A_343, %add3A_354 : i32
      %sub3A = arith.constant 1 : i32
      %sub3A_356 = arith.subi %add3A_355, %sub3A : i32
      %mul3A_357 = arith.constant 80 : i32
      %mul3A_358 = arith.muli %sub3A_356, %mul3A_357 : i32
      %add3A_359 = arith.addi %mul3A_2, %mul3A_358 : i32
      %dma_start3A_360 = tpu.memref_slice %arg3[%add3A_359] : memref<320000xi32, #tpu.memory_space<hbm>> -> memref<80xi32, #tpu.memory_space<hbm>>
      %dma_start3A_361 = tpu.memref_slice %arg3[%add3A_359] : memref<320000xi32, #tpu.memory_space<hbm>> -> memref<80xi32, #tpu.memory_space<hbm>>
      tpu.enqueue_dma source(%dma_start3A_361 : memref<80xi32, #tpu.memory_space<hbm>>) target(%arg7 : memref<80xi32, #tpu.memory_space<vmem>>) target_semaphore(%arg27 : memref<!tpu.dma_semaphore, #tpu.memory_space<semaphore_mem>>)
      %mul3A_362 = arith.constant 80 : i32
      %mul3A_363 = arith.muli %sub3A_356, %mul3A_362 : i32
      %add3A_364 = arith.addi %mul3A_2, %mul3A_363 : i32
      %dma_start3A_365 = tpu.memref_slice %arg4[%add3A_364] : memref<320000xi32, #tpu.memory_space<hbm>> -> memref<80xi32, #tpu.memory_space<hbm>>
      %dma_start3A_366 = tpu.memref_slice %arg4[%add3A_364] : memref<320000xi32, #tpu.memory_space<hbm>> -> memref<80xi32, #tpu.memory_space<hbm>>
      tpu.enqueue_dma source(%dma_start3A_366 : memref<80xi32, #tpu.memory_space<hbm>>) target(%arg15 : memref<80xi32, #tpu.memory_space<vmem>>) target_semaphore(%arg27 : memref<!tpu.dma_semaphore, #tpu.memory_space<semaphore_mem>>)
      %dma_wait3A_367 = arith.constant 0 : i32
      %dma_wait3A_368 = arith.constant 0 : i32
      %dma_wait3A_369 = tpu.memref_slice %arg2[%dma_wait3A_367, %dma_wait3A_368] : memref<10000x128xf32, #tpu.memory_space<hbm>> -> memref<10000x128xf32, #tpu.memory_space<hbm>>
      tpu.wait_indirect_dma semaphore(%arg36 : memref<!tpu.dma_semaphore, #tpu.memory_space<semaphore_mem>>) src(%dma_wait3A_369 : memref<10000x128xf32, #tpu.memory_space<hbm>>) dst(%arg24 : memref<80x128xf32, #tpu.memory_space<vmem>>)
      %dma_start3A_370 = arith.constant 0 : i32
      %dma_start3A_371 = arith.constant 0 : i32
      %dma_start3A_372 = tpu.memref_slice %arg6[%dma_start3A_370, %dma_start3A_371] : memref<10000x128xf32, #tpu.memory_space<vmem_shared>> -> memref<10000x128xf32, #tpu.memory_space<vmem_shared>>
      tpu.enqueue_indirect_dma source(%arg24 : memref<80x128xf32, #tpu.memory_space<vmem>>) target(%dma_start3A_372 : memref<10000x128xf32, #tpu.memory_space<vmem_shared>>) offsets(%arg16 : memref<80xi32, #tpu.memory_space<vmem>>) semaphore(%arg40 : memref<!tpu.dma_semaphore, #tpu.memory_space<semaphore_mem>>) {add = true}
      %mul3A_373 = arith.constant 8 : i32
      %mul3A_374 = arith.muli %mul3A_373, %scan3A_336 : i32
      %add3A_375 = arith.constant 1 : i32
      %add3A_376 = arith.addi %mul3A_374, %add3A_375 : i32
      %add3A_377 = arith.constant 1 : i32
      %add3A_378 = arith.addi %add3A_376, %add3A_377 : i32
      %dma_wait3A_379 = arith.constant 0 : i32
      %dma_wait3A_380 = arith.constant 0 : i32
      %dma_wait3A_381 = tpu.memref_slice %arg6[%dma_wait3A_379, %dma_wait3A_380] : memref<10000x128xf32, #tpu.memory_space<vmem_shared>> -> memref<10000x128xf32, #tpu.memory_space<vmem_shared>>
      tpu.wait_indirect_dma semaphore(%arg40 : memref<!tpu.dma_semaphore, #tpu.memory_space<semaphore_mem>>) src(%arg24 : memref<80x128xf32, #tpu.memory_space<vmem>>) dst(%dma_wait3A_381 : memref<10000x128xf32, #tpu.memory_space<vmem_shared>>)
      %dma_wait3A_382 = tpu.memref_slice %arg3[%mul3A_2] : memref<320000xi32, #tpu.memory_space<hbm>> -> memref<80xi32, #tpu.memory_space<hbm>>
      %dma_wait3A_383 = tpu.memref_slice %arg3[%mul3A_2] : memref<320000xi32, #tpu.memory_space<hbm>> -> memref<80xi32, #tpu.memory_space<hbm>>
      tpu.wait_dma2 semaphore(%arg32 : memref<!tpu.dma_semaphore, #tpu.memory_space<semaphore_mem>>) src(%dma_wait3A_383 : memref<80xi32, #tpu.memory_space<hbm>>) dst(%arg12 : memref<80xi32, #tpu.memory_space<vmem>>)
      %dma_wait3A_384 = tpu.memref_slice %arg4[%mul3A_2] : memref<320000xi32, #tpu.memory_space<hbm>> -> memref<80xi32, #tpu.memory_space<hbm>>
      %dma_wait3A_385 = tpu.memref_slice %arg4[%mul3A_2] : memref<320000xi32, #tpu.memory_space<hbm>> -> memref<80xi32, #tpu.memory_space<hbm>>
      tpu.wait_dma2 semaphore(%arg32 : memref<!tpu.dma_semaphore, #tpu.memory_space<semaphore_mem>>) src(%dma_wait3A_385 : memref<80xi32, #tpu.memory_space<hbm>>) dst(%arg20 : memref<80xi32, #tpu.memory_space<vmem>>)
      %dma_start3A_386 = arith.constant 0 : i32
      %dma_start3A_387 = arith.constant 0 : i32
      %dma_start3A_388 = tpu.memref_slice %arg2[%dma_start3A_386, %dma_start3A_387] : memref<10000x128xf32, #tpu.memory_space<hbm>> -> memref<10000x128xf32, #tpu.memory_space<hbm>>
      tpu.enqueue_indirect_dma source(%dma_start3A_388 : memref<10000x128xf32, #tpu.memory_space<hbm>>) target(%arg24 : memref<80x128xf32, #tpu.memory_space<vmem>>) offsets(%arg12 : memref<80xi32, #tpu.memory_space<vmem>>) semaphore(%arg36 : memref<!tpu.dma_semaphore, #tpu.memory_space<semaphore_mem>>)
      %add3A_389 = arith.constant 8 : i32
      %add3A_390 = arith.addi %add3A_378, %add3A_389 : i32
      %sub3A_391 = arith.constant 1 : i32
      %sub3A_392 = arith.subi %add3A_390, %sub3A_391 : i32
      %mul3A_393 = arith.constant 80 : i32
      %mul3A_394 = arith.muli %sub3A_392, %mul3A_393 : i32
      %add3A_395 = arith.addi %mul3A_2, %mul3A_394 : i32
      %dma_start3A_396 = tpu.memref_slice %arg3[%add3A_395] : memref<320000xi32, #tpu.memory_space<hbm>> -> memref<80xi32, #tpu.memory_space<hbm>>
      %dma_start3A_397 = tpu.memref_slice %arg3[%add3A_395] : memref<320000xi32, #tpu.memory_space<hbm>> -> memref<80xi32, #tpu.memory_space<hbm>>
      tpu.enqueue_dma source(%dma_start3A_397 : memref<80xi32, #tpu.memory_space<hbm>>) target(%arg8 : memref<80xi32, #tpu.memory_space<vmem>>) target_semaphore(%arg28 : memref<!tpu.dma_semaphore, #tpu.memory_space<semaphore_mem>>)
      %mul3A_398 = arith.constant 80 : i32
      %mul3A_399 = arith.muli %sub3A_392, %mul3A_398 : i32
      %add3A_400 = arith.addi %mul3A_2, %mul3A_399 : i32
      %dma_start3A_401 = tpu.memref_slice %arg4[%add3A_400] : memref<320000xi32, #tpu.memory_space<hbm>> -> memref<80xi32, #tpu.memory_space<hbm>>
      %dma_start3A_402 = tpu.memref_slice %arg4[%add3A_400] : memref<320000xi32, #tpu.memory_space<hbm>> -> memref<80xi32, #tpu.memory_space<hbm>>
      tpu.enqueue_dma source(%dma_start3A_402 : memref<80xi32, #tpu.memory_space<hbm>>) target(%arg16 : memref<80xi32, #tpu.memory_space<vmem>>) target_semaphore(%arg28 : memref<!tpu.dma_semaphore, #tpu.memory_space<semaphore_mem>>)
      %dma_wait3A_403 = arith.constant 0 : i32
      %dma_wait3A_404 = arith.constant 0 : i32
      %dma_wait3A_405 = tpu.memref_slice %arg2[%dma_wait3A_403, %dma_wait3A_404] : memref<10000x128xf32, #tpu.memory_space<hbm>> -> memref<10000x128xf32, #tpu.memory_space<hbm>>
      tpu.wait_indirect_dma semaphore(%arg37 : memref<!tpu.dma_semaphore, #tpu.memory_space<semaphore_mem>>) src(%dma_wait3A_405 : memref<10000x128xf32, #tpu.memory_space<hbm>>) dst(%arg25 : memref<80x128xf32, #tpu.memory_space<vmem>>)
      %dma_start3A_406 = arith.constant 0 : i32
      %dma_start3A_407 = arith.constant 0 : i32
      %dma_start3A_408 = tpu.memref_slice %arg6[%dma_start3A_406, %dma_start3A_407] : memref<10000x128xf32, #tpu.memory_space<vmem_shared>> -> memref<10000x128xf32, #tpu.memory_space<vmem_shared>>
      tpu.enqueue_indirect_dma source(%arg25 : memref<80x128xf32, #tpu.memory_space<vmem>>) target(%dma_start3A_408 : memref<10000x128xf32, #tpu.memory_space<vmem_shared>>) offsets(%arg17 : memref<80xi32, #tpu.memory_space<vmem>>) semaphore(%arg41 : memref<!tpu.dma_semaphore, #tpu.memory_space<semaphore_mem>>) {add = true}
      %mul3A_409 = arith.constant 8 : i32
      %mul3A_410 = arith.muli %mul3A_409, %scan3A_336 : i32
      %add3A_411 = arith.constant 1 : i32
      %add3A_412 = arith.addi %mul3A_410, %add3A_411 : i32
      %add3A_413 = arith.constant 2 : i32
      %add3A_414 = arith.addi %add3A_412, %add3A_413 : i32
      %dma_wait3A_415 = arith.constant 0 : i32
      %dma_wait3A_416 = arith.constant 0 : i32
      %dma_wait3A_417 = tpu.memref_slice %arg6[%dma_wait3A_415, %dma_wait3A_416] : memref<10000x128xf32, #tpu.memory_space<vmem_shared>> -> memref<10000x128xf32, #tpu.memory_space<vmem_shared>>
      tpu.wait_indirect_dma semaphore(%arg41 : memref<!tpu.dma_semaphore, #tpu.memory_space<semaphore_mem>>) src(%arg25 : memref<80x128xf32, #tpu.memory_space<vmem>>) dst(%dma_wait3A_417 : memref<10000x128xf32, #tpu.memory_space<vmem_shared>>)
      %dma_wait3A_418 = tpu.memref_slice %arg3[%mul3A_2] : memref<320000xi32, #tpu.memory_space<hbm>> -> memref<80xi32, #tpu.memory_space<hbm>>
      %dma_wait3A_419 = tpu.memref_slice %arg3[%mul3A_2] : memref<320000xi32, #tpu.memory_space<hbm>> -> memref<80xi32, #tpu.memory_space<hbm>>
      tpu.wait_dma2 semaphore(%arg33 : memref<!tpu.dma_semaphore, #tpu.memory_space<semaphore_mem>>) src(%dma_wait3A_419 : memref<80xi32, #tpu.memory_space<hbm>>) dst(%arg13 : memref<80xi32, #tpu.memory_space<vmem>>)
      %dma_wait3A_420 = tpu.memref_slice %arg4[%mul3A_2] : memref<320000xi32, #tpu.memory_space<hbm>> -> memref<80xi32, #tpu.memory_space<hbm>>
      %dma_wait3A_421 = tpu.memref_slice %arg4[%mul3A_2] : memref<320000xi32, #tpu.memory_space<hbm>> -> memref<80xi32, #tpu.memory_space<hbm>>
      tpu.wait_dma2 semaphore(%arg33 : memref<!tpu.dma_semaphore, #tpu.memory_space<semaphore_mem>>) src(%dma_wait3A_421 : memref<80xi32, #tpu.memory_space<hbm>>) dst(%arg21 : memref<80xi32, #tpu.memory_space<vmem>>)
      %dma_start3A_422 = arith.constant 0 : i32
      %dma_start3A_423 = arith.constant 0 : i32
      %dma_start3A_424 = tpu.memref_slice %arg2[%dma_start3A_422, %dma_start3A_423] : memref<10000x128xf32, #tpu.memory_space<hbm>> -> memref<10000x128xf32, #tpu.memory_space<hbm>>
      tpu.enqueue_indirect_dma source(%dma_start3A_424 : memref<10000x128xf32, #tpu.memory_space<hbm>>) target(%arg25 : memref<80x128xf32, #tpu.memory_space<vmem>>) offsets(%arg13 : memref<80xi32, #tpu.memory_space<vmem>>) semaphore(%arg37 : memref<!tpu.dma_semaphore, #tpu.memory_space<semaphore_mem>>)
      %add3A_425 = arith.constant 8 : i32
      %add3A_426 = arith.addi %add3A_414, %add3A_425 : i32
      %sub3A_427 = arith.constant 1 : i32
      %sub3A_428 = arith.subi %add3A_426, %sub3A_427 : i32
      %mul3A_429 = arith.constant 80 : i32
      %mul3A_430 = arith.muli %sub3A_428, %mul3A_429 : i32
      %add3A_431 = arith.addi %mul3A_2, %mul3A_430 : i32
      %dma_start3A_432 = tpu.memref_slice %arg3[%add3A_431] : memref<320000xi32, #tpu.memory_space<hbm>> -> memref<80xi32, #tpu.memory_space<hbm>>
      %dma_start3A_433 = tpu.memref_slice %arg3[%add3A_431] : memref<320000xi32, #tpu.memory_space<hbm>> -> memref<80xi32, #tpu.memory_space<hbm>>
      tpu.enqueue_dma source(%dma_start3A_433 : memref<80xi32, #tpu.memory_space<hbm>>) target(%arg9 : memref<80xi32, #tpu.memory_space<vmem>>) target_semaphore(%arg29 : memref<!tpu.dma_semaphore, #tpu.memory_space<semaphore_mem>>)
      %mul3A_434 = arith.constant 80 : i32
      %mul3A_435 = arith.muli %sub3A_428, %mul3A_434 : i32
      %add3A_436 = arith.addi %mul3A_2, %mul3A_435 : i32
      %dma_start3A_437 = tpu.memref_slice %arg4[%add3A_436] : memref<320000xi32, #tpu.memory_space<hbm>> -> memref<80xi32, #tpu.memory_space<hbm>>
      %dma_start3A_438 = tpu.memref_slice %arg4[%add3A_436] : memref<320000xi32, #tpu.memory_space<hbm>> -> memref<80xi32, #tpu.memory_space<hbm>>
      tpu.enqueue_dma source(%dma_start3A_438 : memref<80xi32, #tpu.memory_space<hbm>>) target(%arg17 : memref<80xi32, #tpu.memory_space<vmem>>) target_semaphore(%arg29 : memref<!tpu.dma_semaphore, #tpu.memory_space<semaphore_mem>>)
      %dma_wait3A_439 = arith.constant 0 : i32
      %dma_wait3A_440 = arith.constant 0 : i32
      %dma_wait3A_441 = tpu.memref_slice %arg2[%dma_wait3A_439, %dma_wait3A_440] : memref<10000x128xf32, #tpu.memory_space<hbm>> -> memref<10000x128xf32, #tpu.memory_space<hbm>>
      tpu.wait_indirect_dma semaphore(%arg38 : memref<!tpu.dma_semaphore, #tpu.memory_space<semaphore_mem>>) src(%dma_wait3A_441 : memref<10000x128xf32, #tpu.memory_space<hbm>>) dst(%arg26 : memref<80x128xf32, #tpu.memory_space<vmem>>)
      %dma_start3A_442 = arith.constant 0 : i32
      %dma_start3A_443 = arith.constant 0 : i32
      %dma_start3A_444 = tpu.memref_slice %arg6[%dma_start3A_442, %dma_start3A_443] : memref<10000x128xf32, #tpu.memory_space<vmem_shared>> -> memref<10000x128xf32, #tpu.memory_space<vmem_shared>>
      tpu.enqueue_indirect_dma source(%arg26 : memref<80x128xf32, #tpu.memory_space<vmem>>) target(%dma_start3A_444 : memref<10000x128xf32, #tpu.memory_space<vmem_shared>>) offsets(%arg18 : memref<80xi32, #tpu.memory_space<vmem>>) semaphore(%arg42 : memref<!tpu.dma_semaphore, #tpu.memory_space<semaphore_mem>>) {add = true}
      %mul3A_445 = arith.constant 8 : i32
      %mul3A_446 = arith.muli %mul3A_445, %scan3A_336 : i32
      %add3A_447 = arith.constant 1 : i32
      %add3A_448 = arith.addi %mul3A_446, %add3A_447 : i32
      %add3A_449 = arith.constant 3 : i32
      %add3A_450 = arith.addi %add3A_448, %add3A_449 : i32
      %dma_wait3A_451 = arith.constant 0 : i32
      %dma_wait3A_452 = arith.constant 0 : i32
      %dma_wait3A_453 = tpu.memref_slice %arg6[%dma_wait3A_451, %dma_wait3A_452] : memref<10000x128xf32, #tpu.memory_space<vmem_shared>> -> memref<10000x128xf32, #tpu.memory_space<vmem_shared>>
      tpu.wait_indirect_dma semaphore(%arg42 : memref<!tpu.dma_semaphore, #tpu.memory_space<semaphore_mem>>) src(%arg26 : memref<80x128xf32, #tpu.memory_space<vmem>>) dst(%dma_wait3A_453 : memref<10000x128xf32, #tpu.memory_space<vmem_shared>>)
      %dma_wait3A_454 = tpu.memref_slice %arg3[%mul3A_2] : memref<320000xi32, #tpu.memory_space<hbm>> -> memref<80xi32, #tpu.memory_space<hbm>>
      %dma_wait3A_455 = tpu.memref_slice %arg3[%mul3A_2] : memref<320000xi32, #tpu.memory_space<hbm>> -> memref<80xi32, #tpu.memory_space<hbm>>
      tpu.wait_dma2 semaphore(%arg34 : memref<!tpu.dma_semaphore, #tpu.memory_space<semaphore_mem>>) src(%dma_wait3A_455 : memref<80xi32, #tpu.memory_space<hbm>>) dst(%arg14 : memref<80xi32, #tpu.memory_space<vmem>>)
      %dma_wait3A_456 = tpu.memref_slice %arg4[%mul3A_2] : memref<320000xi32, #tpu.memory_space<hbm>> -> memref<80xi32, #tpu.memory_space<hbm>>
      %dma_wait3A_457 = tpu.memref_slice %arg4[%mul3A_2] : memref<320000xi32, #tpu.memory_space<hbm>> -> memref<80xi32, #tpu.memory_space<hbm>>
      tpu.wait_dma2 semaphore(%arg34 : memref<!tpu.dma_semaphore, #tpu.memory_space<semaphore_mem>>) src(%dma_wait3A_457 : memref<80xi32, #tpu.memory_space<hbm>>) dst(%arg22 : memref<80xi32, #tpu.memory_space<vmem>>)
      %dma_start3A_458 = arith.constant 0 : i32
      %dma_start3A_459 = arith.constant 0 : i32
      %dma_start3A_460 = tpu.memref_slice %arg2[%dma_start3A_458, %dma_start3A_459] : memref<10000x128xf32, #tpu.memory_space<hbm>> -> memref<10000x128xf32, #tpu.memory_space<hbm>>
      tpu.enqueue_indirect_dma source(%dma_start3A_460 : memref<10000x128xf32, #tpu.memory_space<hbm>>) target(%arg26 : memref<80x128xf32, #tpu.memory_space<vmem>>) offsets(%arg14 : memref<80xi32, #tpu.memory_space<vmem>>) semaphore(%arg38 : memref<!tpu.dma_semaphore, #tpu.memory_space<semaphore_mem>>)
      %add3A_461 = arith.constant 8 : i32
      %add3A_462 = arith.addi %add3A_450, %add3A_461 : i32
      %sub3A_463 = arith.constant 1 : i32
      %sub3A_464 = arith.subi %add3A_462, %sub3A_463 : i32
      %mul3A_465 = arith.constant 80 : i32
      %mul3A_466 = arith.muli %sub3A_464, %mul3A_465 : i32
      %add3A_467 = arith.addi %mul3A_2, %mul3A_466 : i32
      %dma_start3A_468 = tpu.memref_slice %arg3[%add3A_467] : memref<320000xi32, #tpu.memory_space<hbm>> -> memref<80xi32, #tpu.memory_space<hbm>>
      %dma_start3A_469 = tpu.memref_slice %arg3[%add3A_467] : memref<320000xi32, #tpu.memory_space<hbm>> -> memref<80xi32, #tpu.memory_space<hbm>>
      tpu.enqueue_dma source(%dma_start3A_469 : memref<80xi32, #tpu.memory_space<hbm>>) target(%arg10 : memref<80xi32, #tpu.memory_space<vmem>>) target_semaphore(%arg30 : memref<!tpu.dma_semaphore, #tpu.memory_space<semaphore_mem>>)
      %mul3A_470 = arith.constant 80 : i32
      %mul3A_471 = arith.muli %sub3A_464, %mul3A_470 : i32
      %add3A_472 = arith.addi %mul3A_2, %mul3A_471 : i32
      %dma_start3A_473 = tpu.memref_slice %arg4[%add3A_472] : memref<320000xi32, #tpu.memory_space<hbm>> -> memref<80xi32, #tpu.memory_space<hbm>>
      %dma_start3A_474 = tpu.memref_slice %arg4[%add3A_472] : memref<320000xi32, #tpu.memory_space<hbm>> -> memref<80xi32, #tpu.memory_space<hbm>>
      tpu.enqueue_dma source(%dma_start3A_474 : memref<80xi32, #tpu.memory_space<hbm>>) target(%arg18 : memref<80xi32, #tpu.memory_space<vmem>>) target_semaphore(%arg30 : memref<!tpu.dma_semaphore, #tpu.memory_space<semaphore_mem>>)
      %dma_wait3A_475 = arith.constant 0 : i32
      %dma_wait3A_476 = arith.constant 0 : i32
      %dma_wait3A_477 = tpu.memref_slice %arg2[%dma_wait3A_475, %dma_wait3A_476] : memref<10000x128xf32, #tpu.memory_space<hbm>> -> memref<10000x128xf32, #tpu.memory_space<hbm>>
      tpu.wait_indirect_dma semaphore(%arg35 : memref<!tpu.dma_semaphore, #tpu.memory_space<semaphore_mem>>) src(%dma_wait3A_477 : memref<10000x128xf32, #tpu.memory_space<hbm>>) dst(%arg23 : memref<80x128xf32, #tpu.memory_space<vmem>>)
      %dma_start3A_478 = arith.constant 0 : i32
      %dma_start3A_479 = arith.constant 0 : i32
      %dma_start3A_480 = tpu.memref_slice %arg6[%dma_start3A_478, %dma_start3A_479] : memref<10000x128xf32, #tpu.memory_space<vmem_shared>> -> memref<10000x128xf32, #tpu.memory_space<vmem_shared>>
      tpu.enqueue_indirect_dma source(%arg23 : memref<80x128xf32, #tpu.memory_space<vmem>>) target(%dma_start3A_480 : memref<10000x128xf32, #tpu.memory_space<vmem_shared>>) offsets(%arg19 : memref<80xi32, #tpu.memory_space<vmem>>) semaphore(%arg39 : memref<!tpu.dma_semaphore, #tpu.memory_space<semaphore_mem>>) {add = true}
      %mul3A_481 = arith.constant 8 : i32
      %mul3A_482 = arith.muli %mul3A_481, %scan3A_336 : i32
      %add3A_483 = arith.constant 1 : i32
      %add3A_484 = arith.addi %mul3A_482, %add3A_483 : i32
      %add3A_485 = arith.constant 4 : i32
      %add3A_486 = arith.addi %add3A_484, %add3A_485 : i32
      %dma_wait3A_487 = arith.constant 0 : i32
      %dma_wait3A_488 = arith.constant 0 : i32
      %dma_wait3A_489 = tpu.memref_slice %arg6[%dma_wait3A_487, %dma_wait3A_488] : memref<10000x128xf32, #tpu.memory_space<vmem_shared>> -> memref<10000x128xf32, #tpu.memory_space<vmem_shared>>
      tpu.wait_indirect_dma semaphore(%arg39 : memref<!tpu.dma_semaphore, #tpu.memory_space<semaphore_mem>>) src(%arg23 : memref<80x128xf32, #tpu.memory_space<vmem>>) dst(%dma_wait3A_489 : memref<10000x128xf32, #tpu.memory_space<vmem_shared>>)
      %dma_wait3A_490 = tpu.memref_slice %arg3[%mul3A_2] : memref<320000xi32, #tpu.memory_space<hbm>> -> memref<80xi32, #tpu.memory_space<hbm>>
      %dma_wait3A_491 = tpu.memref_slice %arg3[%mul3A_2] : memref<320000xi32, #tpu.memory_space<hbm>> -> memref<80xi32, #tpu.memory_space<hbm>>
      tpu.wait_dma2 semaphore(%arg27 : memref<!tpu.dma_semaphore, #tpu.memory_space<semaphore_mem>>) src(%dma_wait3A_491 : memref<80xi32, #tpu.memory_space<hbm>>) dst(%arg7 : memref<80xi32, #tpu.memory_space<vmem>>)
      %dma_wait3A_492 = tpu.memref_slice %arg4[%mul3A_2] : memref<320000xi32, #tpu.memory_space<hbm>> -> memref<80xi32, #tpu.memory_space<hbm>>
      %dma_wait3A_493 = tpu.memref_slice %arg4[%mul3A_2] : memref<320000xi32, #tpu.memory_space<hbm>> -> memref<80xi32, #tpu.memory_space<hbm>>
      tpu.wait_dma2 semaphore(%arg27 : memref<!tpu.dma_semaphore, #tpu.memory_space<semaphore_mem>>) src(%dma_wait3A_493 : memref<80xi32, #tpu.memory_space<hbm>>) dst(%arg15 : memref<80xi32, #tpu.memory_space<vmem>>)
      %dma_start3A_494 = arith.constant 0 : i32
      %dma_start3A_495 = arith.constant 0 : i32
      %dma_start3A_496 = tpu.memref_slice %arg2[%dma_start3A_494, %dma_start3A_495] : memref<10000x128xf32, #tpu.memory_space<hbm>> -> memref<10000x128xf32, #tpu.memory_space<hbm>>
      tpu.enqueue_indirect_dma source(%dma_start3A_496 : memref<10000x128xf32, #tpu.memory_space<hbm>>) target(%arg23 : memref<80x128xf32, #tpu.memory_space<vmem>>) offsets(%arg7 : memref<80xi32, #tpu.memory_space<vmem>>) semaphore(%arg35 : memref<!tpu.dma_semaphore, #tpu.memory_space<semaphore_mem>>)
      %add3A_497 = arith.constant 8 : i32
      %add3A_498 = arith.addi %add3A_486, %add3A_497 : i32
      %sub3A_499 = arith.constant 1 : i32
      %sub3A_500 = arith.subi %add3A_498, %sub3A_499 : i32
      %mul3A_501 = arith.constant 80 : i32
      %mul3A_502 = arith.muli %sub3A_500, %mul3A_501 : i32
      %add3A_503 = arith.addi %mul3A_2, %mul3A_502 : i32
      %dma_start3A_504 = tpu.memref_slice %arg3[%add3A_503] : memref<320000xi32, #tpu.memory_space<hbm>> -> memref<80xi32, #tpu.memory_space<hbm>>
      %dma_start3A_505 = tpu.memref_slice %arg3[%add3A_503] : memref<320000xi32, #tpu.memory_space<hbm>> -> memref<80xi32, #tpu.memory_space<hbm>>
      tpu.enqueue_dma source(%dma_start3A_505 : memref<80xi32, #tpu.memory_space<hbm>>) target(%arg11 : memref<80xi32, #tpu.memory_space<vmem>>) target_semaphore(%arg31 : memref<!tpu.dma_semaphore, #tpu.memory_space<semaphore_mem>>)
      %mul3A_506 = arith.constant 80 : i32
      %mul3A_507 = arith.muli %sub3A_500, %mul3A_506 : i32
      %add3A_508 = arith.addi %mul3A_2, %mul3A_507 : i32
      %dma_start3A_509 = tpu.memref_slice %arg4[%add3A_508] : memref<320000xi32, #tpu.memory_space<hbm>> -> memref<80xi32, #tpu.memory_space<hbm>>
      %dma_start3A_510 = tpu.memref_slice %arg4[%add3A_508] : memref<320000xi32, #tpu.memory_space<hbm>> -> memref<80xi32, #tpu.memory_space<hbm>>
      tpu.enqueue_dma source(%dma_start3A_510 : memref<80xi32, #tpu.memory_space<hbm>>) target(%arg19 : memref<80xi32, #tpu.memory_space<vmem>>) target_semaphore(%arg31 : memref<!tpu.dma_semaphore, #tpu.memory_space<semaphore_mem>>)
      %dma_wait3A_511 = arith.constant 0 : i32
      %dma_wait3A_512 = arith.constant 0 : i32
      %dma_wait3A_513 = tpu.memref_slice %arg2[%dma_wait3A_511, %dma_wait3A_512] : memref<10000x128xf32, #tpu.memory_space<hbm>> -> memref<10000x128xf32, #tpu.memory_space<hbm>>
      tpu.wait_indirect_dma semaphore(%arg36 : memref<!tpu.dma_semaphore, #tpu.memory_space<semaphore_mem>>) src(%dma_wait3A_513 : memref<10000x128xf32, #tpu.memory_space<hbm>>) dst(%arg24 : memref<80x128xf32, #tpu.memory_space<vmem>>)
      %dma_start3A_514 = arith.constant 0 : i32
      %dma_start3A_515 = arith.constant 0 : i32
      %dma_start3A_516 = tpu.memref_slice %arg6[%dma_start3A_514, %dma_start3A_515] : memref<10000x128xf32, #tpu.memory_space<vmem_shared>> -> memref<10000x128xf32, #tpu.memory_space<vmem_shared>>
      tpu.enqueue_indirect_dma source(%arg24 : memref<80x128xf32, #tpu.memory_space<vmem>>) target(%dma_start3A_516 : memref<10000x128xf32, #tpu.memory_space<vmem_shared>>) offsets(%arg20 : memref<80xi32, #tpu.memory_space<vmem>>) semaphore(%arg40 : memref<!tpu.dma_semaphore, #tpu.memory_space<semaphore_mem>>) {add = true}
      %mul3A_517 = arith.constant 8 : i32
      %mul3A_518 = arith.muli %mul3A_517, %scan3A_336 : i32
      %add3A_519 = arith.constant 1 : i32
      %add3A_520 = arith.addi %mul3A_518, %add3A_519 : i32
      %add3A_521 = arith.constant 5 : i32
      %add3A_522 = arith.addi %add3A_520, %add3A_521 : i32
      %dma_wait3A_523 = arith.constant 0 : i32
      %dma_wait3A_524 = arith.constant 0 : i32
      %dma_wait3A_525 = tpu.memref_slice %arg6[%dma_wait3A_523, %dma_wait3A_524] : memref<10000x128xf32, #tpu.memory_space<vmem_shared>> -> memref<10000x128xf32, #tpu.memory_space<vmem_shared>>
      tpu.wait_indirect_dma semaphore(%arg40 : memref<!tpu.dma_semaphore, #tpu.memory_space<semaphore_mem>>) src(%arg24 : memref<80x128xf32, #tpu.memory_space<vmem>>) dst(%dma_wait3A_525 : memref<10000x128xf32, #tpu.memory_space<vmem_shared>>)
      %dma_wait3A_526 = tpu.memref_slice %arg3[%mul3A_2] : memref<320000xi32, #tpu.memory_space<hbm>> -> memref<80xi32, #tpu.memory_space<hbm>>
      %dma_wait3A_527 = tpu.memref_slice %arg3[%mul3A_2] : memref<320000xi32, #tpu.memory_space<hbm>> -> memref<80xi32, #tpu.memory_space<hbm>>
      tpu.wait_dma2 semaphore(%arg28 : memref<!tpu.dma_semaphore, #tpu.memory_space<semaphore_mem>>) src(%dma_wait3A_527 : memref<80xi32, #tpu.memory_space<hbm>>) dst(%arg8 : memref<80xi32, #tpu.memory_space<vmem>>)
      %dma_wait3A_528 = tpu.memref_slice %arg4[%mul3A_2] : memref<320000xi32, #tpu.memory_space<hbm>> -> memref<80xi32, #tpu.memory_space<hbm>>
      %dma_wait3A_529 = tpu.memref_slice %arg4[%mul3A_2] : memref<320000xi32, #tpu.memory_space<hbm>> -> memref<80xi32, #tpu.memory_space<hbm>>
      tpu.wait_dma2 semaphore(%arg28 : memref<!tpu.dma_semaphore, #tpu.memory_space<semaphore_mem>>) src(%dma_wait3A_529 : memref<80xi32, #tpu.memory_space<hbm>>) dst(%arg16 : memref<80xi32, #tpu.memory_space<vmem>>)
      %dma_start3A_530 = arith.constant 0 : i32
      %dma_start3A_531 = arith.constant 0 : i32
      %dma_start3A_532 = tpu.memref_slice %arg2[%dma_start3A_530, %dma_start3A_531] : memref<10000x128xf32, #tpu.memory_space<hbm>> -> memref<10000x128xf32, #tpu.memory_space<hbm>>
      tpu.enqueue_indirect_dma source(%dma_start3A_532 : memref<10000x128xf32, #tpu.memory_space<hbm>>) target(%arg24 : memref<80x128xf32, #tpu.memory_space<vmem>>) offsets(%arg8 : memref<80xi32, #tpu.memory_space<vmem>>) semaphore(%arg36 : memref<!tpu.dma_semaphore, #tpu.memory_space<semaphore_mem>>)
      %add3A_533 = arith.constant 8 : i32
      %add3A_534 = arith.addi %add3A_522, %add3A_533 : i32
      %sub3A_535 = arith.constant 1 : i32
      %sub3A_536 = arith.subi %add3A_534, %sub3A_535 : i32
      %mul3A_537 = arith.constant 80 : i32
      %mul3A_538 = arith.muli %sub3A_536, %mul3A_537 : i32
      %add3A_539 = arith.addi %mul3A_2, %mul3A_538 : i32
      %dma_start3A_540 = tpu.memref_slice %arg3[%add3A_539] : memref<320000xi32, #tpu.memory_space<hbm>> -> memref<80xi32, #tpu.memory_space<hbm>>
      %dma_start3A_541 = tpu.memref_slice %arg3[%add3A_539] : memref<320000xi32, #tpu.memory_space<hbm>> -> memref<80xi32, #tpu.memory_space<hbm>>
      tpu.enqueue_dma source(%dma_start3A_541 : memref<80xi32, #tpu.memory_space<hbm>>) target(%arg12 : memref<80xi32, #tpu.memory_space<vmem>>) target_semaphore(%arg32 : memref<!tpu.dma_semaphore, #tpu.memory_space<semaphore_mem>>)
      %mul3A_542 = arith.constant 80 : i32
      %mul3A_543 = arith.muli %sub3A_536, %mul3A_542 : i32
      %add3A_544 = arith.addi %mul3A_2, %mul3A_543 : i32
      %dma_start3A_545 = tpu.memref_slice %arg4[%add3A_544] : memref<320000xi32, #tpu.memory_space<hbm>> -> memref<80xi32, #tpu.memory_space<hbm>>
      %dma_start3A_546 = tpu.memref_slice %arg4[%add3A_544] : memref<320000xi32, #tpu.memory_space<hbm>> -> memref<80xi32, #tpu.memory_space<hbm>>
      tpu.enqueue_dma source(%dma_start3A_546 : memref<80xi32, #tpu.memory_space<hbm>>) target(%arg20 : memref<80xi32, #tpu.memory_space<vmem>>) target_semaphore(%arg32 : memref<!tpu.dma_semaphore, #tpu.memory_space<semaphore_mem>>)
      %dma_wait3A_547 = arith.constant 0 : i32
      %dma_wait3A_548 = arith.constant 0 : i32
      %dma_wait3A_549 = tpu.memref_slice %arg2[%dma_wait3A_547, %dma_wait3A_548] : memref<10000x128xf32, #tpu.memory_space<hbm>> -> memref<10000x128xf32, #tpu.memory_space<hbm>>
      tpu.wait_indirect_dma semaphore(%arg37 : memref<!tpu.dma_semaphore, #tpu.memory_space<semaphore_mem>>) src(%dma_wait3A_549 : memref<10000x128xf32, #tpu.memory_space<hbm>>) dst(%arg25 : memref<80x128xf32, #tpu.memory_space<vmem>>)
      %dma_start3A_550 = arith.constant 0 : i32
      %dma_start3A_551 = arith.constant 0 : i32
      %dma_start3A_552 = tpu.memref_slice %arg6[%dma_start3A_550, %dma_start3A_551] : memref<10000x128xf32, #tpu.memory_space<vmem_shared>> -> memref<10000x128xf32, #tpu.memory_space<vmem_shared>>
      tpu.enqueue_indirect_dma source(%arg25 : memref<80x128xf32, #tpu.memory_space<vmem>>) target(%dma_start3A_552 : memref<10000x128xf32, #tpu.memory_space<vmem_shared>>) offsets(%arg21 : memref<80xi32, #tpu.memory_space<vmem>>) semaphore(%arg41 : memref<!tpu.dma_semaphore, #tpu.memory_space<semaphore_mem>>) {add = true}
      %mul3A_553 = arith.constant 8 : i32
      %mul3A_554 = arith.muli %mul3A_553, %scan3A_336 : i32
      %add3A_555 = arith.constant 1 : i32
      %add3A_556 = arith.addi %mul3A_554, %add3A_555 : i32
      %add3A_557 = arith.constant 6 : i32
      %add3A_558 = arith.addi %add3A_556, %add3A_557 : i32
      %dma_wait3A_559 = arith.constant 0 : i32
      %dma_wait3A_560 = arith.constant 0 : i32
      %dma_wait3A_561 = tpu.memref_slice %arg6[%dma_wait3A_559, %dma_wait3A_560] : memref<10000x128xf32, #tpu.memory_space<vmem_shared>> -> memref<10000x128xf32, #tpu.memory_space<vmem_shared>>
      tpu.wait_indirect_dma semaphore(%arg41 : memref<!tpu.dma_semaphore, #tpu.memory_space<semaphore_mem>>) src(%arg25 : memref<80x128xf32, #tpu.memory_space<vmem>>) dst(%dma_wait3A_561 : memref<10000x128xf32, #tpu.memory_space<vmem_shared>>)
      %dma_wait3A_562 = tpu.memref_slice %arg3[%mul3A_2] : memref<320000xi32, #tpu.memory_space<hbm>> -> memref<80xi32, #tpu.memory_space<hbm>>
      %dma_wait3A_563 = tpu.memref_slice %arg3[%mul3A_2] : memref<320000xi32, #tpu.memory_space<hbm>> -> memref<80xi32, #tpu.memory_space<hbm>>
      tpu.wait_dma2 semaphore(%arg29 : memref<!tpu.dma_semaphore, #tpu.memory_space<semaphore_mem>>) src(%dma_wait3A_563 : memref<80xi32, #tpu.memory_space<hbm>>) dst(%arg9 : memref<80xi32, #tpu.memory_space<vmem>>)
      %dma_wait3A_564 = tpu.memref_slice %arg4[%mul3A_2] : memref<320000xi32, #tpu.memory_space<hbm>> -> memref<80xi32, #tpu.memory_space<hbm>>
      %dma_wait3A_565 = tpu.memref_slice %arg4[%mul3A_2] : memref<320000xi32, #tpu.memory_space<hbm>> -> memref<80xi32, #tpu.memory_space<hbm>>
      tpu.wait_dma2 semaphore(%arg29 : memref<!tpu.dma_semaphore, #tpu.memory_space<semaphore_mem>>) src(%dma_wait3A_565 : memref<80xi32, #tpu.memory_space<hbm>>) dst(%arg17 : memref<80xi32, #tpu.memory_space<vmem>>)
      %dma_start3A_566 = arith.constant 0 : i32
      %dma_start3A_567 = arith.constant 0 : i32
      %dma_start3A_568 = tpu.memref_slice %arg2[%dma_start3A_566, %dma_start3A_567] : memref<10000x128xf32, #tpu.memory_space<hbm>> -> memref<10000x128xf32, #tpu.memory_space<hbm>>
      tpu.enqueue_indirect_dma source(%dma_start3A_568 : memref<10000x128xf32, #tpu.memory_space<hbm>>) target(%arg25 : memref<80x128xf32, #tpu.memory_space<vmem>>) offsets(%arg9 : memref<80xi32, #tpu.memory_space<vmem>>) semaphore(%arg37 : memref<!tpu.dma_semaphore, #tpu.memory_space<semaphore_mem>>)
      %add3A_569 = arith.constant 8 : i32
      %add3A_570 = arith.addi %add3A_558, %add3A_569 : i32
      %sub3A_571 = arith.constant 1 : i32
      %sub3A_572 = arith.subi %add3A_570, %sub3A_571 : i32
      %mul3A_573 = arith.constant 80 : i32
      %mul3A_574 = arith.muli %sub3A_572, %mul3A_573 : i32
      %add3A_575 = arith.addi %mul3A_2, %mul3A_574 : i32
      %dma_start3A_576 = tpu.memref_slice %arg3[%add3A_575] : memref<320000xi32, #tpu.memory_space<hbm>> -> memref<80xi32, #tpu.memory_space<hbm>>
      %dma_start3A_577 = tpu.memref_slice %arg3[%add3A_575] : memref<320000xi32, #tpu.memory_space<hbm>> -> memref<80xi32, #tpu.memory_space<hbm>>
      tpu.enqueue_dma source(%dma_start3A_577 : memref<80xi32, #tpu.memory_space<hbm>>) target(%arg13 : memref<80xi32, #tpu.memory_space<vmem>>) target_semaphore(%arg33 : memref<!tpu.dma_semaphore, #tpu.memory_space<semaphore_mem>>)
      %mul3A_578 = arith.constant 80 : i32
      %mul3A_579 = arith.muli %sub3A_572, %mul3A_578 : i32
      %add3A_580 = arith.addi %mul3A_2, %mul3A_579 : i32
      %dma_start3A_581 = tpu.memref_slice %arg4[%add3A_580] : memref<320000xi32, #tpu.memory_space<hbm>> -> memref<80xi32, #tpu.memory_space<hbm>>
      %dma_start3A_582 = tpu.memref_slice %arg4[%add3A_580] : memref<320000xi32, #tpu.memory_space<hbm>> -> memref<80xi32, #tpu.memory_space<hbm>>
      tpu.enqueue_dma source(%dma_start3A_582 : memref<80xi32, #tpu.memory_space<hbm>>) target(%arg21 : memref<80xi32, #tpu.memory_space<vmem>>) target_semaphore(%arg33 : memref<!tpu.dma_semaphore, #tpu.memory_space<semaphore_mem>>)
      %dma_wait3A_583 = arith.constant 0 : i32
      %dma_wait3A_584 = arith.constant 0 : i32
      %dma_wait3A_585 = tpu.memref_slice %arg2[%dma_wait3A_583, %dma_wait3A_584] : memref<10000x128xf32, #tpu.memory_space<hbm>> -> memref<10000x128xf32, #tpu.memory_space<hbm>>
      tpu.wait_indirect_dma semaphore(%arg38 : memref<!tpu.dma_semaphore, #tpu.memory_space<semaphore_mem>>) src(%dma_wait3A_585 : memref<10000x128xf32, #tpu.memory_space<hbm>>) dst(%arg26 : memref<80x128xf32, #tpu.memory_space<vmem>>)
      %dma_start3A_586 = arith.constant 0 : i32
      %dma_start3A_587 = arith.constant 0 : i32
      %dma_start3A_588 = tpu.memref_slice %arg6[%dma_start3A_586, %dma_start3A_587] : memref<10000x128xf32, #tpu.memory_space<vmem_shared>> -> memref<10000x128xf32, #tpu.memory_space<vmem_shared>>
      tpu.enqueue_indirect_dma source(%arg26 : memref<80x128xf32, #tpu.memory_space<vmem>>) target(%dma_start3A_588 : memref<10000x128xf32, #tpu.memory_space<vmem_shared>>) offsets(%arg22 : memref<80xi32, #tpu.memory_space<vmem>>) semaphore(%arg42 : memref<!tpu.dma_semaphore, #tpu.memory_space<semaphore_mem>>) {add = true}
      %mul3A_589 = arith.constant 8 : i32
      %mul3A_590 = arith.muli %mul3A_589, %scan3A_336 : i32
      %add3A_591 = arith.constant 1 : i32
      %add3A_592 = arith.addi %mul3A_590, %add3A_591 : i32
      %add3A_593 = arith.constant 7 : i32
      %add3A_594 = arith.addi %add3A_592, %add3A_593 : i32
      %dma_wait3A_595 = arith.constant 0 : i32
      %dma_wait3A_596 = arith.constant 0 : i32
      %dma_wait3A_597 = tpu.memref_slice %arg6[%dma_wait3A_595, %dma_wait3A_596] : memref<10000x128xf32, #tpu.memory_space<vmem_shared>> -> memref<10000x128xf32, #tpu.memory_space<vmem_shared>>
      tpu.wait_indirect_dma semaphore(%arg42 : memref<!tpu.dma_semaphore, #tpu.memory_space<semaphore_mem>>) src(%arg26 : memref<80x128xf32, #tpu.memory_space<vmem>>) dst(%dma_wait3A_597 : memref<10000x128xf32, #tpu.memory_space<vmem_shared>>)
      %dma_wait3A_598 = tpu.memref_slice %arg3[%mul3A_2] : memref<320000xi32, #tpu.memory_space<hbm>> -> memref<80xi32, #tpu.memory_space<hbm>>
      %dma_wait3A_599 = tpu.memref_slice %arg3[%mul3A_2] : memref<320000xi32, #tpu.memory_space<hbm>> -> memref<80xi32, #tpu.memory_space<hbm>>
      tpu.wait_dma2 semaphore(%arg30 : memref<!tpu.dma_semaphore, #tpu.memory_space<semaphore_mem>>) src(%dma_wait3A_599 : memref<80xi32, #tpu.memory_space<hbm>>) dst(%arg10 : memref<80xi32, #tpu.memory_space<vmem>>)
      %dma_wait3A_600 = tpu.memref_slice %arg4[%mul3A_2] : memref<320000xi32, #tpu.memory_space<hbm>> -> memref<80xi32, #tpu.memory_space<hbm>>
      %dma_wait3A_601 = tpu.memref_slice %arg4[%mul3A_2] : memref<320000xi32, #tpu.memory_space<hbm>> -> memref<80xi32, #tpu.memory_space<hbm>>
      tpu.wait_dma2 semaphore(%arg30 : memref<!tpu.dma_semaphore, #tpu.memory_space<semaphore_mem>>) src(%dma_wait3A_601 : memref<80xi32, #tpu.memory_space<hbm>>) dst(%arg18 : memref<80xi32, #tpu.memory_space<vmem>>)
      %dma_start3A_602 = arith.constant 0 : i32
      %dma_start3A_603 = arith.constant 0 : i32
      %dma_start3A_604 = tpu.memref_slice %arg2[%dma_start3A_602, %dma_start3A_603] : memref<10000x128xf32, #tpu.memory_space<hbm>> -> memref<10000x128xf32, #tpu.memory_space<hbm>>
      tpu.enqueue_indirect_dma source(%dma_start3A_604 : memref<10000x128xf32, #tpu.memory_space<hbm>>) target(%arg26 : memref<80x128xf32, #tpu.memory_space<vmem>>) offsets(%arg10 : memref<80xi32, #tpu.memory_space<vmem>>) semaphore(%arg38 : memref<!tpu.dma_semaphore, #tpu.memory_space<semaphore_mem>>)
      %add3A_605 = arith.constant 8 : i32
      %add3A_606 = arith.addi %add3A_594, %add3A_605 : i32
      %sub3A_607 = arith.constant 1 : i32
      %sub3A_608 = arith.subi %add3A_606, %sub3A_607 : i32
      %mul3A_609 = arith.constant 80 : i32
      %mul3A_610 = arith.muli %sub3A_608, %mul3A_609 : i32
      %add3A_611 = arith.addi %mul3A_2, %mul3A_610 : i32
      %dma_start3A_612 = tpu.memref_slice %arg3[%add3A_611] : memref<320000xi32, #tpu.memory_space<hbm>> -> memref<80xi32, #tpu.memory_space<hbm>>
      %dma_start3A_613 = tpu.memref_slice %arg3[%add3A_611] : memref<320000xi32, #tpu.memory_space<hbm>> -> memref<80xi32, #tpu.memory_space<hbm>>
      tpu.enqueue_dma source(%dma_start3A_613 : memref<80xi32, #tpu.memory_space<hbm>>) target(%arg14 : memref<80xi32, #tpu.memory_space<vmem>>) target_semaphore(%arg34 : memref<!tpu.dma_semaphore, #tpu.memory_space<semaphore_mem>>)
      %mul3A_614 = arith.constant 80 : i32
      %mul3A_615 = arith.muli %sub3A_608, %mul3A_614 : i32
      %add3A_616 = arith.addi %mul3A_2, %mul3A_615 : i32
      %dma_start3A_617 = tpu.memref_slice %arg4[%add3A_616] : memref<320000xi32, #tpu.memory_space<hbm>> -> memref<80xi32, #tpu.memory_space<hbm>>
      %dma_start3A_618 = tpu.memref_slice %arg4[%add3A_616] : memref<320000xi32, #tpu.memory_space<hbm>> -> memref<80xi32, #tpu.memory_space<hbm>>
      tpu.enqueue_dma source(%dma_start3A_618 : memref<80xi32, #tpu.memory_space<hbm>>) target(%arg22 : memref<80xi32, #tpu.memory_space<vmem>>) target_semaphore(%arg34 : memref<!tpu.dma_semaphore, #tpu.memory_space<semaphore_mem>>)
      %dma_wait3A_619 = arith.constant 0 : i32
      %dma_wait3A_620 = arith.constant 0 : i32
      %dma_wait3A_621 = tpu.memref_slice %arg2[%dma_wait3A_619, %dma_wait3A_620] : memref<10000x128xf32, #tpu.memory_space<hbm>> -> memref<10000x128xf32, #tpu.memory_space<hbm>>
      tpu.wait_indirect_dma semaphore(%arg35 : memref<!tpu.dma_semaphore, #tpu.memory_space<semaphore_mem>>) src(%dma_wait3A_621 : memref<10000x128xf32, #tpu.memory_space<hbm>>) dst(%arg23 : memref<80x128xf32, #tpu.memory_space<vmem>>)
      %dma_start3A_622 = arith.constant 0 : i32
      %dma_start3A_623 = arith.constant 0 : i32
      %dma_start3A_624 = tpu.memref_slice %arg6[%dma_start3A_622, %dma_start3A_623] : memref<10000x128xf32, #tpu.memory_space<vmem_shared>> -> memref<10000x128xf32, #tpu.memory_space<vmem_shared>>
      tpu.enqueue_indirect_dma source(%arg23 : memref<80x128xf32, #tpu.memory_space<vmem>>) target(%dma_start3A_624 : memref<10000x128xf32, #tpu.memory_space<vmem_shared>>) offsets(%arg15 : memref<80xi32, #tpu.memory_space<vmem>>) semaphore(%arg39 : memref<!tpu.dma_semaphore, #tpu.memory_space<semaphore_mem>>) {add = true}
      %scan3A_625 = arith.constant 0 : i32
      scf.yield %scan3A_625 : i32
    }
    %scan3A_120 = arith.constant 14 : i32
    %dma_wait3A_121 = arith.constant 0 : i32
    %dma_wait3A_122 = arith.constant 0 : i32
    %dma_wait3A_123 = tpu.memref_slice %arg6[%dma_wait3A_121, %dma_wait3A_122] : memref<10000x128xf32, #tpu.memory_space<vmem_shared>> -> memref<10000x128xf32, #tpu.memory_space<vmem_shared>>
    tpu.wait_indirect_dma semaphore(%arg39 : memref<!tpu.dma_semaphore, #tpu.memory_space<semaphore_mem>>) src(%arg23 : memref<80x128xf32, #tpu.memory_space<vmem>>) dst(%dma_wait3A_123 : memref<10000x128xf32, #tpu.memory_space<vmem_shared>>)
    %dma_wait3A_124 = tpu.memref_slice %arg3[%mul3A_2] : memref<320000xi32, #tpu.memory_space<hbm>> -> memref<80xi32, #tpu.memory_space<hbm>>
    %dma_wait3A_125 = tpu.memref_slice %arg3[%mul3A_2] : memref<320000xi32, #tpu.memory_space<hbm>> -> memref<80xi32, #tpu.memory_space<hbm>>
    tpu.wait_dma2 semaphore(%arg31 : memref<!tpu.dma_semaphore, #tpu.memory_space<semaphore_mem>>) src(%dma_wait3A_125 : memref<80xi32, #tpu.memory_space<hbm>>) dst(%arg11 : memref<80xi32, #tpu.memory_space<vmem>>)
    %dma_wait3A_126 = tpu.memref_slice %arg4[%mul3A_2] : memref<320000xi32, #tpu.memory_space<hbm>> -> memref<80xi32, #tpu.memory_space<hbm>>
    %dma_wait3A_127 = tpu.memref_slice %arg4[%mul3A_2] : memref<320000xi32, #tpu.memory_space<hbm>> -> memref<80xi32, #tpu.memory_space<hbm>>
    tpu.wait_dma2 semaphore(%arg31 : memref<!tpu.dma_semaphore, #tpu.memory_space<semaphore_mem>>) src(%dma_wait3A_127 : memref<80xi32, #tpu.memory_space<hbm>>) dst(%arg19 : memref<80xi32, #tpu.memory_space<vmem>>)
    %dma_start3A_128 = arith.constant 0 : i32
    %dma_start3A_129 = arith.constant 0 : i32
    %dma_start3A_130 = tpu.memref_slice %arg2[%dma_start3A_128, %dma_start3A_129] : memref<10000x128xf32, #tpu.memory_space<hbm>> -> memref<10000x128xf32, #tpu.memory_space<hbm>>
    tpu.enqueue_indirect_dma source(%dma_start3A_130 : memref<10000x128xf32, #tpu.memory_space<hbm>>) target(%arg23 : memref<80x128xf32, #tpu.memory_space<vmem>>) offsets(%arg11 : memref<80xi32, #tpu.memory_space<vmem>>) semaphore(%arg35 : memref<!tpu.dma_semaphore, #tpu.memory_space<semaphore_mem>>)
    %add3A_131 = arith.constant 9600 : i32
    %add3A_132 = arith.addi %mul3A_2, %add3A_131 : i32
    %dma_start3A_133 = tpu.memref_slice %arg3[%add3A_132] : memref<320000xi32, #tpu.memory_space<hbm>> -> memref<80xi32, #tpu.memory_space<hbm>>
    %dma_start3A_134 = tpu.memref_slice %arg3[%add3A_132] : memref<320000xi32, #tpu.memory_space<hbm>> -> memref<80xi32, #tpu.memory_space<hbm>>
    tpu.enqueue_dma source(%dma_start3A_134 : memref<80xi32, #tpu.memory_space<hbm>>) target(%arg7 : memref<80xi32, #tpu.memory_space<vmem>>) target_semaphore(%arg27 : memref<!tpu.dma_semaphore, #tpu.memory_space<semaphore_mem>>)
    %add3A_135 = arith.constant 9600 : i32
    %add3A_136 = arith.addi %mul3A_2, %add3A_135 : i32
    %dma_start3A_137 = tpu.memref_slice %arg4[%add3A_136] : memref<320000xi32, #tpu.memory_space<hbm>> -> memref<80xi32, #tpu.memory_space<hbm>>
    %dma_start3A_138 = tpu.memref_slice %arg4[%add3A_136] : memref<320000xi32, #tpu.memory_space<hbm>> -> memref<80xi32, #tpu.memory_space<hbm>>
    tpu.enqueue_dma source(%dma_start3A_138 : memref<80xi32, #tpu.memory_space<hbm>>) target(%arg15 : memref<80xi32, #tpu.memory_space<vmem>>) target_semaphore(%arg27 : memref<!tpu.dma_semaphore, #tpu.memory_space<semaphore_mem>>)
    %dma_wait3A_139 = arith.constant 0 : i32
    %dma_wait3A_140 = arith.constant 0 : i32
    %dma_wait3A_141 = tpu.memref_slice %arg2[%dma_wait3A_139, %dma_wait3A_140] : memref<10000x128xf32, #tpu.memory_space<hbm>> -> memref<10000x128xf32, #tpu.memory_space<hbm>>
    tpu.wait_indirect_dma semaphore(%arg36 : memref<!tpu.dma_semaphore, #tpu.memory_space<semaphore_mem>>) src(%dma_wait3A_141 : memref<10000x128xf32, #tpu.memory_space<hbm>>) dst(%arg24 : memref<80x128xf32, #tpu.memory_space<vmem>>)
    %dma_start3A_142 = arith.constant 0 : i32
    %dma_start3A_143 = arith.constant 0 : i32
    %dma_start3A_144 = tpu.memref_slice %arg6[%dma_start3A_142, %dma_start3A_143] : memref<10000x128xf32, #tpu.memory_space<vmem_shared>> -> memref<10000x128xf32, #tpu.memory_space<vmem_shared>>
    tpu.enqueue_indirect_dma source(%arg24 : memref<80x128xf32, #tpu.memory_space<vmem>>) target(%dma_start3A_144 : memref<10000x128xf32, #tpu.memory_space<vmem_shared>>) offsets(%arg16 : memref<80xi32, #tpu.memory_space<vmem>>) semaphore(%arg40 : memref<!tpu.dma_semaphore, #tpu.memory_space<semaphore_mem>>) {add = true}
    %dma_wait3A_145 = arith.constant 0 : i32
    %dma_wait3A_146 = arith.constant 0 : i32
    %dma_wait3A_147 = tpu.memref_slice %arg6[%dma_wait3A_145, %dma_wait3A_146] : memref<10000x128xf32, #tpu.memory_space<vmem_shared>> -> memref<10000x128xf32, #tpu.memory_space<vmem_shared>>
    tpu.wait_indirect_dma semaphore(%arg40 : memref<!tpu.dma_semaphore, #tpu.memory_space<semaphore_mem>>) src(%arg24 : memref<80x128xf32, #tpu.memory_space<vmem>>) dst(%dma_wait3A_147 : memref<10000x128xf32, #tpu.memory_space<vmem_shared>>)
    %dma_wait3A_148 = tpu.memref_slice %arg3[%mul3A_2] : memref<320000xi32, #tpu.memory_space<hbm>> -> memref<80xi32, #tpu.memory_space<hbm>>
    %dma_wait3A_149 = tpu.memref_slice %arg3[%mul3A_2] : memref<320000xi32, #tpu.memory_space<hbm>> -> memref<80xi32, #tpu.memory_space<hbm>>
    tpu.wait_dma2 semaphore(%arg32 : memref<!tpu.dma_semaphore, #tpu.memory_space<semaphore_mem>>) src(%dma_wait3A_149 : memref<80xi32, #tpu.memory_space<hbm>>) dst(%arg12 : memref<80xi32, #tpu.memory_space<vmem>>)
    %dma_wait3A_150 = tpu.memref_slice %arg4[%mul3A_2] : memref<320000xi32, #tpu.memory_space<hbm>> -> memref<80xi32, #tpu.memory_space<hbm>>
    %dma_wait3A_151 = tpu.memref_slice %arg4[%mul3A_2] : memref<320000xi32, #tpu.memory_space<hbm>> -> memref<80xi32, #tpu.memory_space<hbm>>
    tpu.wait_dma2 semaphore(%arg32 : memref<!tpu.dma_semaphore, #tpu.memory_space<semaphore_mem>>) src(%dma_wait3A_151 : memref<80xi32, #tpu.memory_space<hbm>>) dst(%arg20 : memref<80xi32, #tpu.memory_space<vmem>>)
    %dma_start3A_152 = arith.constant 0 : i32
    %dma_start3A_153 = arith.constant 0 : i32
    %dma_start3A_154 = tpu.memref_slice %arg2[%dma_start3A_152, %dma_start3A_153] : memref<10000x128xf32, #tpu.memory_space<hbm>> -> memref<10000x128xf32, #tpu.memory_space<hbm>>
    tpu.enqueue_indirect_dma source(%dma_start3A_154 : memref<10000x128xf32, #tpu.memory_space<hbm>>) target(%arg24 : memref<80x128xf32, #tpu.memory_space<vmem>>) offsets(%arg12 : memref<80xi32, #tpu.memory_space<vmem>>) semaphore(%arg36 : memref<!tpu.dma_semaphore, #tpu.memory_space<semaphore_mem>>)
    %add3A_155 = arith.constant 9680 : i32
    %add3A_156 = arith.addi %mul3A_2, %add3A_155 : i32
    %dma_start3A_157 = tpu.memref_slice %arg3[%add3A_156] : memref<320000xi32, #tpu.memory_space<hbm>> -> memref<80xi32, #tpu.memory_space<hbm>>
    %dma_start3A_158 = tpu.memref_slice %arg3[%add3A_156] : memref<320000xi32, #tpu.memory_space<hbm>> -> memref<80xi32, #tpu.memory_space<hbm>>
    tpu.enqueue_dma source(%dma_start3A_158 : memref<80xi32, #tpu.memory_space<hbm>>) target(%arg8 : memref<80xi32, #tpu.memory_space<vmem>>) target_semaphore(%arg28 : memref<!tpu.dma_semaphore, #tpu.memory_space<semaphore_mem>>)
    %add3A_159 = arith.constant 9680 : i32
    %add3A_160 = arith.addi %mul3A_2, %add3A_159 : i32
    %dma_start3A_161 = tpu.memref_slice %arg4[%add3A_160] : memref<320000xi32, #tpu.memory_space<hbm>> -> memref<80xi32, #tpu.memory_space<hbm>>
    %dma_start3A_162 = tpu.memref_slice %arg4[%add3A_160] : memref<320000xi32, #tpu.memory_space<hbm>> -> memref<80xi32, #tpu.memory_space<hbm>>
    tpu.enqueue_dma source(%dma_start3A_162 : memref<80xi32, #tpu.memory_space<hbm>>) target(%arg16 : memref<80xi32, #tpu.memory_space<vmem>>) target_semaphore(%arg28 : memref<!tpu.dma_semaphore, #tpu.memory_space<semaphore_mem>>)
    %dma_wait3A_163 = arith.constant 0 : i32
    %dma_wait3A_164 = arith.constant 0 : i32
    %dma_wait3A_165 = tpu.memref_slice %arg2[%dma_wait3A_163, %dma_wait3A_164] : memref<10000x128xf32, #tpu.memory_space<hbm>> -> memref<10000x128xf32, #tpu.memory_space<hbm>>
    tpu.wait_indirect_dma semaphore(%arg37 : memref<!tpu.dma_semaphore, #tpu.memory_space<semaphore_mem>>) src(%dma_wait3A_165 : memref<10000x128xf32, #tpu.memory_space<hbm>>) dst(%arg25 : memref<80x128xf32, #tpu.memory_space<vmem>>)
    %dma_start3A_166 = arith.constant 0 : i32
    %dma_start3A_167 = arith.constant 0 : i32
    %dma_start3A_168 = tpu.memref_slice %arg6[%dma_start3A_166, %dma_start3A_167] : memref<10000x128xf32, #tpu.memory_space<vmem_shared>> -> memref<10000x128xf32, #tpu.memory_space<vmem_shared>>
    tpu.enqueue_indirect_dma source(%arg25 : memref<80x128xf32, #tpu.memory_space<vmem>>) target(%dma_start3A_168 : memref<10000x128xf32, #tpu.memory_space<vmem_shared>>) offsets(%arg17 : memref<80xi32, #tpu.memory_space<vmem>>) semaphore(%arg41 : memref<!tpu.dma_semaphore, #tpu.memory_space<semaphore_mem>>) {add = true}
    %dma_wait3A_169 = arith.constant 0 : i32
    %dma_wait3A_170 = arith.constant 0 : i32
    %dma_wait3A_171 = tpu.memref_slice %arg6[%dma_wait3A_169, %dma_wait3A_170] : memref<10000x128xf32, #tpu.memory_space<vmem_shared>> -> memref<10000x128xf32, #tpu.memory_space<vmem_shared>>
    tpu.wait_indirect_dma semaphore(%arg41 : memref<!tpu.dma_semaphore, #tpu.memory_space<semaphore_mem>>) src(%arg25 : memref<80x128xf32, #tpu.memory_space<vmem>>) dst(%dma_wait3A_171 : memref<10000x128xf32, #tpu.memory_space<vmem_shared>>)
    %dma_wait3A_172 = tpu.memref_slice %arg3[%mul3A_2] : memref<320000xi32, #tpu.memory_space<hbm>> -> memref<80xi32, #tpu.memory_space<hbm>>
    %dma_wait3A_173 = tpu.memref_slice %arg3[%mul3A_2] : memref<320000xi32, #tpu.memory_space<hbm>> -> memref<80xi32, #tpu.memory_space<hbm>>
    tpu.wait_dma2 semaphore(%arg33 : memref<!tpu.dma_semaphore, #tpu.memory_space<semaphore_mem>>) src(%dma_wait3A_173 : memref<80xi32, #tpu.memory_space<hbm>>) dst(%arg13 : memref<80xi32, #tpu.memory_space<vmem>>)
    %dma_wait3A_174 = tpu.memref_slice %arg4[%mul3A_2] : memref<320000xi32, #tpu.memory_space<hbm>> -> memref<80xi32, #tpu.memory_space<hbm>>
    %dma_wait3A_175 = tpu.memref_slice %arg4[%mul3A_2] : memref<320000xi32, #tpu.memory_space<hbm>> -> memref<80xi32, #tpu.memory_space<hbm>>
    tpu.wait_dma2 semaphore(%arg33 : memref<!tpu.dma_semaphore, #tpu.memory_space<semaphore_mem>>) src(%dma_wait3A_175 : memref<80xi32, #tpu.memory_space<hbm>>) dst(%arg21 : memref<80xi32, #tpu.memory_space<vmem>>)
    %dma_start3A_176 = arith.constant 0 : i32
    %dma_start3A_177 = arith.constant 0 : i32
    %dma_start3A_178 = tpu.memref_slice %arg2[%dma_start3A_176, %dma_start3A_177] : memref<10000x128xf32, #tpu.memory_space<hbm>> -> memref<10000x128xf32, #tpu.memory_space<hbm>>
    tpu.enqueue_indirect_dma source(%dma_start3A_178 : memref<10000x128xf32, #tpu.memory_space<hbm>>) target(%arg25 : memref<80x128xf32, #tpu.memory_space<vmem>>) offsets(%arg13 : memref<80xi32, #tpu.memory_space<vmem>>) semaphore(%arg37 : memref<!tpu.dma_semaphore, #tpu.memory_space<semaphore_mem>>)
    %add3A_179 = arith.constant 9760 : i32
    %add3A_180 = arith.addi %mul3A_2, %add3A_179 : i32
    %dma_start3A_181 = tpu.memref_slice %arg3[%add3A_180] : memref<320000xi32, #tpu.memory_space<hbm>> -> memref<80xi32, #tpu.memory_space<hbm>>
    %dma_start3A_182 = tpu.memref_slice %arg3[%add3A_180] : memref<320000xi32, #tpu.memory_space<hbm>> -> memref<80xi32, #tpu.memory_space<hbm>>
    tpu.enqueue_dma source(%dma_start3A_182 : memref<80xi32, #tpu.memory_space<hbm>>) target(%arg9 : memref<80xi32, #tpu.memory_space<vmem>>) target_semaphore(%arg29 : memref<!tpu.dma_semaphore, #tpu.memory_space<semaphore_mem>>)
    %add3A_183 = arith.constant 9760 : i32
    %add3A_184 = arith.addi %mul3A_2, %add3A_183 : i32
    %dma_start3A_185 = tpu.memref_slice %arg4[%add3A_184] : memref<320000xi32, #tpu.memory_space<hbm>> -> memref<80xi32, #tpu.memory_space<hbm>>
    %dma_start3A_186 = tpu.memref_slice %arg4[%add3A_184] : memref<320000xi32, #tpu.memory_space<hbm>> -> memref<80xi32, #tpu.memory_space<hbm>>
    tpu.enqueue_dma source(%dma_start3A_186 : memref<80xi32, #tpu.memory_space<hbm>>) target(%arg17 : memref<80xi32, #tpu.memory_space<vmem>>) target_semaphore(%arg29 : memref<!tpu.dma_semaphore, #tpu.memory_space<semaphore_mem>>)
    %dma_wait3A_187 = arith.constant 0 : i32
    %dma_wait3A_188 = arith.constant 0 : i32
    %dma_wait3A_189 = tpu.memref_slice %arg2[%dma_wait3A_187, %dma_wait3A_188] : memref<10000x128xf32, #tpu.memory_space<hbm>> -> memref<10000x128xf32, #tpu.memory_space<hbm>>
    tpu.wait_indirect_dma semaphore(%arg38 : memref<!tpu.dma_semaphore, #tpu.memory_space<semaphore_mem>>) src(%dma_wait3A_189 : memref<10000x128xf32, #tpu.memory_space<hbm>>) dst(%arg26 : memref<80x128xf32, #tpu.memory_space<vmem>>)
    %dma_start3A_190 = arith.constant 0 : i32
    %dma_start3A_191 = arith.constant 0 : i32
    %dma_start3A_192 = tpu.memref_slice %arg6[%dma_start3A_190, %dma_start3A_191] : memref<10000x128xf32, #tpu.memory_space<vmem_shared>> -> memref<10000x128xf32, #tpu.memory_space<vmem_shared>>
    tpu.enqueue_indirect_dma source(%arg26 : memref<80x128xf32, #tpu.memory_space<vmem>>) target(%dma_start3A_192 : memref<10000x128xf32, #tpu.memory_space<vmem_shared>>) offsets(%arg18 : memref<80xi32, #tpu.memory_space<vmem>>) semaphore(%arg42 : memref<!tpu.dma_semaphore, #tpu.memory_space<semaphore_mem>>) {add = true}
    %dma_wait3A_193 = arith.constant 0 : i32
    %dma_wait3A_194 = arith.constant 0 : i32
    %dma_wait3A_195 = tpu.memref_slice %arg6[%dma_wait3A_193, %dma_wait3A_194] : memref<10000x128xf32, #tpu.memory_space<vmem_shared>> -> memref<10000x128xf32, #tpu.memory_space<vmem_shared>>
    tpu.wait_indirect_dma semaphore(%arg42 : memref<!tpu.dma_semaphore, #tpu.memory_space<semaphore_mem>>) src(%arg26 : memref<80x128xf32, #tpu.memory_space<vmem>>) dst(%dma_wait3A_195 : memref<10000x128xf32, #tpu.memory_space<vmem_shared>>)
    %dma_wait3A_196 = tpu.memref_slice %arg3[%mul3A_2] : memref<320000xi32, #tpu.memory_space<hbm>> -> memref<80xi32, #tpu.memory_space<hbm>>
    %dma_wait3A_197 = tpu.memref_slice %arg3[%mul3A_2] : memref<320000xi32, #tpu.memory_space<hbm>> -> memref<80xi32, #tpu.memory_space<hbm>>
    tpu.wait_dma2 semaphore(%arg34 : memref<!tpu.dma_semaphore, #tpu.memory_space<semaphore_mem>>) src(%dma_wait3A_197 : memref<80xi32, #tpu.memory_space<hbm>>) dst(%arg14 : memref<80xi32, #tpu.memory_space<vmem>>)
    %dma_wait3A_198 = tpu.memref_slice %arg4[%mul3A_2] : memref<320000xi32, #tpu.memory_space<hbm>> -> memref<80xi32, #tpu.memory_space<hbm>>
    %dma_wait3A_199 = tpu.memref_slice %arg4[%mul3A_2] : memref<320000xi32, #tpu.memory_space<hbm>> -> memref<80xi32, #tpu.memory_space<hbm>>
    tpu.wait_dma2 semaphore(%arg34 : memref<!tpu.dma_semaphore, #tpu.memory_space<semaphore_mem>>) src(%dma_wait3A_199 : memref<80xi32, #tpu.memory_space<hbm>>) dst(%arg22 : memref<80xi32, #tpu.memory_space<vmem>>)
    %dma_start3A_200 = arith.constant 0 : i32
    %dma_start3A_201 = arith.constant 0 : i32
    %dma_start3A_202 = tpu.memref_slice %arg2[%dma_start3A_200, %dma_start3A_201] : memref<10000x128xf32, #tpu.memory_space<hbm>> -> memref<10000x128xf32, #tpu.memory_space<hbm>>
    tpu.enqueue_indirect_dma source(%dma_start3A_202 : memref<10000x128xf32, #tpu.memory_space<hbm>>) target(%arg26 : memref<80x128xf32, #tpu.memory_space<vmem>>) offsets(%arg14 : memref<80xi32, #tpu.memory_space<vmem>>) semaphore(%arg38 : memref<!tpu.dma_semaphore, #tpu.memory_space<semaphore_mem>>)
    %add3A_203 = arith.constant 9840 : i32
    %add3A_204 = arith.addi %mul3A_2, %add3A_203 : i32
    %dma_start3A_205 = tpu.memref_slice %arg3[%add3A_204] : memref<320000xi32, #tpu.memory_space<hbm>> -> memref<80xi32, #tpu.memory_space<hbm>>
    %dma_start3A_206 = tpu.memref_slice %arg3[%add3A_204] : memref<320000xi32, #tpu.memory_space<hbm>> -> memref<80xi32, #tpu.memory_space<hbm>>
    tpu.enqueue_dma source(%dma_start3A_206 : memref<80xi32, #tpu.memory_space<hbm>>) target(%arg10 : memref<80xi32, #tpu.memory_space<vmem>>) target_semaphore(%arg30 : memref<!tpu.dma_semaphore, #tpu.memory_space<semaphore_mem>>)
    %add3A_207 = arith.constant 9840 : i32
    %add3A_208 = arith.addi %mul3A_2, %add3A_207 : i32
    %dma_start3A_209 = tpu.memref_slice %arg4[%add3A_208] : memref<320000xi32, #tpu.memory_space<hbm>> -> memref<80xi32, #tpu.memory_space<hbm>>
    %dma_start3A_210 = tpu.memref_slice %arg4[%add3A_208] : memref<320000xi32, #tpu.memory_space<hbm>> -> memref<80xi32, #tpu.memory_space<hbm>>
    tpu.enqueue_dma source(%dma_start3A_210 : memref<80xi32, #tpu.memory_space<hbm>>) target(%arg18 : memref<80xi32, #tpu.memory_space<vmem>>) target_semaphore(%arg30 : memref<!tpu.dma_semaphore, #tpu.memory_space<semaphore_mem>>)
    %dma_wait3A_211 = arith.constant 0 : i32
    %dma_wait3A_212 = arith.constant 0 : i32
    %dma_wait3A_213 = tpu.memref_slice %arg2[%dma_wait3A_211, %dma_wait3A_212] : memref<10000x128xf32, #tpu.memory_space<hbm>> -> memref<10000x128xf32, #tpu.memory_space<hbm>>
    tpu.wait_indirect_dma semaphore(%arg35 : memref<!tpu.dma_semaphore, #tpu.memory_space<semaphore_mem>>) src(%dma_wait3A_213 : memref<10000x128xf32, #tpu.memory_space<hbm>>) dst(%arg23 : memref<80x128xf32, #tpu.memory_space<vmem>>)
    %dma_start3A_214 = arith.constant 0 : i32
    %dma_start3A_215 = arith.constant 0 : i32
    %dma_start3A_216 = tpu.memref_slice %arg6[%dma_start3A_214, %dma_start3A_215] : memref<10000x128xf32, #tpu.memory_space<vmem_shared>> -> memref<10000x128xf32, #tpu.memory_space<vmem_shared>>
    tpu.enqueue_indirect_dma source(%arg23 : memref<80x128xf32, #tpu.memory_space<vmem>>) target(%dma_start3A_216 : memref<10000x128xf32, #tpu.memory_space<vmem_shared>>) offsets(%arg19 : memref<80xi32, #tpu.memory_space<vmem>>) semaphore(%arg39 : memref<!tpu.dma_semaphore, #tpu.memory_space<semaphore_mem>>) {add = true}
    %dma_wait3A_217 = arith.constant 0 : i32
    %dma_wait3A_218 = arith.constant 0 : i32
    %dma_wait3A_219 = tpu.memref_slice %arg6[%dma_wait3A_217, %dma_wait3A_218] : memref<10000x128xf32, #tpu.memory_space<vmem_shared>> -> memref<10000x128xf32, #tpu.memory_space<vmem_shared>>
    tpu.wait_indirect_dma semaphore(%arg39 : memref<!tpu.dma_semaphore, #tpu.memory_space<semaphore_mem>>) src(%arg23 : memref<80x128xf32, #tpu.memory_space<vmem>>) dst(%dma_wait3A_219 : memref<10000x128xf32, #tpu.memory_space<vmem_shared>>)
    %dma_wait3A_220 = tpu.memref_slice %arg3[%mul3A_2] : memref<320000xi32, #tpu.memory_space<hbm>> -> memref<80xi32, #tpu.memory_space<hbm>>
    %dma_wait3A_221 = tpu.memref_slice %arg3[%mul3A_2] : memref<320000xi32, #tpu.memory_space<hbm>> -> memref<80xi32, #tpu.memory_space<hbm>>
    tpu.wait_dma2 semaphore(%arg27 : memref<!tpu.dma_semaphore, #tpu.memory_space<semaphore_mem>>) src(%dma_wait3A_221 : memref<80xi32, #tpu.memory_space<hbm>>) dst(%arg7 : memref<80xi32, #tpu.memory_space<vmem>>)
    %dma_wait3A_222 = tpu.memref_slice %arg4[%mul3A_2] : memref<320000xi32, #tpu.memory_space<hbm>> -> memref<80xi32, #tpu.memory_space<hbm>>
    %dma_wait3A_223 = tpu.memref_slice %arg4[%mul3A_2] : memref<320000xi32, #tpu.memory_space<hbm>> -> memref<80xi32, #tpu.memory_space<hbm>>
    tpu.wait_dma2 semaphore(%arg27 : memref<!tpu.dma_semaphore, #tpu.memory_space<semaphore_mem>>) src(%dma_wait3A_223 : memref<80xi32, #tpu.memory_space<hbm>>) dst(%arg15 : memref<80xi32, #tpu.memory_space<vmem>>)
    %dma_start3A_224 = arith.constant 0 : i32
    %dma_start3A_225 = arith.constant 0 : i32
    %dma_start3A_226 = tpu.memref_slice %arg2[%dma_start3A_224, %dma_start3A_225] : memref<10000x128xf32, #tpu.memory_space<hbm>> -> memref<10000x128xf32, #tpu.memory_space<hbm>>
    tpu.enqueue_indirect_dma source(%dma_start3A_226 : memref<10000x128xf32, #tpu.memory_space<hbm>>) target(%arg23 : memref<80x128xf32, #tpu.memory_space<vmem>>) offsets(%arg7 : memref<80xi32, #tpu.memory_space<vmem>>) semaphore(%arg35 : memref<!tpu.dma_semaphore, #tpu.memory_space<semaphore_mem>>)
    %add3A_227 = arith.constant 9920 : i32
    %add3A_228 = arith.addi %mul3A_2, %add3A_227 : i32
    %dma_start3A_229 = tpu.memref_slice %arg3[%add3A_228] : memref<320000xi32, #tpu.memory_space<hbm>> -> memref<80xi32, #tpu.memory_space<hbm>>
    %dma_start3A_230 = tpu.memref_slice %arg3[%add3A_228] : memref<320000xi32, #tpu.memory_space<hbm>> -> memref<80xi32, #tpu.memory_space<hbm>>
    tpu.enqueue_dma source(%dma_start3A_230 : memref<80xi32, #tpu.memory_space<hbm>>) target(%arg11 : memref<80xi32, #tpu.memory_space<vmem>>) target_semaphore(%arg31 : memref<!tpu.dma_semaphore, #tpu.memory_space<semaphore_mem>>)
    %add3A_231 = arith.constant 9920 : i32
    %add3A_232 = arith.addi %mul3A_2, %add3A_231 : i32
    %dma_start3A_233 = tpu.memref_slice %arg4[%add3A_232] : memref<320000xi32, #tpu.memory_space<hbm>> -> memref<80xi32, #tpu.memory_space<hbm>>
    %dma_start3A_234 = tpu.memref_slice %arg4[%add3A_232] : memref<320000xi32, #tpu.memory_space<hbm>> -> memref<80xi32, #tpu.memory_space<hbm>>
    tpu.enqueue_dma source(%dma_start3A_234 : memref<80xi32, #tpu.memory_space<hbm>>) target(%arg19 : memref<80xi32, #tpu.memory_space<vmem>>) target_semaphore(%arg31 : memref<!tpu.dma_semaphore, #tpu.memory_space<semaphore_mem>>)
    %dma_wait3A_235 = arith.constant 0 : i32
    %dma_wait3A_236 = arith.constant 0 : i32
    %dma_wait3A_237 = tpu.memref_slice %arg2[%dma_wait3A_235, %dma_wait3A_236] : memref<10000x128xf32, #tpu.memory_space<hbm>> -> memref<10000x128xf32, #tpu.memory_space<hbm>>
    tpu.wait_indirect_dma semaphore(%arg36 : memref<!tpu.dma_semaphore, #tpu.memory_space<semaphore_mem>>) src(%dma_wait3A_237 : memref<10000x128xf32, #tpu.memory_space<hbm>>) dst(%arg24 : memref<80x128xf32, #tpu.memory_space<vmem>>)
    %dma_start3A_238 = arith.constant 0 : i32
    %dma_start3A_239 = arith.constant 0 : i32
    %dma_start3A_240 = tpu.memref_slice %arg6[%dma_start3A_238, %dma_start3A_239] : memref<10000x128xf32, #tpu.memory_space<vmem_shared>> -> memref<10000x128xf32, #tpu.memory_space<vmem_shared>>
    tpu.enqueue_indirect_dma source(%arg24 : memref<80x128xf32, #tpu.memory_space<vmem>>) target(%dma_start3A_240 : memref<10000x128xf32, #tpu.memory_space<vmem_shared>>) offsets(%arg20 : memref<80xi32, #tpu.memory_space<vmem>>) semaphore(%arg40 : memref<!tpu.dma_semaphore, #tpu.memory_space<semaphore_mem>>) {add = true}
    %dma_wait3A_241 = arith.constant 0 : i32
    %dma_wait3A_242 = arith.constant 0 : i32
    %dma_wait3A_243 = tpu.memref_slice %arg6[%dma_wait3A_241, %dma_wait3A_242] : memref<10000x128xf32, #tpu.memory_space<vmem_shared>> -> memref<10000x128xf32, #tpu.memory_space<vmem_shared>>
    tpu.wait_indirect_dma semaphore(%arg40 : memref<!tpu.dma_semaphore, #tpu.memory_space<semaphore_mem>>) src(%arg24 : memref<80x128xf32, #tpu.memory_space<vmem>>) dst(%dma_wait3A_243 : memref<10000x128xf32, #tpu.memory_space<vmem_shared>>)
    %dma_wait3A_244 = tpu.memref_slice %arg3[%mul3A_2] : memref<320000xi32, #tpu.memory_space<hbm>> -> memref<80xi32, #tpu.memory_space<hbm>>
    %dma_wait3A_245 = tpu.memref_slice %arg3[%mul3A_2] : memref<320000xi32, #tpu.memory_space<hbm>> -> memref<80xi32, #tpu.memory_space<hbm>>
    tpu.wait_dma2 semaphore(%arg28 : memref<!tpu.dma_semaphore, #tpu.memory_space<semaphore_mem>>) src(%dma_wait3A_245 : memref<80xi32, #tpu.memory_space<hbm>>) dst(%arg8 : memref<80xi32, #tpu.memory_space<vmem>>)
    %dma_wait3A_246 = tpu.memref_slice %arg4[%mul3A_2] : memref<320000xi32, #tpu.memory_space<hbm>> -> memref<80xi32, #tpu.memory_space<hbm>>
    %dma_wait3A_247 = tpu.memref_slice %arg4[%mul3A_2] : memref<320000xi32, #tpu.memory_space<hbm>> -> memref<80xi32, #tpu.memory_space<hbm>>
    tpu.wait_dma2 semaphore(%arg28 : memref<!tpu.dma_semaphore, #tpu.memory_space<semaphore_mem>>) src(%dma_wait3A_247 : memref<80xi32, #tpu.memory_space<hbm>>) dst(%arg16 : memref<80xi32, #tpu.memory_space<vmem>>)
    %dma_start3A_248 = arith.constant 0 : i32
    %dma_start3A_249 = arith.constant 0 : i32
    %dma_start3A_250 = tpu.memref_slice %arg2[%dma_start3A_248, %dma_start3A_249] : memref<10000x128xf32, #tpu.memory_space<hbm>> -> memref<10000x128xf32, #tpu.memory_space<hbm>>
    tpu.enqueue_indirect_dma source(%dma_start3A_250 : memref<10000x128xf32, #tpu.memory_space<hbm>>) target(%arg24 : memref<80x128xf32, #tpu.memory_space<vmem>>) offsets(%arg8 : memref<80xi32, #tpu.memory_space<vmem>>) semaphore(%arg36 : memref<!tpu.dma_semaphore, #tpu.memory_space<semaphore_mem>>)
    %dma_wait3A_251 = arith.constant 0 : i32
    %dma_wait3A_252 = arith.constant 0 : i32
    %dma_wait3A_253 = tpu.memref_slice %arg2[%dma_wait3A_251, %dma_wait3A_252] : memref<10000x128xf32, #tpu.memory_space<hbm>> -> memref<10000x128xf32, #tpu.memory_space<hbm>>
    tpu.wait_indirect_dma semaphore(%arg37 : memref<!tpu.dma_semaphore, #tpu.memory_space<semaphore_mem>>) src(%dma_wait3A_253 : memref<10000x128xf32, #tpu.memory_space<hbm>>) dst(%arg25 : memref<80x128xf32, #tpu.memory_space<vmem>>)
    %dma_start3A_254 = arith.constant 0 : i32
    %dma_start3A_255 = arith.constant 0 : i32
    %dma_start3A_256 = tpu.memref_slice %arg6[%dma_start3A_254, %dma_start3A_255] : memref<10000x128xf32, #tpu.memory_space<vmem_shared>> -> memref<10000x128xf32, #tpu.memory_space<vmem_shared>>
    tpu.enqueue_indirect_dma source(%arg25 : memref<80x128xf32, #tpu.memory_space<vmem>>) target(%dma_start3A_256 : memref<10000x128xf32, #tpu.memory_space<vmem_shared>>) offsets(%arg21 : memref<80xi32, #tpu.memory_space<vmem>>) semaphore(%arg41 : memref<!tpu.dma_semaphore, #tpu.memory_space<semaphore_mem>>) {add = true}
    %dma_wait3A_257 = arith.constant 0 : i32
    %dma_wait3A_258 = arith.constant 0 : i32
    %dma_wait3A_259 = tpu.memref_slice %arg6[%dma_wait3A_257, %dma_wait3A_258] : memref<10000x128xf32, #tpu.memory_space<vmem_shared>> -> memref<10000x128xf32, #tpu.memory_space<vmem_shared>>
    tpu.wait_indirect_dma semaphore(%arg41 : memref<!tpu.dma_semaphore, #tpu.memory_space<semaphore_mem>>) src(%arg25 : memref<80x128xf32, #tpu.memory_space<vmem>>) dst(%dma_wait3A_259 : memref<10000x128xf32, #tpu.memory_space<vmem_shared>>)
    %dma_wait3A_260 = tpu.memref_slice %arg3[%mul3A_2] : memref<320000xi32, #tpu.memory_space<hbm>> -> memref<80xi32, #tpu.memory_space<hbm>>
    %dma_wait3A_261 = tpu.memref_slice %arg3[%mul3A_2] : memref<320000xi32, #tpu.memory_space<hbm>> -> memref<80xi32, #tpu.memory_space<hbm>>
    tpu.wait_dma2 semaphore(%arg29 : memref<!tpu.dma_semaphore, #tpu.memory_space<semaphore_mem>>) src(%dma_wait3A_261 : memref<80xi32, #tpu.memory_space<hbm>>) dst(%arg9 : memref<80xi32, #tpu.memory_space<vmem>>)
    %dma_wait3A_262 = tpu.memref_slice %arg4[%mul3A_2] : memref<320000xi32, #tpu.memory_space<hbm>> -> memref<80xi32, #tpu.memory_space<hbm>>
    %dma_wait3A_263 = tpu.memref_slice %arg4[%mul3A_2] : memref<320000xi32, #tpu.memory_space<hbm>> -> memref<80xi32, #tpu.memory_space<hbm>>
    tpu.wait_dma2 semaphore(%arg29 : memref<!tpu.dma_semaphore, #tpu.memory_space<semaphore_mem>>) src(%dma_wait3A_263 : memref<80xi32, #tpu.memory_space<hbm>>) dst(%arg17 : memref<80xi32, #tpu.memory_space<vmem>>)
    %dma_start3A_264 = arith.constant 0 : i32
    %dma_start3A_265 = arith.constant 0 : i32
    %dma_start3A_266 = tpu.memref_slice %arg2[%dma_start3A_264, %dma_start3A_265] : memref<10000x128xf32, #tpu.memory_space<hbm>> -> memref<10000x128xf32, #tpu.memory_space<hbm>>
    tpu.enqueue_indirect_dma source(%dma_start3A_266 : memref<10000x128xf32, #tpu.memory_space<hbm>>) target(%arg25 : memref<80x128xf32, #tpu.memory_space<vmem>>) offsets(%arg9 : memref<80xi32, #tpu.memory_space<vmem>>) semaphore(%arg37 : memref<!tpu.dma_semaphore, #tpu.memory_space<semaphore_mem>>)
    %dma_wait3A_267 = arith.constant 0 : i32
    %dma_wait3A_268 = arith.constant 0 : i32
    %dma_wait3A_269 = tpu.memref_slice %arg2[%dma_wait3A_267, %dma_wait3A_268] : memref<10000x128xf32, #tpu.memory_space<hbm>> -> memref<10000x128xf32, #tpu.memory_space<hbm>>
    tpu.wait_indirect_dma semaphore(%arg38 : memref<!tpu.dma_semaphore, #tpu.memory_space<semaphore_mem>>) src(%dma_wait3A_269 : memref<10000x128xf32, #tpu.memory_space<hbm>>) dst(%arg26 : memref<80x128xf32, #tpu.memory_space<vmem>>)
    %dma_start3A_270 = arith.constant 0 : i32
    %dma_start3A_271 = arith.constant 0 : i32
    %dma_start3A_272 = tpu.memref_slice %arg6[%dma_start3A_270, %dma_start3A_271] : memref<10000x128xf32, #tpu.memory_space<vmem_shared>> -> memref<10000x128xf32, #tpu.memory_space<vmem_shared>>
    tpu.enqueue_indirect_dma source(%arg26 : memref<80x128xf32, #tpu.memory_space<vmem>>) target(%dma_start3A_272 : memref<10000x128xf32, #tpu.memory_space<vmem_shared>>) offsets(%arg22 : memref<80xi32, #tpu.memory_space<vmem>>) semaphore(%arg42 : memref<!tpu.dma_semaphore, #tpu.memory_space<semaphore_mem>>) {add = true}
    %dma_wait3A_273 = arith.constant 0 : i32
    %dma_wait3A_274 = arith.constant 0 : i32
    %dma_wait3A_275 = tpu.memref_slice %arg6[%dma_wait3A_273, %dma_wait3A_274] : memref<10000x128xf32, #tpu.memory_space<vmem_shared>> -> memref<10000x128xf32, #tpu.memory_space<vmem_shared>>
    tpu.wait_indirect_dma semaphore(%arg42 : memref<!tpu.dma_semaphore, #tpu.memory_space<semaphore_mem>>) src(%arg26 : memref<80x128xf32, #tpu.memory_space<vmem>>) dst(%dma_wait3A_275 : memref<10000x128xf32, #tpu.memory_space<vmem_shared>>)
    %dma_wait3A_276 = tpu.memref_slice %arg3[%mul3A_2] : memref<320000xi32, #tpu.memory_space<hbm>> -> memref<80xi32, #tpu.memory_space<hbm>>
    %dma_wait3A_277 = tpu.memref_slice %arg3[%mul3A_2] : memref<320000xi32, #tpu.memory_space<hbm>> -> memref<80xi32, #tpu.memory_space<hbm>>
    tpu.wait_dma2 semaphore(%arg30 : memref<!tpu.dma_semaphore, #tpu.memory_space<semaphore_mem>>) src(%dma_wait3A_277 : memref<80xi32, #tpu.memory_space<hbm>>) dst(%arg10 : memref<80xi32, #tpu.memory_space<vmem>>)
    %dma_wait3A_278 = tpu.memref_slice %arg4[%mul3A_2] : memref<320000xi32, #tpu.memory_space<hbm>> -> memref<80xi32, #tpu.memory_space<hbm>>
    %dma_wait3A_279 = tpu.memref_slice %arg4[%mul3A_2] : memref<320000xi32, #tpu.memory_space<hbm>> -> memref<80xi32, #tpu.memory_space<hbm>>
    tpu.wait_dma2 semaphore(%arg30 : memref<!tpu.dma_semaphore, #tpu.memory_space<semaphore_mem>>) src(%dma_wait3A_279 : memref<80xi32, #tpu.memory_space<hbm>>) dst(%arg18 : memref<80xi32, #tpu.memory_space<vmem>>)
    %dma_start3A_280 = arith.constant 0 : i32
    %dma_start3A_281 = arith.constant 0 : i32
    %dma_start3A_282 = tpu.memref_slice %arg2[%dma_start3A_280, %dma_start3A_281] : memref<10000x128xf32, #tpu.memory_space<hbm>> -> memref<10000x128xf32, #tpu.memory_space<hbm>>
    tpu.enqueue_indirect_dma source(%dma_start3A_282 : memref<10000x128xf32, #tpu.memory_space<hbm>>) target(%arg26 : memref<80x128xf32, #tpu.memory_space<vmem>>) offsets(%arg10 : memref<80xi32, #tpu.memory_space<vmem>>) semaphore(%arg38 : memref<!tpu.dma_semaphore, #tpu.memory_space<semaphore_mem>>)
    %dma_wait3A_283 = arith.constant 0 : i32
    %dma_wait3A_284 = arith.constant 0 : i32
    %dma_wait3A_285 = tpu.memref_slice %arg2[%dma_wait3A_283, %dma_wait3A_284] : memref<10000x128xf32, #tpu.memory_space<hbm>> -> memref<10000x128xf32, #tpu.memory_space<hbm>>
    tpu.wait_indirect_dma semaphore(%arg35 : memref<!tpu.dma_semaphore, #tpu.memory_space<semaphore_mem>>) src(%dma_wait3A_285 : memref<10000x128xf32, #tpu.memory_space<hbm>>) dst(%arg23 : memref<80x128xf32, #tpu.memory_space<vmem>>)
    %dma_start3A_286 = arith.constant 0 : i32
    %dma_start3A_287 = arith.constant 0 : i32
    %dma_start3A_288 = tpu.memref_slice %arg6[%dma_start3A_286, %dma_start3A_287] : memref<10000x128xf32, #tpu.memory_space<vmem_shared>> -> memref<10000x128xf32, #tpu.memory_space<vmem_shared>>
    tpu.enqueue_indirect_dma source(%arg23 : memref<80x128xf32, #tpu.memory_space<vmem>>) target(%dma_start3A_288 : memref<10000x128xf32, #tpu.memory_space<vmem_shared>>) offsets(%arg15 : memref<80xi32, #tpu.memory_space<vmem>>) semaphore(%arg39 : memref<!tpu.dma_semaphore, #tpu.memory_space<semaphore_mem>>) {add = true}
    %dma_wait3A_289 = arith.constant 0 : i32
    %dma_wait3A_290 = arith.constant 0 : i32
    %dma_wait3A_291 = tpu.memref_slice %arg6[%dma_wait3A_289, %dma_wait3A_290] : memref<10000x128xf32, #tpu.memory_space<vmem_shared>> -> memref<10000x128xf32, #tpu.memory_space<vmem_shared>>
    tpu.wait_indirect_dma semaphore(%arg39 : memref<!tpu.dma_semaphore, #tpu.memory_space<semaphore_mem>>) src(%arg23 : memref<80x128xf32, #tpu.memory_space<vmem>>) dst(%dma_wait3A_291 : memref<10000x128xf32, #tpu.memory_space<vmem_shared>>)
    %dma_wait3A_292 = tpu.memref_slice %arg3[%mul3A_2] : memref<320000xi32, #tpu.memory_space<hbm>> -> memref<80xi32, #tpu.memory_space<hbm>>
    %dma_wait3A_293 = tpu.memref_slice %arg3[%mul3A_2] : memref<320000xi32, #tpu.memory_space<hbm>> -> memref<80xi32, #tpu.memory_space<hbm>>
    tpu.wait_dma2 semaphore(%arg31 : memref<!tpu.dma_semaphore, #tpu.memory_space<semaphore_mem>>) src(%dma_wait3A_293 : memref<80xi32, #tpu.memory_space<hbm>>) dst(%arg11 : memref<80xi32, #tpu.memory_space<vmem>>)
    %dma_wait3A_294 = tpu.memref_slice %arg4[%mul3A_2] : memref<320000xi32, #tpu.memory_space<hbm>> -> memref<80xi32, #tpu.memory_space<hbm>>
    %dma_wait3A_295 = tpu.memref_slice %arg4[%mul3A_2] : memref<320000xi32, #tpu.memory_space<hbm>> -> memref<80xi32, #tpu.memory_space<hbm>>
    tpu.wait_dma2 semaphore(%arg31 : memref<!tpu.dma_semaphore, #tpu.memory_space<semaphore_mem>>) src(%dma_wait3A_295 : memref<80xi32, #tpu.memory_space<hbm>>) dst(%arg19 : memref<80xi32, #tpu.memory_space<vmem>>)
    %dma_start3A_296 = arith.constant 0 : i32
    %dma_start3A_297 = arith.constant 0 : i32
    %dma_start3A_298 = tpu.memref_slice %arg2[%dma_start3A_296, %dma_start3A_297] : memref<10000x128xf32, #tpu.memory_space<hbm>> -> memref<10000x128xf32, #tpu.memory_space<hbm>>
    tpu.enqueue_indirect_dma source(%dma_start3A_298 : memref<10000x128xf32, #tpu.memory_space<hbm>>) target(%arg23 : memref<80x128xf32, #tpu.memory_space<vmem>>) offsets(%arg11 : memref<80xi32, #tpu.memory_space<vmem>>) semaphore(%arg35 : memref<!tpu.dma_semaphore, #tpu.memory_space<semaphore_mem>>)
    %dma_wait3A_299 = arith.constant 0 : i32
    %dma_wait3A_300 = arith.constant 0 : i32
    %dma_wait3A_301 = tpu.memref_slice %arg2[%dma_wait3A_299, %dma_wait3A_300] : memref<10000x128xf32, #tpu.memory_space<hbm>> -> memref<10000x128xf32, #tpu.memory_space<hbm>>
    tpu.wait_indirect_dma semaphore(%arg36 : memref<!tpu.dma_semaphore, #tpu.memory_space<semaphore_mem>>) src(%dma_wait3A_301 : memref<10000x128xf32, #tpu.memory_space<hbm>>) dst(%arg24 : memref<80x128xf32, #tpu.memory_space<vmem>>)
    %dma_start3A_302 = arith.constant 0 : i32
    %dma_start3A_303 = arith.constant 0 : i32
    %dma_start3A_304 = tpu.memref_slice %arg6[%dma_start3A_302, %dma_start3A_303] : memref<10000x128xf32, #tpu.memory_space<vmem_shared>> -> memref<10000x128xf32, #tpu.memory_space<vmem_shared>>
    tpu.enqueue_indirect_dma source(%arg24 : memref<80x128xf32, #tpu.memory_space<vmem>>) target(%dma_start3A_304 : memref<10000x128xf32, #tpu.memory_space<vmem_shared>>) offsets(%arg16 : memref<80xi32, #tpu.memory_space<vmem>>) semaphore(%arg40 : memref<!tpu.dma_semaphore, #tpu.memory_space<semaphore_mem>>) {add = true}
    %dma_wait3A_305 = arith.constant 0 : i32
    %dma_wait3A_306 = arith.constant 0 : i32
    %dma_wait3A_307 = tpu.memref_slice %arg2[%dma_wait3A_305, %dma_wait3A_306] : memref<10000x128xf32, #tpu.memory_space<hbm>> -> memref<10000x128xf32, #tpu.memory_space<hbm>>
    tpu.wait_indirect_dma semaphore(%arg37 : memref<!tpu.dma_semaphore, #tpu.memory_space<semaphore_mem>>) src(%dma_wait3A_307 : memref<10000x128xf32, #tpu.memory_space<hbm>>) dst(%arg25 : memref<80x128xf32, #tpu.memory_space<vmem>>)
    %dma_start3A_308 = arith.constant 0 : i32
    %dma_start3A_309 = arith.constant 0 : i32
    %dma_start3A_310 = tpu.memref_slice %arg6[%dma_start3A_308, %dma_start3A_309] : memref<10000x128xf32, #tpu.memory_space<vmem_shared>> -> memref<10000x128xf32, #tpu.memory_space<vmem_shared>>
    tpu.enqueue_indirect_dma source(%arg25 : memref<80x128xf32, #tpu.memory_space<vmem>>) target(%dma_start3A_310 : memref<10000x128xf32, #tpu.memory_space<vmem_shared>>) offsets(%arg17 : memref<80xi32, #tpu.memory_space<vmem>>) semaphore(%arg41 : memref<!tpu.dma_semaphore, #tpu.memory_space<semaphore_mem>>) {add = true}
    %dma_wait3A_311 = arith.constant 0 : i32
    %dma_wait3A_312 = arith.constant 0 : i32
    %dma_wait3A_313 = tpu.memref_slice %arg2[%dma_wait3A_311, %dma_wait3A_312] : memref<10000x128xf32, #tpu.memory_space<hbm>> -> memref<10000x128xf32, #tpu.memory_space<hbm>>
    tpu.wait_indirect_dma semaphore(%arg38 : memref<!tpu.dma_semaphore, #tpu.memory_space<semaphore_mem>>) src(%dma_wait3A_313 : memref<10000x128xf32, #tpu.memory_space<hbm>>) dst(%arg26 : memref<80x128xf32, #tpu.memory_space<vmem>>)
    %dma_start3A_314 = arith.constant 0 : i32
    %dma_start3A_315 = arith.constant 0 : i32
    %dma_start3A_316 = tpu.memref_slice %arg6[%dma_start3A_314, %dma_start3A_315] : memref<10000x128xf32, #tpu.memory_space<vmem_shared>> -> memref<10000x128xf32, #tpu.memory_space<vmem_shared>>
    tpu.enqueue_indirect_dma source(%arg26 : memref<80x128xf32, #tpu.memory_space<vmem>>) target(%dma_start3A_316 : memref<10000x128xf32, #tpu.memory_space<vmem_shared>>) offsets(%arg18 : memref<80xi32, #tpu.memory_space<vmem>>) semaphore(%arg42 : memref<!tpu.dma_semaphore, #tpu.memory_space<semaphore_mem>>) {add = true}
    %dma_wait3A_317 = arith.constant 0 : i32
    %dma_wait3A_318 = arith.constant 0 : i32
    %dma_wait3A_319 = tpu.memref_slice %arg2[%dma_wait3A_317, %dma_wait3A_318] : memref<10000x128xf32, #tpu.memory_space<hbm>> -> memref<10000x128xf32, #tpu.memory_space<hbm>>
    tpu.wait_indirect_dma semaphore(%arg35 : memref<!tpu.dma_semaphore, #tpu.memory_space<semaphore_mem>>) src(%dma_wait3A_319 : memref<10000x128xf32, #tpu.memory_space<hbm>>) dst(%arg23 : memref<80x128xf32, #tpu.memory_space<vmem>>)
    %dma_start3A_320 = arith.constant 0 : i32
    %dma_start3A_321 = arith.constant 0 : i32
    %dma_start3A_322 = tpu.memref_slice %arg6[%dma_start3A_320, %dma_start3A_321] : memref<10000x128xf32, #tpu.memory_space<vmem_shared>> -> memref<10000x128xf32, #tpu.memory_space<vmem_shared>>
    tpu.enqueue_indirect_dma source(%arg23 : memref<80x128xf32, #tpu.memory_space<vmem>>) target(%dma_start3A_322 : memref<10000x128xf32, #tpu.memory_space<vmem_shared>>) offsets(%arg19 : memref<80xi32, #tpu.memory_space<vmem>>) semaphore(%arg39 : memref<!tpu.dma_semaphore, #tpu.memory_space<semaphore_mem>>) {add = true}
    %dma_wait3A_323 = arith.constant 0 : i32
    %dma_wait3A_324 = arith.constant 0 : i32
    %dma_wait3A_325 = tpu.memref_slice %arg6[%dma_wait3A_323, %dma_wait3A_324] : memref<10000x128xf32, #tpu.memory_space<vmem_shared>> -> memref<10000x128xf32, #tpu.memory_space<vmem_shared>>
    tpu.wait_indirect_dma semaphore(%arg39 : memref<!tpu.dma_semaphore, #tpu.memory_space<semaphore_mem>>) src(%arg23 : memref<80x128xf32, #tpu.memory_space<vmem>>) dst(%dma_wait3A_325 : memref<10000x128xf32, #tpu.memory_space<vmem_shared>>)
    %dma_wait3A_326 = arith.constant 0 : i32
    %dma_wait3A_327 = arith.constant 0 : i32
    %dma_wait3A_328 = tpu.memref_slice %arg6[%dma_wait3A_326, %dma_wait3A_327] : memref<10000x128xf32, #tpu.memory_space<vmem_shared>> -> memref<10000x128xf32, #tpu.memory_space<vmem_shared>>
    tpu.wait_indirect_dma semaphore(%arg40 : memref<!tpu.dma_semaphore, #tpu.memory_space<semaphore_mem>>) src(%arg24 : memref<80x128xf32, #tpu.memory_space<vmem>>) dst(%dma_wait3A_328 : memref<10000x128xf32, #tpu.memory_space<vmem_shared>>)
    %dma_wait3A_329 = arith.constant 0 : i32
    %dma_wait3A_330 = arith.constant 0 : i32
    %dma_wait3A_331 = tpu.memref_slice %arg6[%dma_wait3A_329, %dma_wait3A_330] : memref<10000x128xf32, #tpu.memory_space<vmem_shared>> -> memref<10000x128xf32, #tpu.memory_space<vmem_shared>>
    tpu.wait_indirect_dma semaphore(%arg41 : memref<!tpu.dma_semaphore, #tpu.memory_space<semaphore_mem>>) src(%arg25 : memref<80x128xf32, #tpu.memory_space<vmem>>) dst(%dma_wait3A_331 : memref<10000x128xf32, #tpu.memory_space<vmem_shared>>)
    %dma_wait3A_332 = arith.constant 0 : i32
    %dma_wait3A_333 = arith.constant 0 : i32
    %dma_wait3A_334 = tpu.memref_slice %arg6[%dma_wait3A_332, %dma_wait3A_333] : memref<10000x128xf32, #tpu.memory_space<vmem_shared>> -> memref<10000x128xf32, #tpu.memory_space<vmem_shared>>
    tpu.wait_indirect_dma semaphore(%arg42 : memref<!tpu.dma_semaphore, #tpu.memory_space<semaphore_mem>>) src(%arg26 : memref<80x128xf32, #tpu.memory_space<vmem>>) dst(%dma_wait3A_334 : memref<10000x128xf32, #tpu.memory_space<vmem_shared>>)
    %barrier3A_335 = arith.constant 0 : index
    tpu.barrier barrier_id(%barrier3A_335)
    "tpu.region"() ({
      %run_scoped3A = tpu.sem_alloc : memref<!tpu.dma_semaphore, #tpu.memory_space<semaphore_mem>>
      %dma_start3A_336 = arith.constant 0 : i32
      %dma_start3A_337 = tpu.memref_slice %arg5[%arg0, %mul3A_4, %dma_start3A_336] : memref<2x10000x128xf32, #tpu.memory_space<hbm>> -> memref<1x640x128xf32, #tpu.memory_space<hbm>>
      %dma_start3A_338 = tpu.memref_squeeze %dma_start3A_337 : memref<1x640x128xf32, #tpu.memory_space<hbm>> -> memref<640x128xf32, #tpu.memory_space<hbm>>
      %dma_start3A_339 = arith.constant 0 : i32
      %dma_start3A_340 = tpu.memref_slice %arg6[%mul3A_4, %dma_start3A_339] : memref<10000x128xf32, #tpu.memory_space<vmem_shared>> -> memref<640x128xf32, #tpu.memory_space<vmem_shared>>
      tpu.enqueue_dma source(%dma_start3A_340 : memref<640x128xf32, #tpu.memory_space<vmem_shared>>) target(%dma_start3A_338 : memref<640x128xf32, #tpu.memory_space<hbm>>) target_semaphore(%run_scoped3A : memref<!tpu.dma_semaphore, #tpu.memory_space<semaphore_mem>>)
      %dma_wait3A_341 = arith.constant 0 : i32
      %dma_wait3A_342 = tpu.memref_slice %arg5[%arg0, %mul3A_4, %dma_wait3A_341] : memref<2x10000x128xf32, #tpu.memory_space<hbm>> -> memref<1x640x128xf32, #tpu.memory_space<hbm>>
      %dma_wait3A_343 = tpu.memref_squeeze %dma_wait3A_342 : memref<1x640x128xf32, #tpu.memory_space<hbm>> -> memref<640x128xf32, #tpu.memory_space<hbm>>
      %dma_wait3A_344 = arith.constant 0 : i32
      %dma_wait3A_345 = tpu.memref_slice %arg6[%mul3A_4, %dma_wait3A_344] : memref<10000x128xf32, #tpu.memory_space<vmem_shared>> -> memref<640x128xf32, #tpu.memory_space<vmem_shared>>
      tpu.wait_dma2 semaphore(%run_scoped3A : memref<!tpu.dma_semaphore, #tpu.memory_space<semaphore_mem>>) src(%dma_wait3A_345 : memref<640x128xf32, #tpu.memory_space<vmem_shared>>) dst(%dma_wait3A_343 : memref<640x128xf32, #tpu.memory_space<hbm>>)
      tpu.yield
    }) : () -> ()
    return
  }
}

#map = affine_map<(d0, d1) -> (0, 0)>
#map1 = affine_map<(d0, d1) -> (0)>
#map2 = affine_map<(d0, d1) -> (0, 0, 0)>
module attributes {stable_mosaic.version = 14 : i64} {
  func.func @_prop_body(%arg0: i32, %arg1: i32, %arg2: memref<10000x128xf32, #tpu.memory_space<hbm>>, %arg3: memref<320000xi32, #tpu.memory_space<hbm>>, %arg4: memref<320000xi32, #tpu.memory_space<hbm>>, %arg5: memref<2x10000x128xf32, #tpu.memory_space<hbm>>, %arg6: memref<10000x128xf32, #tpu.memory_space<vmem_shared>>, %arg7: memref<80xi32, #tpu.memory_space<vmem>>, %arg8: memref<80xi32, #tpu.memory_space<vmem>>, %arg9: memref<80xi32, #tpu.memory_space<vmem>>, %arg10: memref<80xi32, #tpu.memory_space<vmem>>, %arg11: memref<80xi32, #tpu.memory_space<vmem>>, %arg12: memref<80xi32, #tpu.memory_space<vmem>>, %arg13: memref<80xi32, #tpu.memory_space<vmem>>, %arg14: memref<80xi32, #tpu.memory_space<vmem>>, %arg15: memref<80xi32, #tpu.memory_space<vmem>>, %arg16: memref<80xi32, #tpu.memory_space<vmem>>, %arg17: memref<80xi32, #tpu.memory_space<vmem>>, %arg18: memref<80xi32, #tpu.memory_space<vmem>>, %arg19: memref<80xi32, #tpu.memory_space<vmem>>, %arg20: memref<80xi32, #tpu.memory_space<vmem>>, %arg21: memref<80xi32, #tpu.memory_space<vmem>>, %arg22: memref<80xi32, #tpu.memory_space<vmem>>, %arg23: memref<80x128xf32, #tpu.memory_space<vmem>>, %arg24: memref<80x128xf32, #tpu.memory_space<vmem>>, %arg25: memref<80x128xf32, #tpu.memory_space<vmem>>, %arg26: memref<80x128xf32, #tpu.memory_space<vmem>>, %arg27: memref<!tpu.dma_semaphore, #tpu.memory_space<semaphore_mem>>, %arg28: memref<!tpu.dma_semaphore, #tpu.memory_space<semaphore_mem>>, %arg29: memref<!tpu.dma_semaphore, #tpu.memory_space<semaphore_mem>>, %arg30: memref<!tpu.dma_semaphore, #tpu.memory_space<semaphore_mem>>, %arg31: memref<!tpu.dma_semaphore, #tpu.memory_space<semaphore_mem>>, %arg32: memref<!tpu.dma_semaphore, #tpu.memory_space<semaphore_mem>>, %arg33: memref<!tpu.dma_semaphore, #tpu.memory_space<semaphore_mem>>, %arg34: memref<!tpu.dma_semaphore, #tpu.memory_space<semaphore_mem>>, %arg35: memref<!tpu.dma_semaphore, #tpu.memory_space<semaphore_mem>>, %arg36: memref<!tpu.dma_semaphore, #tpu.memory_space<semaphore_mem>>, %arg37: memref<!tpu.dma_semaphore, #tpu.memory_space<semaphore_mem>>, %arg38: memref<!tpu.dma_semaphore, #tpu.memory_space<semaphore_mem>>, %arg39: memref<!tpu.dma_semaphore, #tpu.memory_space<semaphore_mem>>, %arg40: memref<!tpu.dma_semaphore, #tpu.memory_space<semaphore_mem>>, %arg41: memref<!tpu.dma_semaphore, #tpu.memory_space<semaphore_mem>>, %arg42: memref<!tpu.dma_semaphore, #tpu.memory_space<semaphore_mem>>) attributes {dimension_semantics = [#tpu.dimension_semantics<core_parallel>, #tpu.dimension_semantics<subcore_parallel>], iteration_bounds = array<i64: 2, 16>, scalar_prefetch = 0 : i64, scratch_operands = 37 : i64, tpu.core_type = #tpu.core_type<sc_vector_subcore>, window_params = [{transform_indices = #map}, {transform_indices = #map1}, {transform_indices = #map1}, {transform_indices = #map2}]} {
    %mul3A = arith.constant 16 : i32
    %mul3A_0 = arith.muli %arg0, %mul3A : i32
    %add3A = arith.addi %mul3A_0, %arg1 : i32
    %mul3A_1 = arith.constant 10000 : i32
    %mul3A_2 = arith.muli %add3A, %mul3A_1 : i32
    %mul3A_3 = arith.constant 624 : i32
    %mul3A_4 = arith.muli %arg1, %mul3A_3 : i32
    %scan3A = arith.constant 0 : i32
    %scan3A_5 = arith.constant 0 : i32
    %scan3A_6 = arith.constant 80 : i32
    %scan3A_7 = arith.addi %scan3A_5, %scan3A_6 : i32
    %scan3A_8 = arith.constant 1 : i32
    %scan3A_9 = scf.for %scan3A_336 = %scan3A_5 to %scan3A_7 step %scan3A_8 iter_args(%scan3A_337 = %scan3A) -> (i32)  : i32 {
      %broadcast_in_dim3A = arith.constant 0.000000e+00 : f32
      %broadcast_in_dim3A_338 = vector.broadcast %broadcast_in_dim3A : f32 to vector<16xf32>
      %swap3A = arith.index_cast %scan3A_336 : i32 to index
      %swap3A_339 = arith.constant 0 : index
      %swap3A_340 = tpu.vector_load %arg23[%swap3A, %swap3A_339] {strides = array<i32>} : memref<80x128xf32, #tpu.memory_space<vmem>>, vector<1x16xf32>,
      %swap3A_341 = vector.shape_cast %swap3A_340 : vector<1x16xf32> to vector<16xf32>
      %swap3A_342 = vector.shape_cast %broadcast_in_dim3A_338 : vector<16xf32> to vector<1x16xf32>
      tpu.vector_store %arg23[%swap3A, %swap3A_339], %swap3A_342 {strides = array<i32>} : memref<80x128xf32, #tpu.memory_space<vmem>>, vector<1x16xf32>,
      %broadcast_in_dim3A_343 = arith.constant 0.000000e+00 : f32
      %broadcast_in_dim3A_344 = vector.broadcast %broadcast_in_dim3A_343 : f32 to vector<16xf32>
      %swap3A_345 = arith.index_cast %scan3A_336 : i32 to index
      %swap3A_346 = arith.constant 16 : index
      %swap3A_347 = tpu.vector_load %arg23[%swap3A_345, %swap3A_346] {strides = array<i32>} : memref<80x128xf32, #tpu.memory_space<vmem>>, vector<1x16xf32>,
      %swap3A_348 = vector.shape_cast %swap3A_347 : vector<1x16xf32> to vector<16xf32>
      %swap3A_349 = vector.shape_cast %broadcast_in_dim3A_344 : vector<16xf32> to vector<1x16xf32>
      tpu.vector_store %arg23[%swap3A_345, %swap3A_346], %swap3A_349 {strides = array<i32>} : memref<80x128xf32, #tpu.memory_space<vmem>>, vector<1x16xf32>,
      %broadcast_in_dim3A_350 = arith.constant 0.000000e+00 : f32
      %broadcast_in_dim3A_351 = vector.broadcast %broadcast_in_dim3A_350 : f32 to vector<16xf32>
      %swap3A_352 = arith.index_cast %scan3A_336 : i32 to index
      %swap3A_353 = arith.constant 32 : index
      %swap3A_354 = tpu.vector_load %arg23[%swap3A_352, %swap3A_353] {strides = array<i32>} : memref<80x128xf32, #tpu.memory_space<vmem>>, vector<1x16xf32>,
      %swap3A_355 = vector.shape_cast %swap3A_354 : vector<1x16xf32> to vector<16xf32>
      %swap3A_356 = vector.shape_cast %broadcast_in_dim3A_351 : vector<16xf32> to vector<1x16xf32>
      tpu.vector_store %arg23[%swap3A_352, %swap3A_353], %swap3A_356 {strides = array<i32>} : memref<80x128xf32, #tpu.memory_space<vmem>>, vector<1x16xf32>,
      %broadcast_in_dim3A_357 = arith.constant 0.000000e+00 : f32
      %broadcast_in_dim3A_358 = vector.broadcast %broadcast_in_dim3A_357 : f32 to vector<16xf32>
      %swap3A_359 = arith.index_cast %scan3A_336 : i32 to index
      %swap3A_360 = arith.constant 48 : index
      %swap3A_361 = tpu.vector_load %arg23[%swap3A_359, %swap3A_360] {strides = array<i32>} : memref<80x128xf32, #tpu.memory_space<vmem>>, vector<1x16xf32>,
      %swap3A_362 = vector.shape_cast %swap3A_361 : vector<1x16xf32> to vector<16xf32>
      %swap3A_363 = vector.shape_cast %broadcast_in_dim3A_358 : vector<16xf32> to vector<1x16xf32>
      tpu.vector_store %arg23[%swap3A_359, %swap3A_360], %swap3A_363 {strides = array<i32>} : memref<80x128xf32, #tpu.memory_space<vmem>>, vector<1x16xf32>,
      %broadcast_in_dim3A_364 = arith.constant 0.000000e+00 : f32
      %broadcast_in_dim3A_365 = vector.broadcast %broadcast_in_dim3A_364 : f32 to vector<16xf32>
      %swap3A_366 = arith.index_cast %scan3A_336 : i32 to index
      %swap3A_367 = arith.constant 64 : index
      %swap3A_368 = tpu.vector_load %arg23[%swap3A_366, %swap3A_367] {strides = array<i32>} : memref<80x128xf32, #tpu.memory_space<vmem>>, vector<1x16xf32>,
      %swap3A_369 = vector.shape_cast %swap3A_368 : vector<1x16xf32> to vector<16xf32>
      %swap3A_370 = vector.shape_cast %broadcast_in_dim3A_365 : vector<16xf32> to vector<1x16xf32>
      tpu.vector_store %arg23[%swap3A_366, %swap3A_367], %swap3A_370 {strides = array<i32>} : memref<80x128xf32, #tpu.memory_space<vmem>>, vector<1x16xf32>,
      %broadcast_in_dim3A_371 = arith.constant 0.000000e+00 : f32
      %broadcast_in_dim3A_372 = vector.broadcast %broadcast_in_dim3A_371 : f32 to vector<16xf32>
      %swap3A_373 = arith.index_cast %scan3A_336 : i32 to index
      %swap3A_374 = arith.constant 80 : index
      %swap3A_375 = tpu.vector_load %arg23[%swap3A_373, %swap3A_374] {strides = array<i32>} : memref<80x128xf32, #tpu.memory_space<vmem>>, vector<1x16xf32>,
      %swap3A_376 = vector.shape_cast %swap3A_375 : vector<1x16xf32> to vector<16xf32>
      %swap3A_377 = vector.shape_cast %broadcast_in_dim3A_372 : vector<16xf32> to vector<1x16xf32>
      tpu.vector_store %arg23[%swap3A_373, %swap3A_374], %swap3A_377 {strides = array<i32>} : memref<80x128xf32, #tpu.memory_space<vmem>>, vector<1x16xf32>,
      %broadcast_in_dim3A_378 = arith.constant 0.000000e+00 : f32
      %broadcast_in_dim3A_379 = vector.broadcast %broadcast_in_dim3A_378 : f32 to vector<16xf32>
      %swap3A_380 = arith.index_cast %scan3A_336 : i32 to index
      %swap3A_381 = arith.constant 96 : index
      %swap3A_382 = tpu.vector_load %arg23[%swap3A_380, %swap3A_381] {strides = array<i32>} : memref<80x128xf32, #tpu.memory_space<vmem>>, vector<1x16xf32>,
      %swap3A_383 = vector.shape_cast %swap3A_382 : vector<1x16xf32> to vector<16xf32>
      %swap3A_384 = vector.shape_cast %broadcast_in_dim3A_379 : vector<16xf32> to vector<1x16xf32>
      tpu.vector_store %arg23[%swap3A_380, %swap3A_381], %swap3A_384 {strides = array<i32>} : memref<80x128xf32, #tpu.memory_space<vmem>>, vector<1x16xf32>,
      %broadcast_in_dim3A_385 = arith.constant 0.000000e+00 : f32
      %broadcast_in_dim3A_386 = vector.broadcast %broadcast_in_dim3A_385 : f32 to vector<16xf32>
      %swap3A_387 = arith.index_cast %scan3A_336 : i32 to index
      %swap3A_388 = arith.constant 112 : index
      %swap3A_389 = tpu.vector_load %arg23[%swap3A_387, %swap3A_388] {strides = array<i32>} : memref<80x128xf32, #tpu.memory_space<vmem>>, vector<1x16xf32>,
      %swap3A_390 = vector.shape_cast %swap3A_389 : vector<1x16xf32> to vector<16xf32>
      %swap3A_391 = vector.shape_cast %broadcast_in_dim3A_386 : vector<16xf32> to vector<1x16xf32>
      tpu.vector_store %arg23[%swap3A_387, %swap3A_388], %swap3A_391 {strides = array<i32>} : memref<80x128xf32, #tpu.memory_space<vmem>>, vector<1x16xf32>,
      %scan3A_392 = arith.constant 0 : i32
      scf.yield %scan3A_392 : i32
    }
    %scan3A_10 = arith.constant 80 : i32
    %scan3A_11 = arith.constant 0 : i32
    %scan3A_12 = arith.constant 0 : i32
    %scan3A_13 = arith.constant 16 : i32
    %scan3A_14 = arith.addi %scan3A_12, %scan3A_13 : i32
    %scan3A_15 = arith.constant 1 : i32
    %scan3A_16 = scf.for %scan3A_336 = %scan3A_12 to %scan3A_14 step %scan3A_15 iter_args(%scan3A_337 = %scan3A_11) -> (i32)  : i32 {
      %mul3A_338 = arith.constant 40 : i32
      %mul3A_339 = arith.muli %scan3A_336, %mul3A_338 : i32
      %add3A_340 = arith.addi %mul3A_4, %mul3A_339 : i32
      "tpu.region"() ({
        %run_scoped3A = tpu.sem_alloc : memref<!tpu.dma_semaphore, #tpu.memory_space<semaphore_mem>>
        %dma_start3A_342 = arith.constant 0 : i32
        %dma_start3A_343 = arith.constant 0 : i32
        %dma_start3A_344 = tpu.memref_slice %arg23[%dma_start3A_342, %dma_start3A_343] : memref<80x128xf32, #tpu.memory_space<vmem>> -> memref<40x128xf32, #tpu.memory_space<vmem>>
        %dma_start3A_345 = arith.constant 0 : i32
        %dma_start3A_346 = tpu.memref_slice %arg6[%add3A_340, %dma_start3A_345] : memref<10000x128xf32, #tpu.memory_space<vmem_shared>> -> memref<40x128xf32, #tpu.memory_space<vmem_shared>>
        %dma_start3A_347 = arith.constant 0 : i32
        %dma_start3A_348 = tpu.memref_slice %arg6[%add3A_340, %dma_start3A_347] : memref<10000x128xf32, #tpu.memory_space<vmem_shared>> -> memref<40x128xf32, #tpu.memory_space<vmem_shared>>
        %dma_start3A_349 = arith.constant 0 : i32
        %dma_start3A_350 = arith.constant 0 : i32
        %dma_start3A_351 = tpu.memref_slice %arg23[%dma_start3A_349, %dma_start3A_350] : memref<80x128xf32, #tpu.memory_space<vmem>> -> memref<40x128xf32, #tpu.memory_space<vmem>>
        tpu.enqueue_dma source(%dma_start3A_351 : memref<40x128xf32, #tpu.memory_space<vmem>>) target(%dma_start3A_348 : memref<40x128xf32, #tpu.memory_space<vmem_shared>>) target_semaphore(%run_scoped3A : memref<!tpu.dma_semaphore, #tpu.memory_space<semaphore_mem>>)
        %dma_wait3A_352 = arith.constant 0 : i32
        %dma_wait3A_353 = arith.constant 0 : i32
        %dma_wait3A_354 = tpu.memref_slice %arg23[%dma_wait3A_352, %dma_wait3A_353] : memref<80x128xf32, #tpu.memory_space<vmem>> -> memref<40x128xf32, #tpu.memory_space<vmem>>
        %dma_wait3A_355 = arith.constant 0 : i32
        %dma_wait3A_356 = tpu.memref_slice %arg6[%add3A_340, %dma_wait3A_355] : memref<10000x128xf32, #tpu.memory_space<vmem_shared>> -> memref<40x128xf32, #tpu.memory_space<vmem_shared>>
        %dma_wait3A_357 = arith.constant 0 : i32
        %dma_wait3A_358 = tpu.memref_slice %arg6[%add3A_340, %dma_wait3A_357] : memref<10000x128xf32, #tpu.memory_space<vmem_shared>> -> memref<40x128xf32, #tpu.memory_space<vmem_shared>>
        %dma_wait3A_359 = arith.constant 0 : i32
        %dma_wait3A_360 = arith.constant 0 : i32
        %dma_wait3A_361 = tpu.memref_slice %arg23[%dma_wait3A_359, %dma_wait3A_360] : memref<80x128xf32, #tpu.memory_space<vmem>> -> memref<40x128xf32, #tpu.memory_space<vmem>>
        tpu.wait_dma2 semaphore(%run_scoped3A : memref<!tpu.dma_semaphore, #tpu.memory_space<semaphore_mem>>) src(%dma_wait3A_361 : memref<40x128xf32, #tpu.memory_space<vmem>>) dst(%dma_wait3A_358 : memref<40x128xf32, #tpu.memory_space<vmem_shared>>)
        tpu.yield
      }) : () -> ()
      %scan3A_341 = arith.constant 0 : i32
      scf.yield %scan3A_341 : i32
    }
    %scan3A_17 = arith.constant 16 : i32
    %barrier3A = arith.constant 0 : index
    tpu.barrier barrier_id(%barrier3A)
    %add3A_18 = arith.constant 0 : i32
    %add3A_19 = arith.addi %mul3A_2, %add3A_18 : i32
    %dma_start3A = tpu.memref_slice %arg3[%add3A_19] : memref<320000xi32, #tpu.memory_space<hbm>> -> memref<80xi32, #tpu.memory_space<hbm>>
    %dma_start3A_20 = tpu.memref_slice %arg3[%add3A_19] : memref<320000xi32, #tpu.memory_space<hbm>> -> memref<80xi32, #tpu.memory_space<hbm>>
    tpu.enqueue_dma source(%dma_start3A_20 : memref<80xi32, #tpu.memory_space<hbm>>) target(%arg7 : memref<80xi32, #tpu.memory_space<vmem>>) target_semaphore(%arg27 : memref<!tpu.dma_semaphore, #tpu.memory_space<semaphore_mem>>)
    %add3A_21 = arith.constant 0 : i32
    %add3A_22 = arith.addi %mul3A_2, %add3A_21 : i32
    %dma_start3A_23 = tpu.memref_slice %arg4[%add3A_22] : memref<320000xi32, #tpu.memory_space<hbm>> -> memref<80xi32, #tpu.memory_space<hbm>>
    %dma_start3A_24 = tpu.memref_slice %arg4[%add3A_22] : memref<320000xi32, #tpu.memory_space<hbm>> -> memref<80xi32, #tpu.memory_space<hbm>>
    tpu.enqueue_dma source(%dma_start3A_24 : memref<80xi32, #tpu.memory_space<hbm>>) target(%arg15 : memref<80xi32, #tpu.memory_space<vmem>>) target_semaphore(%arg27 : memref<!tpu.dma_semaphore, #tpu.memory_space<semaphore_mem>>)
    %add3A_25 = arith.constant 80 : i32
    %add3A_26 = arith.addi %mul3A_2, %add3A_25 : i32
    %dma_start3A_27 = tpu.memref_slice %arg3[%add3A_26] : memref<320000xi32, #tpu.memory_space<hbm>> -> memref<80xi32, #tpu.memory_space<hbm>>
    %dma_start3A_28 = tpu.memref_slice %arg3[%add3A_26] : memref<320000xi32, #tpu.memory_space<hbm>> -> memref<80xi32, #tpu.memory_space<hbm>>
    tpu.enqueue_dma source(%dma_start3A_28 : memref<80xi32, #tpu.memory_space<hbm>>) target(%arg8 : memref<80xi32, #tpu.memory_space<vmem>>) target_semaphore(%arg28 : memref<!tpu.dma_semaphore, #tpu.memory_space<semaphore_mem>>)
    %add3A_29 = arith.constant 80 : i32
    %add3A_30 = arith.addi %mul3A_2, %add3A_29 : i32
    %dma_start3A_31 = tpu.memref_slice %arg4[%add3A_30] : memref<320000xi32, #tpu.memory_space<hbm>> -> memref<80xi32, #tpu.memory_space<hbm>>
    %dma_start3A_32 = tpu.memref_slice %arg4[%add3A_30] : memref<320000xi32, #tpu.memory_space<hbm>> -> memref<80xi32, #tpu.memory_space<hbm>>
    tpu.enqueue_dma source(%dma_start3A_32 : memref<80xi32, #tpu.memory_space<hbm>>) target(%arg16 : memref<80xi32, #tpu.memory_space<vmem>>) target_semaphore(%arg28 : memref<!tpu.dma_semaphore, #tpu.memory_space<semaphore_mem>>)
    %add3A_33 = arith.constant 160 : i32
    %add3A_34 = arith.addi %mul3A_2, %add3A_33 : i32
    %dma_start3A_35 = tpu.memref_slice %arg3[%add3A_34] : memref<320000xi32, #tpu.memory_space<hbm>> -> memref<80xi32, #tpu.memory_space<hbm>>
    %dma_start3A_36 = tpu.memref_slice %arg3[%add3A_34] : memref<320000xi32, #tpu.memory_space<hbm>> -> memref<80xi32, #tpu.memory_space<hbm>>
    tpu.enqueue_dma source(%dma_start3A_36 : memref<80xi32, #tpu.memory_space<hbm>>) target(%arg9 : memref<80xi32, #tpu.memory_space<vmem>>) target_semaphore(%arg29 : memref<!tpu.dma_semaphore, #tpu.memory_space<semaphore_mem>>)
    %add3A_37 = arith.constant 160 : i32
    %add3A_38 = arith.addi %mul3A_2, %add3A_37 : i32
    %dma_start3A_39 = tpu.memref_slice %arg4[%add3A_38] : memref<320000xi32, #tpu.memory_space<hbm>> -> memref<80xi32, #tpu.memory_space<hbm>>
    %dma_start3A_40 = tpu.memref_slice %arg4[%add3A_38] : memref<320000xi32, #tpu.memory_space<hbm>> -> memref<80xi32, #tpu.memory_space<hbm>>
    tpu.enqueue_dma source(%dma_start3A_40 : memref<80xi32, #tpu.memory_space<hbm>>) target(%arg17 : memref<80xi32, #tpu.memory_space<vmem>>) target_semaphore(%arg29 : memref<!tpu.dma_semaphore, #tpu.memory_space<semaphore_mem>>)
    %add3A_41 = arith.constant 240 : i32
    %add3A_42 = arith.addi %mul3A_2, %add3A_41 : i32
    %dma_start3A_43 = tpu.memref_slice %arg3[%add3A_42] : memref<320000xi32, #tpu.memory_space<hbm>> -> memref<80xi32, #tpu.memory_space<hbm>>
    %dma_start3A_44 = tpu.memref_slice %arg3[%add3A_42] : memref<320000xi32, #tpu.memory_space<hbm>> -> memref<80xi32, #tpu.memory_space<hbm>>
    tpu.enqueue_dma source(%dma_start3A_44 : memref<80xi32, #tpu.memory_space<hbm>>) target(%arg10 : memref<80xi32, #tpu.memory_space<vmem>>) target_semaphore(%arg30 : memref<!tpu.dma_semaphore, #tpu.memory_space<semaphore_mem>>)
    %add3A_45 = arith.constant 240 : i32
    %add3A_46 = arith.addi %mul3A_2, %add3A_45 : i32
    %dma_start3A_47 = tpu.memref_slice %arg4[%add3A_46] : memref<320000xi32, #tpu.memory_space<hbm>> -> memref<80xi32, #tpu.memory_space<hbm>>
    %dma_start3A_48 = tpu.memref_slice %arg4[%add3A_46] : memref<320000xi32, #tpu.memory_space<hbm>> -> memref<80xi32, #tpu.memory_space<hbm>>
    tpu.enqueue_dma source(%dma_start3A_48 : memref<80xi32, #tpu.memory_space<hbm>>) target(%arg18 : memref<80xi32, #tpu.memory_space<vmem>>) target_semaphore(%arg30 : memref<!tpu.dma_semaphore, #tpu.memory_space<semaphore_mem>>)
    %add3A_49 = arith.constant 320 : i32
    %add3A_50 = arith.addi %mul3A_2, %add3A_49 : i32
    %dma_start3A_51 = tpu.memref_slice %arg3[%add3A_50] : memref<320000xi32, #tpu.memory_space<hbm>> -> memref<80xi32, #tpu.memory_space<hbm>>
    %dma_start3A_52 = tpu.memref_slice %arg3[%add3A_50] : memref<320000xi32, #tpu.memory_space<hbm>> -> memref<80xi32, #tpu.memory_space<hbm>>
    tpu.enqueue_dma source(%dma_start3A_52 : memref<80xi32, #tpu.memory_space<hbm>>) target(%arg11 : memref<80xi32, #tpu.memory_space<vmem>>) target_semaphore(%arg31 : memref<!tpu.dma_semaphore, #tpu.memory_space<semaphore_mem>>)
    %add3A_53 = arith.constant 320 : i32
    %add3A_54 = arith.addi %mul3A_2, %add3A_53 : i32
    %dma_start3A_55 = tpu.memref_slice %arg4[%add3A_54] : memref<320000xi32, #tpu.memory_space<hbm>> -> memref<80xi32, #tpu.memory_space<hbm>>
    %dma_start3A_56 = tpu.memref_slice %arg4[%add3A_54] : memref<320000xi32, #tpu.memory_space<hbm>> -> memref<80xi32, #tpu.memory_space<hbm>>
    tpu.enqueue_dma source(%dma_start3A_56 : memref<80xi32, #tpu.memory_space<hbm>>) target(%arg19 : memref<80xi32, #tpu.memory_space<vmem>>) target_semaphore(%arg31 : memref<!tpu.dma_semaphore, #tpu.memory_space<semaphore_mem>>)
    %add3A_57 = arith.constant 400 : i32
    %add3A_58 = arith.addi %mul3A_2, %add3A_57 : i32
    %dma_start3A_59 = tpu.memref_slice %arg3[%add3A_58] : memref<320000xi32, #tpu.memory_space<hbm>> -> memref<80xi32, #tpu.memory_space<hbm>>
    %dma_start3A_60 = tpu.memref_slice %arg3[%add3A_58] : memref<320000xi32, #tpu.memory_space<hbm>> -> memref<80xi32, #tpu.memory_space<hbm>>
    tpu.enqueue_dma source(%dma_start3A_60 : memref<80xi32, #tpu.memory_space<hbm>>) target(%arg12 : memref<80xi32, #tpu.memory_space<vmem>>) target_semaphore(%arg32 : memref<!tpu.dma_semaphore, #tpu.memory_space<semaphore_mem>>)
    %add3A_61 = arith.constant 400 : i32
    %add3A_62 = arith.addi %mul3A_2, %add3A_61 : i32
    %dma_start3A_63 = tpu.memref_slice %arg4[%add3A_62] : memref<320000xi32, #tpu.memory_space<hbm>> -> memref<80xi32, #tpu.memory_space<hbm>>
    %dma_start3A_64 = tpu.memref_slice %arg4[%add3A_62] : memref<320000xi32, #tpu.memory_space<hbm>> -> memref<80xi32, #tpu.memory_space<hbm>>
    tpu.enqueue_dma source(%dma_start3A_64 : memref<80xi32, #tpu.memory_space<hbm>>) target(%arg20 : memref<80xi32, #tpu.memory_space<vmem>>) target_semaphore(%arg32 : memref<!tpu.dma_semaphore, #tpu.memory_space<semaphore_mem>>)
    %add3A_65 = arith.constant 480 : i32
    %add3A_66 = arith.addi %mul3A_2, %add3A_65 : i32
    %dma_start3A_67 = tpu.memref_slice %arg3[%add3A_66] : memref<320000xi32, #tpu.memory_space<hbm>> -> memref<80xi32, #tpu.memory_space<hbm>>
    %dma_start3A_68 = tpu.memref_slice %arg3[%add3A_66] : memref<320000xi32, #tpu.memory_space<hbm>> -> memref<80xi32, #tpu.memory_space<hbm>>
    tpu.enqueue_dma source(%dma_start3A_68 : memref<80xi32, #tpu.memory_space<hbm>>) target(%arg13 : memref<80xi32, #tpu.memory_space<vmem>>) target_semaphore(%arg33 : memref<!tpu.dma_semaphore, #tpu.memory_space<semaphore_mem>>)
    %add3A_69 = arith.constant 480 : i32
    %add3A_70 = arith.addi %mul3A_2, %add3A_69 : i32
    %dma_start3A_71 = tpu.memref_slice %arg4[%add3A_70] : memref<320000xi32, #tpu.memory_space<hbm>> -> memref<80xi32, #tpu.memory_space<hbm>>
    %dma_start3A_72 = tpu.memref_slice %arg4[%add3A_70] : memref<320000xi32, #tpu.memory_space<hbm>> -> memref<80xi32, #tpu.memory_space<hbm>>
    tpu.enqueue_dma source(%dma_start3A_72 : memref<80xi32, #tpu.memory_space<hbm>>) target(%arg21 : memref<80xi32, #tpu.memory_space<vmem>>) target_semaphore(%arg33 : memref<!tpu.dma_semaphore, #tpu.memory_space<semaphore_mem>>)
    %dma_wait3A = tpu.memref_slice %arg3[%mul3A_2] : memref<320000xi32, #tpu.memory_space<hbm>> -> memref<80xi32, #tpu.memory_space<hbm>>
    %dma_wait3A_73 = tpu.memref_slice %arg3[%mul3A_2] : memref<320000xi32, #tpu.memory_space<hbm>> -> memref<80xi32, #tpu.memory_space<hbm>>
    tpu.wait_dma2 semaphore(%arg27 : memref<!tpu.dma_semaphore, #tpu.memory_space<semaphore_mem>>) src(%dma_wait3A_73 : memref<80xi32, #tpu.memory_space<hbm>>) dst(%arg7 : memref<80xi32, #tpu.memory_space<vmem>>)
    %dma_wait3A_74 = tpu.memref_slice %arg4[%mul3A_2] : memref<320000xi32, #tpu.memory_space<hbm>> -> memref<80xi32, #tpu.memory_space<hbm>>
    %dma_wait3A_75 = tpu.memref_slice %arg4[%mul3A_2] : memref<320000xi32, #tpu.memory_space<hbm>> -> memref<80xi32, #tpu.memory_space<hbm>>
    tpu.wait_dma2 semaphore(%arg27 : memref<!tpu.dma_semaphore, #tpu.memory_space<semaphore_mem>>) src(%dma_wait3A_75 : memref<80xi32, #tpu.memory_space<hbm>>) dst(%arg15 : memref<80xi32, #tpu.memory_space<vmem>>)
    %dma_start3A_76 = arith.constant 0 : i32
    %dma_start3A_77 = arith.constant 0 : i32
    %dma_start3A_78 = tpu.memref_slice %arg2[%dma_start3A_76, %dma_start3A_77] : memref<10000x128xf32, #tpu.memory_space<hbm>> -> memref<10000x128xf32, #tpu.memory_space<hbm>>
    tpu.enqueue_indirect_dma source(%dma_start3A_78 : memref<10000x128xf32, #tpu.memory_space<hbm>>) target(%arg23 : memref<80x128xf32, #tpu.memory_space<vmem>>) offsets(%arg7 : memref<80xi32, #tpu.memory_space<vmem>>) semaphore(%arg35 : memref<!tpu.dma_semaphore, #tpu.memory_space<semaphore_mem>>)
    %dma_wait3A_79 = tpu.memref_slice %arg3[%mul3A_2] : memref<320000xi32, #tpu.memory_space<hbm>> -> memref<80xi32, #tpu.memory_space<hbm>>
    %dma_wait3A_80 = tpu.memref_slice %arg3[%mul3A_2] : memref<320000xi32, #tpu.memory_space<hbm>> -> memref<80xi32, #tpu.memory_space<hbm>>
    tpu.wait_dma2 semaphore(%arg28 : memref<!tpu.dma_semaphore, #tpu.memory_space<semaphore_mem>>) src(%dma_wait3A_80 : memref<80xi32, #tpu.memory_space<hbm>>) dst(%arg8 : memref<80xi32, #tpu.memory_space<vmem>>)
    %dma_wait3A_81 = tpu.memref_slice %arg4[%mul3A_2] : memref<320000xi32, #tpu.memory_space<hbm>> -> memref<80xi32, #tpu.memory_space<hbm>>
    %dma_wait3A_82 = tpu.memref_slice %arg4[%mul3A_2] : memref<320000xi32, #tpu.memory_space<hbm>> -> memref<80xi32, #tpu.memory_space<hbm>>
    tpu.wait_dma2 semaphore(%arg28 : memref<!tpu.dma_semaphore, #tpu.memory_space<semaphore_mem>>) src(%dma_wait3A_82 : memref<80xi32, #tpu.memory_space<hbm>>) dst(%arg16 : memref<80xi32, #tpu.memory_space<vmem>>)
    %dma_start3A_83 = arith.constant 0 : i32
    %dma_start3A_84 = arith.constant 0 : i32
    %dma_start3A_85 = tpu.memref_slice %arg2[%dma_start3A_83, %dma_start3A_84] : memref<10000x128xf32, #tpu.memory_space<hbm>> -> memref<10000x128xf32, #tpu.memory_space<hbm>>
    tpu.enqueue_indirect_dma source(%dma_start3A_85 : memref<10000x128xf32, #tpu.memory_space<hbm>>) target(%arg24 : memref<80x128xf32, #tpu.memory_space<vmem>>) offsets(%arg8 : memref<80xi32, #tpu.memory_space<vmem>>) semaphore(%arg36 : memref<!tpu.dma_semaphore, #tpu.memory_space<semaphore_mem>>)
    %dma_wait3A_86 = tpu.memref_slice %arg3[%mul3A_2] : memref<320000xi32, #tpu.memory_space<hbm>> -> memref<80xi32, #tpu.memory_space<hbm>>
    %dma_wait3A_87 = tpu.memref_slice %arg3[%mul3A_2] : memref<320000xi32, #tpu.memory_space<hbm>> -> memref<80xi32, #tpu.memory_space<hbm>>
    tpu.wait_dma2 semaphore(%arg29 : memref<!tpu.dma_semaphore, #tpu.memory_space<semaphore_mem>>) src(%dma_wait3A_87 : memref<80xi32, #tpu.memory_space<hbm>>) dst(%arg9 : memref<80xi32, #tpu.memory_space<vmem>>)
    %dma_wait3A_88 = tpu.memref_slice %arg4[%mul3A_2] : memref<320000xi32, #tpu.memory_space<hbm>> -> memref<80xi32, #tpu.memory_space<hbm>>
    %dma_wait3A_89 = tpu.memref_slice %arg4[%mul3A_2] : memref<320000xi32, #tpu.memory_space<hbm>> -> memref<80xi32, #tpu.memory_space<hbm>>
    tpu.wait_dma2 semaphore(%arg29 : memref<!tpu.dma_semaphore, #tpu.memory_space<semaphore_mem>>) src(%dma_wait3A_89 : memref<80xi32, #tpu.memory_space<hbm>>) dst(%arg17 : memref<80xi32, #tpu.memory_space<vmem>>)
    %dma_start3A_90 = arith.constant 0 : i32
    %dma_start3A_91 = arith.constant 0 : i32
    %dma_start3A_92 = tpu.memref_slice %arg2[%dma_start3A_90, %dma_start3A_91] : memref<10000x128xf32, #tpu.memory_space<hbm>> -> memref<10000x128xf32, #tpu.memory_space<hbm>>
    tpu.enqueue_indirect_dma source(%dma_start3A_92 : memref<10000x128xf32, #tpu.memory_space<hbm>>) target(%arg25 : memref<80x128xf32, #tpu.memory_space<vmem>>) offsets(%arg9 : memref<80xi32, #tpu.memory_space<vmem>>) semaphore(%arg37 : memref<!tpu.dma_semaphore, #tpu.memory_space<semaphore_mem>>)
    %dma_wait3A_93 = tpu.memref_slice %arg3[%mul3A_2] : memref<320000xi32, #tpu.memory_space<hbm>> -> memref<80xi32, #tpu.memory_space<hbm>>
    %dma_wait3A_94 = tpu.memref_slice %arg3[%mul3A_2] : memref<320000xi32, #tpu.memory_space<hbm>> -> memref<80xi32, #tpu.memory_space<hbm>>
    tpu.wait_dma2 semaphore(%arg30 : memref<!tpu.dma_semaphore, #tpu.memory_space<semaphore_mem>>) src(%dma_wait3A_94 : memref<80xi32, #tpu.memory_space<hbm>>) dst(%arg10 : memref<80xi32, #tpu.memory_space<vmem>>)
    %dma_wait3A_95 = tpu.memref_slice %arg4[%mul3A_2] : memref<320000xi32, #tpu.memory_space<hbm>> -> memref<80xi32, #tpu.memory_space<hbm>>
    %dma_wait3A_96 = tpu.memref_slice %arg4[%mul3A_2] : memref<320000xi32, #tpu.memory_space<hbm>> -> memref<80xi32, #tpu.memory_space<hbm>>
    tpu.wait_dma2 semaphore(%arg30 : memref<!tpu.dma_semaphore, #tpu.memory_space<semaphore_mem>>) src(%dma_wait3A_96 : memref<80xi32, #tpu.memory_space<hbm>>) dst(%arg18 : memref<80xi32, #tpu.memory_space<vmem>>)
    %dma_start3A_97 = arith.constant 0 : i32
    %dma_start3A_98 = arith.constant 0 : i32
    %dma_start3A_99 = tpu.memref_slice %arg2[%dma_start3A_97, %dma_start3A_98] : memref<10000x128xf32, #tpu.memory_space<hbm>> -> memref<10000x128xf32, #tpu.memory_space<hbm>>
    tpu.enqueue_indirect_dma source(%dma_start3A_99 : memref<10000x128xf32, #tpu.memory_space<hbm>>) target(%arg26 : memref<80x128xf32, #tpu.memory_space<vmem>>) offsets(%arg10 : memref<80xi32, #tpu.memory_space<vmem>>) semaphore(%arg38 : memref<!tpu.dma_semaphore, #tpu.memory_space<semaphore_mem>>)
    %add3A_100 = arith.constant 560 : i32
    %add3A_101 = arith.addi %mul3A_2, %add3A_100 : i32
    %dma_start3A_102 = tpu.memref_slice %arg3[%add3A_101] : memref<320000xi32, #tpu.memory_space<hbm>> -> memref<80xi32, #tpu.memory_space<hbm>>
    %dma_start3A_103 = tpu.memref_slice %arg3[%add3A_101] : memref<320000xi32, #tpu.memory_space<hbm>> -> memref<80xi32, #tpu.memory_space<hbm>>
    tpu.enqueue_dma source(%dma_start3A_103 : memref<80xi32, #tpu.memory_space<hbm>>) target(%arg14 : memref<80xi32, #tpu.memory_space<vmem>>) target_semaphore(%arg34 : memref<!tpu.dma_semaphore, #tpu.memory_space<semaphore_mem>>)
    %add3A_104 = arith.constant 560 : i32
    %add3A_105 = arith.addi %mul3A_2, %add3A_104 : i32
    %dma_start3A_106 = tpu.memref_slice %arg4[%add3A_105] : memref<320000xi32, #tpu.memory_space<hbm>> -> memref<80xi32, #tpu.memory_space<hbm>>
    %dma_start3A_107 = tpu.memref_slice %arg4[%add3A_105] : memref<320000xi32, #tpu.memory_space<hbm>> -> memref<80xi32, #tpu.memory_space<hbm>>
    tpu.enqueue_dma source(%dma_start3A_107 : memref<80xi32, #tpu.memory_space<hbm>>) target(%arg22 : memref<80xi32, #tpu.memory_space<vmem>>) target_semaphore(%arg34 : memref<!tpu.dma_semaphore, #tpu.memory_space<semaphore_mem>>)
    %dma_wait3A_108 = arith.constant 0 : i32
    %dma_wait3A_109 = arith.constant 0 : i32
    %dma_wait3A_110 = tpu.memref_slice %arg2[%dma_wait3A_108, %dma_wait3A_109] : memref<10000x128xf32, #tpu.memory_space<hbm>> -> memref<10000x128xf32, #tpu.memory_space<hbm>>
    tpu.wait_indirect_dma semaphore(%arg35 : memref<!tpu.dma_semaphore, #tpu.memory_space<semaphore_mem>>) src(%dma_wait3A_110 : memref<10000x128xf32, #tpu.memory_space<hbm>>) dst(%arg23 : memref<80x128xf32, #tpu.memory_space<vmem>>)
    %dma_start3A_111 = arith.constant 0 : i32
    %dma_start3A_112 = arith.constant 0 : i32
    %dma_start3A_113 = tpu.memref_slice %arg6[%dma_start3A_111, %dma_start3A_112] : memref<10000x128xf32, #tpu.memory_space<vmem_shared>> -> memref<10000x128xf32, #tpu.memory_space<vmem_shared>>
    tpu.enqueue_indirect_dma source(%arg23 : memref<80x128xf32, #tpu.memory_space<vmem>>) target(%dma_start3A_113 : memref<10000x128xf32, #tpu.memory_space<vmem_shared>>) offsets(%arg15 : memref<80xi32, #tpu.memory_space<vmem>>) semaphore(%arg39 : memref<!tpu.dma_semaphore, #tpu.memory_space<semaphore_mem>>) {add = true}
    %scan3A_114 = arith.constant 0 : i32
    %scan3A_115 = arith.constant 0 : i32
    %scan3A_116 = arith.constant 14 : i32
    %scan3A_117 = arith.addi %scan3A_115, %scan3A_116 : i32
    %scan3A_118 = arith.constant 1 : i32
    %scan3A_119 = scf.for %scan3A_336 = %scan3A_115 to %scan3A_117 step %scan3A_118 iter_args(%scan3A_337 = %scan3A_114) -> (i32)  : i32 {
      %mul3A_338 = arith.constant 8 : i32
      %mul3A_339 = arith.muli %mul3A_338, %scan3A_336 : i32
      %add3A_340 = arith.constant 1 : i32
      %add3A_341 = arith.addi %mul3A_339, %add3A_340 : i32
      %add3A_342 = arith.constant 0 : i32
      %add3A_343 = arith.addi %add3A_341, %add3A_342 : i32
      %dma_wait3A_344 = arith.constant 0 : i32
      %dma_wait3A_345 = arith.constant 0 : i32
      %dma_wait3A_346 = tpu.memref_slice %arg6[%dma_wait3A_344, %dma_wait3A_345] : memref<10000x128xf32, #tpu.memory_space<vmem_shared>> -> memref<10000x128xf32, #tpu.memory_space<vmem_shared>>
      tpu.wait_indirect_dma semaphore(%arg39 : memref<!tpu.dma_semaphore, #tpu.memory_space<semaphore_mem>>) src(%arg23 : memref<80x128xf32, #tpu.memory_space<vmem>>) dst(%dma_wait3A_346 : memref<10000x128xf32, #tpu.memory_space<vmem_shared>>)
      %dma_wait3A_347 = tpu.memref_slice %arg3[%mul3A_2] : memref<320000xi32, #tpu.memory_space<hbm>> -> memref<80xi32, #tpu.memory_space<hbm>>
      %dma_wait3A_348 = tpu.memref_slice %arg3[%mul3A_2] : memref<320000xi32, #tpu.memory_space<hbm>> -> memref<80xi32, #tpu.memory_space<hbm>>
      tpu.wait_dma2 semaphore(%arg31 : memref<!tpu.dma_semaphore, #tpu.memory_space<semaphore_mem>>) src(%dma_wait3A_348 : memref<80xi32, #tpu.memory_space<hbm>>) dst(%arg11 : memref<80xi32, #tpu.memory_space<vmem>>)
      %dma_wait3A_349 = tpu.memref_slice %arg4[%mul3A_2] : memref<320000xi32, #tpu.memory_space<hbm>> -> memref<80xi32, #tpu.memory_space<hbm>>
      %dma_wait3A_350 = tpu.memref_slice %arg4[%mul3A_2] : memref<320000xi32, #tpu.memory_space<hbm>> -> memref<80xi32, #tpu.memory_space<hbm>>
      tpu.wait_dma2 semaphore(%arg31 : memref<!tpu.dma_semaphore, #tpu.memory_space<semaphore_mem>>) src(%dma_wait3A_350 : memref<80xi32, #tpu.memory_space<hbm>>) dst(%arg19 : memref<80xi32, #tpu.memory_space<vmem>>)
      %dma_start3A_351 = arith.constant 0 : i32
      %dma_start3A_352 = arith.constant 0 : i32
      %dma_start3A_353 = tpu.memref_slice %arg2[%dma_start3A_351, %dma_start3A_352] : memref<10000x128xf32, #tpu.memory_space<hbm>> -> memref<10000x128xf32, #tpu.memory_space<hbm>>
      tpu.enqueue_indirect_dma source(%dma_start3A_353 : memref<10000x128xf32, #tpu.memory_space<hbm>>) target(%arg23 : memref<80x128xf32, #tpu.memory_space<vmem>>) offsets(%arg11 : memref<80xi32, #tpu.memory_space<vmem>>) semaphore(%arg35 : memref<!tpu.dma_semaphore, #tpu.memory_space<semaphore_mem>>)
      %add3A_354 = arith.constant 8 : i32
      %add3A_355 = arith.addi %add3A_343, %add3A_354 : i32
      %sub3A = arith.constant 1 : i32
      %sub3A_356 = arith.subi %add3A_355, %sub3A : i32
      %mul3A_357 = arith.constant 80 : i32
      %mul3A_358 = arith.muli %sub3A_356, %mul3A_357 : i32
      %add3A_359 = arith.addi %mul3A_2, %mul3A_358 : i32
      %dma_start3A_360 = tpu.memref_slice %arg3[%add3A_359] : memref<320000xi32, #tpu.memory_space<hbm>> -> memref<80xi32, #tpu.memory_space<hbm>>
      %dma_start3A_361 = tpu.memref_slice %arg3[%add3A_359] : memref<320000xi32, #tpu.memory_space<hbm>> -> memref<80xi32, #tpu.memory_space<hbm>>
      tpu.enqueue_dma source(%dma_start3A_361 : memref<80xi32, #tpu.memory_space<hbm>>) target(%arg7 : memref<80xi32, #tpu.memory_space<vmem>>) target_semaphore(%arg27 : memref<!tpu.dma_semaphore, #tpu.memory_space<semaphore_mem>>)
      %mul3A_362 = arith.constant 80 : i32
      %mul3A_363 = arith.muli %sub3A_356, %mul3A_362 : i32
      %add3A_364 = arith.addi %mul3A_2, %mul3A_363 : i32
      %dma_start3A_365 = tpu.memref_slice %arg4[%add3A_364] : memref<320000xi32, #tpu.memory_space<hbm>> -> memref<80xi32, #tpu.memory_space<hbm>>
      %dma_start3A_366 = tpu.memref_slice %arg4[%add3A_364] : memref<320000xi32, #tpu.memory_space<hbm>> -> memref<80xi32, #tpu.memory_space<hbm>>
      tpu.enqueue_dma source(%dma_start3A_366 : memref<80xi32, #tpu.memory_space<hbm>>) target(%arg15 : memref<80xi32, #tpu.memory_space<vmem>>) target_semaphore(%arg27 : memref<!tpu.dma_semaphore, #tpu.memory_space<semaphore_mem>>)
      %dma_wait3A_367 = arith.constant 0 : i32
      %dma_wait3A_368 = arith.constant 0 : i32
      %dma_wait3A_369 = tpu.memref_slice %arg2[%dma_wait3A_367, %dma_wait3A_368] : memref<10000x128xf32, #tpu.memory_space<hbm>> -> memref<10000x128xf32, #tpu.memory_space<hbm>>
      tpu.wait_indirect_dma semaphore(%arg36 : memref<!tpu.dma_semaphore, #tpu.memory_space<semaphore_mem>>) src(%dma_wait3A_369 : memref<10000x128xf32, #tpu.memory_space<hbm>>) dst(%arg24 : memref<80x128xf32, #tpu.memory_space<vmem>>)
      %dma_start3A_370 = arith.constant 0 : i32
      %dma_start3A_371 = arith.constant 0 : i32
      %dma_start3A_372 = tpu.memref_slice %arg6[%dma_start3A_370, %dma_start3A_371] : memref<10000x128xf32, #tpu.memory_space<vmem_shared>> -> memref<10000x128xf32, #tpu.memory_space<vmem_shared>>
      tpu.enqueue_indirect_dma source(%arg24 : memref<80x128xf32, #tpu.memory_space<vmem>>) target(%dma_start3A_372 : memref<10000x128xf32, #tpu.memory_space<vmem_shared>>) offsets(%arg16 : memref<80xi32, #tpu.memory_space<vmem>>) semaphore(%arg40 : memref<!tpu.dma_semaphore, #tpu.memory_space<semaphore_mem>>) {add = true}
      %mul3A_373 = arith.constant 8 : i32
      %mul3A_374 = arith.muli %mul3A_373, %scan3A_336 : i32
      %add3A_375 = arith.constant 1 : i32
      %add3A_376 = arith.addi %mul3A_374, %add3A_375 : i32
      %add3A_377 = arith.constant 1 : i32
      %add3A_378 = arith.addi %add3A_376, %add3A_377 : i32
      %dma_wait3A_379 = arith.constant 0 : i32
      %dma_wait3A_380 = arith.constant 0 : i32
      %dma_wait3A_381 = tpu.memref_slice %arg6[%dma_wait3A_379, %dma_wait3A_380] : memref<10000x128xf32, #tpu.memory_space<vmem_shared>> -> memref<10000x128xf32, #tpu.memory_space<vmem_shared>>
      tpu.wait_indirect_dma semaphore(%arg40 : memref<!tpu.dma_semaphore, #tpu.memory_space<semaphore_mem>>) src(%arg24 : memref<80x128xf32, #tpu.memory_space<vmem>>) dst(%dma_wait3A_381 : memref<10000x128xf32, #tpu.memory_space<vmem_shared>>)
      %dma_wait3A_382 = tpu.memref_slice %arg3[%mul3A_2] : memref<320000xi32, #tpu.memory_space<hbm>> -> memref<80xi32, #tpu.memory_space<hbm>>
      %dma_wait3A_383 = tpu.memref_slice %arg3[%mul3A_2] : memref<320000xi32, #tpu.memory_space<hbm>> -> memref<80xi32, #tpu.memory_space<hbm>>
      tpu.wait_dma2 semaphore(%arg32 : memref<!tpu.dma_semaphore, #tpu.memory_space<semaphore_mem>>) src(%dma_wait3A_383 : memref<80xi32, #tpu.memory_space<hbm>>) dst(%arg12 : memref<80xi32, #tpu.memory_space<vmem>>)
      %dma_wait3A_384 = tpu.memref_slice %arg4[%mul3A_2] : memref<320000xi32, #tpu.memory_space<hbm>> -> memref<80xi32, #tpu.memory_space<hbm>>
      %dma_wait3A_385 = tpu.memref_slice %arg4[%mul3A_2] : memref<320000xi32, #tpu.memory_space<hbm>> -> memref<80xi32, #tpu.memory_space<hbm>>
      tpu.wait_dma2 semaphore(%arg32 : memref<!tpu.dma_semaphore, #tpu.memory_space<semaphore_mem>>) src(%dma_wait3A_385 : memref<80xi32, #tpu.memory_space<hbm>>) dst(%arg20 : memref<80xi32, #tpu.memory_space<vmem>>)
      %dma_start3A_386 = arith.constant 0 : i32
      %dma_start3A_387 = arith.constant 0 : i32
      %dma_start3A_388 = tpu.memref_slice %arg2[%dma_start3A_386, %dma_start3A_387] : memref<10000x128xf32, #tpu.memory_space<hbm>> -> memref<10000x128xf32, #tpu.memory_space<hbm>>
      tpu.enqueue_indirect_dma source(%dma_start3A_388 : memref<10000x128xf32, #tpu.memory_space<hbm>>) target(%arg24 : memref<80x128xf32, #tpu.memory_space<vmem>>) offsets(%arg12 : memref<80xi32, #tpu.memory_space<vmem>>) semaphore(%arg36 : memref<!tpu.dma_semaphore, #tpu.memory_space<semaphore_mem>>)
      %add3A_389 = arith.constant 8 : i32
      %add3A_390 = arith.addi %add3A_378, %add3A_389 : i32
      %sub3A_391 = arith.constant 1 : i32
      %sub3A_392 = arith.subi %add3A_390, %sub3A_391 : i32
      %mul3A_393 = arith.constant 80 : i32
      %mul3A_394 = arith.muli %sub3A_392, %mul3A_393 : i32
      %add3A_395 = arith.addi %mul3A_2, %mul3A_394 : i32
      %dma_start3A_396 = tpu.memref_slice %arg3[%add3A_395] : memref<320000xi32, #tpu.memory_space<hbm>> -> memref<80xi32, #tpu.memory_space<hbm>>
      %dma_start3A_397 = tpu.memref_slice %arg3[%add3A_395] : memref<320000xi32, #tpu.memory_space<hbm>> -> memref<80xi32, #tpu.memory_space<hbm>>
      tpu.enqueue_dma source(%dma_start3A_397 : memref<80xi32, #tpu.memory_space<hbm>>) target(%arg8 : memref<80xi32, #tpu.memory_space<vmem>>) target_semaphore(%arg28 : memref<!tpu.dma_semaphore, #tpu.memory_space<semaphore_mem>>)
      %mul3A_398 = arith.constant 80 : i32
      %mul3A_399 = arith.muli %sub3A_392, %mul3A_398 : i32
      %add3A_400 = arith.addi %mul3A_2, %mul3A_399 : i32
      %dma_start3A_401 = tpu.memref_slice %arg4[%add3A_400] : memref<320000xi32, #tpu.memory_space<hbm>> -> memref<80xi32, #tpu.memory_space<hbm>>
      %dma_start3A_402 = tpu.memref_slice %arg4[%add3A_400] : memref<320000xi32, #tpu.memory_space<hbm>> -> memref<80xi32, #tpu.memory_space<hbm>>
      tpu.enqueue_dma source(%dma_start3A_402 : memref<80xi32, #tpu.memory_space<hbm>>) target(%arg16 : memref<80xi32, #tpu.memory_space<vmem>>) target_semaphore(%arg28 : memref<!tpu.dma_semaphore, #tpu.memory_space<semaphore_mem>>)
      %dma_wait3A_403 = arith.constant 0 : i32
      %dma_wait3A_404 = arith.constant 0 : i32
      %dma_wait3A_405 = tpu.memref_slice %arg2[%dma_wait3A_403, %dma_wait3A_404] : memref<10000x128xf32, #tpu.memory_space<hbm>> -> memref<10000x128xf32, #tpu.memory_space<hbm>>
      tpu.wait_indirect_dma semaphore(%arg37 : memref<!tpu.dma_semaphore, #tpu.memory_space<semaphore_mem>>) src(%dma_wait3A_405 : memref<10000x128xf32, #tpu.memory_space<hbm>>) dst(%arg25 : memref<80x128xf32, #tpu.memory_space<vmem>>)
      %dma_start3A_406 = arith.constant 0 : i32
      %dma_start3A_407 = arith.constant 0 : i32
      %dma_start3A_408 = tpu.memref_slice %arg6[%dma_start3A_406, %dma_start3A_407] : memref<10000x128xf32, #tpu.memory_space<vmem_shared>> -> memref<10000x128xf32, #tpu.memory_space<vmem_shared>>
      tpu.enqueue_indirect_dma source(%arg25 : memref<80x128xf32, #tpu.memory_space<vmem>>) target(%dma_start3A_408 : memref<10000x128xf32, #tpu.memory_space<vmem_shared>>) offsets(%arg17 : memref<80xi32, #tpu.memory_space<vmem>>) semaphore(%arg41 : memref<!tpu.dma_semaphore, #tpu.memory_space<semaphore_mem>>) {add = true}
      %mul3A_409 = arith.constant 8 : i32
      %mul3A_410 = arith.muli %mul3A_409, %scan3A_336 : i32
      %add3A_411 = arith.constant 1 : i32
      %add3A_412 = arith.addi %mul3A_410, %add3A_411 : i32
      %add3A_413 = arith.constant 2 : i32
      %add3A_414 = arith.addi %add3A_412, %add3A_413 : i32
      %dma_wait3A_415 = arith.constant 0 : i32
      %dma_wait3A_416 = arith.constant 0 : i32
      %dma_wait3A_417 = tpu.memref_slice %arg6[%dma_wait3A_415, %dma_wait3A_416] : memref<10000x128xf32, #tpu.memory_space<vmem_shared>> -> memref<10000x128xf32, #tpu.memory_space<vmem_shared>>
      tpu.wait_indirect_dma semaphore(%arg41 : memref<!tpu.dma_semaphore, #tpu.memory_space<semaphore_mem>>) src(%arg25 : memref<80x128xf32, #tpu.memory_space<vmem>>) dst(%dma_wait3A_417 : memref<10000x128xf32, #tpu.memory_space<vmem_shared>>)
      %dma_wait3A_418 = tpu.memref_slice %arg3[%mul3A_2] : memref<320000xi32, #tpu.memory_space<hbm>> -> memref<80xi32, #tpu.memory_space<hbm>>
      %dma_wait3A_419 = tpu.memref_slice %arg3[%mul3A_2] : memref<320000xi32, #tpu.memory_space<hbm>> -> memref<80xi32, #tpu.memory_space<hbm>>
      tpu.wait_dma2 semaphore(%arg33 : memref<!tpu.dma_semaphore, #tpu.memory_space<semaphore_mem>>) src(%dma_wait3A_419 : memref<80xi32, #tpu.memory_space<hbm>>) dst(%arg13 : memref<80xi32, #tpu.memory_space<vmem>>)
      %dma_wait3A_420 = tpu.memref_slice %arg4[%mul3A_2] : memref<320000xi32, #tpu.memory_space<hbm>> -> memref<80xi32, #tpu.memory_space<hbm>>
      %dma_wait3A_421 = tpu.memref_slice %arg4[%mul3A_2] : memref<320000xi32, #tpu.memory_space<hbm>> -> memref<80xi32, #tpu.memory_space<hbm>>
      tpu.wait_dma2 semaphore(%arg33 : memref<!tpu.dma_semaphore, #tpu.memory_space<semaphore_mem>>) src(%dma_wait3A_421 : memref<80xi32, #tpu.memory_space<hbm>>) dst(%arg21 : memref<80xi32, #tpu.memory_space<vmem>>)
      %dma_start3A_422 = arith.constant 0 : i32
      %dma_start3A_423 = arith.constant 0 : i32
      %dma_start3A_424 = tpu.memref_slice %arg2[%dma_start3A_422, %dma_start3A_423] : memref<10000x128xf32, #tpu.memory_space<hbm>> -> memref<10000x128xf32, #tpu.memory_space<hbm>>
      tpu.enqueue_indirect_dma source(%dma_start3A_424 : memref<10000x128xf32, #tpu.memory_space<hbm>>) target(%arg25 : memref<80x128xf32, #tpu.memory_space<vmem>>) offsets(%arg13 : memref<80xi32, #tpu.memory_space<vmem>>) semaphore(%arg37 : memref<!tpu.dma_semaphore, #tpu.memory_space<semaphore_mem>>)
      %add3A_425 = arith.constant 8 : i32
      %add3A_426 = arith.addi %add3A_414, %add3A_425 : i32
      %sub3A_427 = arith.constant 1 : i32
      %sub3A_428 = arith.subi %add3A_426, %sub3A_427 : i32
      %mul3A_429 = arith.constant 80 : i32
      %mul3A_430 = arith.muli %sub3A_428, %mul3A_429 : i32
      %add3A_431 = arith.addi %mul3A_2, %mul3A_430 : i32
      %dma_start3A_432 = tpu.memref_slice %arg3[%add3A_431] : memref<320000xi32, #tpu.memory_space<hbm>> -> memref<80xi32, #tpu.memory_space<hbm>>
      %dma_start3A_433 = tpu.memref_slice %arg3[%add3A_431] : memref<320000xi32, #tpu.memory_space<hbm>> -> memref<80xi32, #tpu.memory_space<hbm>>
      tpu.enqueue_dma source(%dma_start3A_433 : memref<80xi32, #tpu.memory_space<hbm>>) target(%arg9 : memref<80xi32, #tpu.memory_space<vmem>>) target_semaphore(%arg29 : memref<!tpu.dma_semaphore, #tpu.memory_space<semaphore_mem>>)
      %mul3A_434 = arith.constant 80 : i32
      %mul3A_435 = arith.muli %sub3A_428, %mul3A_434 : i32
      %add3A_436 = arith.addi %mul3A_2, %mul3A_435 : i32
      %dma_start3A_437 = tpu.memref_slice %arg4[%add3A_436] : memref<320000xi32, #tpu.memory_space<hbm>> -> memref<80xi32, #tpu.memory_space<hbm>>
      %dma_start3A_438 = tpu.memref_slice %arg4[%add3A_436] : memref<320000xi32, #tpu.memory_space<hbm>> -> memref<80xi32, #tpu.memory_space<hbm>>
      tpu.enqueue_dma source(%dma_start3A_438 : memref<80xi32, #tpu.memory_space<hbm>>) target(%arg17 : memref<80xi32, #tpu.memory_space<vmem>>) target_semaphore(%arg29 : memref<!tpu.dma_semaphore, #tpu.memory_space<semaphore_mem>>)
      %dma_wait3A_439 = arith.constant 0 : i32
      %dma_wait3A_440 = arith.constant 0 : i32
      %dma_wait3A_441 = tpu.memref_slice %arg2[%dma_wait3A_439, %dma_wait3A_440] : memref<10000x128xf32, #tpu.memory_space<hbm>> -> memref<10000x128xf32, #tpu.memory_space<hbm>>
      tpu.wait_indirect_dma semaphore(%arg38 : memref<!tpu.dma_semaphore, #tpu.memory_space<semaphore_mem>>) src(%dma_wait3A_441 : memref<10000x128xf32, #tpu.memory_space<hbm>>) dst(%arg26 : memref<80x128xf32, #tpu.memory_space<vmem>>)
      %dma_start3A_442 = arith.constant 0 : i32
      %dma_start3A_443 = arith.constant 0 : i32
      %dma_start3A_444 = tpu.memref_slice %arg6[%dma_start3A_442, %dma_start3A_443] : memref<10000x128xf32, #tpu.memory_space<vmem_shared>> -> memref<10000x128xf32, #tpu.memory_space<vmem_shared>>
      tpu.enqueue_indirect_dma source(%arg26 : memref<80x128xf32, #tpu.memory_space<vmem>>) target(%dma_start3A_444 : memref<10000x128xf32, #tpu.memory_space<vmem_shared>>) offsets(%arg18 : memref<80xi32, #tpu.memory_space<vmem>>) semaphore(%arg42 : memref<!tpu.dma_semaphore, #tpu.memory_space<semaphore_mem>>) {add = true}
      %mul3A_445 = arith.constant 8 : i32
      %mul3A_446 = arith.muli %mul3A_445, %scan3A_336 : i32
      %add3A_447 = arith.constant 1 : i32
      %add3A_448 = arith.addi %mul3A_446, %add3A_447 : i32
      %add3A_449 = arith.constant 3 : i32
      %add3A_450 = arith.addi %add3A_448, %add3A_449 : i32
      %dma_wait3A_451 = arith.constant 0 : i32
      %dma_wait3A_452 = arith.constant 0 : i32
      %dma_wait3A_453 = tpu.memref_slice %arg6[%dma_wait3A_451, %dma_wait3A_452] : memref<10000x128xf32, #tpu.memory_space<vmem_shared>> -> memref<10000x128xf32, #tpu.memory_space<vmem_shared>>
      tpu.wait_indirect_dma semaphore(%arg42 : memref<!tpu.dma_semaphore, #tpu.memory_space<semaphore_mem>>) src(%arg26 : memref<80x128xf32, #tpu.memory_space<vmem>>) dst(%dma_wait3A_453 : memref<10000x128xf32, #tpu.memory_space<vmem_shared>>)
      %dma_wait3A_454 = tpu.memref_slice %arg3[%mul3A_2] : memref<320000xi32, #tpu.memory_space<hbm>> -> memref<80xi32, #tpu.memory_space<hbm>>
      %dma_wait3A_455 = tpu.memref_slice %arg3[%mul3A_2] : memref<320000xi32, #tpu.memory_space<hbm>> -> memref<80xi32, #tpu.memory_space<hbm>>
      tpu.wait_dma2 semaphore(%arg34 : memref<!tpu.dma_semaphore, #tpu.memory_space<semaphore_mem>>) src(%dma_wait3A_455 : memref<80xi32, #tpu.memory_space<hbm>>) dst(%arg14 : memref<80xi32, #tpu.memory_space<vmem>>)
      %dma_wait3A_456 = tpu.memref_slice %arg4[%mul3A_2] : memref<320000xi32, #tpu.memory_space<hbm>> -> memref<80xi32, #tpu.memory_space<hbm>>
      %dma_wait3A_457 = tpu.memref_slice %arg4[%mul3A_2] : memref<320000xi32, #tpu.memory_space<hbm>> -> memref<80xi32, #tpu.memory_space<hbm>>
      tpu.wait_dma2 semaphore(%arg34 : memref<!tpu.dma_semaphore, #tpu.memory_space<semaphore_mem>>) src(%dma_wait3A_457 : memref<80xi32, #tpu.memory_space<hbm>>) dst(%arg22 : memref<80xi32, #tpu.memory_space<vmem>>)
      %dma_start3A_458 = arith.constant 0 : i32
      %dma_start3A_459 = arith.constant 0 : i32
      %dma_start3A_460 = tpu.memref_slice %arg2[%dma_start3A_458, %dma_start3A_459] : memref<10000x128xf32, #tpu.memory_space<hbm>> -> memref<10000x128xf32, #tpu.memory_space<hbm>>
      tpu.enqueue_indirect_dma source(%dma_start3A_460 : memref<10000x128xf32, #tpu.memory_space<hbm>>) target(%arg26 : memref<80x128xf32, #tpu.memory_space<vmem>>) offsets(%arg14 : memref<80xi32, #tpu.memory_space<vmem>>) semaphore(%arg38 : memref<!tpu.dma_semaphore, #tpu.memory_space<semaphore_mem>>)
      %add3A_461 = arith.constant 8 : i32
      %add3A_462 = arith.addi %add3A_450, %add3A_461 : i32
      %sub3A_463 = arith.constant 1 : i32
      %sub3A_464 = arith.subi %add3A_462, %sub3A_463 : i32
      %mul3A_465 = arith.constant 80 : i32
      %mul3A_466 = arith.muli %sub3A_464, %mul3A_465 : i32
      %add3A_467 = arith.addi %mul3A_2, %mul3A_466 : i32
      %dma_start3A_468 = tpu.memref_slice %arg3[%add3A_467] : memref<320000xi32, #tpu.memory_space<hbm>> -> memref<80xi32, #tpu.memory_space<hbm>>
      %dma_start3A_469 = tpu.memref_slice %arg3[%add3A_467] : memref<320000xi32, #tpu.memory_space<hbm>> -> memref<80xi32, #tpu.memory_space<hbm>>
      tpu.enqueue_dma source(%dma_start3A_469 : memref<80xi32, #tpu.memory_space<hbm>>) target(%arg10 : memref<80xi32, #tpu.memory_space<vmem>>) target_semaphore(%arg30 : memref<!tpu.dma_semaphore, #tpu.memory_space<semaphore_mem>>)
      %mul3A_470 = arith.constant 80 : i32
      %mul3A_471 = arith.muli %sub3A_464, %mul3A_470 : i32
      %add3A_472 = arith.addi %mul3A_2, %mul3A_471 : i32
      %dma_start3A_473 = tpu.memref_slice %arg4[%add3A_472] : memref<320000xi32, #tpu.memory_space<hbm>> -> memref<80xi32, #tpu.memory_space<hbm>>
      %dma_start3A_474 = tpu.memref_slice %arg4[%add3A_472] : memref<320000xi32, #tpu.memory_space<hbm>> -> memref<80xi32, #tpu.memory_space<hbm>>
      tpu.enqueue_dma source(%dma_start3A_474 : memref<80xi32, #tpu.memory_space<hbm>>) target(%arg18 : memref<80xi32, #tpu.memory_space<vmem>>) target_semaphore(%arg30 : memref<!tpu.dma_semaphore, #tpu.memory_space<semaphore_mem>>)
      %dma_wait3A_475 = arith.constant 0 : i32
      %dma_wait3A_476 = arith.constant 0 : i32
      %dma_wait3A_477 = tpu.memref_slice %arg2[%dma_wait3A_475, %dma_wait3A_476] : memref<10000x128xf32, #tpu.memory_space<hbm>> -> memref<10000x128xf32, #tpu.memory_space<hbm>>
      tpu.wait_indirect_dma semaphore(%arg35 : memref<!tpu.dma_semaphore, #tpu.memory_space<semaphore_mem>>) src(%dma_wait3A_477 : memref<10000x128xf32, #tpu.memory_space<hbm>>) dst(%arg23 : memref<80x128xf32, #tpu.memory_space<vmem>>)
      %dma_start3A_478 = arith.constant 0 : i32
      %dma_start3A_479 = arith.constant 0 : i32
      %dma_start3A_480 = tpu.memref_slice %arg6[%dma_start3A_478, %dma_start3A_479] : memref<10000x128xf32, #tpu.memory_space<vmem_shared>> -> memref<10000x128xf32, #tpu.memory_space<vmem_shared>>
      tpu.enqueue_indirect_dma source(%arg23 : memref<80x128xf32, #tpu.memory_space<vmem>>) target(%dma_start3A_480 : memref<10000x128xf32, #tpu.memory_space<vmem_shared>>) offsets(%arg19 : memref<80xi32, #tpu.memory_space<vmem>>) semaphore(%arg39 : memref<!tpu.dma_semaphore, #tpu.memory_space<semaphore_mem>>) {add = true}
      %mul3A_481 = arith.constant 8 : i32
      %mul3A_482 = arith.muli %mul3A_481, %scan3A_336 : i32
      %add3A_483 = arith.constant 1 : i32
      %add3A_484 = arith.addi %mul3A_482, %add3A_483 : i32
      %add3A_485 = arith.constant 4 : i32
      %add3A_486 = arith.addi %add3A_484, %add3A_485 : i32
      %dma_wait3A_487 = arith.constant 0 : i32
      %dma_wait3A_488 = arith.constant 0 : i32
      %dma_wait3A_489 = tpu.memref_slice %arg6[%dma_wait3A_487, %dma_wait3A_488] : memref<10000x128xf32, #tpu.memory_space<vmem_shared>> -> memref<10000x128xf32, #tpu.memory_space<vmem_shared>>
      tpu.wait_indirect_dma semaphore(%arg39 : memref<!tpu.dma_semaphore, #tpu.memory_space<semaphore_mem>>) src(%arg23 : memref<80x128xf32, #tpu.memory_space<vmem>>) dst(%dma_wait3A_489 : memref<10000x128xf32, #tpu.memory_space<vmem_shared>>)
      %dma_wait3A_490 = tpu.memref_slice %arg3[%mul3A_2] : memref<320000xi32, #tpu.memory_space<hbm>> -> memref<80xi32, #tpu.memory_space<hbm>>
      %dma_wait3A_491 = tpu.memref_slice %arg3[%mul3A_2] : memref<320000xi32, #tpu.memory_space<hbm>> -> memref<80xi32, #tpu.memory_space<hbm>>
      tpu.wait_dma2 semaphore(%arg27 : memref<!tpu.dma_semaphore, #tpu.memory_space<semaphore_mem>>) src(%dma_wait3A_491 : memref<80xi32, #tpu.memory_space<hbm>>) dst(%arg7 : memref<80xi32, #tpu.memory_space<vmem>>)
      %dma_wait3A_492 = tpu.memref_slice %arg4[%mul3A_2] : memref<320000xi32, #tpu.memory_space<hbm>> -> memref<80xi32, #tpu.memory_space<hbm>>
      %dma_wait3A_493 = tpu.memref_slice %arg4[%mul3A_2] : memref<320000xi32, #tpu.memory_space<hbm>> -> memref<80xi32, #tpu.memory_space<hbm>>
      tpu.wait_dma2 semaphore(%arg27 : memref<!tpu.dma_semaphore, #tpu.memory_space<semaphore_mem>>) src(%dma_wait3A_493 : memref<80xi32, #tpu.memory_space<hbm>>) dst(%arg15 : memref<80xi32, #tpu.memory_space<vmem>>)
      %dma_start3A_494 = arith.constant 0 : i32
      %dma_start3A_495 = arith.constant 0 : i32
      %dma_start3A_496 = tpu.memref_slice %arg2[%dma_start3A_494, %dma_start3A_495] : memref<10000x128xf32, #tpu.memory_space<hbm>> -> memref<10000x128xf32, #tpu.memory_space<hbm>>
      tpu.enqueue_indirect_dma source(%dma_start3A_496 : memref<10000x128xf32, #tpu.memory_space<hbm>>) target(%arg23 : memref<80x128xf32, #tpu.memory_space<vmem>>) offsets(%arg7 : memref<80xi32, #tpu.memory_space<vmem>>) semaphore(%arg35 : memref<!tpu.dma_semaphore, #tpu.memory_space<semaphore_mem>>)
      %add3A_497 = arith.constant 8 : i32
      %add3A_498 = arith.addi %add3A_486, %add3A_497 : i32
      %sub3A_499 = arith.constant 1 : i32
      %sub3A_500 = arith.subi %add3A_498, %sub3A_499 : i32
      %mul3A_501 = arith.constant 80 : i32
      %mul3A_502 = arith.muli %sub3A_500, %mul3A_501 : i32
      %add3A_503 = arith.addi %mul3A_2, %mul3A_502 : i32
      %dma_start3A_504 = tpu.memref_slice %arg3[%add3A_503] : memref<320000xi32, #tpu.memory_space<hbm>> -> memref<80xi32, #tpu.memory_space<hbm>>
      %dma_start3A_505 = tpu.memref_slice %arg3[%add3A_503] : memref<320000xi32, #tpu.memory_space<hbm>> -> memref<80xi32, #tpu.memory_space<hbm>>
      tpu.enqueue_dma source(%dma_start3A_505 : memref<80xi32, #tpu.memory_space<hbm>>) target(%arg11 : memref<80xi32, #tpu.memory_space<vmem>>) target_semaphore(%arg31 : memref<!tpu.dma_semaphore, #tpu.memory_space<semaphore_mem>>)
      %mul3A_506 = arith.constant 80 : i32
      %mul3A_507 = arith.muli %sub3A_500, %mul3A_506 : i32
      %add3A_508 = arith.addi %mul3A_2, %mul3A_507 : i32
      %dma_start3A_509 = tpu.memref_slice %arg4[%add3A_508] : memref<320000xi32, #tpu.memory_space<hbm>> -> memref<80xi32, #tpu.memory_space<hbm>>
      %dma_start3A_510 = tpu.memref_slice %arg4[%add3A_508] : memref<320000xi32, #tpu.memory_space<hbm>> -> memref<80xi32, #tpu.memory_space<hbm>>
      tpu.enqueue_dma source(%dma_start3A_510 : memref<80xi32, #tpu.memory_space<hbm>>) target(%arg19 : memref<80xi32, #tpu.memory_space<vmem>>) target_semaphore(%arg31 : memref<!tpu.dma_semaphore, #tpu.memory_space<semaphore_mem>>)
      %dma_wait3A_511 = arith.constant 0 : i32
      %dma_wait3A_512 = arith.constant 0 : i32
      %dma_wait3A_513 = tpu.memref_slice %arg2[%dma_wait3A_511, %dma_wait3A_512] : memref<10000x128xf32, #tpu.memory_space<hbm>> -> memref<10000x128xf32, #tpu.memory_space<hbm>>
      tpu.wait_indirect_dma semaphore(%arg36 : memref<!tpu.dma_semaphore, #tpu.memory_space<semaphore_mem>>) src(%dma_wait3A_513 : memref<10000x128xf32, #tpu.memory_space<hbm>>) dst(%arg24 : memref<80x128xf32, #tpu.memory_space<vmem>>)
      %dma_start3A_514 = arith.constant 0 : i32
      %dma_start3A_515 = arith.constant 0 : i32
      %dma_start3A_516 = tpu.memref_slice %arg6[%dma_start3A_514, %dma_start3A_515] : memref<10000x128xf32, #tpu.memory_space<vmem_shared>> -> memref<10000x128xf32, #tpu.memory_space<vmem_shared>>
      tpu.enqueue_indirect_dma source(%arg24 : memref<80x128xf32, #tpu.memory_space<vmem>>) target(%dma_start3A_516 : memref<10000x128xf32, #tpu.memory_space<vmem_shared>>) offsets(%arg20 : memref<80xi32, #tpu.memory_space<vmem>>) semaphore(%arg40 : memref<!tpu.dma_semaphore, #tpu.memory_space<semaphore_mem>>) {add = true}
      %mul3A_517 = arith.constant 8 : i32
      %mul3A_518 = arith.muli %mul3A_517, %scan3A_336 : i32
      %add3A_519 = arith.constant 1 : i32
      %add3A_520 = arith.addi %mul3A_518, %add3A_519 : i32
      %add3A_521 = arith.constant 5 : i32
      %add3A_522 = arith.addi %add3A_520, %add3A_521 : i32
      %dma_wait3A_523 = arith.constant 0 : i32
      %dma_wait3A_524 = arith.constant 0 : i32
      %dma_wait3A_525 = tpu.memref_slice %arg6[%dma_wait3A_523, %dma_wait3A_524] : memref<10000x128xf32, #tpu.memory_space<vmem_shared>> -> memref<10000x128xf32, #tpu.memory_space<vmem_shared>>
      tpu.wait_indirect_dma semaphore(%arg40 : memref<!tpu.dma_semaphore, #tpu.memory_space<semaphore_mem>>) src(%arg24 : memref<80x128xf32, #tpu.memory_space<vmem>>) dst(%dma_wait3A_525 : memref<10000x128xf32, #tpu.memory_space<vmem_shared>>)
      %dma_wait3A_526 = tpu.memref_slice %arg3[%mul3A_2] : memref<320000xi32, #tpu.memory_space<hbm>> -> memref<80xi32, #tpu.memory_space<hbm>>
      %dma_wait3A_527 = tpu.memref_slice %arg3[%mul3A_2] : memref<320000xi32, #tpu.memory_space<hbm>> -> memref<80xi32, #tpu.memory_space<hbm>>
      tpu.wait_dma2 semaphore(%arg28 : memref<!tpu.dma_semaphore, #tpu.memory_space<semaphore_mem>>) src(%dma_wait3A_527 : memref<80xi32, #tpu.memory_space<hbm>>) dst(%arg8 : memref<80xi32, #tpu.memory_space<vmem>>)
      %dma_wait3A_528 = tpu.memref_slice %arg4[%mul3A_2] : memref<320000xi32, #tpu.memory_space<hbm>> -> memref<80xi32, #tpu.memory_space<hbm>>
      %dma_wait3A_529 = tpu.memref_slice %arg4[%mul3A_2] : memref<320000xi32, #tpu.memory_space<hbm>> -> memref<80xi32, #tpu.memory_space<hbm>>
      tpu.wait_dma2 semaphore(%arg28 : memref<!tpu.dma_semaphore, #tpu.memory_space<semaphore_mem>>) src(%dma_wait3A_529 : memref<80xi32, #tpu.memory_space<hbm>>) dst(%arg16 : memref<80xi32, #tpu.memory_space<vmem>>)
      %dma_start3A_530 = arith.constant 0 : i32
      %dma_start3A_531 = arith.constant 0 : i32
      %dma_start3A_532 = tpu.memref_slice %arg2[%dma_start3A_530, %dma_start3A_531] : memref<10000x128xf32, #tpu.memory_space<hbm>> -> memref<10000x128xf32, #tpu.memory_space<hbm>>
      tpu.enqueue_indirect_dma source(%dma_start3A_532 : memref<10000x128xf32, #tpu.memory_space<hbm>>) target(%arg24 : memref<80x128xf32, #tpu.memory_space<vmem>>) offsets(%arg8 : memref<80xi32, #tpu.memory_space<vmem>>) semaphore(%arg36 : memref<!tpu.dma_semaphore, #tpu.memory_space<semaphore_mem>>)
      %add3A_533 = arith.constant 8 : i32
      %add3A_534 = arith.addi %add3A_522, %add3A_533 : i32
      %sub3A_535 = arith.constant 1 : i32
      %sub3A_536 = arith.subi %add3A_534, %sub3A_535 : i32
      %mul3A_537 = arith.constant 80 : i32
      %mul3A_538 = arith.muli %sub3A_536, %mul3A_537 : i32
      %add3A_539 = arith.addi %mul3A_2, %mul3A_538 : i32
      %dma_start3A_540 = tpu.memref_slice %arg3[%add3A_539] : memref<320000xi32, #tpu.memory_space<hbm>> -> memref<80xi32, #tpu.memory_space<hbm>>
      %dma_start3A_541 = tpu.memref_slice %arg3[%add3A_539] : memref<320000xi32, #tpu.memory_space<hbm>> -> memref<80xi32, #tpu.memory_space<hbm>>
      tpu.enqueue_dma source(%dma_start3A_541 : memref<80xi32, #tpu.memory_space<hbm>>) target(%arg12 : memref<80xi32, #tpu.memory_space<vmem>>) target_semaphore(%arg32 : memref<!tpu.dma_semaphore, #tpu.memory_space<semaphore_mem>>)
      %mul3A_542 = arith.constant 80 : i32
      %mul3A_543 = arith.muli %sub3A_536, %mul3A_542 : i32
      %add3A_544 = arith.addi %mul3A_2, %mul3A_543 : i32
      %dma_start3A_545 = tpu.memref_slice %arg4[%add3A_544] : memref<320000xi32, #tpu.memory_space<hbm>> -> memref<80xi32, #tpu.memory_space<hbm>>
      %dma_start3A_546 = tpu.memref_slice %arg4[%add3A_544] : memref<320000xi32, #tpu.memory_space<hbm>> -> memref<80xi32, #tpu.memory_space<hbm>>
      tpu.enqueue_dma source(%dma_start3A_546 : memref<80xi32, #tpu.memory_space<hbm>>) target(%arg20 : memref<80xi32, #tpu.memory_space<vmem>>) target_semaphore(%arg32 : memref<!tpu.dma_semaphore, #tpu.memory_space<semaphore_mem>>)
      %dma_wait3A_547 = arith.constant 0 : i32
      %dma_wait3A_548 = arith.constant 0 : i32
      %dma_wait3A_549 = tpu.memref_slice %arg2[%dma_wait3A_547, %dma_wait3A_548] : memref<10000x128xf32, #tpu.memory_space<hbm>> -> memref<10000x128xf32, #tpu.memory_space<hbm>>
      tpu.wait_indirect_dma semaphore(%arg37 : memref<!tpu.dma_semaphore, #tpu.memory_space<semaphore_mem>>) src(%dma_wait3A_549 : memref<10000x128xf32, #tpu.memory_space<hbm>>) dst(%arg25 : memref<80x128xf32, #tpu.memory_space<vmem>>)
      %dma_start3A_550 = arith.constant 0 : i32
      %dma_start3A_551 = arith.constant 0 : i32
      %dma_start3A_552 = tpu.memref_slice %arg6[%dma_start3A_550, %dma_start3A_551] : memref<10000x128xf32, #tpu.memory_space<vmem_shared>> -> memref<10000x128xf32, #tpu.memory_space<vmem_shared>>
      tpu.enqueue_indirect_dma source(%arg25 : memref<80x128xf32, #tpu.memory_space<vmem>>) target(%dma_start3A_552 : memref<10000x128xf32, #tpu.memory_space<vmem_shared>>) offsets(%arg21 : memref<80xi32, #tpu.memory_space<vmem>>) semaphore(%arg41 : memref<!tpu.dma_semaphore, #tpu.memory_space<semaphore_mem>>) {add = true}
      %mul3A_553 = arith.constant 8 : i32
      %mul3A_554 = arith.muli %mul3A_553, %scan3A_336 : i32
      %add3A_555 = arith.constant 1 : i32
      %add3A_556 = arith.addi %mul3A_554, %add3A_555 : i32
      %add3A_557 = arith.constant 6 : i32
      %add3A_558 = arith.addi %add3A_556, %add3A_557 : i32
      %dma_wait3A_559 = arith.constant 0 : i32
      %dma_wait3A_560 = arith.constant 0 : i32
      %dma_wait3A_561 = tpu.memref_slice %arg6[%dma_wait3A_559, %dma_wait3A_560] : memref<10000x128xf32, #tpu.memory_space<vmem_shared>> -> memref<10000x128xf32, #tpu.memory_space<vmem_shared>>
      tpu.wait_indirect_dma semaphore(%arg41 : memref<!tpu.dma_semaphore, #tpu.memory_space<semaphore_mem>>) src(%arg25 : memref<80x128xf32, #tpu.memory_space<vmem>>) dst(%dma_wait3A_561 : memref<10000x128xf32, #tpu.memory_space<vmem_shared>>)
      %dma_wait3A_562 = tpu.memref_slice %arg3[%mul3A_2] : memref<320000xi32, #tpu.memory_space<hbm>> -> memref<80xi32, #tpu.memory_space<hbm>>
      %dma_wait3A_563 = tpu.memref_slice %arg3[%mul3A_2] : memref<320000xi32, #tpu.memory_space<hbm>> -> memref<80xi32, #tpu.memory_space<hbm>>
      tpu.wait_dma2 semaphore(%arg29 : memref<!tpu.dma_semaphore, #tpu.memory_space<semaphore_mem>>) src(%dma_wait3A_563 : memref<80xi32, #tpu.memory_space<hbm>>) dst(%arg9 : memref<80xi32, #tpu.memory_space<vmem>>)
      %dma_wait3A_564 = tpu.memref_slice %arg4[%mul3A_2] : memref<320000xi32, #tpu.memory_space<hbm>> -> memref<80xi32, #tpu.memory_space<hbm>>
      %dma_wait3A_565 = tpu.memref_slice %arg4[%mul3A_2] : memref<320000xi32, #tpu.memory_space<hbm>> -> memref<80xi32, #tpu.memory_space<hbm>>
      tpu.wait_dma2 semaphore(%arg29 : memref<!tpu.dma_semaphore, #tpu.memory_space<semaphore_mem>>) src(%dma_wait3A_565 : memref<80xi32, #tpu.memory_space<hbm>>) dst(%arg17 : memref<80xi32, #tpu.memory_space<vmem>>)
      %dma_start3A_566 = arith.constant 0 : i32
      %dma_start3A_567 = arith.constant 0 : i32
      %dma_start3A_568 = tpu.memref_slice %arg2[%dma_start3A_566, %dma_start3A_567] : memref<10000x128xf32, #tpu.memory_space<hbm>> -> memref<10000x128xf32, #tpu.memory_space<hbm>>
      tpu.enqueue_indirect_dma source(%dma_start3A_568 : memref<10000x128xf32, #tpu.memory_space<hbm>>) target(%arg25 : memref<80x128xf32, #tpu.memory_space<vmem>>) offsets(%arg9 : memref<80xi32, #tpu.memory_space<vmem>>) semaphore(%arg37 : memref<!tpu.dma_semaphore, #tpu.memory_space<semaphore_mem>>)
      %add3A_569 = arith.constant 8 : i32
      %add3A_570 = arith.addi %add3A_558, %add3A_569 : i32
      %sub3A_571 = arith.constant 1 : i32
      %sub3A_572 = arith.subi %add3A_570, %sub3A_571 : i32
      %mul3A_573 = arith.constant 80 : i32
      %mul3A_574 = arith.muli %sub3A_572, %mul3A_573 : i32
      %add3A_575 = arith.addi %mul3A_2, %mul3A_574 : i32
      %dma_start3A_576 = tpu.memref_slice %arg3[%add3A_575] : memref<320000xi32, #tpu.memory_space<hbm>> -> memref<80xi32, #tpu.memory_space<hbm>>
      %dma_start3A_577 = tpu.memref_slice %arg3[%add3A_575] : memref<320000xi32, #tpu.memory_space<hbm>> -> memref<80xi32, #tpu.memory_space<hbm>>
      tpu.enqueue_dma source(%dma_start3A_577 : memref<80xi32, #tpu.memory_space<hbm>>) target(%arg13 : memref<80xi32, #tpu.memory_space<vmem>>) target_semaphore(%arg33 : memref<!tpu.dma_semaphore, #tpu.memory_space<semaphore_mem>>)
      %mul3A_578 = arith.constant 80 : i32
      %mul3A_579 = arith.muli %sub3A_572, %mul3A_578 : i32
      %add3A_580 = arith.addi %mul3A_2, %mul3A_579 : i32
      %dma_start3A_581 = tpu.memref_slice %arg4[%add3A_580] : memref<320000xi32, #tpu.memory_space<hbm>> -> memref<80xi32, #tpu.memory_space<hbm>>
      %dma_start3A_582 = tpu.memref_slice %arg4[%add3A_580] : memref<320000xi32, #tpu.memory_space<hbm>> -> memref<80xi32, #tpu.memory_space<hbm>>
      tpu.enqueue_dma source(%dma_start3A_582 : memref<80xi32, #tpu.memory_space<hbm>>) target(%arg21 : memref<80xi32, #tpu.memory_space<vmem>>) target_semaphore(%arg33 : memref<!tpu.dma_semaphore, #tpu.memory_space<semaphore_mem>>)
      %dma_wait3A_583 = arith.constant 0 : i32
      %dma_wait3A_584 = arith.constant 0 : i32
      %dma_wait3A_585 = tpu.memref_slice %arg2[%dma_wait3A_583, %dma_wait3A_584] : memref<10000x128xf32, #tpu.memory_space<hbm>> -> memref<10000x128xf32, #tpu.memory_space<hbm>>
      tpu.wait_indirect_dma semaphore(%arg38 : memref<!tpu.dma_semaphore, #tpu.memory_space<semaphore_mem>>) src(%dma_wait3A_585 : memref<10000x128xf32, #tpu.memory_space<hbm>>) dst(%arg26 : memref<80x128xf32, #tpu.memory_space<vmem>>)
      %dma_start3A_586 = arith.constant 0 : i32
      %dma_start3A_587 = arith.constant 0 : i32
      %dma_start3A_588 = tpu.memref_slice %arg6[%dma_start3A_586, %dma_start3A_587] : memref<10000x128xf32, #tpu.memory_space<vmem_shared>> -> memref<10000x128xf32, #tpu.memory_space<vmem_shared>>
      tpu.enqueue_indirect_dma source(%arg26 : memref<80x128xf32, #tpu.memory_space<vmem>>) target(%dma_start3A_588 : memref<10000x128xf32, #tpu.memory_space<vmem_shared>>) offsets(%arg22 : memref<80xi32, #tpu.memory_space<vmem>>) semaphore(%arg42 : memref<!tpu.dma_semaphore, #tpu.memory_space<semaphore_mem>>) {add = true}
      %mul3A_589 = arith.constant 8 : i32
      %mul3A_590 = arith.muli %mul3A_589, %scan3A_336 : i32
      %add3A_591 = arith.constant 1 : i32
      %add3A_592 = arith.addi %mul3A_590, %add3A_591 : i32
      %add3A_593 = arith.constant 7 : i32
      %add3A_594 = arith.addi %add3A_592, %add3A_593 : i32
      %dma_wait3A_595 = arith.constant 0 : i32
      %dma_wait3A_596 = arith.constant 0 : i32
      %dma_wait3A_597 = tpu.memref_slice %arg6[%dma_wait3A_595, %dma_wait3A_596] : memref<10000x128xf32, #tpu.memory_space<vmem_shared>> -> memref<10000x128xf32, #tpu.memory_space<vmem_shared>>
      tpu.wait_indirect_dma semaphore(%arg42 : memref<!tpu.dma_semaphore, #tpu.memory_space<semaphore_mem>>) src(%arg26 : memref<80x128xf32, #tpu.memory_space<vmem>>) dst(%dma_wait3A_597 : memref<10000x128xf32, #tpu.memory_space<vmem_shared>>)
      %dma_wait3A_598 = tpu.memref_slice %arg3[%mul3A_2] : memref<320000xi32, #tpu.memory_space<hbm>> -> memref<80xi32, #tpu.memory_space<hbm>>
      %dma_wait3A_599 = tpu.memref_slice %arg3[%mul3A_2] : memref<320000xi32, #tpu.memory_space<hbm>> -> memref<80xi32, #tpu.memory_space<hbm>>
      tpu.wait_dma2 semaphore(%arg30 : memref<!tpu.dma_semaphore, #tpu.memory_space<semaphore_mem>>) src(%dma_wait3A_599 : memref<80xi32, #tpu.memory_space<hbm>>) dst(%arg10 : memref<80xi32, #tpu.memory_space<vmem>>)
      %dma_wait3A_600 = tpu.memref_slice %arg4[%mul3A_2] : memref<320000xi32, #tpu.memory_space<hbm>> -> memref<80xi32, #tpu.memory_space<hbm>>
      %dma_wait3A_601 = tpu.memref_slice %arg4[%mul3A_2] : memref<320000xi32, #tpu.memory_space<hbm>> -> memref<80xi32, #tpu.memory_space<hbm>>
      tpu.wait_dma2 semaphore(%arg30 : memref<!tpu.dma_semaphore, #tpu.memory_space<semaphore_mem>>) src(%dma_wait3A_601 : memref<80xi32, #tpu.memory_space<hbm>>) dst(%arg18 : memref<80xi32, #tpu.memory_space<vmem>>)
      %dma_start3A_602 = arith.constant 0 : i32
      %dma_start3A_603 = arith.constant 0 : i32
      %dma_start3A_604 = tpu.memref_slice %arg2[%dma_start3A_602, %dma_start3A_603] : memref<10000x128xf32, #tpu.memory_space<hbm>> -> memref<10000x128xf32, #tpu.memory_space<hbm>>
      tpu.enqueue_indirect_dma source(%dma_start3A_604 : memref<10000x128xf32, #tpu.memory_space<hbm>>) target(%arg26 : memref<80x128xf32, #tpu.memory_space<vmem>>) offsets(%arg10 : memref<80xi32, #tpu.memory_space<vmem>>) semaphore(%arg38 : memref<!tpu.dma_semaphore, #tpu.memory_space<semaphore_mem>>)
      %add3A_605 = arith.constant 8 : i32
      %add3A_606 = arith.addi %add3A_594, %add3A_605 : i32
      %sub3A_607 = arith.constant 1 : i32
      %sub3A_608 = arith.subi %add3A_606, %sub3A_607 : i32
      %mul3A_609 = arith.constant 80 : i32
      %mul3A_610 = arith.muli %sub3A_608, %mul3A_609 : i32
      %add3A_611 = arith.addi %mul3A_2, %mul3A_610 : i32
      %dma_start3A_612 = tpu.memref_slice %arg3[%add3A_611] : memref<320000xi32, #tpu.memory_space<hbm>> -> memref<80xi32, #tpu.memory_space<hbm>>
      %dma_start3A_613 = tpu.memref_slice %arg3[%add3A_611] : memref<320000xi32, #tpu.memory_space<hbm>> -> memref<80xi32, #tpu.memory_space<hbm>>
      tpu.enqueue_dma source(%dma_start3A_613 : memref<80xi32, #tpu.memory_space<hbm>>) target(%arg14 : memref<80xi32, #tpu.memory_space<vmem>>) target_semaphore(%arg34 : memref<!tpu.dma_semaphore, #tpu.memory_space<semaphore_mem>>)
      %mul3A_614 = arith.constant 80 : i32
      %mul3A_615 = arith.muli %sub3A_608, %mul3A_614 : i32
      %add3A_616 = arith.addi %mul3A_2, %mul3A_615 : i32
      %dma_start3A_617 = tpu.memref_slice %arg4[%add3A_616] : memref<320000xi32, #tpu.memory_space<hbm>> -> memref<80xi32, #tpu.memory_space<hbm>>
      %dma_start3A_618 = tpu.memref_slice %arg4[%add3A_616] : memref<320000xi32, #tpu.memory_space<hbm>> -> memref<80xi32, #tpu.memory_space<hbm>>
      tpu.enqueue_dma source(%dma_start3A_618 : memref<80xi32, #tpu.memory_space<hbm>>) target(%arg22 : memref<80xi32, #tpu.memory_space<vmem>>) target_semaphore(%arg34 : memref<!tpu.dma_semaphore, #tpu.memory_space<semaphore_mem>>)
      %dma_wait3A_619 = arith.constant 0 : i32
      %dma_wait3A_620 = arith.constant 0 : i32
      %dma_wait3A_621 = tpu.memref_slice %arg2[%dma_wait3A_619, %dma_wait3A_620] : memref<10000x128xf32, #tpu.memory_space<hbm>> -> memref<10000x128xf32, #tpu.memory_space<hbm>>
      tpu.wait_indirect_dma semaphore(%arg35 : memref<!tpu.dma_semaphore, #tpu.memory_space<semaphore_mem>>) src(%dma_wait3A_621 : memref<10000x128xf32, #tpu.memory_space<hbm>>) dst(%arg23 : memref<80x128xf32, #tpu.memory_space<vmem>>)
      %dma_start3A_622 = arith.constant 0 : i32
      %dma_start3A_623 = arith.constant 0 : i32
      %dma_start3A_624 = tpu.memref_slice %arg6[%dma_start3A_622, %dma_start3A_623] : memref<10000x128xf32, #tpu.memory_space<vmem_shared>> -> memref<10000x128xf32, #tpu.memory_space<vmem_shared>>
      tpu.enqueue_indirect_dma source(%arg23 : memref<80x128xf32, #tpu.memory_space<vmem>>) target(%dma_start3A_624 : memref<10000x128xf32, #tpu.memory_space<vmem_shared>>) offsets(%arg15 : memref<80xi32, #tpu.memory_space<vmem>>) semaphore(%arg39 : memref<!tpu.dma_semaphore, #tpu.memory_space<semaphore_mem>>) {add = true}
      %scan3A_625 = arith.constant 0 : i32
      scf.yield %scan3A_625 : i32
    }
    %scan3A_120 = arith.constant 14 : i32
    %dma_wait3A_121 = arith.constant 0 : i32
    %dma_wait3A_122 = arith.constant 0 : i32
    %dma_wait3A_123 = tpu.memref_slice %arg6[%dma_wait3A_121, %dma_wait3A_122] : memref<10000x128xf32, #tpu.memory_space<vmem_shared>> -> memref<10000x128xf32, #tpu.memory_space<vmem_shared>>
    tpu.wait_indirect_dma semaphore(%arg39 : memref<!tpu.dma_semaphore, #tpu.memory_space<semaphore_mem>>) src(%arg23 : memref<80x128xf32, #tpu.memory_space<vmem>>) dst(%dma_wait3A_123 : memref<10000x128xf32, #tpu.memory_space<vmem_shared>>)
    %dma_wait3A_124 = tpu.memref_slice %arg3[%mul3A_2] : memref<320000xi32, #tpu.memory_space<hbm>> -> memref<80xi32, #tpu.memory_space<hbm>>
    %dma_wait3A_125 = tpu.memref_slice %arg3[%mul3A_2] : memref<320000xi32, #tpu.memory_space<hbm>> -> memref<80xi32, #tpu.memory_space<hbm>>
    tpu.wait_dma2 semaphore(%arg31 : memref<!tpu.dma_semaphore, #tpu.memory_space<semaphore_mem>>) src(%dma_wait3A_125 : memref<80xi32, #tpu.memory_space<hbm>>) dst(%arg11 : memref<80xi32, #tpu.memory_space<vmem>>)
    %dma_wait3A_126 = tpu.memref_slice %arg4[%mul3A_2] : memref<320000xi32, #tpu.memory_space<hbm>> -> memref<80xi32, #tpu.memory_space<hbm>>
    %dma_wait3A_127 = tpu.memref_slice %arg4[%mul3A_2] : memref<320000xi32, #tpu.memory_space<hbm>> -> memref<80xi32, #tpu.memory_space<hbm>>
    tpu.wait_dma2 semaphore(%arg31 : memref<!tpu.dma_semaphore, #tpu.memory_space<semaphore_mem>>) src(%dma_wait3A_127 : memref<80xi32, #tpu.memory_space<hbm>>) dst(%arg19 : memref<80xi32, #tpu.memory_space<vmem>>)
    %dma_start3A_128 = arith.constant 0 : i32
    %dma_start3A_129 = arith.constant 0 : i32
    %dma_start3A_130 = tpu.memref_slice %arg2[%dma_start3A_128, %dma_start3A_129] : memref<10000x128xf32, #tpu.memory_space<hbm>> -> memref<10000x128xf32, #tpu.memory_space<hbm>>
    tpu.enqueue_indirect_dma source(%dma_start3A_130 : memref<10000x128xf32, #tpu.memory_space<hbm>>) target(%arg23 : memref<80x128xf32, #tpu.memory_space<vmem>>) offsets(%arg11 : memref<80xi32, #tpu.memory_space<vmem>>) semaphore(%arg35 : memref<!tpu.dma_semaphore, #tpu.memory_space<semaphore_mem>>)
    %add3A_131 = arith.constant 9600 : i32
    %add3A_132 = arith.addi %mul3A_2, %add3A_131 : i32
    %dma_start3A_133 = tpu.memref_slice %arg3[%add3A_132] : memref<320000xi32, #tpu.memory_space<hbm>> -> memref<80xi32, #tpu.memory_space<hbm>>
    %dma_start3A_134 = tpu.memref_slice %arg3[%add3A_132] : memref<320000xi32, #tpu.memory_space<hbm>> -> memref<80xi32, #tpu.memory_space<hbm>>
    tpu.enqueue_dma source(%dma_start3A_134 : memref<80xi32, #tpu.memory_space<hbm>>) target(%arg7 : memref<80xi32, #tpu.memory_space<vmem>>) target_semaphore(%arg27 : memref<!tpu.dma_semaphore, #tpu.memory_space<semaphore_mem>>)
    %add3A_135 = arith.constant 9600 : i32
    %add3A_136 = arith.addi %mul3A_2, %add3A_135 : i32
    %dma_start3A_137 = tpu.memref_slice %arg4[%add3A_136] : memref<320000xi32, #tpu.memory_space<hbm>> -> memref<80xi32, #tpu.memory_space<hbm>>
    %dma_start3A_138 = tpu.memref_slice %arg4[%add3A_136] : memref<320000xi32, #tpu.memory_space<hbm>> -> memref<80xi32, #tpu.memory_space<hbm>>
    tpu.enqueue_dma source(%dma_start3A_138 : memref<80xi32, #tpu.memory_space<hbm>>) target(%arg15 : memref<80xi32, #tpu.memory_space<vmem>>) target_semaphore(%arg27 : memref<!tpu.dma_semaphore, #tpu.memory_space<semaphore_mem>>)
    %dma_wait3A_139 = arith.constant 0 : i32
    %dma_wait3A_140 = arith.constant 0 : i32
    %dma_wait3A_141 = tpu.memref_slice %arg2[%dma_wait3A_139, %dma_wait3A_140] : memref<10000x128xf32, #tpu.memory_space<hbm>> -> memref<10000x128xf32, #tpu.memory_space<hbm>>
    tpu.wait_indirect_dma semaphore(%arg36 : memref<!tpu.dma_semaphore, #tpu.memory_space<semaphore_mem>>) src(%dma_wait3A_141 : memref<10000x128xf32, #tpu.memory_space<hbm>>) dst(%arg24 : memref<80x128xf32, #tpu.memory_space<vmem>>)
    %dma_start3A_142 = arith.constant 0 : i32
    %dma_start3A_143 = arith.constant 0 : i32
    %dma_start3A_144 = tpu.memref_slice %arg6[%dma_start3A_142, %dma_start3A_143] : memref<10000x128xf32, #tpu.memory_space<vmem_shared>> -> memref<10000x128xf32, #tpu.memory_space<vmem_shared>>
    tpu.enqueue_indirect_dma source(%arg24 : memref<80x128xf32, #tpu.memory_space<vmem>>) target(%dma_start3A_144 : memref<10000x128xf32, #tpu.memory_space<vmem_shared>>) offsets(%arg16 : memref<80xi32, #tpu.memory_space<vmem>>) semaphore(%arg40 : memref<!tpu.dma_semaphore, #tpu.memory_space<semaphore_mem>>) {add = true}
    %dma_wait3A_145 = arith.constant 0 : i32
    %dma_wait3A_146 = arith.constant 0 : i32
    %dma_wait3A_147 = tpu.memref_slice %arg6[%dma_wait3A_145, %dma_wait3A_146] : memref<10000x128xf32, #tpu.memory_space<vmem_shared>> -> memref<10000x128xf32, #tpu.memory_space<vmem_shared>>
    tpu.wait_indirect_dma semaphore(%arg40 : memref<!tpu.dma_semaphore, #tpu.memory_space<semaphore_mem>>) src(%arg24 : memref<80x128xf32, #tpu.memory_space<vmem>>) dst(%dma_wait3A_147 : memref<10000x128xf32, #tpu.memory_space<vmem_shared>>)
    %dma_wait3A_148 = tpu.memref_slice %arg3[%mul3A_2] : memref<320000xi32, #tpu.memory_space<hbm>> -> memref<80xi32, #tpu.memory_space<hbm>>
    %dma_wait3A_149 = tpu.memref_slice %arg3[%mul3A_2] : memref<320000xi32, #tpu.memory_space<hbm>> -> memref<80xi32, #tpu.memory_space<hbm>>
    tpu.wait_dma2 semaphore(%arg32 : memref<!tpu.dma_semaphore, #tpu.memory_space<semaphore_mem>>) src(%dma_wait3A_149 : memref<80xi32, #tpu.memory_space<hbm>>) dst(%arg12 : memref<80xi32, #tpu.memory_space<vmem>>)
    %dma_wait3A_150 = tpu.memref_slice %arg4[%mul3A_2] : memref<320000xi32, #tpu.memory_space<hbm>> -> memref<80xi32, #tpu.memory_space<hbm>>
    %dma_wait3A_151 = tpu.memref_slice %arg4[%mul3A_2] : memref<320000xi32, #tpu.memory_space<hbm>> -> memref<80xi32, #tpu.memory_space<hbm>>
    tpu.wait_dma2 semaphore(%arg32 : memref<!tpu.dma_semaphore, #tpu.memory_space<semaphore_mem>>) src(%dma_wait3A_151 : memref<80xi32, #tpu.memory_space<hbm>>) dst(%arg20 : memref<80xi32, #tpu.memory_space<vmem>>)
    %dma_start3A_152 = arith.constant 0 : i32
    %dma_start3A_153 = arith.constant 0 : i32
    %dma_start3A_154 = tpu.memref_slice %arg2[%dma_start3A_152, %dma_start3A_153] : memref<10000x128xf32, #tpu.memory_space<hbm>> -> memref<10000x128xf32, #tpu.memory_space<hbm>>
    tpu.enqueue_indirect_dma source(%dma_start3A_154 : memref<10000x128xf32, #tpu.memory_space<hbm>>) target(%arg24 : memref<80x128xf32, #tpu.memory_space<vmem>>) offsets(%arg12 : memref<80xi32, #tpu.memory_space<vmem>>) semaphore(%arg36 : memref<!tpu.dma_semaphore, #tpu.memory_space<semaphore_mem>>)
    %add3A_155 = arith.constant 9680 : i32
    %add3A_156 = arith.addi %mul3A_2, %add3A_155 : i32
    %dma_start3A_157 = tpu.memref_slice %arg3[%add3A_156] : memref<320000xi32, #tpu.memory_space<hbm>> -> memref<80xi32, #tpu.memory_space<hbm>>
    %dma_start3A_158 = tpu.memref_slice %arg3[%add3A_156] : memref<320000xi32, #tpu.memory_space<hbm>> -> memref<80xi32, #tpu.memory_space<hbm>>
    tpu.enqueue_dma source(%dma_start3A_158 : memref<80xi32, #tpu.memory_space<hbm>>) target(%arg8 : memref<80xi32, #tpu.memory_space<vmem>>) target_semaphore(%arg28 : memref<!tpu.dma_semaphore, #tpu.memory_space<semaphore_mem>>)
    %add3A_159 = arith.constant 9680 : i32
    %add3A_160 = arith.addi %mul3A_2, %add3A_159 : i32
    %dma_start3A_161 = tpu.memref_slice %arg4[%add3A_160] : memref<320000xi32, #tpu.memory_space<hbm>> -> memref<80xi32, #tpu.memory_space<hbm>>
    %dma_start3A_162 = tpu.memref_slice %arg4[%add3A_160] : memref<320000xi32, #tpu.memory_space<hbm>> -> memref<80xi32, #tpu.memory_space<hbm>>
    tpu.enqueue_dma source(%dma_start3A_162 : memref<80xi32, #tpu.memory_space<hbm>>) target(%arg16 : memref<80xi32, #tpu.memory_space<vmem>>) target_semaphore(%arg28 : memref<!tpu.dma_semaphore, #tpu.memory_space<semaphore_mem>>)
    %dma_wait3A_163 = arith.constant 0 : i32
    %dma_wait3A_164 = arith.constant 0 : i32
    %dma_wait3A_165 = tpu.memref_slice %arg2[%dma_wait3A_163, %dma_wait3A_164] : memref<10000x128xf32, #tpu.memory_space<hbm>> -> memref<10000x128xf32, #tpu.memory_space<hbm>>
    tpu.wait_indirect_dma semaphore(%arg37 : memref<!tpu.dma_semaphore, #tpu.memory_space<semaphore_mem>>) src(%dma_wait3A_165 : memref<10000x128xf32, #tpu.memory_space<hbm>>) dst(%arg25 : memref<80x128xf32, #tpu.memory_space<vmem>>)
    %dma_start3A_166 = arith.constant 0 : i32
    %dma_start3A_167 = arith.constant 0 : i32
    %dma_start3A_168 = tpu.memref_slice %arg6[%dma_start3A_166, %dma_start3A_167] : memref<10000x128xf32, #tpu.memory_space<vmem_shared>> -> memref<10000x128xf32, #tpu.memory_space<vmem_shared>>
    tpu.enqueue_indirect_dma source(%arg25 : memref<80x128xf32, #tpu.memory_space<vmem>>) target(%dma_start3A_168 : memref<10000x128xf32, #tpu.memory_space<vmem_shared>>) offsets(%arg17 : memref<80xi32, #tpu.memory_space<vmem>>) semaphore(%arg41 : memref<!tpu.dma_semaphore, #tpu.memory_space<semaphore_mem>>) {add = true}
    %dma_wait3A_169 = arith.constant 0 : i32
    %dma_wait3A_170 = arith.constant 0 : i32
    %dma_wait3A_171 = tpu.memref_slice %arg6[%dma_wait3A_169, %dma_wait3A_170] : memref<10000x128xf32, #tpu.memory_space<vmem_shared>> -> memref<10000x128xf32, #tpu.memory_space<vmem_shared>>
    tpu.wait_indirect_dma semaphore(%arg41 : memref<!tpu.dma_semaphore, #tpu.memory_space<semaphore_mem>>) src(%arg25 : memref<80x128xf32, #tpu.memory_space<vmem>>) dst(%dma_wait3A_171 : memref<10000x128xf32, #tpu.memory_space<vmem_shared>>)
    %dma_wait3A_172 = tpu.memref_slice %arg3[%mul3A_2] : memref<320000xi32, #tpu.memory_space<hbm>> -> memref<80xi32, #tpu.memory_space<hbm>>
    %dma_wait3A_173 = tpu.memref_slice %arg3[%mul3A_2] : memref<320000xi32, #tpu.memory_space<hbm>> -> memref<80xi32, #tpu.memory_space<hbm>>
    tpu.wait_dma2 semaphore(%arg33 : memref<!tpu.dma_semaphore, #tpu.memory_space<semaphore_mem>>) src(%dma_wait3A_173 : memref<80xi32, #tpu.memory_space<hbm>>) dst(%arg13 : memref<80xi32, #tpu.memory_space<vmem>>)
    %dma_wait3A_174 = tpu.memref_slice %arg4[%mul3A_2] : memref<320000xi32, #tpu.memory_space<hbm>> -> memref<80xi32, #tpu.memory_space<hbm>>
    %dma_wait3A_175 = tpu.memref_slice %arg4[%mul3A_2] : memref<320000xi32, #tpu.memory_space<hbm>> -> memref<80xi32, #tpu.memory_space<hbm>>
    tpu.wait_dma2 semaphore(%arg33 : memref<!tpu.dma_semaphore, #tpu.memory_space<semaphore_mem>>) src(%dma_wait3A_175 : memref<80xi32, #tpu.memory_space<hbm>>) dst(%arg21 : memref<80xi32, #tpu.memory_space<vmem>>)
    %dma_start3A_176 = arith.constant 0 : i32
    %dma_start3A_177 = arith.constant 0 : i32
    %dma_start3A_178 = tpu.memref_slice %arg2[%dma_start3A_176, %dma_start3A_177] : memref<10000x128xf32, #tpu.memory_space<hbm>> -> memref<10000x128xf32, #tpu.memory_space<hbm>>
    tpu.enqueue_indirect_dma source(%dma_start3A_178 : memref<10000x128xf32, #tpu.memory_space<hbm>>) target(%arg25 : memref<80x128xf32, #tpu.memory_space<vmem>>) offsets(%arg13 : memref<80xi32, #tpu.memory_space<vmem>>) semaphore(%arg37 : memref<!tpu.dma_semaphore, #tpu.memory_space<semaphore_mem>>)
    %add3A_179 = arith.constant 9760 : i32
    %add3A_180 = arith.addi %mul3A_2, %add3A_179 : i32
    %dma_start3A_181 = tpu.memref_slice %arg3[%add3A_180] : memref<320000xi32, #tpu.memory_space<hbm>> -> memref<80xi32, #tpu.memory_space<hbm>>
    %dma_start3A_182 = tpu.memref_slice %arg3[%add3A_180] : memref<320000xi32, #tpu.memory_space<hbm>> -> memref<80xi32, #tpu.memory_space<hbm>>
    tpu.enqueue_dma source(%dma_start3A_182 : memref<80xi32, #tpu.memory_space<hbm>>) target(%arg9 : memref<80xi32, #tpu.memory_space<vmem>>) target_semaphore(%arg29 : memref<!tpu.dma_semaphore, #tpu.memory_space<semaphore_mem>>)
    %add3A_183 = arith.constant 9760 : i32
    %add3A_184 = arith.addi %mul3A_2, %add3A_183 : i32
    %dma_start3A_185 = tpu.memref_slice %arg4[%add3A_184] : memref<320000xi32, #tpu.memory_space<hbm>> -> memref<80xi32, #tpu.memory_space<hbm>>
    %dma_start3A_186 = tpu.memref_slice %arg4[%add3A_184] : memref<320000xi32, #tpu.memory_space<hbm>> -> memref<80xi32, #tpu.memory_space<hbm>>
    tpu.enqueue_dma source(%dma_start3A_186 : memref<80xi32, #tpu.memory_space<hbm>>) target(%arg17 : memref<80xi32, #tpu.memory_space<vmem>>) target_semaphore(%arg29 : memref<!tpu.dma_semaphore, #tpu.memory_space<semaphore_mem>>)
    %dma_wait3A_187 = arith.constant 0 : i32
    %dma_wait3A_188 = arith.constant 0 : i32
    %dma_wait3A_189 = tpu.memref_slice %arg2[%dma_wait3A_187, %dma_wait3A_188] : memref<10000x128xf32, #tpu.memory_space<hbm>> -> memref<10000x128xf32, #tpu.memory_space<hbm>>
    tpu.wait_indirect_dma semaphore(%arg38 : memref<!tpu.dma_semaphore, #tpu.memory_space<semaphore_mem>>) src(%dma_wait3A_189 : memref<10000x128xf32, #tpu.memory_space<hbm>>) dst(%arg26 : memref<80x128xf32, #tpu.memory_space<vmem>>)
    %dma_start3A_190 = arith.constant 0 : i32
    %dma_start3A_191 = arith.constant 0 : i32
    %dma_start3A_192 = tpu.memref_slice %arg6[%dma_start3A_190, %dma_start3A_191] : memref<10000x128xf32, #tpu.memory_space<vmem_shared>> -> memref<10000x128xf32, #tpu.memory_space<vmem_shared>>
    tpu.enqueue_indirect_dma source(%arg26 : memref<80x128xf32, #tpu.memory_space<vmem>>) target(%dma_start3A_192 : memref<10000x128xf32, #tpu.memory_space<vmem_shared>>) offsets(%arg18 : memref<80xi32, #tpu.memory_space<vmem>>) semaphore(%arg42 : memref<!tpu.dma_semaphore, #tpu.memory_space<semaphore_mem>>) {add = true}
    %dma_wait3A_193 = arith.constant 0 : i32
    %dma_wait3A_194 = arith.constant 0 : i32
    %dma_wait3A_195 = tpu.memref_slice %arg6[%dma_wait3A_193, %dma_wait3A_194] : memref<10000x128xf32, #tpu.memory_space<vmem_shared>> -> memref<10000x128xf32, #tpu.memory_space<vmem_shared>>
    tpu.wait_indirect_dma semaphore(%arg42 : memref<!tpu.dma_semaphore, #tpu.memory_space<semaphore_mem>>) src(%arg26 : memref<80x128xf32, #tpu.memory_space<vmem>>) dst(%dma_wait3A_195 : memref<10000x128xf32, #tpu.memory_space<vmem_shared>>)
    %dma_wait3A_196 = tpu.memref_slice %arg3[%mul3A_2] : memref<320000xi32, #tpu.memory_space<hbm>> -> memref<80xi32, #tpu.memory_space<hbm>>
    %dma_wait3A_197 = tpu.memref_slice %arg3[%mul3A_2] : memref<320000xi32, #tpu.memory_space<hbm>> -> memref<80xi32, #tpu.memory_space<hbm>>
    tpu.wait_dma2 semaphore(%arg34 : memref<!tpu.dma_semaphore, #tpu.memory_space<semaphore_mem>>) src(%dma_wait3A_197 : memref<80xi32, #tpu.memory_space<hbm>>) dst(%arg14 : memref<80xi32, #tpu.memory_space<vmem>>)
    %dma_wait3A_198 = tpu.memref_slice %arg4[%mul3A_2] : memref<320000xi32, #tpu.memory_space<hbm>> -> memref<80xi32, #tpu.memory_space<hbm>>
    %dma_wait3A_199 = tpu.memref_slice %arg4[%mul3A_2] : memref<320000xi32, #tpu.memory_space<hbm>> -> memref<80xi32, #tpu.memory_space<hbm>>
    tpu.wait_dma2 semaphore(%arg34 : memref<!tpu.dma_semaphore, #tpu.memory_space<semaphore_mem>>) src(%dma_wait3A_199 : memref<80xi32, #tpu.memory_space<hbm>>) dst(%arg22 : memref<80xi32, #tpu.memory_space<vmem>>)
    %dma_start3A_200 = arith.constant 0 : i32
    %dma_start3A_201 = arith.constant 0 : i32
    %dma_start3A_202 = tpu.memref_slice %arg2[%dma_start3A_200, %dma_start3A_201] : memref<10000x128xf32, #tpu.memory_space<hbm>> -> memref<10000x128xf32, #tpu.memory_space<hbm>>
    tpu.enqueue_indirect_dma source(%dma_start3A_202 : memref<10000x128xf32, #tpu.memory_space<hbm>>) target(%arg26 : memref<80x128xf32, #tpu.memory_space<vmem>>) offsets(%arg14 : memref<80xi32, #tpu.memory_space<vmem>>) semaphore(%arg38 : memref<!tpu.dma_semaphore, #tpu.memory_space<semaphore_mem>>)
    %add3A_203 = arith.constant 9840 : i32
    %add3A_204 = arith.addi %mul3A_2, %add3A_203 : i32
    %dma_start3A_205 = tpu.memref_slice %arg3[%add3A_204] : memref<320000xi32, #tpu.memory_space<hbm>> -> memref<80xi32, #tpu.memory_space<hbm>>
    %dma_start3A_206 = tpu.memref_slice %arg3[%add3A_204] : memref<320000xi32, #tpu.memory_space<hbm>> -> memref<80xi32, #tpu.memory_space<hbm>>
    tpu.enqueue_dma source(%dma_start3A_206 : memref<80xi32, #tpu.memory_space<hbm>>) target(%arg10 : memref<80xi32, #tpu.memory_space<vmem>>) target_semaphore(%arg30 : memref<!tpu.dma_semaphore, #tpu.memory_space<semaphore_mem>>)
    %add3A_207 = arith.constant 9840 : i32
    %add3A_208 = arith.addi %mul3A_2, %add3A_207 : i32
    %dma_start3A_209 = tpu.memref_slice %arg4[%add3A_208] : memref<320000xi32, #tpu.memory_space<hbm>> -> memref<80xi32, #tpu.memory_space<hbm>>
    %dma_start3A_210 = tpu.memref_slice %arg4[%add3A_208] : memref<320000xi32, #tpu.memory_space<hbm>> -> memref<80xi32, #tpu.memory_space<hbm>>
    tpu.enqueue_dma source(%dma_start3A_210 : memref<80xi32, #tpu.memory_space<hbm>>) target(%arg18 : memref<80xi32, #tpu.memory_space<vmem>>) target_semaphore(%arg30 : memref<!tpu.dma_semaphore, #tpu.memory_space<semaphore_mem>>)
    %dma_wait3A_211 = arith.constant 0 : i32
    %dma_wait3A_212 = arith.constant 0 : i32
    %dma_wait3A_213 = tpu.memref_slice %arg2[%dma_wait3A_211, %dma_wait3A_212] : memref<10000x128xf32, #tpu.memory_space<hbm>> -> memref<10000x128xf32, #tpu.memory_space<hbm>>
    tpu.wait_indirect_dma semaphore(%arg35 : memref<!tpu.dma_semaphore, #tpu.memory_space<semaphore_mem>>) src(%dma_wait3A_213 : memref<10000x128xf32, #tpu.memory_space<hbm>>) dst(%arg23 : memref<80x128xf32, #tpu.memory_space<vmem>>)
    %dma_start3A_214 = arith.constant 0 : i32
    %dma_start3A_215 = arith.constant 0 : i32
    %dma_start3A_216 = tpu.memref_slice %arg6[%dma_start3A_214, %dma_start3A_215] : memref<10000x128xf32, #tpu.memory_space<vmem_shared>> -> memref<10000x128xf32, #tpu.memory_space<vmem_shared>>
    tpu.enqueue_indirect_dma source(%arg23 : memref<80x128xf32, #tpu.memory_space<vmem>>) target(%dma_start3A_216 : memref<10000x128xf32, #tpu.memory_space<vmem_shared>>) offsets(%arg19 : memref<80xi32, #tpu.memory_space<vmem>>) semaphore(%arg39 : memref<!tpu.dma_semaphore, #tpu.memory_space<semaphore_mem>>) {add = true}
    %dma_wait3A_217 = arith.constant 0 : i32
    %dma_wait3A_218 = arith.constant 0 : i32
    %dma_wait3A_219 = tpu.memref_slice %arg6[%dma_wait3A_217, %dma_wait3A_218] : memref<10000x128xf32, #tpu.memory_space<vmem_shared>> -> memref<10000x128xf32, #tpu.memory_space<vmem_shared>>
    tpu.wait_indirect_dma semaphore(%arg39 : memref<!tpu.dma_semaphore, #tpu.memory_space<semaphore_mem>>) src(%arg23 : memref<80x128xf32, #tpu.memory_space<vmem>>) dst(%dma_wait3A_219 : memref<10000x128xf32, #tpu.memory_space<vmem_shared>>)
    %dma_wait3A_220 = tpu.memref_slice %arg3[%mul3A_2] : memref<320000xi32, #tpu.memory_space<hbm>> -> memref<80xi32, #tpu.memory_space<hbm>>
    %dma_wait3A_221 = tpu.memref_slice %arg3[%mul3A_2] : memref<320000xi32, #tpu.memory_space<hbm>> -> memref<80xi32, #tpu.memory_space<hbm>>
    tpu.wait_dma2 semaphore(%arg27 : memref<!tpu.dma_semaphore, #tpu.memory_space<semaphore_mem>>) src(%dma_wait3A_221 : memref<80xi32, #tpu.memory_space<hbm>>) dst(%arg7 : memref<80xi32, #tpu.memory_space<vmem>>)
    %dma_wait3A_222 = tpu.memref_slice %arg4[%mul3A_2] : memref<320000xi32, #tpu.memory_space<hbm>> -> memref<80xi32, #tpu.memory_space<hbm>>
    %dma_wait3A_223 = tpu.memref_slice %arg4[%mul3A_2] : memref<320000xi32, #tpu.memory_space<hbm>> -> memref<80xi32, #tpu.memory_space<hbm>>
    tpu.wait_dma2 semaphore(%arg27 : memref<!tpu.dma_semaphore, #tpu.memory_space<semaphore_mem>>) src(%dma_wait3A_223 : memref<80xi32, #tpu.memory_space<hbm>>) dst(%arg15 : memref<80xi32, #tpu.memory_space<vmem>>)
    %dma_start3A_224 = arith.constant 0 : i32
    %dma_start3A_225 = arith.constant 0 : i32
    %dma_start3A_226 = tpu.memref_slice %arg2[%dma_start3A_224, %dma_start3A_225] : memref<10000x128xf32, #tpu.memory_space<hbm>> -> memref<10000x128xf32, #tpu.memory_space<hbm>>
    tpu.enqueue_indirect_dma source(%dma_start3A_226 : memref<10000x128xf32, #tpu.memory_space<hbm>>) target(%arg23 : memref<80x128xf32, #tpu.memory_space<vmem>>) offsets(%arg7 : memref<80xi32, #tpu.memory_space<vmem>>) semaphore(%arg35 : memref<!tpu.dma_semaphore, #tpu.memory_space<semaphore_mem>>)
    %add3A_227 = arith.constant 9920 : i32
    %add3A_228 = arith.addi %mul3A_2, %add3A_227 : i32
    %dma_start3A_229 = tpu.memref_slice %arg3[%add3A_228] : memref<320000xi32, #tpu.memory_space<hbm>> -> memref<80xi32, #tpu.memory_space<hbm>>
    %dma_start3A_230 = tpu.memref_slice %arg3[%add3A_228] : memref<320000xi32, #tpu.memory_space<hbm>> -> memref<80xi32, #tpu.memory_space<hbm>>
    tpu.enqueue_dma source(%dma_start3A_230 : memref<80xi32, #tpu.memory_space<hbm>>) target(%arg11 : memref<80xi32, #tpu.memory_space<vmem>>) target_semaphore(%arg31 : memref<!tpu.dma_semaphore, #tpu.memory_space<semaphore_mem>>)
    %add3A_231 = arith.constant 9920 : i32
    %add3A_232 = arith.addi %mul3A_2, %add3A_231 : i32
    %dma_start3A_233 = tpu.memref_slice %arg4[%add3A_232] : memref<320000xi32, #tpu.memory_space<hbm>> -> memref<80xi32, #tpu.memory_space<hbm>>
    %dma_start3A_234 = tpu.memref_slice %arg4[%add3A_232] : memref<320000xi32, #tpu.memory_space<hbm>> -> memref<80xi32, #tpu.memory_space<hbm>>
    tpu.enqueue_dma source(%dma_start3A_234 : memref<80xi32, #tpu.memory_space<hbm>>) target(%arg19 : memref<80xi32, #tpu.memory_space<vmem>>) target_semaphore(%arg31 : memref<!tpu.dma_semaphore, #tpu.memory_space<semaphore_mem>>)
    %dma_wait3A_235 = arith.constant 0 : i32
    %dma_wait3A_236 = arith.constant 0 : i32
    %dma_wait3A_237 = tpu.memref_slice %arg2[%dma_wait3A_235, %dma_wait3A_236] : memref<10000x128xf32, #tpu.memory_space<hbm>> -> memref<10000x128xf32, #tpu.memory_space<hbm>>
    tpu.wait_indirect_dma semaphore(%arg36 : memref<!tpu.dma_semaphore, #tpu.memory_space<semaphore_mem>>) src(%dma_wait3A_237 : memref<10000x128xf32, #tpu.memory_space<hbm>>) dst(%arg24 : memref<80x128xf32, #tpu.memory_space<vmem>>)
    %dma_start3A_238 = arith.constant 0 : i32
    %dma_start3A_239 = arith.constant 0 : i32
    %dma_start3A_240 = tpu.memref_slice %arg6[%dma_start3A_238, %dma_start3A_239] : memref<10000x128xf32, #tpu.memory_space<vmem_shared>> -> memref<10000x128xf32, #tpu.memory_space<vmem_shared>>
    tpu.enqueue_indirect_dma source(%arg24 : memref<80x128xf32, #tpu.memory_space<vmem>>) target(%dma_start3A_240 : memref<10000x128xf32, #tpu.memory_space<vmem_shared>>) offsets(%arg20 : memref<80xi32, #tpu.memory_space<vmem>>) semaphore(%arg40 : memref<!tpu.dma_semaphore, #tpu.memory_space<semaphore_mem>>) {add = true}
    %dma_wait3A_241 = arith.constant 0 : i32
    %dma_wait3A_242 = arith.constant 0 : i32
    %dma_wait3A_243 = tpu.memref_slice %arg6[%dma_wait3A_241, %dma_wait3A_242] : memref<10000x128xf32, #tpu.memory_space<vmem_shared>> -> memref<10000x128xf32, #tpu.memory_space<vmem_shared>>
    tpu.wait_indirect_dma semaphore(%arg40 : memref<!tpu.dma_semaphore, #tpu.memory_space<semaphore_mem>>) src(%arg24 : memref<80x128xf32, #tpu.memory_space<vmem>>) dst(%dma_wait3A_243 : memref<10000x128xf32, #tpu.memory_space<vmem_shared>>)
    %dma_wait3A_244 = tpu.memref_slice %arg3[%mul3A_2] : memref<320000xi32, #tpu.memory_space<hbm>> -> memref<80xi32, #tpu.memory_space<hbm>>
    %dma_wait3A_245 = tpu.memref_slice %arg3[%mul3A_2] : memref<320000xi32, #tpu.memory_space<hbm>> -> memref<80xi32, #tpu.memory_space<hbm>>
    tpu.wait_dma2 semaphore(%arg28 : memref<!tpu.dma_semaphore, #tpu.memory_space<semaphore_mem>>) src(%dma_wait3A_245 : memref<80xi32, #tpu.memory_space<hbm>>) dst(%arg8 : memref<80xi32, #tpu.memory_space<vmem>>)
    %dma_wait3A_246 = tpu.memref_slice %arg4[%mul3A_2] : memref<320000xi32, #tpu.memory_space<hbm>> -> memref<80xi32, #tpu.memory_space<hbm>>
    %dma_wait3A_247 = tpu.memref_slice %arg4[%mul3A_2] : memref<320000xi32, #tpu.memory_space<hbm>> -> memref<80xi32, #tpu.memory_space<hbm>>
    tpu.wait_dma2 semaphore(%arg28 : memref<!tpu.dma_semaphore, #tpu.memory_space<semaphore_mem>>) src(%dma_wait3A_247 : memref<80xi32, #tpu.memory_space<hbm>>) dst(%arg16 : memref<80xi32, #tpu.memory_space<vmem>>)
    %dma_start3A_248 = arith.constant 0 : i32
    %dma_start3A_249 = arith.constant 0 : i32
    %dma_start3A_250 = tpu.memref_slice %arg2[%dma_start3A_248, %dma_start3A_249] : memref<10000x128xf32, #tpu.memory_space<hbm>> -> memref<10000x128xf32, #tpu.memory_space<hbm>>
    tpu.enqueue_indirect_dma source(%dma_start3A_250 : memref<10000x128xf32, #tpu.memory_space<hbm>>) target(%arg24 : memref<80x128xf32, #tpu.memory_space<vmem>>) offsets(%arg8 : memref<80xi32, #tpu.memory_space<vmem>>) semaphore(%arg36 : memref<!tpu.dma_semaphore, #tpu.memory_space<semaphore_mem>>)
    %dma_wait3A_251 = arith.constant 0 : i32
    %dma_wait3A_252 = arith.constant 0 : i32
    %dma_wait3A_253 = tpu.memref_slice %arg2[%dma_wait3A_251, %dma_wait3A_252] : memref<10000x128xf32, #tpu.memory_space<hbm>> -> memref<10000x128xf32, #tpu.memory_space<hbm>>
    tpu.wait_indirect_dma semaphore(%arg37 : memref<!tpu.dma_semaphore, #tpu.memory_space<semaphore_mem>>) src(%dma_wait3A_253 : memref<10000x128xf32, #tpu.memory_space<hbm>>) dst(%arg25 : memref<80x128xf32, #tpu.memory_space<vmem>>)
    %dma_start3A_254 = arith.constant 0 : i32
    %dma_start3A_255 = arith.constant 0 : i32
    %dma_start3A_256 = tpu.memref_slice %arg6[%dma_start3A_254, %dma_start3A_255] : memref<10000x128xf32, #tpu.memory_space<vmem_shared>> -> memref<10000x128xf32, #tpu.memory_space<vmem_shared>>
    tpu.enqueue_indirect_dma source(%arg25 : memref<80x128xf32, #tpu.memory_space<vmem>>) target(%dma_start3A_256 : memref<10000x128xf32, #tpu.memory_space<vmem_shared>>) offsets(%arg21 : memref<80xi32, #tpu.memory_space<vmem>>) semaphore(%arg41 : memref<!tpu.dma_semaphore, #tpu.memory_space<semaphore_mem>>) {add = true}
    %dma_wait3A_257 = arith.constant 0 : i32
    %dma_wait3A_258 = arith.constant 0 : i32
    %dma_wait3A_259 = tpu.memref_slice %arg6[%dma_wait3A_257, %dma_wait3A_258] : memref<10000x128xf32, #tpu.memory_space<vmem_shared>> -> memref<10000x128xf32, #tpu.memory_space<vmem_shared>>
    tpu.wait_indirect_dma semaphore(%arg41 : memref<!tpu.dma_semaphore, #tpu.memory_space<semaphore_mem>>) src(%arg25 : memref<80x128xf32, #tpu.memory_space<vmem>>) dst(%dma_wait3A_259 : memref<10000x128xf32, #tpu.memory_space<vmem_shared>>)
    %dma_wait3A_260 = tpu.memref_slice %arg3[%mul3A_2] : memref<320000xi32, #tpu.memory_space<hbm>> -> memref<80xi32, #tpu.memory_space<hbm>>
    %dma_wait3A_261 = tpu.memref_slice %arg3[%mul3A_2] : memref<320000xi32, #tpu.memory_space<hbm>> -> memref<80xi32, #tpu.memory_space<hbm>>
    tpu.wait_dma2 semaphore(%arg29 : memref<!tpu.dma_semaphore, #tpu.memory_space<semaphore_mem>>) src(%dma_wait3A_261 : memref<80xi32, #tpu.memory_space<hbm>>) dst(%arg9 : memref<80xi32, #tpu.memory_space<vmem>>)
    %dma_wait3A_262 = tpu.memref_slice %arg4[%mul3A_2] : memref<320000xi32, #tpu.memory_space<hbm>> -> memref<80xi32, #tpu.memory_space<hbm>>
    %dma_wait3A_263 = tpu.memref_slice %arg4[%mul3A_2] : memref<320000xi32, #tpu.memory_space<hbm>> -> memref<80xi32, #tpu.memory_space<hbm>>
    tpu.wait_dma2 semaphore(%arg29 : memref<!tpu.dma_semaphore, #tpu.memory_space<semaphore_mem>>) src(%dma_wait3A_263 : memref<80xi32, #tpu.memory_space<hbm>>) dst(%arg17 : memref<80xi32, #tpu.memory_space<vmem>>)
    %dma_start3A_264 = arith.constant 0 : i32
    %dma_start3A_265 = arith.constant 0 : i32
    %dma_start3A_266 = tpu.memref_slice %arg2[%dma_start3A_264, %dma_start3A_265] : memref<10000x128xf32, #tpu.memory_space<hbm>> -> memref<10000x128xf32, #tpu.memory_space<hbm>>
    tpu.enqueue_indirect_dma source(%dma_start3A_266 : memref<10000x128xf32, #tpu.memory_space<hbm>>) target(%arg25 : memref<80x128xf32, #tpu.memory_space<vmem>>) offsets(%arg9 : memref<80xi32, #tpu.memory_space<vmem>>) semaphore(%arg37 : memref<!tpu.dma_semaphore, #tpu.memory_space<semaphore_mem>>)
    %dma_wait3A_267 = arith.constant 0 : i32
    %dma_wait3A_268 = arith.constant 0 : i32
    %dma_wait3A_269 = tpu.memref_slice %arg2[%dma_wait3A_267, %dma_wait3A_268] : memref<10000x128xf32, #tpu.memory_space<hbm>> -> memref<10000x128xf32, #tpu.memory_space<hbm>>
    tpu.wait_indirect_dma semaphore(%arg38 : memref<!tpu.dma_semaphore, #tpu.memory_space<semaphore_mem>>) src(%dma_wait3A_269 : memref<10000x128xf32, #tpu.memory_space<hbm>>) dst(%arg26 : memref<80x128xf32, #tpu.memory_space<vmem>>)
    %dma_start3A_270 = arith.constant 0 : i32
    %dma_start3A_271 = arith.constant 0 : i32
    %dma_start3A_272 = tpu.memref_slice %arg6[%dma_start3A_270, %dma_start3A_271] : memref<10000x128xf32, #tpu.memory_space<vmem_shared>> -> memref<10000x128xf32, #tpu.memory_space<vmem_shared>>
    tpu.enqueue_indirect_dma source(%arg26 : memref<80x128xf32, #tpu.memory_space<vmem>>) target(%dma_start3A_272 : memref<10000x128xf32, #tpu.memory_space<vmem_shared>>) offsets(%arg22 : memref<80xi32, #tpu.memory_space<vmem>>) semaphore(%arg42 : memref<!tpu.dma_semaphore, #tpu.memory_space<semaphore_mem>>) {add = true}
    %dma_wait3A_273 = arith.constant 0 : i32
    %dma_wait3A_274 = arith.constant 0 : i32
    %dma_wait3A_275 = tpu.memref_slice %arg6[%dma_wait3A_273, %dma_wait3A_274] : memref<10000x128xf32, #tpu.memory_space<vmem_shared>> -> memref<10000x128xf32, #tpu.memory_space<vmem_shared>>
    tpu.wait_indirect_dma semaphore(%arg42 : memref<!tpu.dma_semaphore, #tpu.memory_space<semaphore_mem>>) src(%arg26 : memref<80x128xf32, #tpu.memory_space<vmem>>) dst(%dma_wait3A_275 : memref<10000x128xf32, #tpu.memory_space<vmem_shared>>)
    %dma_wait3A_276 = tpu.memref_slice %arg3[%mul3A_2] : memref<320000xi32, #tpu.memory_space<hbm>> -> memref<80xi32, #tpu.memory_space<hbm>>
    %dma_wait3A_277 = tpu.memref_slice %arg3[%mul3A_2] : memref<320000xi32, #tpu.memory_space<hbm>> -> memref<80xi32, #tpu.memory_space<hbm>>
    tpu.wait_dma2 semaphore(%arg30 : memref<!tpu.dma_semaphore, #tpu.memory_space<semaphore_mem>>) src(%dma_wait3A_277 : memref<80xi32, #tpu.memory_space<hbm>>) dst(%arg10 : memref<80xi32, #tpu.memory_space<vmem>>)
    %dma_wait3A_278 = tpu.memref_slice %arg4[%mul3A_2] : memref<320000xi32, #tpu.memory_space<hbm>> -> memref<80xi32, #tpu.memory_space<hbm>>
    %dma_wait3A_279 = tpu.memref_slice %arg4[%mul3A_2] : memref<320000xi32, #tpu.memory_space<hbm>> -> memref<80xi32, #tpu.memory_space<hbm>>
    tpu.wait_dma2 semaphore(%arg30 : memref<!tpu.dma_semaphore, #tpu.memory_space<semaphore_mem>>) src(%dma_wait3A_279 : memref<80xi32, #tpu.memory_space<hbm>>) dst(%arg18 : memref<80xi32, #tpu.memory_space<vmem>>)
    %dma_start3A_280 = arith.constant 0 : i32
    %dma_start3A_281 = arith.constant 0 : i32
    %dma_start3A_282 = tpu.memref_slice %arg2[%dma_start3A_280, %dma_start3A_281] : memref<10000x128xf32, #tpu.memory_space<hbm>> -> memref<10000x128xf32, #tpu.memory_space<hbm>>
    tpu.enqueue_indirect_dma source(%dma_start3A_282 : memref<10000x128xf32, #tpu.memory_space<hbm>>) target(%arg26 : memref<80x128xf32, #tpu.memory_space<vmem>>) offsets(%arg10 : memref<80xi32, #tpu.memory_space<vmem>>) semaphore(%arg38 : memref<!tpu.dma_semaphore, #tpu.memory_space<semaphore_mem>>)
    %dma_wait3A_283 = arith.constant 0 : i32
    %dma_wait3A_284 = arith.constant 0 : i32
    %dma_wait3A_285 = tpu.memref_slice %arg2[%dma_wait3A_283, %dma_wait3A_284] : memref<10000x128xf32, #tpu.memory_space<hbm>> -> memref<10000x128xf32, #tpu.memory_space<hbm>>
    tpu.wait_indirect_dma semaphore(%arg35 : memref<!tpu.dma_semaphore, #tpu.memory_space<semaphore_mem>>) src(%dma_wait3A_285 : memref<10000x128xf32, #tpu.memory_space<hbm>>) dst(%arg23 : memref<80x128xf32, #tpu.memory_space<vmem>>)
    %dma_start3A_286 = arith.constant 0 : i32
    %dma_start3A_287 = arith.constant 0 : i32
    %dma_start3A_288 = tpu.memref_slice %arg6[%dma_start3A_286, %dma_start3A_287] : memref<10000x128xf32, #tpu.memory_space<vmem_shared>> -> memref<10000x128xf32, #tpu.memory_space<vmem_shared>>
    tpu.enqueue_indirect_dma source(%arg23 : memref<80x128xf32, #tpu.memory_space<vmem>>) target(%dma_start3A_288 : memref<10000x128xf32, #tpu.memory_space<vmem_shared>>) offsets(%arg15 : memref<80xi32, #tpu.memory_space<vmem>>) semaphore(%arg39 : memref<!tpu.dma_semaphore, #tpu.memory_space<semaphore_mem>>) {add = true}
    %dma_wait3A_289 = arith.constant 0 : i32
    %dma_wait3A_290 = arith.constant 0 : i32
    %dma_wait3A_291 = tpu.memref_slice %arg6[%dma_wait3A_289, %dma_wait3A_290] : memref<10000x128xf32, #tpu.memory_space<vmem_shared>> -> memref<10000x128xf32, #tpu.memory_space<vmem_shared>>
    tpu.wait_indirect_dma semaphore(%arg39 : memref<!tpu.dma_semaphore, #tpu.memory_space<semaphore_mem>>) src(%arg23 : memref<80x128xf32, #tpu.memory_space<vmem>>) dst(%dma_wait3A_291 : memref<10000x128xf32, #tpu.memory_space<vmem_shared>>)
    %dma_wait3A_292 = tpu.memref_slice %arg3[%mul3A_2] : memref<320000xi32, #tpu.memory_space<hbm>> -> memref<80xi32, #tpu.memory_space<hbm>>
    %dma_wait3A_293 = tpu.memref_slice %arg3[%mul3A_2] : memref<320000xi32, #tpu.memory_space<hbm>> -> memref<80xi32, #tpu.memory_space<hbm>>
    tpu.wait_dma2 semaphore(%arg31 : memref<!tpu.dma_semaphore, #tpu.memory_space<semaphore_mem>>) src(%dma_wait3A_293 : memref<80xi32, #tpu.memory_space<hbm>>) dst(%arg11 : memref<80xi32, #tpu.memory_space<vmem>>)
    %dma_wait3A_294 = tpu.memref_slice %arg4[%mul3A_2] : memref<320000xi32, #tpu.memory_space<hbm>> -> memref<80xi32, #tpu.memory_space<hbm>>
    %dma_wait3A_295 = tpu.memref_slice %arg4[%mul3A_2] : memref<320000xi32, #tpu.memory_space<hbm>> -> memref<80xi32, #tpu.memory_space<hbm>>
    tpu.wait_dma2 semaphore(%arg31 : memref<!tpu.dma_semaphore, #tpu.memory_space<semaphore_mem>>) src(%dma_wait3A_295 : memref<80xi32, #tpu.memory_space<hbm>>) dst(%arg19 : memref<80xi32, #tpu.memory_space<vmem>>)
    %dma_start3A_296 = arith.constant 0 : i32
    %dma_start3A_297 = arith.constant 0 : i32
    %dma_start3A_298 = tpu.memref_slice %arg2[%dma_start3A_296, %dma_start3A_297] : memref<10000x128xf32, #tpu.memory_space<hbm>> -> memref<10000x128xf32, #tpu.memory_space<hbm>>
    tpu.enqueue_indirect_dma source(%dma_start3A_298 : memref<10000x128xf32, #tpu.memory_space<hbm>>) target(%arg23 : memref<80x128xf32, #tpu.memory_space<vmem>>) offsets(%arg11 : memref<80xi32, #tpu.memory_space<vmem>>) semaphore(%arg35 : memref<!tpu.dma_semaphore, #tpu.memory_space<semaphore_mem>>)
    %dma_wait3A_299 = arith.constant 0 : i32
    %dma_wait3A_300 = arith.constant 0 : i32
    %dma_wait3A_301 = tpu.memref_slice %arg2[%dma_wait3A_299, %dma_wait3A_300] : memref<10000x128xf32, #tpu.memory_space<hbm>> -> memref<10000x128xf32, #tpu.memory_space<hbm>>
    tpu.wait_indirect_dma semaphore(%arg36 : memref<!tpu.dma_semaphore, #tpu.memory_space<semaphore_mem>>) src(%dma_wait3A_301 : memref<10000x128xf32, #tpu.memory_space<hbm>>) dst(%arg24 : memref<80x128xf32, #tpu.memory_space<vmem>>)
    %dma_start3A_302 = arith.constant 0 : i32
    %dma_start3A_303 = arith.constant 0 : i32
    %dma_start3A_304 = tpu.memref_slice %arg6[%dma_start3A_302, %dma_start3A_303] : memref<10000x128xf32, #tpu.memory_space<vmem_shared>> -> memref<10000x128xf32, #tpu.memory_space<vmem_shared>>
    tpu.enqueue_indirect_dma source(%arg24 : memref<80x128xf32, #tpu.memory_space<vmem>>) target(%dma_start3A_304 : memref<10000x128xf32, #tpu.memory_space<vmem_shared>>) offsets(%arg16 : memref<80xi32, #tpu.memory_space<vmem>>) semaphore(%arg40 : memref<!tpu.dma_semaphore, #tpu.memory_space<semaphore_mem>>) {add = true}
    %dma_wait3A_305 = arith.constant 0 : i32
    %dma_wait3A_306 = arith.constant 0 : i32
    %dma_wait3A_307 = tpu.memref_slice %arg2[%dma_wait3A_305, %dma_wait3A_306] : memref<10000x128xf32, #tpu.memory_space<hbm>> -> memref<10000x128xf32, #tpu.memory_space<hbm>>
    tpu.wait_indirect_dma semaphore(%arg37 : memref<!tpu.dma_semaphore, #tpu.memory_space<semaphore_mem>>) src(%dma_wait3A_307 : memref<10000x128xf32, #tpu.memory_space<hbm>>) dst(%arg25 : memref<80x128xf32, #tpu.memory_space<vmem>>)
    %dma_start3A_308 = arith.constant 0 : i32
    %dma_start3A_309 = arith.constant 0 : i32
    %dma_start3A_310 = tpu.memref_slice %arg6[%dma_start3A_308, %dma_start3A_309] : memref<10000x128xf32, #tpu.memory_space<vmem_shared>> -> memref<10000x128xf32, #tpu.memory_space<vmem_shared>>
    tpu.enqueue_indirect_dma source(%arg25 : memref<80x128xf32, #tpu.memory_space<vmem>>) target(%dma_start3A_310 : memref<10000x128xf32, #tpu.memory_space<vmem_shared>>) offsets(%arg17 : memref<80xi32, #tpu.memory_space<vmem>>) semaphore(%arg41 : memref<!tpu.dma_semaphore, #tpu.memory_space<semaphore_mem>>) {add = true}
    %dma_wait3A_311 = arith.constant 0 : i32
    %dma_wait3A_312 = arith.constant 0 : i32
    %dma_wait3A_313 = tpu.memref_slice %arg2[%dma_wait3A_311, %dma_wait3A_312] : memref<10000x128xf32, #tpu.memory_space<hbm>> -> memref<10000x128xf32, #tpu.memory_space<hbm>>
    tpu.wait_indirect_dma semaphore(%arg38 : memref<!tpu.dma_semaphore, #tpu.memory_space<semaphore_mem>>) src(%dma_wait3A_313 : memref<10000x128xf32, #tpu.memory_space<hbm>>) dst(%arg26 : memref<80x128xf32, #tpu.memory_space<vmem>>)
    %dma_start3A_314 = arith.constant 0 : i32
    %dma_start3A_315 = arith.constant 0 : i32
    %dma_start3A_316 = tpu.memref_slice %arg6[%dma_start3A_314, %dma_start3A_315] : memref<10000x128xf32, #tpu.memory_space<vmem_shared>> -> memref<10000x128xf32, #tpu.memory_space<vmem_shared>>
    tpu.enqueue_indirect_dma source(%arg26 : memref<80x128xf32, #tpu.memory_space<vmem>>) target(%dma_start3A_316 : memref<10000x128xf32, #tpu.memory_space<vmem_shared>>) offsets(%arg18 : memref<80xi32, #tpu.memory_space<vmem>>) semaphore(%arg42 : memref<!tpu.dma_semaphore, #tpu.memory_space<semaphore_mem>>) {add = true}
    %dma_wait3A_317 = arith.constant 0 : i32
    %dma_wait3A_318 = arith.constant 0 : i32
    %dma_wait3A_319 = tpu.memref_slice %arg2[%dma_wait3A_317, %dma_wait3A_318] : memref<10000x128xf32, #tpu.memory_space<hbm>> -> memref<10000x128xf32, #tpu.memory_space<hbm>>
    tpu.wait_indirect_dma semaphore(%arg35 : memref<!tpu.dma_semaphore, #tpu.memory_space<semaphore_mem>>) src(%dma_wait3A_319 : memref<10000x128xf32, #tpu.memory_space<hbm>>) dst(%arg23 : memref<80x128xf32, #tpu.memory_space<vmem>>)
    %dma_start3A_320 = arith.constant 0 : i32
    %dma_start3A_321 = arith.constant 0 : i32
    %dma_start3A_322 = tpu.memref_slice %arg6[%dma_start3A_320, %dma_start3A_321] : memref<10000x128xf32, #tpu.memory_space<vmem_shared>> -> memref<10000x128xf32, #tpu.memory_space<vmem_shared>>
    tpu.enqueue_indirect_dma source(%arg23 : memref<80x128xf32, #tpu.memory_space<vmem>>) target(%dma_start3A_322 : memref<10000x128xf32, #tpu.memory_space<vmem_shared>>) offsets(%arg19 : memref<80xi32, #tpu.memory_space<vmem>>) semaphore(%arg39 : memref<!tpu.dma_semaphore, #tpu.memory_space<semaphore_mem>>) {add = true}
    %dma_wait3A_323 = arith.constant 0 : i32
    %dma_wait3A_324 = arith.constant 0 : i32
    %dma_wait3A_325 = tpu.memref_slice %arg6[%dma_wait3A_323, %dma_wait3A_324] : memref<10000x128xf32, #tpu.memory_space<vmem_shared>> -> memref<10000x128xf32, #tpu.memory_space<vmem_shared>>
    tpu.wait_indirect_dma semaphore(%arg39 : memref<!tpu.dma_semaphore, #tpu.memory_space<semaphore_mem>>) src(%arg23 : memref<80x128xf32, #tpu.memory_space<vmem>>) dst(%dma_wait3A_325 : memref<10000x128xf32, #tpu.memory_space<vmem_shared>>)
    %dma_wait3A_326 = arith.constant 0 : i32
    %dma_wait3A_327 = arith.constant 0 : i32
    %dma_wait3A_328 = tpu.memref_slice %arg6[%dma_wait3A_326, %dma_wait3A_327] : memref<10000x128xf32, #tpu.memory_space<vmem_shared>> -> memref<10000x128xf32, #tpu.memory_space<vmem_shared>>
    tpu.wait_indirect_dma semaphore(%arg40 : memref<!tpu.dma_semaphore, #tpu.memory_space<semaphore_mem>>) src(%arg24 : memref<80x128xf32, #tpu.memory_space<vmem>>) dst(%dma_wait3A_328 : memref<10000x128xf32, #tpu.memory_space<vmem_shared>>)
    %dma_wait3A_329 = arith.constant 0 : i32
    %dma_wait3A_330 = arith.constant 0 : i32
    %dma_wait3A_331 = tpu.memref_slice %arg6[%dma_wait3A_329, %dma_wait3A_330] : memref<10000x128xf32, #tpu.memory_space<vmem_shared>> -> memref<10000x128xf32, #tpu.memory_space<vmem_shared>>
    tpu.wait_indirect_dma semaphore(%arg41 : memref<!tpu.dma_semaphore, #tpu.memory_space<semaphore_mem>>) src(%arg25 : memref<80x128xf32, #tpu.memory_space<vmem>>) dst(%dma_wait3A_331 : memref<10000x128xf32, #tpu.memory_space<vmem_shared>>)
    %dma_wait3A_332 = arith.constant 0 : i32
    %dma_wait3A_333 = arith.constant 0 : i32
    %dma_wait3A_334 = tpu.memref_slice %arg6[%dma_wait3A_332, %dma_wait3A_333] : memref<10000x128xf32, #tpu.memory_space<vmem_shared>> -> memref<10000x128xf32, #tpu.memory_space<vmem_shared>>
    tpu.wait_indirect_dma semaphore(%arg42 : memref<!tpu.dma_semaphore, #tpu.memory_space<semaphore_mem>>) src(%arg26 : memref<80x128xf32, #tpu.memory_space<vmem>>) dst(%dma_wait3A_334 : memref<10000x128xf32, #tpu.memory_space<vmem_shared>>)
    %barrier3A_335 = arith.constant 0 : index
    tpu.barrier barrier_id(%barrier3A_335)
    "tpu.region"() ({
      %run_scoped3A = tpu.sem_alloc : memref<!tpu.dma_semaphore, #tpu.memory_space<semaphore_mem>>
      %dma_start3A_336 = arith.constant 0 : i32
      %dma_start3A_337 = tpu.memref_slice %arg5[%arg0, %mul3A_4, %dma_start3A_336] : memref<2x10000x128xf32, #tpu.memory_space<hbm>> -> memref<1x640x128xf32, #tpu.memory_space<hbm>>
      %dma_start3A_338 = tpu.memref_squeeze %dma_start3A_337 : memref<1x640x128xf32, #tpu.memory_space<hbm>> -> memref<640x128xf32, #tpu.memory_space<hbm>>
      %dma_start3A_339 = arith.constant 0 : i32
      %dma_start3A_340 = tpu.memref_slice %arg6[%mul3A_4, %dma_start3A_339] : memref<10000x128xf32, #tpu.memory_space<vmem_shared>> -> memref<640x128xf32, #tpu.memory_space<vmem_shared>>
      tpu.enqueue_dma source(%dma_start3A_340 : memref<640x128xf32, #tpu.memory_space<vmem_shared>>) target(%dma_start3A_338 : memref<640x128xf32, #tpu.memory_space<hbm>>) target_semaphore(%run_scoped3A : memref<!tpu.dma_semaphore, #tpu.memory_space<semaphore_mem>>)
      %dma_wait3A_341 = arith.constant 0 : i32
      %dma_wait3A_342 = tpu.memref_slice %arg5[%arg0, %mul3A_4, %dma_wait3A_341] : memref<2x10000x128xf32, #tpu.memory_space<hbm>> -> memref<1x640x128xf32, #tpu.memory_space<hbm>>
      %dma_wait3A_343 = tpu.memref_squeeze %dma_wait3A_342 : memref<1x640x128xf32, #tpu.memory_space<hbm>> -> memref<640x128xf32, #tpu.memory_space<hbm>>
      %dma_wait3A_344 = arith.constant 0 : i32
      %dma_wait3A_345 = tpu.memref_slice %arg6[%mul3A_4, %dma_wait3A_344] : memref<10000x128xf32, #tpu.memory_space<vmem_shared>> -> memref<640x128xf32, #tpu.memory_space<vmem_shared>>
      tpu.wait_dma2 semaphore(%run_scoped3A : memref<!tpu.dma_semaphore, #tpu.memory_space<semaphore_mem>>) src(%dma_wait3A_345 : memref<640x128xf32, #tpu.memory_space<vmem_shared>>) dst(%dma_wait3A_343 : memref<640x128xf32, #tpu.memory_space<hbm>>)
      tpu.yield
    }) : () -> ()
    return
  }
}

#map = affine_map<(d0, d1) -> (0, 0, 0)>
module attributes {stable_mosaic.version = 14 : i64} {
  func.func @_deg_body(%arg0: i32, %arg1: i32, %arg2: memref<32x125x80xi32, #tpu.memory_space<hbm>>, %arg3: memref<2x1x10240xf32, #tpu.memory_space<hbm>>, %arg4: memref<10240xf32, #tpu.memory_space<vmem_shared>>, %arg5: memref<125x80xi32, #tpu.memory_space<vmem>>, %arg6: memref<640xf32, #tpu.memory_space<vmem>>, %arg7: memref<80xf32, #tpu.memory_space<vmem>>, %arg8: memref<!tpu.dma_semaphore, #tpu.memory_space<semaphore_mem>>, %arg9: memref<!tpu.dma_semaphore, #tpu.memory_space<semaphore_mem>>, %arg10: memref<!tpu.dma_semaphore, #tpu.memory_space<semaphore_mem>>, %arg11: memref<!tpu.dma_semaphore, #tpu.memory_space<semaphore_mem>>) attributes {dimension_semantics = [#tpu.dimension_semantics<core_parallel>, #tpu.dimension_semantics<subcore_parallel>], iteration_bounds = array<i64: 2, 16>, scalar_prefetch = 0 : i64, scratch_operands = 8 : i64, tpu.core_type = #tpu.core_type<sc_vector_subcore>, window_params = [{transform_indices = #map}, {transform_indices = #map}]} {
    %mul3A = arith.constant 16 : i32
    %mul3A_0 = arith.muli %arg0, %mul3A : i32
    %add3A = arith.addi %mul3A_0, %arg1 : i32
    "tpu.region"() ({
      %run_scoped3A_86 = tpu.sem_alloc : memref<!tpu.dma_semaphore, #tpu.memory_space<semaphore_mem>>
      %dma_start3A_87 = arith.constant 0 : i32
      %dma_start3A_88 = arith.constant 0 : i32
      %dma_start3A_89 = tpu.memref_slice %arg2[%add3A, %dma_start3A_87, %dma_start3A_88] : memref<32x125x80xi32, #tpu.memory_space<hbm>> -> memref<1x125x80xi32, #tpu.memory_space<hbm>>
      %dma_start3A_90 = tpu.memref_squeeze %dma_start3A_89 : memref<1x125x80xi32, #tpu.memory_space<hbm>> -> memref<125x80xi32, #tpu.memory_space<hbm>>
      %dma_start3A_91 = arith.constant 0 : i32
      %dma_start3A_92 = arith.constant 0 : i32
      %dma_start3A_93 = tpu.memref_slice %arg2[%add3A, %dma_start3A_91, %dma_start3A_92] : memref<32x125x80xi32, #tpu.memory_space<hbm>> -> memref<1x125x80xi32, #tpu.memory_space<hbm>>
      %dma_start3A_94 = tpu.memref_squeeze %dma_start3A_93 : memref<1x125x80xi32, #tpu.memory_space<hbm>> -> memref<125x80xi32, #tpu.memory_space<hbm>>
      tpu.enqueue_dma source(%dma_start3A_94 : memref<125x80xi32, #tpu.memory_space<hbm>>) target(%arg5 : memref<125x80xi32, #tpu.memory_space<vmem>>) target_semaphore(%run_scoped3A_86 : memref<!tpu.dma_semaphore, #tpu.memory_space<semaphore_mem>>)
      %dma_wait3A_95 = arith.constant 0 : i32
      %dma_wait3A_96 = arith.constant 0 : i32
      %dma_wait3A_97 = tpu.memref_slice %arg2[%add3A, %dma_wait3A_95, %dma_wait3A_96] : memref<32x125x80xi32, #tpu.memory_space<hbm>> -> memref<1x125x80xi32, #tpu.memory_space<hbm>>
      %dma_wait3A_98 = tpu.memref_squeeze %dma_wait3A_97 : memref<1x125x80xi32, #tpu.memory_space<hbm>> -> memref<125x80xi32, #tpu.memory_space<hbm>>
      %dma_wait3A_99 = arith.constant 0 : i32
      %dma_wait3A_100 = arith.constant 0 : i32
      %dma_wait3A_101 = tpu.memref_slice %arg2[%add3A, %dma_wait3A_99, %dma_wait3A_100] : memref<32x125x80xi32, #tpu.memory_space<hbm>> -> memref<1x125x80xi32, #tpu.memory_space<hbm>>
      %dma_wait3A_102 = tpu.memref_squeeze %dma_wait3A_101 : memref<1x125x80xi32, #tpu.memory_space<hbm>> -> memref<125x80xi32, #tpu.memory_space<hbm>>
      tpu.wait_dma2 semaphore(%run_scoped3A_86 : memref<!tpu.dma_semaphore, #tpu.memory_space<semaphore_mem>>) src(%dma_wait3A_102 : memref<125x80xi32, #tpu.memory_space<hbm>>) dst(%arg5 : memref<125x80xi32, #tpu.memory_space<vmem>>)
      tpu.yield
    }) : () -> ()
    %scan3A = arith.constant 0 : i32
    %scan3A_1 = arith.constant 0 : i32
    %scan3A_2 = arith.constant 40 : i32
    %scan3A_3 = arith.addi %scan3A_1, %scan3A_2 : i32
    %scan3A_4 = arith.constant 1 : i32
    %scan3A_5 = scf.for %scan3A_86 = %scan3A_1 to %scan3A_3 step %scan3A_4 iter_args(%scan3A_87 = %scan3A) -> (i32)  : i32 {
      %broadcast_in_dim3A = arith.constant 0.000000e+00 : f32
      %broadcast_in_dim3A_88 = vector.broadcast %broadcast_in_dim3A : f32 to vector<16xf32>
      %mul3A_89 = arith.constant 16 : i32
      %mul3A_90 = arith.muli %scan3A_86, %mul3A_89 : i32
      %swap3A = arith.index_cast %mul3A_90 : i32 to index
      %swap3A_91 = tpu.vector_load %arg6[%swap3A] {strides = array<i32>} : memref<640xf32, #tpu.memory_space<vmem>>, vector<16xf32>,
      %swap3A_92 = vector.shape_cast %swap3A_91 : vector<16xf32> to vector<16xf32>
      %swap3A_93 = vector.shape_cast %broadcast_in_dim3A_88 : vector<16xf32> to vector<16xf32>
      tpu.vector_store %arg6[%swap3A], %swap3A_93 {strides = array<i32>} : memref<640xf32, #tpu.memory_space<vmem>>, vector<16xf32>,
      %scan3A_94 = arith.constant 0 : i32
      scf.yield %scan3A_94 : i32
    }
    %scan3A_6 = arith.constant 40 : i32
    %scan3A_7 = arith.constant 0 : i32
    %scan3A_8 = arith.constant 0 : i32
    %scan3A_9 = arith.constant 5 : i32
    %scan3A_10 = arith.addi %scan3A_8, %scan3A_9 : i32
    %scan3A_11 = arith.constant 1 : i32
    %scan3A_12 = scf.for %scan3A_86 = %scan3A_8 to %scan3A_10 step %scan3A_11 iter_args(%scan3A_87 = %scan3A_7) -> (i32)  : i32 {
      %broadcast_in_dim3A = arith.constant 1.000000e+00 : f32
      %broadcast_in_dim3A_88 = vector.broadcast %broadcast_in_dim3A : f32 to vector<16xf32>
      %mul3A_89 = arith.constant 16 : i32
      %mul3A_90 = arith.muli %scan3A_86, %mul3A_89 : i32
      %swap3A = arith.index_cast %mul3A_90 : i32 to index
      %swap3A_91 = tpu.vector_load %arg7[%swap3A] {strides = array<i32>} : memref<80xf32, #tpu.memory_space<vmem>>, vector<16xf32>,
      %swap3A_92 = vector.shape_cast %swap3A_91 : vector<16xf32> to vector<16xf32>
      %swap3A_93 = vector.shape_cast %broadcast_in_dim3A_88 : vector<16xf32> to vector<16xf32>
      tpu.vector_store %arg7[%swap3A], %swap3A_93 {strides = array<i32>} : memref<80xf32, #tpu.memory_space<vmem>>, vector<16xf32>,
      %scan3A_94 = arith.constant 0 : i32
      scf.yield %scan3A_94 : i32
    }
    %scan3A_13 = arith.constant 5 : i32
    %mul3A_14 = arith.constant 640 : i32
    %mul3A_15 = arith.muli %arg1, %mul3A_14 : i32
    "tpu.region"() ({
      %run_scoped3A_86 = tpu.sem_alloc : memref<!tpu.dma_semaphore, #tpu.memory_space<semaphore_mem>>
      %dma_start3A_87 = tpu.memref_slice %arg4[%mul3A_15] : memref<10240xf32, #tpu.memory_space<vmem_shared>> -> memref<640xf32, #tpu.memory_space<vmem_shared>>
      %dma_start3A_88 = tpu.memref_slice %arg4[%mul3A_15] : memref<10240xf32, #tpu.memory_space<vmem_shared>> -> memref<640xf32, #tpu.memory_space<vmem_shared>>
      tpu.enqueue_dma source(%arg6 : memref<640xf32, #tpu.memory_space<vmem>>) target(%dma_start3A_88 : memref<640xf32, #tpu.memory_space<vmem_shared>>) target_semaphore(%run_scoped3A_86 : memref<!tpu.dma_semaphore, #tpu.memory_space<semaphore_mem>>)
      %dma_wait3A_89 = tpu.memref_slice %arg4[%mul3A_15] : memref<10240xf32, #tpu.memory_space<vmem_shared>> -> memref<640xf32, #tpu.memory_space<vmem_shared>>
      %dma_wait3A_90 = tpu.memref_slice %arg4[%mul3A_15] : memref<10240xf32, #tpu.memory_space<vmem_shared>> -> memref<640xf32, #tpu.memory_space<vmem_shared>>
      tpu.wait_dma2 semaphore(%run_scoped3A_86 : memref<!tpu.dma_semaphore, #tpu.memory_space<semaphore_mem>>) src(%arg6 : memref<640xf32, #tpu.memory_space<vmem>>) dst(%dma_wait3A_90 : memref<640xf32, #tpu.memory_space<vmem_shared>>)
      tpu.yield
    }) : () -> ()
    %barrier3A = arith.constant 0 : index
    tpu.barrier barrier_id(%barrier3A)
    %dma_start3A = arith.constant 0 : i32
    %dma_start3A_16 = arith.constant 0 : i32
    %dma_start3A_17 = tpu.memref_slice %arg5[%dma_start3A, %dma_start3A_16] : memref<125x80xi32, #tpu.memory_space<vmem>> -> memref<1x80xi32, #tpu.memory_space<vmem>>
    %dma_start3A_18 = tpu.memref_squeeze %dma_start3A_17 : memref<1x80xi32, #tpu.memory_space<vmem>> -> memref<80xi32, #tpu.memory_space<vmem>>
    %dma_start3A_19 = arith.constant 0 : i32
    %dma_start3A_20 = tpu.memref_slice %arg4[%dma_start3A_19] : memref<10240xf32, #tpu.memory_space<vmem_shared>> -> memref<10240xf32, #tpu.memory_space<vmem_shared>>
    tpu.enqueue_indirect_dma source(%arg7 : memref<80xf32, #tpu.memory_space<vmem>>) target(%dma_start3A_20 : memref<10240xf32, #tpu.memory_space<vmem_shared>>) offsets(%dma_start3A_18 : memref<80xi32, #tpu.memory_space<vmem>>) semaphore(%arg8 : memref<!tpu.dma_semaphore, #tpu.memory_space<semaphore_mem>>) {add = true}
    %dma_start3A_21 = arith.constant 1 : i32
    %dma_start3A_22 = arith.constant 0 : i32
    %dma_start3A_23 = tpu.memref_slice %arg5[%dma_start3A_21, %dma_start3A_22] : memref<125x80xi32, #tpu.memory_space<vmem>> -> memref<1x80xi32, #tpu.memory_space<vmem>>
    %dma_start3A_24 = tpu.memref_squeeze %dma_start3A_23 : memref<1x80xi32, #tpu.memory_space<vmem>> -> memref<80xi32, #tpu.memory_space<vmem>>
    %dma_start3A_25 = arith.constant 0 : i32
    %dma_start3A_26 = tpu.memref_slice %arg4[%dma_start3A_25] : memref<10240xf32, #tpu.memory_space<vmem_shared>> -> memref<10240xf32, #tpu.memory_space<vmem_shared>>
    tpu.enqueue_indirect_dma source(%arg7 : memref<80xf32, #tpu.memory_space<vmem>>) target(%dma_start3A_26 : memref<10240xf32, #tpu.memory_space<vmem_shared>>) offsets(%dma_start3A_24 : memref<80xi32, #tpu.memory_space<vmem>>) semaphore(%arg9 : memref<!tpu.dma_semaphore, #tpu.memory_space<semaphore_mem>>) {add = true}
    %dma_start3A_27 = arith.constant 2 : i32
    %dma_start3A_28 = arith.constant 0 : i32
    %dma_start3A_29 = tpu.memref_slice %arg5[%dma_start3A_27, %dma_start3A_28] : memref<125x80xi32, #tpu.memory_space<vmem>> -> memref<1x80xi32, #tpu.memory_space<vmem>>
    %dma_start3A_30 = tpu.memref_squeeze %dma_start3A_29 : memref<1x80xi32, #tpu.memory_space<vmem>> -> memref<80xi32, #tpu.memory_space<vmem>>
    %dma_start3A_31 = arith.constant 0 : i32
    %dma_start3A_32 = tpu.memref_slice %arg4[%dma_start3A_31] : memref<10240xf32, #tpu.memory_space<vmem_shared>> -> memref<10240xf32, #tpu.memory_space<vmem_shared>>
    tpu.enqueue_indirect_dma source(%arg7 : memref<80xf32, #tpu.memory_space<vmem>>) target(%dma_start3A_32 : memref<10240xf32, #tpu.memory_space<vmem_shared>>) offsets(%dma_start3A_30 : memref<80xi32, #tpu.memory_space<vmem>>) semaphore(%arg10 : memref<!tpu.dma_semaphore, #tpu.memory_space<semaphore_mem>>) {add = true}
    %dma_start3A_33 = arith.constant 3 : i32
    %dma_start3A_34 = arith.constant 0 : i32
    %dma_start3A_35 = tpu.memref_slice %arg5[%dma_start3A_33, %dma_start3A_34] : memref<125x80xi32, #tpu.memory_space<vmem>> -> memref<1x80xi32, #tpu.memory_space<vmem>>
    %dma_start3A_36 = tpu.memref_squeeze %dma_start3A_35 : memref<1x80xi32, #tpu.memory_space<vmem>> -> memref<80xi32, #tpu.memory_space<vmem>>
    %dma_start3A_37 = arith.constant 0 : i32
    %dma_start3A_38 = tpu.memref_slice %arg4[%dma_start3A_37] : memref<10240xf32, #tpu.memory_space<vmem_shared>> -> memref<10240xf32, #tpu.memory_space<vmem_shared>>
    tpu.enqueue_indirect_dma source(%arg7 : memref<80xf32, #tpu.memory_space<vmem>>) target(%dma_start3A_38 : memref<10240xf32, #tpu.memory_space<vmem_shared>>) offsets(%dma_start3A_36 : memref<80xi32, #tpu.memory_space<vmem>>) semaphore(%arg11 : memref<!tpu.dma_semaphore, #tpu.memory_space<semaphore_mem>>) {add = true}
    %scan3A_39 = arith.constant 0 : i32
    %scan3A_40 = arith.constant 1 : i32
    %scan3A_41 = arith.constant 30 : i32
    %scan3A_42 = arith.addi %scan3A_40, %scan3A_41 : i32
    %scan3A_43 = arith.constant 1 : i32
    %scan3A_44 = scf.for %scan3A_86 = %scan3A_40 to %scan3A_42 step %scan3A_43 iter_args(%scan3A_87 = %scan3A_39) -> (i32)  : i32 {
      %dma_wait3A_88 = arith.constant 0 : i32
      %dma_wait3A_89 = arith.constant 0 : i32
      %dma_wait3A_90 = tpu.memref_slice %arg5[%dma_wait3A_88, %dma_wait3A_89] : memref<125x80xi32, #tpu.memory_space<vmem>> -> memref<1x80xi32, #tpu.memory_space<vmem>>
      %dma_wait3A_91 = tpu.memref_squeeze %dma_wait3A_90 : memref<1x80xi32, #tpu.memory_space<vmem>> -> memref<80xi32, #tpu.memory_space<vmem>>
      %dma_wait3A_92 = arith.constant 0 : i32
      %dma_wait3A_93 = tpu.memref_slice %arg4[%dma_wait3A_92] : memref<10240xf32, #tpu.memory_space<vmem_shared>> -> memref<10240xf32, #tpu.memory_space<vmem_shared>>
      tpu.wait_indirect_dma semaphore(%arg8 : memref<!tpu.dma_semaphore, #tpu.memory_space<semaphore_mem>>) src(%arg7 : memref<80xf32, #tpu.memory_space<vmem>>) dst(%dma_wait3A_93 : memref<10240xf32, #tpu.memory_space<vmem_shared>>)
      %mul3A_94 = arith.constant 4 : i32
      %mul3A_95 = arith.muli %mul3A_94, %scan3A_86 : i32
      %add3A_96 = arith.constant 0 : i32
      %add3A_97 = arith.addi %mul3A_95, %add3A_96 : i32
      %dma_start3A_98 = arith.constant 0 : i32
      %dma_start3A_99 = tpu.memref_slice %arg5[%add3A_97, %dma_start3A_98] : memref<125x80xi32, #tpu.memory_space<vmem>> -> memref<1x80xi32, #tpu.memory_space<vmem>>
      %dma_start3A_100 = tpu.memref_squeeze %dma_start3A_99 : memref<1x80xi32, #tpu.memory_space<vmem>> -> memref<80xi32, #tpu.memory_space<vmem>>
      %dma_start3A_101 = arith.constant 0 : i32
      %dma_start3A_102 = tpu.memref_slice %arg4[%dma_start3A_101] : memref<10240xf32, #tpu.memory_space<vmem_shared>> -> memref<10240xf32, #tpu.memory_space<vmem_shared>>
      tpu.enqueue_indirect_dma source(%arg7 : memref<80xf32, #tpu.memory_space<vmem>>) target(%dma_start3A_102 : memref<10240xf32, #tpu.memory_space<vmem_shared>>) offsets(%dma_start3A_100 : memref<80xi32, #tpu.memory_space<vmem>>) semaphore(%arg8 : memref<!tpu.dma_semaphore, #tpu.memory_space<semaphore_mem>>) {add = true}
      %dma_wait3A_103 = arith.constant 0 : i32
      %dma_wait3A_104 = arith.constant 0 : i32
      %dma_wait3A_105 = tpu.memref_slice %arg5[%dma_wait3A_103, %dma_wait3A_104] : memref<125x80xi32, #tpu.memory_space<vmem>> -> memref<1x80xi32, #tpu.memory_space<vmem>>
      %dma_wait3A_106 = tpu.memref_squeeze %dma_wait3A_105 : memref<1x80xi32, #tpu.memory_space<vmem>> -> memref<80xi32, #tpu.memory_space<vmem>>
      %dma_wait3A_107 = arith.constant 0 : i32
      %dma_wait3A_108 = tpu.memref_slice %arg4[%dma_wait3A_107] : memref<10240xf32, #tpu.memory_space<vmem_shared>> -> memref<10240xf32, #tpu.memory_space<vmem_shared>>
      tpu.wait_indirect_dma semaphore(%arg9 : memref<!tpu.dma_semaphore, #tpu.memory_space<semaphore_mem>>) src(%arg7 : memref<80xf32, #tpu.memory_space<vmem>>) dst(%dma_wait3A_108 : memref<10240xf32, #tpu.memory_space<vmem_shared>>)
      %mul3A_109 = arith.constant 4 : i32
      %mul3A_110 = arith.muli %mul3A_109, %scan3A_86 : i32
      %add3A_111 = arith.constant 1 : i32
      %add3A_112 = arith.addi %mul3A_110, %add3A_111 : i32
      %dma_start3A_113 = arith.constant 0 : i32
      %dma_start3A_114 = tpu.memref_slice %arg5[%add3A_112, %dma_start3A_113] : memref<125x80xi32, #tpu.memory_space<vmem>> -> memref<1x80xi32, #tpu.memory_space<vmem>>
      %dma_start3A_115 = tpu.memref_squeeze %dma_start3A_114 : memref<1x80xi32, #tpu.memory_space<vmem>> -> memref<80xi32, #tpu.memory_space<vmem>>
      %dma_start3A_116 = arith.constant 0 : i32
      %dma_start3A_117 = tpu.memref_slice %arg4[%dma_start3A_116] : memref<10240xf32, #tpu.memory_space<vmem_shared>> -> memref<10240xf32, #tpu.memory_space<vmem_shared>>
      tpu.enqueue_indirect_dma source(%arg7 : memref<80xf32, #tpu.memory_space<vmem>>) target(%dma_start3A_117 : memref<10240xf32, #tpu.memory_space<vmem_shared>>) offsets(%dma_start3A_115 : memref<80xi32, #tpu.memory_space<vmem>>) semaphore(%arg9 : memref<!tpu.dma_semaphore, #tpu.memory_space<semaphore_mem>>) {add = true}
      %dma_wait3A_118 = arith.constant 0 : i32
      %dma_wait3A_119 = arith.constant 0 : i32
      %dma_wait3A_120 = tpu.memref_slice %arg5[%dma_wait3A_118, %dma_wait3A_119] : memref<125x80xi32, #tpu.memory_space<vmem>> -> memref<1x80xi32, #tpu.memory_space<vmem>>
      %dma_wait3A_121 = tpu.memref_squeeze %dma_wait3A_120 : memref<1x80xi32, #tpu.memory_space<vmem>> -> memref<80xi32, #tpu.memory_space<vmem>>
      %dma_wait3A_122 = arith.constant 0 : i32
      %dma_wait3A_123 = tpu.memref_slice %arg4[%dma_wait3A_122] : memref<10240xf32, #tpu.memory_space<vmem_shared>> -> memref<10240xf32, #tpu.memory_space<vmem_shared>>
      tpu.wait_indirect_dma semaphore(%arg10 : memref<!tpu.dma_semaphore, #tpu.memory_space<semaphore_mem>>) src(%arg7 : memref<80xf32, #tpu.memory_space<vmem>>) dst(%dma_wait3A_123 : memref<10240xf32, #tpu.memory_space<vmem_shared>>)
      %mul3A_124 = arith.constant 4 : i32
      %mul3A_125 = arith.muli %mul3A_124, %scan3A_86 : i32
      %add3A_126 = arith.constant 2 : i32
      %add3A_127 = arith.addi %mul3A_125, %add3A_126 : i32
      %dma_start3A_128 = arith.constant 0 : i32
      %dma_start3A_129 = tpu.memref_slice %arg5[%add3A_127, %dma_start3A_128] : memref<125x80xi32, #tpu.memory_space<vmem>> -> memref<1x80xi32, #tpu.memory_space<vmem>>
      %dma_start3A_130 = tpu.memref_squeeze %dma_start3A_129 : memref<1x80xi32, #tpu.memory_space<vmem>> -> memref<80xi32, #tpu.memory_space<vmem>>
      %dma_start3A_131 = arith.constant 0 : i32
      %dma_start3A_132 = tpu.memref_slice %arg4[%dma_start3A_131] : memref<10240xf32, #tpu.memory_space<vmem_shared>> -> memref<10240xf32, #tpu.memory_space<vmem_shared>>
      tpu.enqueue_indirect_dma source(%arg7 : memref<80xf32, #tpu.memory_space<vmem>>) target(%dma_start3A_132 : memref<10240xf32, #tpu.memory_space<vmem_shared>>) offsets(%dma_start3A_130 : memref<80xi32, #tpu.memory_space<vmem>>) semaphore(%arg10 : memref<!tpu.dma_semaphore, #tpu.memory_space<semaphore_mem>>) {add = true}
      %dma_wait3A_133 = arith.constant 0 : i32
      %dma_wait3A_134 = arith.constant 0 : i32
      %dma_wait3A_135 = tpu.memref_slice %arg5[%dma_wait3A_133, %dma_wait3A_134] : memref<125x80xi32, #tpu.memory_space<vmem>> -> memref<1x80xi32, #tpu.memory_space<vmem>>
      %dma_wait3A_136 = tpu.memref_squeeze %dma_wait3A_135 : memref<1x80xi32, #tpu.memory_space<vmem>> -> memref<80xi32, #tpu.memory_space<vmem>>
      %dma_wait3A_137 = arith.constant 0 : i32
      %dma_wait3A_138 = tpu.memref_slice %arg4[%dma_wait3A_137] : memref<10240xf32, #tpu.memory_space<vmem_shared>> -> memref<10240xf32, #tpu.memory_space<vmem_shared>>
      tpu.wait_indirect_dma semaphore(%arg11 : memref<!tpu.dma_semaphore, #tpu.memory_space<semaphore_mem>>) src(%arg7 : memref<80xf32, #tpu.memory_space<vmem>>) dst(%dma_wait3A_138 : memref<10240xf32, #tpu.memory_space<vmem_shared>>)
      %mul3A_139 = arith.constant 4 : i32
      %mul3A_140 = arith.muli %mul3A_139, %scan3A_86 : i32
      %add3A_141 = arith.constant 3 : i32
      %add3A_142 = arith.addi %mul3A_140, %add3A_141 : i32
      %dma_start3A_143 = arith.constant 0 : i32
      %dma_start3A_144 = tpu.memref_slice %arg5[%add3A_142, %dma_start3A_143] : memref<125x80xi32, #tpu.memory_space<vmem>> -> memref<1x80xi32, #tpu.memory_space<vmem>>
      %dma_start3A_145 = tpu.memref_squeeze %dma_start3A_144 : memref<1x80xi32, #tpu.memory_space<vmem>> -> memref<80xi32, #tpu.memory_space<vmem>>
      %dma_start3A_146 = arith.constant 0 : i32
      %dma_start3A_147 = tpu.memref_slice %arg4[%dma_start3A_146] : memref<10240xf32, #tpu.memory_space<vmem_shared>> -> memref<10240xf32, #tpu.memory_space<vmem_shared>>
      tpu.enqueue_indirect_dma source(%arg7 : memref<80xf32, #tpu.memory_space<vmem>>) target(%dma_start3A_147 : memref<10240xf32, #tpu.memory_space<vmem_shared>>) offsets(%dma_start3A_145 : memref<80xi32, #tpu.memory_space<vmem>>) semaphore(%arg11 : memref<!tpu.dma_semaphore, #tpu.memory_space<semaphore_mem>>) {add = true}
      %scan3A_148 = arith.constant 0 : i32
      scf.yield %scan3A_148 : i32
    }
    %scan3A_45 = arith.constant 30 : i32
    %dma_wait3A = arith.constant 0 : i32
    %dma_wait3A_46 = arith.constant 0 : i32
    %dma_wait3A_47 = tpu.memref_slice %arg5[%dma_wait3A, %dma_wait3A_46] : memref<125x80xi32, #tpu.memory_space<vmem>> -> memref<1x80xi32, #tpu.memory_space<vmem>>
    %dma_wait3A_48 = tpu.memref_squeeze %dma_wait3A_47 : memref<1x80xi32, #tpu.memory_space<vmem>> -> memref<80xi32, #tpu.memory_space<vmem>>
    %dma_wait3A_49 = arith.constant 0 : i32
    %dma_wait3A_50 = tpu.memref_slice %arg4[%dma_wait3A_49] : memref<10240xf32, #tpu.memory_space<vmem_shared>> -> memref<10240xf32, #tpu.memory_space<vmem_shared>>
    tpu.wait_indirect_dma semaphore(%arg8 : memref<!tpu.dma_semaphore, #tpu.memory_space<semaphore_mem>>) src(%arg7 : memref<80xf32, #tpu.memory_space<vmem>>) dst(%dma_wait3A_50 : memref<10240xf32, #tpu.memory_space<vmem_shared>>)
    %dma_start3A_51 = arith.constant 124 : i32
    %dma_start3A_52 = arith.constant 0 : i32
    %dma_start3A_53 = tpu.memref_slice %arg5[%dma_start3A_51, %dma_start3A_52] : memref<125x80xi32, #tpu.memory_space<vmem>> -> memref<1x80xi32, #tpu.memory_space<vmem>>
    %dma_start3A_54 = tpu.memref_squeeze %dma_start3A_53 : memref<1x80xi32, #tpu.memory_space<vmem>> -> memref<80xi32, #tpu.memory_space<vmem>>
    %dma_start3A_55 = arith.constant 0 : i32
    %dma_start3A_56 = tpu.memref_slice %arg4[%dma_start3A_55] : memref<10240xf32, #tpu.memory_space<vmem_shared>> -> memref<10240xf32, #tpu.memory_space<vmem_shared>>
    tpu.enqueue_indirect_dma source(%arg7 : memref<80xf32, #tpu.memory_space<vmem>>) target(%dma_start3A_56 : memref<10240xf32, #tpu.memory_space<vmem_shared>>) offsets(%dma_start3A_54 : memref<80xi32, #tpu.memory_space<vmem>>) semaphore(%arg8 : memref<!tpu.dma_semaphore, #tpu.memory_space<semaphore_mem>>) {add = true}
    %dma_wait3A_57 = arith.constant 0 : i32
    %dma_wait3A_58 = arith.constant 0 : i32
    %dma_wait3A_59 = tpu.memref_slice %arg5[%dma_wait3A_57, %dma_wait3A_58] : memref<125x80xi32, #tpu.memory_space<vmem>> -> memref<1x80xi32, #tpu.memory_space<vmem>>
    %dma_wait3A_60 = tpu.memref_squeeze %dma_wait3A_59 : memref<1x80xi32, #tpu.memory_space<vmem>> -> memref<80xi32, #tpu.memory_space<vmem>>
    %dma_wait3A_61 = arith.constant 0 : i32
    %dma_wait3A_62 = tpu.memref_slice %arg4[%dma_wait3A_61] : memref<10240xf32, #tpu.memory_space<vmem_shared>> -> memref<10240xf32, #tpu.memory_space<vmem_shared>>
    tpu.wait_indirect_dma semaphore(%arg8 : memref<!tpu.dma_semaphore, #tpu.memory_space<semaphore_mem>>) src(%arg7 : memref<80xf32, #tpu.memory_space<vmem>>) dst(%dma_wait3A_62 : memref<10240xf32, #tpu.memory_space<vmem_shared>>)
    %dma_wait3A_63 = arith.constant 0 : i32
    %dma_wait3A_64 = arith.constant 0 : i32
    %dma_wait3A_65 = tpu.memref_slice %arg5[%dma_wait3A_63, %dma_wait3A_64] : memref<125x80xi32, #tpu.memory_space<vmem>> -> memref<1x80xi32, #tpu.memory_space<vmem>>
    %dma_wait3A_66 = tpu.memref_squeeze %dma_wait3A_65 : memref<1x80xi32, #tpu.memory_space<vmem>> -> memref<80xi32, #tpu.memory_space<vmem>>
    %dma_wait3A_67 = arith.constant 0 : i32
    %dma_wait3A_68 = tpu.memref_slice %arg4[%dma_wait3A_67] : memref<10240xf32, #tpu.memory_space<vmem_shared>> -> memref<10240xf32, #tpu.memory_space<vmem_shared>>
    tpu.wait_indirect_dma semaphore(%arg9 : memref<!tpu.dma_semaphore, #tpu.memory_space<semaphore_mem>>) src(%arg7 : memref<80xf32, #tpu.memory_space<vmem>>) dst(%dma_wait3A_68 : memref<10240xf32, #tpu.memory_space<vmem_shared>>)
    %dma_wait3A_69 = arith.constant 0 : i32
    %dma_wait3A_70 = arith.constant 0 : i32
    %dma_wait3A_71 = tpu.memref_slice %arg5[%dma_wait3A_69, %dma_wait3A_70] : memref<125x80xi32, #tpu.memory_space<vmem>> -> memref<1x80xi32, #tpu.memory_space<vmem>>
    %dma_wait3A_72 = tpu.memref_squeeze %dma_wait3A_71 : memref<1x80xi32, #tpu.memory_space<vmem>> -> memref<80xi32, #tpu.memory_space<vmem>>
    %dma_wait3A_73 = arith.constant 0 : i32
    %dma_wait3A_74 = tpu.memref_slice %arg4[%dma_wait3A_73] : memref<10240xf32, #tpu.memory_space<vmem_shared>> -> memref<10240xf32, #tpu.memory_space<vmem_shared>>
    tpu.wait_indirect_dma semaphore(%arg10 : memref<!tpu.dma_semaphore, #tpu.memory_space<semaphore_mem>>) src(%arg7 : memref<80xf32, #tpu.memory_space<vmem>>) dst(%dma_wait3A_74 : memref<10240xf32, #tpu.memory_space<vmem_shared>>)
    %dma_wait3A_75 = arith.constant 0 : i32
    %dma_wait3A_76 = arith.constant 0 : i32
    %dma_wait3A_77 = tpu.memref_slice %arg5[%dma_wait3A_75, %dma_wait3A_76] : memref<125x80xi32, #tpu.memory_space<vmem>> -> memref<1x80xi32, #tpu.memory_space<vmem>>
    %dma_wait3A_78 = tpu.memref_squeeze %dma_wait3A_77 : memref<1x80xi32, #tpu.memory_space<vmem>> -> memref<80xi32, #tpu.memory_space<vmem>>
    %dma_wait3A_79 = arith.constant 0 : i32
    %dma_wait3A_80 = tpu.memref_slice %arg4[%dma_wait3A_79] : memref<10240xf32, #tpu.memory_space<vmem_shared>> -> memref<10240xf32, #tpu.memory_space<vmem_shared>>
    tpu.wait_indirect_dma semaphore(%arg11 : memref<!tpu.dma_semaphore, #tpu.memory_space<semaphore_mem>>) src(%arg7 : memref<80xf32, #tpu.memory_space<vmem>>) dst(%dma_wait3A_80 : memref<10240xf32, #tpu.memory_space<vmem_shared>>)
    %barrier3A_81 = arith.constant 0 : index
    tpu.barrier barrier_id(%barrier3A_81)
    %mul3A_82 = arith.constant 640 : i32
    %mul3A_83 = arith.muli %arg1, %mul3A_82 : i32
    %mul3A_84 = arith.constant 640 : i32
    %mul3A_85 = arith.muli %arg1, %mul3A_84 : i32
    %run_scoped3A = arith.constant 0 : i32
    "tpu.region"() ({
      %run_scoped3A_86 = tpu.sem_alloc : memref<!tpu.dma_semaphore, #tpu.memory_space<semaphore_mem>>
      %dma_start3A_87 = tpu.memref_slice %arg3[%arg0, %run_scoped3A, %mul3A_85] : memref<2x1x10240xf32, #tpu.memory_space<hbm>> -> memref<1x1x640xf32, #tpu.memory_space<hbm>>
      %dma_start3A_88 = tpu.memref_squeeze %dma_start3A_87 : memref<1x1x640xf32, #tpu.memory_space<hbm>> -> memref<640xf32, #tpu.memory_space<hbm>>
      %dma_start3A_89 = tpu.memref_slice %arg4[%mul3A_83] : memref<10240xf32, #tpu.memory_space<vmem_shared>> -> memref<640xf32, #tpu.memory_space<vmem_shared>>
      tpu.enqueue_dma source(%dma_start3A_89 : memref<640xf32, #tpu.memory_space<vmem_shared>>) target(%dma_start3A_88 : memref<640xf32, #tpu.memory_space<hbm>>) target_semaphore(%run_scoped3A_86 : memref<!tpu.dma_semaphore, #tpu.memory_space<semaphore_mem>>)
      %dma_wait3A_90 = tpu.memref_slice %arg3[%arg0, %run_scoped3A, %mul3A_85] : memref<2x1x10240xf32, #tpu.memory_space<hbm>> -> memref<1x1x640xf32, #tpu.memory_space<hbm>>
      %dma_wait3A_91 = tpu.memref_squeeze %dma_wait3A_90 : memref<1x1x640xf32, #tpu.memory_space<hbm>> -> memref<640xf32, #tpu.memory_space<hbm>>
      %dma_wait3A_92 = tpu.memref_slice %arg4[%mul3A_83] : memref<10240xf32, #tpu.memory_space<vmem_shared>> -> memref<640xf32, #tpu.memory_space<vmem_shared>>
      tpu.wait_dma2 semaphore(%run_scoped3A_86 : memref<!tpu.dma_semaphore, #tpu.memory_space<semaphore_mem>>) src(%dma_wait3A_92 : memref<640xf32, #tpu.memory_space<vmem_shared>>) dst(%dma_wait3A_91 : memref<640xf32, #tpu.memory_space<hbm>>)
      tpu.yield
    }) : () -> ()
    return
  }
}

module attributes {stable_mosaic.version = 14 : i64} {
  func.func @_mm_scale_body(%arg0: i32, %arg1: memref<2000x128xf32, #tpu.memory_space<vmem>>, %arg2: memref<128x128xf32, #tpu.memory_space<vmem>>, %arg3: memref<2000x2xf32, #tpu.memory_space<vmem>>, %arg4: memref<2000x128xf32, #tpu.memory_space<vmem>>) attributes {dimension_semantics = [#tpu.dimension_semantics<arbitrary>], iteration_bounds = array<i64: 5>, scalar_prefetch = 0 : i64, scratch_operands = 0 : i64, tpu.core_type = #tpu.core_type<tc>, window_params = [{transform_indices = @transform_0, window_bounds = array<i64: 2000, 128>}, {pipeline_mode = #tpu.pipeline_mode<synchronous>, transform_indices = @transform_1, window_bounds = array<i64: 128, 128>}, {transform_indices = @transform_2, window_bounds = array<i64: 2000, 2>}, {transform_indices = @transform_3, window_bounds = array<i64: 2000, 128>}]} {
    %get3A = arith.constant 0 : index
    %get3A_0 = arith.constant 0 : index
    %get3A_1 = vector.load %arg3[%get3A, %get3A_0] : memref<2000x2xf32, #tpu.memory_space<vmem>>, vector<2000x1xf32>
    %get3A_2 = arith.constant 0 : index
    %get3A_3 = arith.constant 1 : index
    %get3A_4 = vector.load %arg3[%get3A_2, %get3A_3] : memref<2000x2xf32, #tpu.memory_space<vmem>>, vector<2000x1xf32>
    %add3A = arith.addf %get3A_1, %get3A_4 : vector<2000x1xf32>
    %add3A_5 = arith.constant 1.000000e+00 : f32
    %add3A_6 = vector.broadcast %add3A_5 : f32 to vector<2000x1xf32>
    %add3A_7 = arith.addf %add3A, %add3A_6 : vector<2000x1xf32>
    %rsqrt3A = math.rsqrt %add3A_7 : vector<2000x1xf32>
    %get3A_8 = arith.constant 0 : index
    %get3A_9 = arith.constant 0 : index
    %get3A_10 = vector.load %arg1[%get3A_8, %get3A_9] : memref<2000x128xf32, #tpu.memory_space<vmem>>, vector<2000x128xf32>
    %get3A_11 = arith.constant 0 : index
    %get3A_12 = arith.constant 0 : index
    %get3A_13 = vector.load %arg2[%get3A_11, %get3A_12] : memref<128x128xf32, #tpu.memory_space<vmem>>, vector<128x128xf32>
    %dot_general3A = arith.constant dense<0.000000e+00> : vector<2000x128xf32>
    %dot_general3A_14 = tpu.matmul %get3A_10, %get3A_13, %dot_general3A {dimension_numbers = #tpu.dot_dimension_numbers<[1], [0], [0], [1], [0, 0, 1, 1], [], []>, transpose_lhs_hint = false} : vector<2000x128xf32>, vector<128x128xf32>, vector<2000x128xf32> -> vector<2000x128xf32>
    %mul3A = vector.broadcast %rsqrt3A : vector<2000x1xf32> to vector<2000x128xf32>
    %mul3A_15 = arith.mulf %dot_general3A_14, %mul3A : vector<2000x128xf32>
    %swap3A = arith.constant 0 : index
    %swap3A_16 = arith.constant 0 : index
    %swap3A_17 = vector.load %arg4[%swap3A, %swap3A_16] : memref<2000x128xf32, #tpu.memory_space<vmem>>, vector<2000x128xf32>
    tpu.vector_store %arg4[%swap3A, %swap3A_16], %mul3A_15 {strides = array<i32>} : memref<2000x128xf32, #tpu.memory_space<vmem>>, vector<2000x128xf32>,
    return
  }
  func.func @transform_0(%arg0: i32) -> (i32, i32) {
    %c0_i32 = arith.constant 0 : i32
    %c0_i32_0 = arith.constant 0 : i32
    return %arg0, %c0_i32 : i32, i32
  }
  func.func @transform_1(%arg0: i32) -> (i32, i32) {
    %c0_i32 = arith.constant 0 : i32
    %c0_i32_0 = arith.constant 0 : i32
    %c0_i32_1 = arith.constant 0 : i32
    return %c0_i32, %c0_i32_0 : i32, i32
  }
  func.func @transform_2(%arg0: i32) -> (i32, i32) {
    %c0_i32 = arith.constant 0 : i32
    %c0_i32_0 = arith.constant 0 : i32
    return %arg0, %c0_i32 : i32, i32
  }
  func.func @transform_3(%arg0: i32) -> (i32, i32) {
    %c0_i32 = arith.constant 0 : i32
    %c0_i32_0 = arith.constant 0 : i32
    return %arg0, %c0_i32 : i32, i32
  }
}

module attributes {stable_mosaic.version = 14 : i64} {
  func.func @_mid_body(%arg0: i32, %arg1: memref<2x2000x128xf32, #tpu.memory_space<vmem>>, %arg2: memref<2000x128xf32, #tpu.memory_space<vmem>>, %arg3: memref<2000x2xf32, #tpu.memory_space<vmem>>, %arg4: memref<1x128xf32, #tpu.memory_space<vmem>>, %arg5: memref<128x128xf32, #tpu.memory_space<vmem>>, %arg6: memref<2000x128xf32, #tpu.memory_space<vmem>>) attributes {dimension_semantics = [#tpu.dimension_semantics<arbitrary>], iteration_bounds = array<i64: 5>, scalar_prefetch = 0 : i64, scratch_operands = 0 : i64, tpu.core_type = #tpu.core_type<tc>, window_params = [{transform_indices = @transform_0, window_bounds = array<i64: 2, 2000, 128>}, {transform_indices = @transform_1, window_bounds = array<i64: 2000, 128>}, {transform_indices = @transform_2, window_bounds = array<i64: 2000, 2>}, {pipeline_mode = #tpu.pipeline_mode<synchronous>, transform_indices = @transform_3, window_bounds = array<i64: 1, 128>}, {pipeline_mode = #tpu.pipeline_mode<synchronous>, transform_indices = @transform_4, window_bounds = array<i64: 128, 128>}, {transform_indices = @transform_5, window_bounds = array<i64: 2000, 128>}]} {
    %get3A = arith.constant 0 : index
    %get3A_0 = arith.constant 0 : index
    %get3A_1 = vector.load %arg3[%get3A, %get3A_0] : memref<2000x2xf32, #tpu.memory_space<vmem>>, vector<2000x1xf32>
    %get3A_2 = arith.constant 0 : index
    %get3A_3 = arith.constant 1 : index
    %get3A_4 = vector.load %arg3[%get3A_2, %get3A_3] : memref<2000x2xf32, #tpu.memory_space<vmem>>, vector<2000x1xf32>
    %add3A = arith.addf %get3A_1, %get3A_4 : vector<2000x1xf32>
    %add3A_5 = arith.constant 1.000000e+00 : f32
    %add3A_6 = vector.broadcast %add3A_5 : f32 to vector<2000x1xf32>
    %add3A_7 = arith.addf %add3A, %add3A_6 : vector<2000x1xf32>
    %rsqrt3A = math.rsqrt %add3A_7 : vector<2000x1xf32>
    %get3A_8 = arith.constant 0 : index
    %get3A_9 = arith.constant 0 : index
    %get3A_10 = arith.constant 0 : index
    %get3A_11 = vector.load %arg1[%get3A_8, %get3A_9, %get3A_10] : memref<2x2000x128xf32, #tpu.memory_space<vmem>>, vector<1x2000x128xf32>
    %get3A_12 = vector.shape_cast %get3A_11 : vector<1x2000x128xf32> to vector<2000x128xf32>
    %get3A_13 = arith.constant 1 : index
    %get3A_14 = arith.constant 0 : index
    %get3A_15 = arith.constant 0 : index
    %get3A_16 = vector.load %arg1[%get3A_13, %get3A_14, %get3A_15] : memref<2x2000x128xf32, #tpu.memory_space<vmem>>, vector<1x2000x128xf32>
    %get3A_17 = vector.shape_cast %get3A_16 : vector<1x2000x128xf32> to vector<2000x128xf32>
    %add3A_18 = arith.addf %get3A_12, %get3A_17 : vector<2000x128xf32>
    %get3A_19 = arith.constant 0 : index
    %get3A_20 = arith.constant 0 : index
    %get3A_21 = vector.load %arg2[%get3A_19, %get3A_20] : memref<2000x128xf32, #tpu.memory_space<vmem>>, vector<2000x128xf32>
    %add3A_22 = arith.addf %add3A_18, %get3A_21 : vector<2000x128xf32>
    %mul3A = vector.broadcast %rsqrt3A : vector<2000x1xf32> to vector<2000x128xf32>
    %mul3A_23 = arith.mulf %add3A_22, %mul3A : vector<2000x128xf32>
    %get3A_24 = arith.constant 0 : index
    %get3A_25 = arith.constant 0 : index
    %get3A_26 = vector.load %arg4[%get3A_24, %get3A_25] : memref<1x128xf32, #tpu.memory_space<vmem>>, vector<1x128xf32>
    %add3A_27 = vector.broadcast %get3A_26 : vector<1x128xf32> to vector<2000x128xf32>
    %add3A_28 = arith.addf %mul3A_23, %add3A_27 : vector<2000x128xf32>
    %max3A = arith.constant 0.000000e+00 : f32
    %max3A_29 = vector.broadcast %max3A : f32 to vector<2000x128xf32>
    %max3A_30 = arith.maximumf %add3A_28, %max3A_29 : vector<2000x128xf32>
    %get3A_31 = arith.constant 0 : index
    %get3A_32 = arith.constant 0 : index
    %get3A_33 = vector.load %arg5[%get3A_31, %get3A_32] : memref<128x128xf32, #tpu.memory_space<vmem>>, vector<128x128xf32>
    %dot_general3A = arith.constant dense<0.000000e+00> : vector<2000x128xf32>
    %dot_general3A_34 = tpu.matmul %max3A_30, %get3A_33, %dot_general3A {dimension_numbers = #tpu.dot_dimension_numbers<[1], [0], [0], [1], [0, 0, 1, 1], [], []>, transpose_lhs_hint = false} : vector<2000x128xf32>, vector<128x128xf32>, vector<2000x128xf32> -> vector<2000x128xf32>
    %mul3A_35 = vector.broadcast %rsqrt3A : vector<2000x1xf32> to vector<2000x128xf32>
    %mul3A_36 = arith.mulf %dot_general3A_34, %mul3A_35 : vector<2000x128xf32>
    %swap3A = arith.constant 0 : index
    %swap3A_37 = arith.constant 0 : index
    %swap3A_38 = vector.load %arg6[%swap3A, %swap3A_37] : memref<2000x128xf32, #tpu.memory_space<vmem>>, vector<2000x128xf32>
    tpu.vector_store %arg6[%swap3A, %swap3A_37], %mul3A_36 {strides = array<i32>} : memref<2000x128xf32, #tpu.memory_space<vmem>>, vector<2000x128xf32>,
    return
  }
  func.func @transform_0(%arg0: i32) -> (i32, i32, i32) {
    %c0_i32 = arith.constant 0 : i32
    %c0_i32_0 = arith.constant 0 : i32
    %c0_i32_1 = arith.constant 0 : i32
    return %c0_i32, %arg0, %c0_i32_0 : i32, i32, i32
  }
  func.func @transform_1(%arg0: i32) -> (i32, i32) {
    %c0_i32 = arith.constant 0 : i32
    %c0_i32_0 = arith.constant 0 : i32
    return %arg0, %c0_i32 : i32, i32
  }
  func.func @transform_2(%arg0: i32) -> (i32, i32) {
    %c0_i32 = arith.constant 0 : i32
    %c0_i32_0 = arith.constant 0 : i32
    return %arg0, %c0_i32 : i32, i32
  }
  func.func @transform_3(%arg0: i32) -> (i32, i32) {
    %c0_i32 = arith.constant 0 : i32
    %c0_i32_0 = arith.constant 0 : i32
    %c0_i32_1 = arith.constant 0 : i32
    return %c0_i32, %c0_i32_0 : i32, i32
  }
  func.func @transform_4(%arg0: i32) -> (i32, i32) {
    %c0_i32 = arith.constant 0 : i32
    %c0_i32_0 = arith.constant 0 : i32
    %c0_i32_1 = arith.constant 0 : i32
    return %c0_i32, %c0_i32_0 : i32, i32
  }
  func.func @transform_5(%arg0: i32) -> (i32, i32) {
    %c0_i32 = arith.constant 0 : i32
    %c0_i32_0 = arith.constant 0 : i32
    return %arg0, %c0_i32 : i32, i32
  }
}

module attributes {stable_mosaic.version = 14 : i64} {
  func.func @_final_body(%arg0: i32, %arg1: memref<2x2000x128xf32, #tpu.memory_space<vmem>>, %arg2: memref<2000x128xf32, #tpu.memory_space<vmem>>, %arg3: memref<2000x2xf32, #tpu.memory_space<vmem>>, %arg4: memref<1x128xf32, #tpu.memory_space<vmem>>, %arg5: memref<2000x128xf32, #tpu.memory_space<vmem>>) attributes {dimension_semantics = [#tpu.dimension_semantics<arbitrary>], iteration_bounds = array<i64: 5>, scalar_prefetch = 0 : i64, scratch_operands = 0 : i64, tpu.core_type = #tpu.core_type<tc>, window_params = [{transform_indices = @transform_0, window_bounds = array<i64: 2, 2000, 128>}, {transform_indices = @transform_1, window_bounds = array<i64: 2000, 128>}, {transform_indices = @transform_2, window_bounds = array<i64: 2000, 2>}, {pipeline_mode = #tpu.pipeline_mode<synchronous>, transform_indices = @transform_3, window_bounds = array<i64: 1, 128>}, {transform_indices = @transform_4, window_bounds = array<i64: 2000, 128>}]} {
    %get3A = arith.constant 0 : index
    %get3A_0 = arith.constant 0 : index
    %get3A_1 = vector.load %arg3[%get3A, %get3A_0] : memref<2000x2xf32, #tpu.memory_space<vmem>>, vector<2000x1xf32>
    %get3A_2 = arith.constant 0 : index
    %get3A_3 = arith.constant 1 : index
    %get3A_4 = vector.load %arg3[%get3A_2, %get3A_3] : memref<2000x2xf32, #tpu.memory_space<vmem>>, vector<2000x1xf32>
    %add3A = arith.addf %get3A_1, %get3A_4 : vector<2000x1xf32>
    %add3A_5 = arith.constant 1.000000e+00 : f32
    %add3A_6 = vector.broadcast %add3A_5 : f32 to vector<2000x1xf32>
    %add3A_7 = arith.addf %add3A, %add3A_6 : vector<2000x1xf32>
    %rsqrt3A = math.rsqrt %add3A_7 : vector<2000x1xf32>
    %get3A_8 = arith.constant 0 : index
    %get3A_9 = arith.constant 0 : index
    %get3A_10 = arith.constant 0 : index
    %get3A_11 = vector.load %arg1[%get3A_8, %get3A_9, %get3A_10] : memref<2x2000x128xf32, #tpu.memory_space<vmem>>, vector<1x2000x128xf32>
    %get3A_12 = vector.shape_cast %get3A_11 : vector<1x2000x128xf32> to vector<2000x128xf32>
    %get3A_13 = arith.constant 1 : index
    %get3A_14 = arith.constant 0 : index
    %get3A_15 = arith.constant 0 : index
    %get3A_16 = vector.load %arg1[%get3A_13, %get3A_14, %get3A_15] : memref<2x2000x128xf32, #tpu.memory_space<vmem>>, vector<1x2000x128xf32>
    %get3A_17 = vector.shape_cast %get3A_16 : vector<1x2000x128xf32> to vector<2000x128xf32>
    %add3A_18 = arith.addf %get3A_12, %get3A_17 : vector<2000x128xf32>
    %get3A_19 = arith.constant 0 : index
    %get3A_20 = arith.constant 0 : index
    %get3A_21 = vector.load %arg2[%get3A_19, %get3A_20] : memref<2000x128xf32, #tpu.memory_space<vmem>>, vector<2000x128xf32>
    %add3A_22 = arith.addf %add3A_18, %get3A_21 : vector<2000x128xf32>
    %mul3A = vector.broadcast %rsqrt3A : vector<2000x1xf32> to vector<2000x128xf32>
    %mul3A_23 = arith.mulf %add3A_22, %mul3A : vector<2000x128xf32>
    %get3A_24 = arith.constant 0 : index
    %get3A_25 = arith.constant 0 : index
    %get3A_26 = vector.load %arg4[%get3A_24, %get3A_25] : memref<1x128xf32, #tpu.memory_space<vmem>>, vector<1x128xf32>
    %add3A_27 = vector.broadcast %get3A_26 : vector<1x128xf32> to vector<2000x128xf32>
    %add3A_28 = arith.addf %mul3A_23, %add3A_27 : vector<2000x128xf32>
    %swap3A = arith.constant 0 : index
    %swap3A_29 = arith.constant 0 : index
    %swap3A_30 = vector.load %arg5[%swap3A, %swap3A_29] : memref<2000x128xf32, #tpu.memory_space<vmem>>, vector<2000x128xf32>
    tpu.vector_store %arg5[%swap3A, %swap3A_29], %add3A_28 {strides = array<i32>} : memref<2000x128xf32, #tpu.memory_space<vmem>>, vector<2000x128xf32>,
    return
  }
  func.func @transform_0(%arg0: i32) -> (i32, i32, i32) {
    %c0_i32 = arith.constant 0 : i32
    %c0_i32_0 = arith.constant 0 : i32
    %c0_i32_1 = arith.constant 0 : i32
    return %c0_i32, %arg0, %c0_i32_0 : i32, i32, i32
  }
  func.func @transform_1(%arg0: i32) -> (i32, i32) {
    %c0_i32 = arith.constant 0 : i32
    %c0_i32_0 = arith.constant 0 : i32
    return %arg0, %c0_i32 : i32, i32
  }
  func.func @transform_2(%arg0: i32) -> (i32, i32) {
    %c0_i32 = arith.constant 0 : i32
    %c0_i32_0 = arith.constant 0 : i32
    return %arg0, %c0_i32 : i32, i32
  }
  func.func @transform_3(%arg0: i32) -> (i32, i32) {
    %c0_i32 = arith.constant 0 : i32
    %c0_i32_0 = arith.constant 0 : i32
    %c0_i32_1 = arith.constant 0 : i32
    return %c0_i32, %c0_i32_0 : i32, i32
  }
  func.func @transform_4(%arg0: i32) -> (i32, i32) {
    %c0_i32 = arith.constant 0 : i32
    %c0_i32_0 = arith.constant 0 : i32
    return %arg0, %c0_i32 : i32, i32
  }
}

</mosaic_0001>

<sc_bundles>
// kernel: kernel.11.cloned.1.call-start
scs
__scs_entry_jumppad:
0x0: {  	(pc) =	sbr.rel $0x88, $3  }
0x1: {  	(tag) =	ssettag $0x0;
	lr =	simm.s32 $0x1  }
0x2: {  	[smem:$0x3F9B] =	sst lr;
	_ =	strace $0xD0000000  }
0x3: {  	_ = 	snop  }
0x4: {  	_ = 	snop  }
0x5: {  	_ = 	snop  }
0x6: {  	_ = 	snop  }
0x7: {  	_ = 	snop  }
__scs_overlays_trampoline_lowered:
0x8: {  	[smem:$0x3FAA] =	sst s0  }
0x9: {  	[smem:$0x3FAB] =	sst s1  }
0xa: {  	[smem:$0x3FAC] =	sst s2  }
0xb: {  	[smem:$0x3FAD] =	sst s3  }
0xc: {  	[smem:$0x3FAE] =	sst s4  }
0xd: {  	[smem:$0x3FAF] =	sst s5  }
0xe: {  	[smem:$0x3FB0] =	sst s6  }
0xf: {  	[smem:$0x3FB1] =	sst s7  }
0x10: {  	[smem:$0x3FB2] =	sst s8  }
0x11: {  	[smem:$0x3FB3] =	sst s9;
	s0 =	simm.s32 @!p0 $0x0  }
0x12: {  	s1 =	sld [smem:$0x3F99];
	s0 =	simm.s32 @p0 $0x1  }
0x13: {  	[smem:$0x3FB4] =	sst s0;
	s0 =	simm.s32 @!p1 $0x0  }
0x14: {  	s2 =	sld [smem:$0x3F98];
	s0 =	simm.s32 @p1 $0x1  }
0x15: {  	[smem:$0x3FB5] =	sst s0;
	s0 =	simm.s32 @!p2 $0x0  }
0x16: {  	s3 =	sld [smem:$0x3FDB];
	s0 =	simm.s32 @p2 $0x1  }
0x17: {  	s4 =	simm.s32 $0x1BF5;
	[smem:$0x3FB7] =	sst s0  }
0x18: {  	s0 =	sld [smem:$0x3F9A];
	_ =	swait.ge [sflag:s4], $0x0  }
0x19: {  	s7 =	sld [smem:$0x3F9B]  }
0x1a: {  	s8 =	sadd.s32 $0xFFFFE003, lr  }
0x1b: {  	s9 =	sadd.s32 $0xFFFFFEF7, lr;
	s5 =	simm.s32 $0xFFFFFFFF;
	p2 =	slt.u32 s8, $0xFFFFF086  }
0x1c: {  	p1 =	slt.u32 s9, $0xF7A;
	s5 =	simm.s32 @!p2 $0x0  }
0x1d: {  	s5 =	simm.s32 @p1 $0x1;
	p0 =	seq.s32 s7, s2  }
0x1e: {  	s7 =	smul.u32 @!p0 $0xF7A, s2;
	p2 =	seq.s32 @!p0 s5, $0x0  }
0x1f: {  	s9 =	smul.u32 $0xF7A, s1;
	s8 =	simm.s32 @!p0 $0x1BF5;
	p2 =	por !p2, p0  }
0x20: {  	[sflag:s8] =	ssyncset.s32 @!p0 $0xFFFFF086;
	s6 =	sadd.s32 @!p0 s3, s7;
	s7 =	simm.s32 @!p0 $0x108  }
0x21: {  	s3 =	sadd.s32 s3, s9;
	s6 =	sadd.s32 @!p0 $0x88, s6;
	s7 =	simm.s32 @p2 $0x1082  }
0x22: {  	[simem:s7], [sflag:s8] =	dma.local @!p0 [hbm:s6], $0xF7A  }
0x23: {  	s9 =	sor.u32 $0xD0000000, s2;
	s6 =	simm.s32 $0x108;
	_ =	swait.ge @!p0 [sflag:s8], $0x0  }
0x24: {  	s3 =	sadd.s32 $0x88, s3;
	s6 =	simm.s32 @!p1 $0x1082;
	[sflag:s4] =	ssyncset.s32 $0xFFFFF086  }
0x25: {  	[simem:s6], [sflag:s4] =	dma.local [hbm:s3], $0xF7A  }
0x26: {  	[smem:$0x3F9B] =	sst s1;
	(tag) =	ssettag s2;
	_ =	strace s9  }
0x27: {  	s1 =	sld [smem:$0x3FAB]  }
0x28: {  	s2 =	sld [smem:$0x3FAC]  }
0x29: {  	s4 =	sld [smem:$0x3FAE]  }
0x2a: {  	p0 =	seq.s32 s5, $0x0;
	s5 =	sld [smem:$0x3FAF]  }
0x2b: {  	s6 =	sld [smem:$0x3FB0]  }
0x2c: {  	s7 =	sld [smem:$0x3FB1]  }
0x2d: {  	s3 =	simm.s32 $0x108;
	s8 =	sld [smem:$0x3FB2]  }
0x2e: {  	s3 =	simm.s32 @!p0 $0x1082;
	s9 =	sld [smem:$0x3FB3]  }
0x2f: {  	lr =	sadd.s32 s0, s3;
	s0 =	sld [smem:$0x3FAA]  }
0x30: {  	s3 =	sld [smem:$0x3FAD]  }
0x31: {  	[smem:$0x3FB6] =	sst s10  }
0x32: {  	s10 =	sld [smem:$0x3FB4];
	_ =	sdelay $0x3  }
0x33: {  	p0 =	seq.s32 s10, $0x1;
	s10 =	sld [smem:$0x3FB6];
	_ =	sdelay $0x3  }
0x34: {  	[smem:$0x3FB6] =	sst s10  }
0x35: {  	s10 =	sld [smem:$0x3FB5];
	_ =	sdelay $0x3  }
0x36: {  	p1 =	seq.s32 s10, $0x1;
	s10 =	sld [smem:$0x3FB6];
	_ =	sdelay $0x3  }
0x37: {  	[smem:$0x3FB6] =	sst s10  }
0x38: {  	s10 =	sld [smem:$0x3FB7]  }
0x39: {  	_ = 	snop;
	(pc) =	sbr.ind lr, $3  }
0x3a: {  	_ = 	snop  }
0x3b: {  	_ = 	snop  }
0x3c: {  	p2 =	seq.s32 s10, $0x1;
	s10 =	sld [smem:$0x3FB6]  }
0x3d: {  	_ =	shalt  }
0x3e: {  	_ =	shalt  }
0x3f: {  	_ =	shalt  }
0x40: {  	_ =	shalt  }
0x41: {  	_ =	shalt  }
0x42: {  	_ =	shalt  }
0x43: {  	_ =	shalt  }
0x44: {  	_ =	shalt  }
0x45: {  	_ =	shalt  }
0x46: {  	_ =	shalt  }
0x47: {  	_ =	shalt  }
0x48: {  	_ =	shalt  }
0x49: {  	_ =	shalt  }
0x4a: {  	_ =	shalt  }
0x4b: {  	_ =	shalt  }
0x4c: {  	_ =	shalt  }
0x4d: {  	_ =	shalt  }
0x4e: {  	_ =	shalt  }
0x4f: {  	_ =	shalt  }
0x50: {  	_ =	shalt  }
0x51: {  	_ =	shalt  }
0x52: {  	_ =	shalt  }
0x53: {  	_ =	shalt  }
0x54: {  	_ =	shalt  }
0x55: {  	_ =	shalt  }
0x56: {  	_ =	shalt  }
0x57: {  	_ =	shalt  }
0x58: {  	_ =	shalt  }
0x59: {  	_ =	shalt  }
0x5a: {  	_ =	shalt  }
0x5b: {  	_ =	shalt  }
0x5c: {  	_ =	shalt  }
0x5d: {  	_ =	shalt  }
0x5e: {  	_ =	shalt  }
0x5f: {  	_ =	shalt  }
0x60: {  	_ =	shalt  }
0x61: {  	_ =	shalt  }
0x62: {  	_ =	shalt  }
0x63: {  	_ =	shalt  }
0x64: {  	_ =	shalt  }
0x65: {  	_ =	shalt  }
0x66: {  	_ =	shalt  }
0x67: {  	_ =	shalt  }
0x68: {  	_ =	shalt  }
0x69: {  	_ =	shalt  }
0x6a: {  	_ =	shalt  }
0x6b: {  	_ =	shalt  }
0x6c: {  	_ =	shalt  }
0x6d: {  	_ =	shalt  }
0x6e: {  	_ =	shalt  }
0x6f: {  	_ =	shalt  }
0x70: {  	_ =	shalt  }
0x71: {  	_ =	shalt  }
0x72: {  	_ =	shalt  }
0x73: {  	_ =	shalt  }
0x74: {  	_ =	shalt  }
0x75: {  	_ =	shalt  }
0x76: {  	_ =	shalt  }
0x77: {  	_ =	shalt  }
0x78: {  	_ =	shalt  }
0x79: {  	_ =	shalt  }
0x7a: {  	_ =	shalt  }
0x7b: {  	_ =	shalt  }
0x7c: {  	_ =	shalt  }
0x7d: {  	_ =	shalt  }
0x7e: {  	_ =	shalt  }
0x7f: {  	_ =	shalt  }
0x80: {  	_ =	shalt  }
0x81: {  	_ =	shalt  }
0x82: {  	_ =	shalt  }
0x83: {  	_ =	shalt  }
0x84: {  	_ =	shalt  }
0x85: {  	_ =	shalt  }
0x86: {  	_ =	shalt  }
0x87: {  	_ =	shalt  }
.Lfunc_end0:
.L_simem_size_0:
called_computation.1_lowered:
.L_overlay_start_0:
0x88: {  	s2 =	sld [smem:$0x3FD9]  }
0x89: {  	s3 =	sld [smem:$0x3FFE];
	_ =	sdelay $0x1  }
0x8a: {  	s1 =	srdreg.scid  }
0x8b: {  	s0 =	sand.u32 $0x1, s1  }
0x8c: {  	s17 =	sshll.u32 s0, $0xA;
	s2 =	sadd.s32 s3, s2  }
0x8d: {  	s2 =	sadd.s32 s2, s17  }
0x8e: {  	[smem:$0x3FC2] =	sst s2  }
0x8f: {  	_ = 	snop  }
0x90: {  	s2 =	sld [smem:$0x3FD0];
	(tm) =	ssettm $0x1  }
0x91: {  	s18 =	sld [smem:$0x3FFB];
	_ =	sdelay $0x3  }
0x92: {  	_ =	strace s18  }
0x93: {  	s3 =	sld [smem:$0x3FFC];
	_ =	sdelay $0x3  }
0x94: {  	_ =	strace s3  }
0x95: {  	s3 =	sld [smem:$0x3FFD];
	_ =	sdelay $0x3  }
0x96: {  	_ =	strace s3  }
0x97: {  	_ =	strace $0x8FFFFFFF  }
0x98: {  	s19 =	sld [smem:$0x3FDB];
	_ =	sdelay $0x1  }
0x99: {  	s4 =	simm.s32 $_scs_section_size  }
0x9a: {  	s5 =	simm.s32 $_size__tile_overlayer_lowered;
	s6 =	simm.s32 $_tile_overlayer_lowered  }
0x9b: {  	s22 =	simm.s32 $0x1BFF;
	s21 =	sshll.u32 s6, $0x1;
	s3 =	sadd.s32 s4, s19  }
0x9c: {  	s7 =	simm.s32 $0x0;
	s20 =	sshll.u32 s5, $0x1;
	s5 =	sadd.s32 s21, s3  }
0x9d: {  	[timem:s7], [sflag:s22] =	dma.local [hbm:s5], s20  }
0x9e: {  	_ =	swait.ge [sflag:s22], s20  }
0x9f: {  	s4 =	ssub.s32 $0x0, s20;
	[sflag:s22] =	ssyncset.done $0x0  }
0xa0: {  	[sflag:s22] =	ssyncadd.s32 s4;
	_ =	sdelay $0x1  }
0xa1: {  	s23 =	simm.s32 $0x1B8B  }
0xa2: {  	_ =	swait.ge [sflag:s23], $0x1  }
0xa3: {  	[sflag:s23] =	ssyncset.done $0x0  }
0xa4: {  	s25 =	simm.s32 $0x1B8E;
	s24 =	sld [smem:$0x3FFE];
	[sflag:s23] =	ssyncadd.s32 $0xFFFFFFFF  }
0xa5: {  	s26 =	simm.s32 $execute0_lowered;
	[smem:$0x3FD2] =	sst s25  }
0xa6: {  	s5 =	sshll.u32 s26, $0x1;
	_ =	strace $0x80000049;
	[dreg:$0x1] =	wrdreg $0xFFFFFFFF  }
0xa7: {  	s28 =	simm.s32 $_size_execute0_lowered;
	s3 =	sadd.s32 s3, s5;
	[dreg:$0x0] =	wrdreg $0x0  }
0xa8: {  	s5 =	sshll.u32 s28, $0x1;
	[dreg:$0x2] =	wrdreg s3  }
0xa9: {  	[dreg:$0x3] =	wrdreg s5  }
0xaa: {  	[dreg:$0x4] =	wrdreg $0xC0  }
0xab: {  	_ =	task [dreg:s7], $0x5FFFF  }
0xac: {  	[dreg:$0x1] =	wrdreg $0xFFFFFFFF  }
0xad: {  	[dreg:$0x0] =	wrdreg $0x60  }
0xae: {  	[dreg:$0x2] =	wrdreg s2  }
0xaf: {  	[dreg:$0x3] =	wrdreg s24  }
0xb0: {  	[dreg:$0x4] =	wrdreg $0x0  }
0xb1: {  	[dreg:$0x5] =	wrdreg $0x9  }
0xb2: {  	_ =	task.clear_ibuf [dreg:s7], $0x6FFFF;
	_ =	strace $0x90000049  }
0xb3: {  	s29 =	simm.s32 $0x9;
	_ =	strace $0x8000004B  }
0xb4: {  	_ =	swait.ge [sflag:s29], $0x1  }
0xb5: {  	[sflag:s29] =	ssyncadd.s32 $0xFFFFFFFF  }
0xb6: {  	_ =	strace $0x9000004B  }
0xb7: {  	_ =	sfence  }
0xb8: {  	s30 =	sld [smem:$0x0];
	_ =	sdelay $0x2  }
0xb9: {  	s31 =	sshll.u32 s1, $0xD;
	s1 =	sshrl.u32 s1, $0x2  }
0xba: {  	s3 =	sand.u32 $0x4000, s31;
	s1 =	sadd.s32 s1, s30  }
0xbb: {  	s0 =	sor.u32 s3, s0;
	s1 =	sshll.u32 s1, $0x11  }
0xbc: {  	s0 =	sor.u32 s1, s0  }
0xbd: {  	s0 =	sadd.s32 $0x8F2B, s0  }
0xbe: {  	[sflag:s0] =	ssyncadd.remote.s32 $0x1  }
0xbf: {  	_ =	sfence.sel $0xFFFF  }
0xc0: {  	[dreg:$0x0] =	wrdreg $0xFFFFFFFF;
	(pc) =	sbr.abs _section_cstart, $3  }
0xc1: {  	[dreg:$0x1] =	wrdreg $0xFFFFFFFF  }
0xc2: {  	_ =	task.clear_ibuf [dreg:s7], $0x2FFFF;
	_ =	strace $0x9FFFFFFF  }
0xc3: {  	(tm) =	ssettm $0x7FFFFFFF  }
tec
execute0_lowered:
.L_overlay_start_1:
0x0: {  	(tag) =	ssettag $0x1  }
0x1: {  	s3 =	rddreg [dreg:$0x0]  }
0x2: {  	s0 =	rddreg [dreg:$0x1]  }
0x3: {  	s1 =	rddreg [dreg:$0x2];
	s11 =	stileid.u32  }
0x4: {  	s2 =	srdreg.scid;
	s7 =	smul.u32 $0x13800, s11  }
0x5: {  	s4 =	simm.s32 $0x0;
	s6 =	sand.u32 $0x1, s2;
	s19 =	smul.u32 $0x2710, s11  }
0x6: {  	[smem:$0x7FF] =	sst s4;
	s2 =	smul.u32 $0x138800, s6  }
0x7: {  	s5 =	sshll.u32 s6, $0x4;
	s10 =	ssub.s32 $0x2, s6;
	s6 =	smul.u32 $0x27100, s6  }
0x8: {  	s17 =	sadd.s32 $0x2000, s0;
	s12 =	sadd.s32 $0xBE00, s0;
	_ =	strace $0x8000004A  }
0x9: {  	[dreg:$0x12] =	wrdreg s12;
	s5 =	sor.u32 s11, s5;
	s6 =	sadd.s32 s19, s6  }
0xa: {  	s5 =	smul.u32 $0x2710, s5;
	s2 =	sadd.s32 s7, s2;
	s24 =	sadd.s32 $0x4B0, s6  }
0xb: {  	s8 =	sshrl.u32 s10, $0x1;
	s2 =	sshrl.u32 s2, $0x3;
	s26 =	sshrl.u32 s24, $0x3  }
0xc: {  	s5 =	sshrl.u32 s5, $0x3;
	s2 =	sadd.s32 s2, s0;
	s28 =	sadd.s32 s26, s12  }
0xd: {  	s0 =	ssub.s32 s10, s8;
	s2 =	sadd.s32 $0x15C00, s2;
	[dreg:$0x4] =	wrdreg s28  }
0xe: {  	s9 =	sadd.s32 $0xA, s5;
	s0 =	smax.u32 s0, $0x1;
	[smem:$0x7EB] =	sst s2  }
0xf: {  	s13 =	sadd.s32 s17, s9;
	[smem:$0x7EC] =	sst s0  }
0x10: {  	s15 =	sadd.s32 $0x14, s5;
	s14 =	sadd.s32 s12, s9;
	[dreg:$0x13] =	wrdreg s13  }
0x11: {  	s16 =	sadd.s32 s17, s15;
	[dreg:$0x14] =	wrdreg s14  }
0x12: {  	s18 =	sadd.s32 $0x1E, s5;
	s7 =	sadd.s32 s12, s15;
	[dreg:$0x15] =	wrdreg s16  }
0x13: {  	s10 =	sadd.s32 $0x460, s6;
	s20 =	sadd.s32 s17, s18;
	[dreg:$0x16] =	wrdreg s7  }
0x14: {  	s21 =	sadd.s32 $0x28, s5;
	s8 =	sadd.s32 s12, s18;
	[dreg:$0x17] =	wrdreg s20  }
0x15: {  	s23 =	sadd.s32 $0x32, s5;
	s22 =	sadd.s32 s17, s21;
	[dreg:$0x18] =	wrdreg s8  }
0x16: {  	s29 =	sshrl.u32 s10, $0x3;
	s25 =	sadd.s32 s17, s23;
	[dreg:$0x19] =	wrdreg s22  }
0x17: {  	s31 =	sadd.s32 $0x410, s6;
	s30 =	sadd.s32 s29, s12;
	[dreg:$0x1b] =	wrdreg s25  }
0x18: {  	s10 =	sshrl.u32 s31, $0x3;
	s9 =	sadd.s32 s29, s17;
	[dreg:$0x6] =	wrdreg s30  }
0x19: {  	s15 =	sadd.s32 s10, s17;
	[dreg:$0x7] =	wrdreg s9  }
0x1a: {  	s19 =	sadd.s32 $0x370, s6;
	s7 =	sadd.s32 s12, s21;
	[dreg:$0x9] =	wrdreg s15  }
0x1b: {  	s28 =	sadd.s32 $0x2D0, s6;
	s13 =	sadd.s32 s10, s12;
	[dreg:$0x1a] =	wrdreg s7  }
0x1c: {  	s30 =	sshrl.u32 s28, $0x3;
	s28 =	sadd.s32 s12, s5;
	[dreg:$0x8] =	wrdreg s13  }
0x1d: {  	s21 =	sshrl.u32 s19, $0x3;
	s7 =	sadd.s32 s12, s23;
	[smem:$0x7E6] =	sst s28  }
0x1e: {  	s22 =	sadd.s32 s21, s12;
	[dreg:$0x1c] =	wrdreg s7  }
0x1f: {  	s8 =	sadd.s32 $0x3C, s5;
	s24 =	sadd.s32 s21, s17;
	[dreg:$0xc] =	wrdreg s22  }
0x20: {  	s31 =	sadd.s32 s17, s8;
	[dreg:$0xd] =	wrdreg s24  }
0x21: {  	s8 =	sadd.s32 s12, s8;
	[dreg:$0x1d] =	wrdreg s31  }
0x22: {  	s10 =	sadd.s32 s30, s12;
	[dreg:$0x1e] =	wrdreg s8  }
0x23: {  	s15 =	sadd.s32 $0x4B0, s5;
	s13 =	sadd.s32 s30, s17;
	[dreg:$0x10] =	wrdreg s10  }
0x24: {  	s14 =	sadd.s32 $0x3C0, s6;
	s19 =	sadd.s32 s17, s15;
	[dreg:$0x11] =	wrdreg s13  }
0x25: {  	s16 =	sshrl.u32 s14, $0x3;
	s7 =	sadd.s32 s26, s17;
	[smem:$0x7DF] =	sst s19  }
0x26: {  	s23 =	sadd.s32 $0x320, s6;
	s18 =	sadd.s32 s16, s12;
	[dreg:$0x5] =	wrdreg s7  }
0x27: {  	s14 =	sadd.s32 $0x46, s5;
	s20 =	sadd.s32 s16, s17;
	[dreg:$0xa] =	wrdreg s18  }
0x28: {  	s21 =	sadd.s32 $0x4BA, s5;
	s16 =	sadd.s32 s17, s14;
	[dreg:$0xb] =	wrdreg s20  }
0x29: {  	s25 =	sshrl.u32 s23, $0x3;
	s23 =	sadd.s32 s17, s21;
	[dreg:$0x1f] =	wrdreg s16  }
0x2a: {  	s13 =	sadd.s32 $0x280, s6;
	[smem:$0x7E1] =	sst s23  }
0x2b: {  	s26 =	sadd.s32 s25, s12;
	[smem:$0x7ED] =	sst s13  }
0x2c: {  	s29 =	sadd.s32 s25, s17;
	[dreg:$0xe] =	wrdreg s26  }
0x2d: {  	s18 =	sadd.s32 s12, s14;
	[dreg:$0xf] =	wrdreg s29  }
0x2e: {  	s20 =	sadd.s32 s12, s15;
	[smem:$0x7DE] =	sst s18  }
0x2f: {  	s22 =	sadd.s32 $0x4C4, s5;
	s7 =	sadd.s32 s12, s21;
	[smem:$0x7E0] =	sst s20  }
0x30: {  	s30 =	smul.u32 $0x4E000, s11;
	s24 =	sadd.s32 s17, s22;
	[smem:$0x7E2] =	sst s7  }
0x31: {  	s25 =	sadd.s32 s12, s22;
	[smem:$0x7E3] =	sst s24  }
0x32: {  	s11 =	sshrl.u32 s30, $0x2;
	[smem:$0x7E4] =	sst s25;
	s26 =	sadd.s32 s17, s5  }
0x33: {  	s29 =	sadd.s32 $0x4CE, s5;
	s16 =	sadd.s32 s11, s1;
	[smem:$0x7E5] =	sst s26  }
0x34: {  	s31 =	sadd.s32 s17, s29;
	[smem:$0x7FD] =	sst s16  }
0x35: {  	s5 =	sadd.s32 $0x4D8, s5;
	s7 =	sadd.s32 s12, s29;
	[smem:$0x7E7] =	sst s31  }
0x36: {  	s10 =	sadd.s32 s17, s5;
	[smem:$0x7E8] =	sst s7  }
0x37: {  	s5 =	sadd.s32 s12, s5;
	[smem:$0x7E9] =	sst s10  }
0x38: {  	s14 =	sadd.s32 $0x1400, s16;
	[smem:$0x7EA] =	sst s5  }
0x39: {  	s15 =	sadd.s32 $0x2800, s16;
	[smem:$0x7EE] =	sst s14  }
0x3a: {  	s18 =	sadd.s32 $0x3C00, s16;
	[smem:$0x7EF] =	sst s15  }
0x3b: {  	s19 =	sadd.s32 $0x5000, s16;
	[smem:$0x7F0] =	sst s18  }
0x3c: {  	s20 =	sadd.s32 $0x6400, s16;
	[smem:$0x7F1] =	sst s19  }
0x3d: {  	s21 =	sadd.s32 $0x7800, s16;
	[smem:$0x7F2] =	sst s20  }
0x3e: {  	s22 =	sadd.s32 $0x8C00, s16;
	[smem:$0x7F3] =	sst s21  }
0x3f: {  	s23 =	sadd.s32 $0xA000, s16;
	[smem:$0x7F4] =	sst s22  }
0x40: {  	s24 =	sadd.s32 $0xB400, s16;
	[smem:$0x7F5] =	sst s23  }
0x41: {  	s25 =	sadd.s32 $0xC800, s16;
	[smem:$0x7F6] =	sst s24  }
0x42: {  	s26 =	sadd.s32 $0xDC00, s16;
	[smem:$0x7F7] =	sst s25  }
0x43: {  	s28 =	sadd.s32 $0xF000, s16;
	[smem:$0x7F8] =	sst s26  }
0x44: {  	s29 =	sadd.s32 $0x10400, s16;
	[smem:$0x7F9] =	sst s28  }
0x45: {  	s30 =	sadd.s32 $0x11800, s16;
	[smem:$0x7FA] =	sst s29  }
0x46: {  	s8 =	simm.s32 $0x14080;
	[smem:$0x7FB] =	sst s30  }
0x47: {  	s31 =	sadd.s32 $0x12C00, s16;
	s23 =	simm.s32 $0x13F00;
	s19 =	simm.s32 $0x50  }
0x48: {  	v0 =	vimm.f32 $0.0e+00;
	s18 =	simm.s32 $0x5;
	s14 =	simm.s32 $0x0;
	[smem:$0x7FC] =	sst s31  }
.LBB2_1:
0x49: {  	[smem:$0x7DD] =	sst s14;
	s13 =	simm.s32 $0x0;
	s14 =	simm.s32 $0x200  }
.LBB2_2:
0x4a: {  	p0 =	sne.s32 s14, $0x9E00;
	[tilespmem:s13+$0x140F0] =	vst v0  }
0x4b: {  	[tilespmem:s13+$0x14080] =	vst v0  }
0x4c: {  	[tilespmem:s13+$0x14090] =	vst v0  }
.Ltmp0:
0x4d: {  	[tilespmem:s13+$0x140A0] =	vst v0;
	(pc) =	sbr.rel @p0 .LBB2_2-.Ltmp0, $4  }
0x4e: {  	[tilespmem:s13+$0x140B0] =	vst v0  }
0x4f: {  	[tilespmem:s13+$0x140C0] =	vst v0  }
0x50: {  	[tilespmem:s13+$0x140D0] =	vst v0  }
0x51: {  	[tilespmem:s13+$0x140E0] =	vst v0;
	s13 =	sshra.s32 s14, $0x2;
	s14 =	sadd.s32 $0x200, s14  }
0x52: {  	[tilespmem:s13+$0x140F0] =	vst v0  }
0x53: {  	[tilespmem:s13+$0x14080] =	vst v0  }
0x54: {  	[tilespmem:s13+$0x14090] =	vst v0  }
0x55: {  	[tilespmem:s13+$0x140A0] =	vst v0  }
0x56: {  	[tilespmem:s13+$0x140B0] =	vst v0  }
0x57: {  	[tilespmem:s13+$0x140C0] =	vst v0  }
0x58: {  	[tilespmem:s13+$0x140D0] =	vst v0  }
0x59: {  	[tilespmem:s13+$0x140E0] =	vst v0;
	s10 =	simm.s32 $0x11  }
0x5a: {  	[spmem:s16] =	stream.linear.scatter [tilespmem:s8], [sflag:$0x11], $0x1400, $0x38;
	[tilespmem:$0x1E080] =	vst v63  }
0x5b: {  	_ =	swait.ge [sflag:s10], $0x1400  }
0x5c: {  	s5 =	sld [smem:$0x7EE]  }
0x5d: {  	[sflag:s10] =	ssyncset.done $0x0  }
0x5e: {  	s26 =	simm.s32 $0x14080;
	[sflag:s10] =	ssyncadd.s32 $0xFFFFEC00  }
0x5f: {  	[spmem:s5] =	stream.linear.scatter [tilespmem:s26], [sflag:$0x11], $0x1400, $0x38;
	[tilespmem:$0x1E080] =	vst v63  }
0x60: {  	_ =	swait.ge [sflag:s10], $0x1400  }
0x61: {  	s6 =	sld [smem:$0x7EF]  }
0x62: {  	[sflag:s10] =	ssyncset.done $0x0  }
0x63: {  	[sflag:s10] =	ssyncadd.s32 $0xFFFFEC00  }
0x64: {  	[spmem:s6] =	stream.linear.scatter [tilespmem:s26], [sflag:$0x11], $0x1400, $0x38;
	[tilespmem:$0x1E080] =	vst v63  }
0x65: {  	_ =	swait.ge [sflag:s10], $0x1400  }
0x66: {  	s7 =	sld [smem:$0x7F0]  }
0x67: {  	[sflag:s10] =	ssyncset.done $0x0  }
0x68: {  	[sflag:s10] =	ssyncadd.s32 $0xFFFFEC00  }
0x69: {  	[spmem:s7] =	stream.linear.scatter [tilespmem:s26], [sflag:$0x11], $0x1400, $0x38;
	[tilespmem:$0x1E080] =	vst v63  }
0x6a: {  	_ =	swait.ge [sflag:s10], $0x1400  }
0x6b: {  	s9 =	sld [smem:$0x7F1]  }
0x6c: {  	[sflag:s10] =	ssyncset.done $0x0  }
0x6d: {  	[sflag:s10] =	ssyncadd.s32 $0xFFFFEC00  }
0x6e: {  	[spmem:s9] =	stream.linear.scatter [tilespmem:s26], [sflag:$0x11], $0x1400, $0x38;
	[tilespmem:$0x1E080] =	vst v63  }
0x6f: {  	_ =	swait.ge [sflag:s10], $0x1400  }
0x70: {  	s11 =	sld [smem:$0x7F2]  }
0x71: {  	[sflag:s10] =	ssyncset.done $0x0  }
0x72: {  	[sflag:s10] =	ssyncadd.s32 $0xFFFFEC00  }
0x73: {  	[spmem:s11] =	stream.linear.scatter [tilespmem:s26], [sflag:$0x11], $0x1400, $0x38;
	[tilespmem:$0x1E080] =	vst v63  }
0x74: {  	_ =	swait.ge [sflag:s10], $0x1400  }
0x75: {  	s13 =	sld [smem:$0x7F3]  }
0x76: {  	[sflag:s10] =	ssyncset.done $0x0  }
0x77: {  	[sflag:s10] =	ssyncadd.s32 $0xFFFFEC00  }
0x78: {  	[spmem:s13] =	stream.linear.scatter [tilespmem:s26], [sflag:$0x11], $0x1400, $0x38;
	[tilespmem:$0x1E080] =	vst v63  }
0x79: {  	_ =	swait.ge [sflag:s10], $0x1400  }
0x7a: {  	s14 =	sld [smem:$0x7F4]  }
0x7b: {  	[sflag:s10] =	ssyncset.done $0x0  }
0x7c: {  	[sflag:s10] =	ssyncadd.s32 $0xFFFFEC00  }
0x7d: {  	[spmem:s14] =	stream.linear.scatter [tilespmem:s26], [sflag:$0x11], $0x1400, $0x38;
	[tilespmem:$0x1E080] =	vst v63  }
0x7e: {  	_ =	swait.ge [sflag:s10], $0x1400  }
0x7f: {  	s15 =	sld [smem:$0x7F5]  }
0x80: {  	[sflag:s10] =	ssyncset.done $0x0  }
0x81: {  	[sflag:s10] =	ssyncadd.s32 $0xFFFFEC00  }
0x82: {  	[spmem:s15] =	stream.linear.scatter [tilespmem:s26], [sflag:$0x11], $0x1400, $0x38;
	[tilespmem:$0x1E080] =	vst v63  }
0x83: {  	_ =	swait.ge [sflag:s10], $0x1400  }
0x84: {  	s16 =	sld [smem:$0x7F6]  }
0x85: {  	[sflag:s10] =	ssyncset.done $0x0  }
0x86: {  	[sflag:s10] =	ssyncadd.s32 $0xFFFFEC00  }
0x87: {  	[spmem:s16] =	stream.linear.scatter [tilespmem:s26], [sflag:$0x11], $0x1400, $0x38;
	[tilespmem:$0x1E080] =	vst v63  }
0x88: {  	_ =	swait.ge [sflag:s10], $0x1400  }
0x89: {  	s20 =	sld [smem:$0x7F7]  }
0x8a: {  	[sflag:s10] =	ssyncset.done $0x0  }
0x8b: {  	[sflag:s10] =	ssyncadd.s32 $0xFFFFEC00  }
0x8c: {  	[spmem:s20] =	stream.linear.scatter [tilespmem:s26], [sflag:$0x11], $0x1400, $0x38;
	[tilespmem:$0x1E080] =	vst v63  }
0x8d: {  	_ =	swait.ge [sflag:s10], $0x1400  }
0x8e: {  	s21 =	sld [smem:$0x7F8]  }
0x8f: {  	[sflag:s10] =	ssyncset.done $0x0  }
0x90: {  	[sflag:s10] =	ssyncadd.s32 $0xFFFFEC00  }
0x91: {  	[spmem:s21] =	stream.linear.scatter [tilespmem:s26], [sflag:$0x11], $0x1400, $0x38;
	[tilespmem:$0x1E080] =	vst v63  }
0x92: {  	_ =	swait.ge [sflag:s10], $0x1400  }
0x93: {  	s22 =	sld [smem:$0x7F9]  }
0x94: {  	[sflag:s10] =	ssyncset.done $0x0  }
0x95: {  	[sflag:s10] =	ssyncadd.s32 $0xFFFFEC00  }
0x96: {  	[spmem:s22] =	stream.linear.scatter [tilespmem:s26], [sflag:$0x11], $0x1400, $0x38;
	[tilespmem:$0x1E080] =	vst v63  }
0x97: {  	_ =	swait.ge [sflag:s10], $0x1400  }
0x98: {  	s24 =	sld [smem:$0x7FA]  }
0x99: {  	[sflag:s10] =	ssyncset.done $0x0  }
0x9a: {  	[sflag:s10] =	ssyncadd.s32 $0xFFFFEC00  }
0x9b: {  	[spmem:s24] =	stream.linear.scatter [tilespmem:s26], [sflag:$0x11], $0x1400, $0x38;
	[tilespmem:$0x1E080] =	vst v63  }
0x9c: {  	_ =	swait.ge [sflag:s10], $0x1400  }
0x9d: {  	s25 =	sld [smem:$0x7FB]  }
0x9e: {  	[sflag:s10] =	ssyncset.done $0x0  }
0x9f: {  	[sflag:s10] =	ssyncadd.s32 $0xFFFFEC00  }
0xa0: {  	[spmem:s25] =	stream.linear.scatter [tilespmem:s26], [sflag:$0x11], $0x1400, $0x38;
	[tilespmem:$0x1E080] =	vst v63  }
0xa1: {  	_ =	swait.ge [sflag:s10], $0x1400  }
0xa2: {  	s28 =	sld [smem:$0x7FC]  }
0xa3: {  	[sflag:s10] =	ssyncset.done $0x0  }
0xa4: {  	[sflag:s10] =	ssyncadd.s32 $0xFFFFEC00  }
0xa5: {  	[spmem:s28] =	stream.linear.scatter [tilespmem:s26], [sflag:$0x11], $0x1400, $0x38;
	[tilespmem:$0x1E080] =	vst v63  }
0xa6: {  	_ =	swait.ge [sflag:s10], $0x1400  }
0xa7: {  	[sflag:s10] =	ssyncset.done $0x0  }
0xa8: {  	[sflag:s10] =	ssyncadd.s32 $0xFFFFEC00  }
0xa9: {  	[bflag:$0x0] =	sbarrier.arrive $0xFFFF  }
0xaa: {  	s29 =	sld [smem:$0x7E5];
	_ =	sdelay $0x1  }
0xab: {  	s13 =	simm.s32 $0x0;
	s24 =	simm.s32 $0x13880;
	s30 =	sld [smem:$0x7E6]  }
0xac: {  	[tilespmem:s24], [sflag:$0x1] =	stream.linear.gather [hbm4b:s29+s13], $0x50, $0x38;
	[tilespmem:$0x1E080] =	vst v63  }
0xad: {  	s16 =	simm.s32 $0x13C80  }
0xae: {  	[tilespmem:s16], [sflag:$0x1] =	stream.linear.gather [hbm4b:s30+s13], $0x50, $0x38;
	[tilespmem:$0x1E080] =	vst v63  }
0xaf: {  	s0 =	simm.s32 $0x13900;
	s31 =	rddreg [dreg:$0x13]  }
0xb0: {  	[tilespmem:s0], [sflag:$0x2] =	stream.linear.gather [hbm4b:s31+s13], $0x50, $0x38;
	[tilespmem:$0x1E080] =	vst v63  }
0xb1: {  	s5 =	simm.s32 $0x13D00;
	s2 =	rddreg [dreg:$0x14]  }
0xb2: {  	[tilespmem:s5], [sflag:$0x2] =	stream.linear.gather [hbm4b:s2+s13], $0x50, $0x38;
	[tilespmem:$0x1E080] =	vst v63  }
0xb3: {  	s7 =	simm.s32 $0x13980;
	s6 =	rddreg [dreg:$0x15]  }
0xb4: {  	[tilespmem:s7], [sflag:$0x3] =	stream.linear.gather [hbm4b:s6+s13], $0x50, $0x38;
	[tilespmem:$0x1E080] =	vst v63  }
0xb5: {  	s25 =	simm.s32 $0x13D80;
	s10 =	rddreg [dreg:$0x16]  }
0xb6: {  	[tilespmem:s25], [sflag:$0x3] =	stream.linear.gather [hbm4b:s10+s13], $0x50, $0x38;
	[tilespmem:$0x1E080] =	vst v63  }
0xb7: {  	s14 =	simm.s32 $0x13A00;
	s11 =	rddreg [dreg:$0x17]  }
0xb8: {  	[tilespmem:s14], [sflag:$0x4] =	stream.linear.gather [hbm4b:s11+s13], $0x50, $0x38;
	[tilespmem:$0x1E080] =	vst v63  }
0xb9: {  	s15 =	rddreg [dreg:$0x18];
	s2 =	simm.s32 $0x13E00  }
0xba: {  	[tilespmem:s2], [sflag:$0x4] =	stream.linear.gather [hbm4b:s15+s13], $0x50, $0x38;
	[tilespmem:$0x1E080] =	vst v63  }
0xbb: {  	s20 =	rddreg [dreg:$0x19];
	s10 =	simm.s32 $0x13A80  }
0xbc: {  	[tilespmem:s10], [sflag:$0x5] =	stream.linear.gather [hbm4b:s20+s13], $0x50, $0x38;
	[tilespmem:$0x1E080] =	vst v63  }
0xbd: {  	s22 =	simm.s32 $0x13E80;
	s21 =	rddreg [dreg:$0x1a]  }
0xbe: {  	[tilespmem:s22], [sflag:$0x5] =	stream.linear.gather [hbm4b:s21+s13], $0x50, $0x38;
	[tilespmem:$0x1E080] =	vst v63  }
0xbf: {  	s28 =	rddreg [dreg:$0x1b];
	s6 =	simm.s32 $0x13B00  }
0xc0: {  	[tilespmem:s6], [sflag:$0x6] =	stream.linear.gather [hbm4b:s28+s13], $0x50, $0x38;
	[tilespmem:$0x1E080] =	vst v63  }
0xc1: {  	s29 =	rddreg [dreg:$0x1c]  }
0xc2: {  	[tilespmem:s23], [sflag:$0x6] =	stream.linear.gather [hbm4b:s29+s13], $0x50, $0x38;
	[tilespmem:$0x1E080] =	vst v63  }
0xc3: {  	s30 =	rddreg [dreg:$0x1d];
	s31 =	simm.s32 $0x13B80  }
0xc4: {  	[tilespmem:s31], [sflag:$0x7] =	stream.linear.gather [hbm4b:s30+s13], $0x50, $0x38;
	[tilespmem:$0x1E080] =	vst v63  }
0xc5: {  	s11 =	simm.s32 $0x13F80;
	s2 =	rddreg [dreg:$0x1e];
	s21 =	simm.s32 $0x1  }
0xc6: {  	[tilespmem:s11], [sflag:$0x7] =	stream.linear.gather [hbm4b:s2+s13], $0x50, $0x38;
	[tilespmem:$0x1E080] =	vst v63  }
0xc7: {  	_ =	swait.ge [sflag:s21], $0x50  }
0xc8: {  	[sflag:s21] =	ssyncset.done $0x0  }
0xc9: {  	[sflag:s21] =	ssyncadd.s32 $0xFFFFFFB0  }
0xca: {  	_ =	swait.ge [sflag:s21], $0x50  }
0xcb: {  	[sflag:s21] =	ssyncset.done $0x0  }
0xcc: {  	s2 =	simm.s32 $0x2;
	[sflag:s21] =	ssyncadd.s32 $0xFFFFFFB0  }
0xcd: {  	[tilespmem:s26], [sflag:$0x9] =	stream.indirect.gather [hbm4b:s3+s19], $0x80, s24, s19, $0xb8;
	[tilespmem:$0x1E080] =	vst v63  }
0xce: {  	_ =	swait.ge [sflag:s2], $0x50  }
0xcf: {  	[sflag:s2] =	ssyncset.done $0x0  }
0xd0: {  	[sflag:s2] =	ssyncadd.s32 $0xFFFFFFB0  }
0xd1: {  	_ =	swait.ge [sflag:s2], $0x50  }
0xd2: {  	s9 =	simm.s32 $0x13900;
	[sflag:s2] =	ssyncset.done $0x0  }
0xd3: {  	s15 =	simm.s32 $0x3;
	s29 =	simm.s32 $0x16880;
	[sflag:s2] =	ssyncadd.s32 $0xFFFFFFB0  }
0xd4: {  	[tilespmem:s29], [sflag:$0xA] =	stream.indirect.gather [hbm4b:s3+s19], $0x80, s9, s19, $0xb8;
	[tilespmem:$0x1E080] =	vst v63  }
0xd5: {  	_ =	swait.ge [sflag:s15], $0x50  }
0xd6: {  	[sflag:s15] =	ssyncset.done $0x0  }
0xd7: {  	[sflag:s15] =	ssyncadd.s32 $0xFFFFFFB0  }
0xd8: {  	_ =	swait.ge [sflag:s15], $0x50  }
0xd9: {  	s7 =	simm.s32 $0x13980;
	[sflag:s15] =	ssyncset.done $0x0  }
0xda: {  	s22 =	simm.s32 $0x4;
	s30 =	simm.s32 $0x19080;
	[sflag:s15] =	ssyncadd.s32 $0xFFFFFFB0  }
0xdb: {  	[tilespmem:s30], [sflag:$0xB] =	stream.indirect.gather [hbm4b:s3+s19], $0x80, s7, s19, $0xb8;
	[tilespmem:$0x1E080] =	vst v63  }
0xdc: {  	_ =	swait.ge [sflag:s22], $0x50  }
0xdd: {  	[sflag:s22] =	ssyncset.done $0x0  }
0xde: {  	[sflag:s22] =	ssyncadd.s32 $0xFFFFFFB0  }
0xdf: {  	_ =	swait.ge [sflag:s22], $0x50  }
0xe0: {  	s0 =	simm.s32 $0x13A00;
	[sflag:s22] =	ssyncset.done $0x0  }
0xe1: {  	s14 =	simm.s32 $0x1B880;
	s20 =	rddreg [dreg:$0x1f];
	[sflag:s22] =	ssyncadd.s32 $0xFFFFFFB0  }
0xe2: {  	[tilespmem:s14], [sflag:$0xC] =	stream.indirect.gather [hbm4b:s3+s19], $0x80, s0, s19, $0xb8;
	[tilespmem:$0x1E080] =	vst v63  }
0xe3: {  	s28 =	simm.s32 $0x13C00;
	s0 =	sld [smem:$0x7DE]  }
0xe4: {  	[tilespmem:s28], [sflag:$0x8] =	stream.linear.gather [hbm4b:s20+s13], $0x50, $0x38;
	[tilespmem:$0x1E080] =	vst v63  }
0xe5: {  	s9 =	simm.s32 $0x9;
	s7 =	simm.s32 $0x14000  }
0xe6: {  	[tilespmem:s7], [sflag:$0x8] =	stream.linear.gather [hbm4b:s0+s13], $0x50, $0x38;
	[tilespmem:$0x1E080] =	vst v63  }
0xe7: {  	_ =	swait.ge [sflag:s9], $0x2800  }
0xe8: {  	[sflag:s9] =	ssyncset.done $0x0  }
0xe9: {  	s28 =	simm.s32 $0xD;
	[sflag:s9] =	ssyncadd.s32 $0xFFFFD800  }
0xea: {  	[spmem:s1] =	stream.indirect.scatter.add.f32 [tilespmem:s26], [sflag:$0xD], $0x80, s16, s19, $0xb8;
	[tilespmem:$0x1E080] =	vst v63  }
0xeb: {  	_ =	swait.ge [sflag:s28], $0x2800  }
0xec: {  	[sflag:s28] =	ssyncset.done $0x0  }
0xed: {  	[sflag:s28] =	ssyncadd.s32 $0xFFFFD800  }
0xee: {  	_ =	swait.ge [sflag:s18], $0x50  }
0xef: {  	[sflag:s18] =	ssyncset.done $0x0  }
0xf0: {  	[sflag:s18] =	ssyncadd.s32 $0xFFFFFFB0  }
0xf1: {  	_ =	swait.ge [sflag:s18], $0x50  }
0xf2: {  	[sflag:s18] =	ssyncset.done $0x0;
	s20 =	sld [smem:$0x7ED]  }
0xf3: {  	[sflag:s18] =	ssyncadd.s32 $0xFFFFFFB0  }
0xf4: {  	[tilespmem:s26], [sflag:$0x9] =	stream.indirect.gather [hbm4b:s3+s19], $0x80, s10, s19, $0xb8;
	[tilespmem:$0x1E080] =	vst v63  }
0xf5: {  	s8 =	sshrl.u32 s20, $0x3  }
0xf6: {  	s14 =	sadd.s32 s17, s8  }
0xf7: {  	[tilespmem:s24], [sflag:$0x1] =	stream.linear.gather [hbm4b:s14+s4], $0x50, $0x38;
	[tilespmem:$0x1E080] =	vst v63  }
0xf8: {  	s13 =	sadd.s32 s12, s8;
	s12 =	simm.s32 $0xA  }
0xf9: {  	[tilespmem:s16], [sflag:$0x1] =	stream.linear.gather [hbm4b:s13+s4], $0x50, $0x38;
	[tilespmem:$0x1E080] =	vst v63  }
0xfa: {  	_ =	swait.ge [sflag:s12], $0x2800  }
0xfb: {  	[sflag:s12] =	ssyncset.done $0x0  }
0xfc: {  	s7 =	simm.s32 $0xE;
	[sflag:s12] =	ssyncadd.s32 $0xFFFFD800  }
0xfd: {  	[spmem:s1] =	stream.indirect.scatter.add.f32 [tilespmem:s29], [sflag:$0xE], $0x80, s5, s19, $0xb8;
	[tilespmem:$0x1E080] =	vst v63  }
0xfe: {  	_ =	swait.ge [sflag:s7], $0x2800  }
0xff: {  	[sflag:s7] =	ssyncset.done $0x0  }
0x100: {  	s14 =	simm.s32 $0x6;
	[sflag:s7] =	ssyncadd.s32 $0xFFFFD800  }
0x101: {  	_ =	swait.ge [sflag:s14], $0x50  }
0x102: {  	[sflag:s14] =	ssyncset.done $0x0  }
0x103: {  	[sflag:s14] =	ssyncadd.s32 $0xFFFFFFB0  }
0x104: {  	_ =	swait.ge [sflag:s14], $0x50  }
0x105: {  	[sflag:s14] =	ssyncset.done $0x0  }
0x106: {  	s8 =	rddreg [dreg:$0x11];
	[sflag:s14] =	ssyncadd.s32 $0xFFFFFFB0  }
0x107: {  	[tilespmem:s29], [sflag:$0xA] =	stream.indirect.gather [hbm4b:s3+s19], $0x80, s6, s19, $0xb8;
	[tilespmem:$0x1E080] =	vst v63  }
0x108: {  	s11 =	simm.s32 $0x13900;
	s12 =	rddreg [dreg:$0x10];
	s13 =	sadd.s32 $0x0, s8  }
0x109: {  	[tilespmem:s11], [sflag:$0x2] =	stream.linear.gather [hbm4b:s13+s4], $0x50, $0x38;
	[tilespmem:$0x1E080] =	vst v63  }
0x10a: {  	s0 =	sadd.s32 $0x0, s12;
	s12 =	simm.s32 $0xB  }
0x10b: {  	[tilespmem:s5], [sflag:$0x2] =	stream.linear.gather [hbm4b:s0+s4], $0x50, $0x38;
	[tilespmem:$0x1E080] =	vst v63  }
0x10c: {  	_ =	swait.ge [sflag:s12], $0x2800  }
0x10d: {  	[sflag:s12] =	ssyncset.done $0x0  }
0x10e: {  	s8 =	simm.s32 $0xF;
	[sflag:s12] =	ssyncadd.s32 $0xFFFFD800  }
0x10f: {  	[spmem:s1] =	stream.indirect.scatter.add.f32 [tilespmem:s30], [sflag:$0xF], $0x80, s25, s19, $0xb8;
	[tilespmem:$0x1E080] =	vst v63  }
0x110: {  	_ =	swait.ge [sflag:s8], $0x2800  }
0x111: {  	[sflag:s8] =	ssyncset.done $0x0  }
0x112: {  	s5 =	simm.s32 $0x7;
	[sflag:s8] =	ssyncadd.s32 $0xFFFFD800  }
0x113: {  	_ =	swait.ge [sflag:s5], $0x50  }
0x114: {  	[sflag:s5] =	ssyncset.done $0x0  }
0x115: {  	[sflag:s5] =	ssyncadd.s32 $0xFFFFFFB0  }
0x116: {  	_ =	swait.ge [sflag:s5], $0x50  }
0x117: {  	[sflag:s5] =	ssyncset.done $0x0  }
0x118: {  	s6 =	rddreg [dreg:$0xf];
	[sflag:s5] =	ssyncadd.s32 $0xFFFFFFB0;
	s5 =	simm.s32 $0x13B80  }
0x119: {  	[tilespmem:s30], [sflag:$0xB] =	stream.indirect.gather [hbm4b:s3+s19], $0x80, s5, s19, $0xb8;
	[tilespmem:$0x1E080] =	vst v63  }
0x11a: {  	s11 =	rddreg [dreg:$0xe];
	s13 =	sadd.s32 $0x0, s6;
	s6 =	simm.s32 $0x13980  }
0x11b: {  	[tilespmem:s6], [sflag:$0x3] =	stream.linear.gather [hbm4b:s13+s4], $0x50, $0x38;
	[tilespmem:$0x1E080] =	vst v63  }
0x11c: {  	s11 =	sadd.s32 $0x0, s11;
	s6 =	simm.s32 $0xC  }
0x11d: {  	[tilespmem:s25], [sflag:$0x3] =	stream.linear.gather [hbm4b:s11+s4], $0x50, $0x38;
	[tilespmem:$0x1E080] =	vst v63  }
0x11e: {  	_ =	swait.ge [sflag:s6], $0x2800  }
0x11f: {  	s31 =	simm.s32 $0x1B880;
	[sflag:s6] =	ssyncset.done $0x0  }
0x120: {  	s0 =	simm.s32 $0x13E00;
	s11 =	simm.s32 $0x10;
	[sflag:s6] =	ssyncadd.s32 $0xFFFFD800  }
0x121: {  	[spmem:s1] =	stream.indirect.scatter.add.f32 [tilespmem:s31], [sflag:$0x10], $0x80, s0, s19, $0xb8;
	[tilespmem:$0x1E080] =	vst v63  }
0x122: {  	_ =	swait.ge [sflag:s11], $0x2800  }
0x123: {  	[sflag:s11] =	ssyncset.done $0x0  }
0x124: {  	s14 =	simm.s32 $0x8;
	[sflag:s11] =	ssyncadd.s32 $0xFFFFD800  }
0x125: {  	_ =	swait.ge [sflag:s14], $0x50  }
0x126: {  	[sflag:s14] =	ssyncset.done $0x0  }
0x127: {  	[sflag:s14] =	ssyncadd.s32 $0xFFFFFFB0  }
0x128: {  	_ =	swait.ge [sflag:s14], $0x50  }
0x129: {  	s5 =	smov.u32 s1;
	[sflag:s14] =	ssyncset.done $0x0  }
0x12a: {  	s1 =	simm.s32 $0x13C00;
	s13 =	rddreg [dreg:$0xd];
	[sflag:s14] =	ssyncadd.s32 $0xFFFFFFB0  }
0x12b: {  	[tilespmem:s31], [sflag:$0xC] =	stream.indirect.gather [hbm4b:s3+s19], $0x80, s1, s19, $0xb8;
	[tilespmem:$0x1E080] =	vst v63  }
0x12c: {  	s14 =	rddreg [dreg:$0xc];
	s13 =	sadd.s32 $0x0, s13;
	s1 =	simm.s32 $0x13A00  }
0x12d: {  	[tilespmem:s1], [sflag:$0x4] =	stream.linear.gather [hbm4b:s13+s4], $0x50, $0x38;
	[tilespmem:$0x1E080] =	vst v63  }
0x12e: {  	s1 =	sadd.s32 $0x0, s14  }
0x12f: {  	[tilespmem:s0], [sflag:$0x4] =	stream.linear.gather [hbm4b:s1+s4], $0x50, $0x38;
	[tilespmem:$0x1E080] =	vst v63  }
0x130: {  	_ =	swait.ge [sflag:s9], $0x2800  }
0x131: {  	[sflag:s9] =	ssyncset.done $0x0  }
0x132: {  	s14 =	simm.s32 $0x13E80;
	[sflag:s9] =	ssyncadd.s32 $0xFFFFD800  }
0x133: {  	[spmem:s5] =	stream.indirect.scatter.add.f32 [tilespmem:s26], [sflag:$0xD], $0x80, s14, s19, $0xb8;
	[tilespmem:$0x1E080] =	vst v63  }
0x134: {  	_ =	swait.ge [sflag:s28], $0x2800  }
0x135: {  	[sflag:s28] =	ssyncset.done $0x0  }
0x136: {  	[sflag:s28] =	ssyncadd.s32 $0xFFFFD800  }
0x137: {  	_ =	swait.ge [sflag:s21], $0x50  }
0x138: {  	[sflag:s21] =	ssyncset.done $0x0  }
0x139: {  	[sflag:s21] =	ssyncadd.s32 $0xFFFFFFB0  }
0x13a: {  	_ =	swait.ge [sflag:s21], $0x50  }
0x13b: {  	[sflag:s21] =	ssyncset.done $0x0  }
0x13c: {  	s28 =	rddreg [dreg:$0xb];
	[sflag:s21] =	ssyncadd.s32 $0xFFFFFFB0  }
0x13d: {  	[tilespmem:s26], [sflag:$0x9] =	stream.indirect.gather [hbm4b:s3+s19], $0x80, s24, s19, $0xb8;
	[tilespmem:$0x1E080] =	vst v63  }
0x13e: {  	s0 =	rddreg [dreg:$0xa];
	s13 =	sadd.s32 $0x0, s28  }
0x13f: {  	[tilespmem:s10], [sflag:$0x5] =	stream.linear.gather [hbm4b:s13+s4], $0x50, $0x38;
	[tilespmem:$0x1E080] =	vst v63  }
0x140: {  	s25 =	simm.s32 $0xA;
	s1 =	simm.s32 $0x13E80;
	s14 =	sadd.s32 $0x0, s0  }
0x141: {  	[tilespmem:s1], [sflag:$0x5] =	stream.linear.gather [hbm4b:s14+s4], $0x50, $0x38;
	[tilespmem:$0x1E080] =	vst v63  }
0x142: {  	_ =	swait.ge [sflag:s25], $0x2800  }
0x143: {  	[sflag:s25] =	ssyncset.done $0x0  }
0x144: {  	[sflag:s25] =	ssyncadd.s32 $0xFFFFD800  }
0x145: {  	[spmem:s5] =	stream.indirect.scatter.add.f32 [tilespmem:s29], [sflag:$0xE], $0x80, s23, s19, $0xb8;
	[tilespmem:$0x1E080] =	vst v63  }
0x146: {  	_ =	swait.ge [sflag:s7], $0x2800  }
0x147: {  	[sflag:s7] =	ssyncset.done $0x0  }
0x148: {  	[sflag:s7] =	ssyncadd.s32 $0xFFFFD800  }
0x149: {  	_ =	swait.ge [sflag:s2], $0x50  }
0x14a: {  	[sflag:s2] =	ssyncset.done $0x0  }
0x14b: {  	[sflag:s2] =	ssyncadd.s32 $0xFFFFFFB0  }
0x14c: {  	_ =	swait.ge [sflag:s2], $0x50  }
0x14d: {  	[sflag:s2] =	ssyncset.done $0x0  }
0x14e: {  	s1 =	simm.s32 $0x13900;
	s26 =	rddreg [dreg:$0x9];
	[sflag:s2] =	ssyncadd.s32 $0xFFFFFFB0  }
0x14f: {  	[tilespmem:s29], [sflag:$0xA] =	stream.indirect.gather [hbm4b:s3+s19], $0x80, s1, s19, $0xb8;
	[tilespmem:$0x1E080] =	vst v63  }
0x150: {  	s24 =	simm.s32 $0x13B00;
	s28 =	rddreg [dreg:$0x8];
	s13 =	sadd.s32 $0x0, s26  }
0x151: {  	[tilespmem:s24], [sflag:$0x6] =	stream.linear.gather [hbm4b:s13+s4], $0x50, $0x38;
	[tilespmem:$0x1E080] =	vst v63  }
0x152: {  	s2 =	sadd.s32 $0x0, s28  }
0x153: {  	[tilespmem:s23], [sflag:$0x6] =	stream.linear.gather [hbm4b:s2+s4], $0x50, $0x38;
	[tilespmem:$0x1E080] =	vst v63  }
0x154: {  	_ =	swait.ge [sflag:s12], $0x2800  }
0x155: {  	[sflag:s12] =	ssyncset.done $0x0  }
0x156: {  	s7 =	simm.s32 $0x13F80;
	[sflag:s12] =	ssyncadd.s32 $0xFFFFD800  }
0x157: {  	[spmem:s5] =	stream.indirect.scatter.add.f32 [tilespmem:s30], [sflag:$0xF], $0x80, s7, s19, $0xb8;
	[tilespmem:$0x1E080] =	vst v63  }
0x158: {  	_ =	swait.ge [sflag:s8], $0x2800  }
0x159: {  	[sflag:s8] =	ssyncset.done $0x0  }
0x15a: {  	[sflag:s8] =	ssyncadd.s32 $0xFFFFD800  }
0x15b: {  	_ =	swait.ge [sflag:s15], $0x50  }
0x15c: {  	[sflag:s15] =	ssyncset.done $0x0  }
0x15d: {  	[sflag:s15] =	ssyncadd.s32 $0xFFFFFFB0  }
0x15e: {  	_ =	swait.ge [sflag:s15], $0x50  }
0x15f: {  	[sflag:s15] =	ssyncset.done $0x0  }
0x160: {  	s8 =	rddreg [dreg:$0x7];
	[sflag:s15] =	ssyncadd.s32 $0xFFFFFFB0;
	s15 =	simm.s32 $0x13980  }
0x161: {  	[tilespmem:s30], [sflag:$0xB] =	stream.indirect.gather [hbm4b:s3+s19], $0x80, s15, s19, $0xb8;
	[tilespmem:$0x1E080] =	vst v63  }
0x162: {  	s21 =	simm.s32 $0x13B80;
	s12 =	rddreg [dreg:$0x6];
	s13 =	sadd.s32 $0x0, s8  }
0x163: {  	[tilespmem:s21], [sflag:$0x7] =	stream.linear.gather [hbm4b:s13+s4], $0x50, $0x38;
	[tilespmem:$0x1E080] =	vst v63  }
0x164: {  	s23 =	sadd.s32 $0x0, s12  }
0x165: {  	[tilespmem:s7], [sflag:$0x7] =	stream.linear.gather [hbm4b:s23+s4], $0x50, $0x38;
	[tilespmem:$0x1E080] =	vst v63  }
0x166: {  	_ =	swait.ge [sflag:s6], $0x2800  }
0x167: {  	[sflag:s6] =	ssyncset.done $0x0  }
0x168: {  	s26 =	simm.s32 $0x1B880;
	s24 =	simm.s32 $0x14000;
	[sflag:s6] =	ssyncadd.s32 $0xFFFFD800  }
0x169: {  	[spmem:s5] =	stream.indirect.scatter.add.f32 [tilespmem:s26], [sflag:$0x10], $0x80, s24, s19, $0xb8;
	[tilespmem:$0x1E080] =	vst v63  }
0x16a: {  	_ =	swait.ge [sflag:s11], $0x2800  }
0x16b: {  	[sflag:s11] =	ssyncset.done $0x0  }
0x16c: {  	[sflag:s11] =	ssyncadd.s32 $0xFFFFD800  }
0x16d: {  	_ =	swait.ge [sflag:s22], $0x50  }
0x16e: {  	[sflag:s22] =	ssyncset.done $0x0  }
0x16f: {  	[sflag:s22] =	ssyncadd.s32 $0xFFFFFFB0  }
0x170: {  	_ =	swait.ge [sflag:s22], $0x50  }
0x171: {  	[sflag:s22] =	ssyncset.done $0x0  }
0x172: {  	s30 =	simm.s32 $0x13A00;
	s28 =	rddreg [dreg:$0x5];
	[sflag:s22] =	ssyncadd.s32 $0xFFFFFFB0  }
0x173: {  	[tilespmem:s26], [sflag:$0xC] =	stream.indirect.gather [hbm4b:s3+s19], $0x80, s30, s19, $0xb8;
	[tilespmem:$0x1E080] =	vst v63  }
0x174: {  	s31 =	simm.s32 $0x13C00;
	s29 =	rddreg [dreg:$0x4];
	s13 =	sadd.s32 $0x0, s28  }
0x175: {  	[tilespmem:s31], [sflag:$0x8] =	stream.linear.gather [hbm4b:s13+s4], $0x50, $0x38;
	[tilespmem:$0x1E080] =	vst v63  }
0x176: {  	s31 =	sadd.s32 $0x0, s29  }
0x177: {  	[tilespmem:s24], [sflag:$0x8] =	stream.linear.gather [hbm4b:s31+s4], $0x50, $0x38;
	[tilespmem:$0x1E080] =	vst v63  }
0x178: {  	_ =	swait.ge [sflag:s9], $0x2800  }
0x179: {  	s14 =	sadd.s32 $0x280, s20;
	[sflag:s9] =	ssyncset.done $0x0  }
0x17a: {  	s8 =	simm.s32 $0x14080;
	s13 =	simm.s32 $0x50;
	[sflag:s9] =	ssyncadd.s32 $0xFFFFD800  }
.LBB2_4:
0x17b: {  	[spmem:s5] =	stream.indirect.scatter.add.f32 [tilespmem:s8], [sflag:$0xD], $0x80, s16, s19, $0xb8;
	[tilespmem:$0x1E080] =	vst v63  }
0x17c: {  	s28 =	simm.s32 $0xD  }
0x17d: {  	_ =	swait.ge [sflag:s28], $0x2800  }
0x17e: {  	[sflag:s28] =	ssyncset.done $0x0  }
0x17f: {  	[sflag:s28] =	ssyncadd.s32 $0xFFFFD800  }
0x180: {  	_ =	swait.ge [sflag:s18], $0x50  }
0x181: {  	[sflag:s18] =	ssyncset.done $0x0  }
0x182: {  	[sflag:s18] =	ssyncadd.s32 $0xFFFFFFB0  }
0x183: {  	_ =	swait.ge [sflag:s18], $0x50  }
0x184: {  	[sflag:s18] =	ssyncset.done $0x0  }
0x185: {  	s26 =	simm.s32 $0x14080;
	s9 =	sshrl.u32 s14, $0x3;
	[sflag:s18] =	ssyncadd.s32 $0xFFFFFFB0  }
0x186: {  	[tilespmem:s26], [sflag:$0x9] =	stream.indirect.gather [hbm4b:s3+s19], $0x80, s10, s19, $0xb8;
	[tilespmem:$0x1E080] =	vst v63  }
0x187: {  	s20 =	simm.s32 $0x13880;
	s11 =	sadd.s32 s17, s9;
	s0 =	rddreg [dreg:$0x12]  }
0x188: {  	[tilespmem:s20], [sflag:$0x1] =	stream.linear.gather [hbm4b:s11+s4], $0x50, $0x38;
	[tilespmem:$0x1E080] =	vst v63  }
0x189: {  	s7 =	simm.s32 $0x13C80;
	s16 =	sadd.s32 s0, s9  }
0x18a: {  	[tilespmem:s7], [sflag:$0x1] =	stream.linear.gather [hbm4b:s16+s4], $0x50, $0x38;
	[tilespmem:$0x1E080] =	vst v63  }
0x18b: {  	_ =	swait.ge [sflag:s25], $0x2800  }
0x18c: {  	s12 =	simm.s32 $0x13D00;
	[sflag:s25] =	ssyncset.done $0x0  }
0x18d: {  	s29 =	simm.s32 $0x16880;
	s22 =	simm.s32 $0xE;
	[sflag:s25] =	ssyncadd.s32 $0xFFFFD800  }
0x18e: {  	[spmem:s5] =	stream.indirect.scatter.add.f32 [tilespmem:s29], [sflag:$0xE], $0x80, s12, s19, $0xb8;
	[tilespmem:$0x1E080] =	vst v63  }
0x18f: {  	_ =	swait.ge [sflag:s22], $0x2800  }
0x190: {  	[sflag:s22] =	ssyncset.done $0x0  }
0x191: {  	s10 =	smov.u32 s17;
	s17 =	simm.s32 $0x6;
	[sflag:s22] =	ssyncadd.s32 $0xFFFFD800  }
0x192: {  	_ =	swait.ge [sflag:s17], $0x50  }
0x193: {  	[sflag:s17] =	ssyncset.done $0x0  }
0x194: {  	[sflag:s17] =	ssyncadd.s32 $0xFFFFFFB0  }
0x195: {  	_ =	swait.ge [sflag:s17], $0x50  }
0x196: {  	s15 =	smov.u32 s13;
	[sflag:s17] =	ssyncset.done $0x0  }
0x197: {  	s23 =	simm.s32 $0x13B00;
	s18 =	rddreg [dreg:$0x11];
	[sflag:s17] =	ssyncadd.s32 $0xFFFFFFB0  }
0x198: {  	[tilespmem:s29], [sflag:$0xA] =	stream.indirect.gather [hbm4b:s3+s19], $0x80, s23, s19, $0xb8;
	[tilespmem:$0x1E080] =	vst v63  }
0x199: {  	s7 =	simm.s32 $0x13900;
	s24 =	rddreg [dreg:$0x10];
	s16 =	sadd.s32 s15, s18  }
0x19a: {  	[tilespmem:s7], [sflag:$0x2] =	stream.linear.gather [hbm4b:s16+s4], $0x50, $0x38;
	[tilespmem:$0x1E080] =	vst v63  }
0x19b: {  	s30 =	sadd.s32 s15, s24  }
0x19c: {  	[tilespmem:s12], [sflag:$0x2] =	stream.linear.gather [hbm4b:s30+s4], $0x50, $0x38;
	[tilespmem:$0x1E080] =	vst v63  }
0x19d: {  	s12 =	simm.s32 $0xB  }
0x19e: {  	_ =	swait.ge [sflag:s12], $0x2800  }
0x19f: {  	s31 =	simm.s32 $0x13D80;
	[sflag:s12] =	ssyncset.done $0x0  }
0x1a0: {  	s2 =	simm.s32 $0xF;
	s30 =	simm.s32 $0x19080;
	[sflag:s12] =	ssyncadd.s32 $0xFFFFD800  }
0x1a1: {  	[spmem:s5] =	stream.indirect.scatter.add.f32 [tilespmem:s30], [sflag:$0xF], $0x80, s31, s19, $0xb8;
	[tilespmem:$0x1E080] =	vst v63  }
0x1a2: {  	_ =	swait.ge [sflag:s2], $0x2800  }
0x1a3: {  	[sflag:s2] =	ssyncset.done $0x0  }
0x1a4: {  	s1 =	simm.s32 $0x7;
	[sflag:s2] =	ssyncadd.s32 $0xFFFFD800  }
0x1a5: {  	_ =	swait.ge [sflag:s1], $0x50  }
0x1a6: {  	[sflag:s1] =	ssyncset.done $0x0  }
0x1a7: {  	[sflag:s1] =	ssyncadd.s32 $0xFFFFFFB0  }
0x1a8: {  	_ =	swait.ge [sflag:s1], $0x50  }
0x1a9: {  	[sflag:s1] =	ssyncset.done $0x0  }
0x1aa: {  	s9 =	simm.s32 $0x13B80;
	s6 =	rddreg [dreg:$0xf];
	[sflag:s1] =	ssyncadd.s32 $0xFFFFFFB0  }
0x1ab: {  	[tilespmem:s30], [sflag:$0xB] =	stream.indirect.gather [hbm4b:s3+s19], $0x80, s9, s19, $0xb8;
	[tilespmem:$0x1E080] =	vst v63  }
0x1ac: {  	s24 =	simm.s32 $0x13980;
	s11 =	rddreg [dreg:$0xe];
	s16 =	sadd.s32 s15, s6  }
0x1ad: {  	[tilespmem:s24], [sflag:$0x3] =	stream.linear.gather [hbm4b:s16+s4], $0x50, $0x38;
	[tilespmem:$0x1E080] =	vst v63  }
0x1ae: {  	s0 =	simm.s32 $0xC;
	s17 =	sadd.s32 s15, s11  }
0x1af: {  	[tilespmem:s31], [sflag:$0x3] =	stream.linear.gather [hbm4b:s17+s4], $0x50, $0x38;
	[tilespmem:$0x1E080] =	vst v63  }
0x1b0: {  	_ =	swait.ge [sflag:s0], $0x2800  }
0x1b1: {  	s25 =	simm.s32 $0x13E00;
	[sflag:s0] =	ssyncset.done $0x0  }
0x1b2: {  	s6 =	simm.s32 $0x1B880;
	s11 =	simm.s32 $0x10;
	[sflag:s0] =	ssyncadd.s32 $0xFFFFD800  }
0x1b3: {  	[spmem:s5] =	stream.indirect.scatter.add.f32 [tilespmem:s6], [sflag:$0x10], $0x80, s25, s19, $0xb8;
	[tilespmem:$0x1E080] =	vst v63  }
0x1b4: {  	_ =	swait.ge [sflag:s11], $0x2800  }
0x1b5: {  	[sflag:s11] =	ssyncset.done $0x0  }
0x1b6: {  	s1 =	simm.s32 $0x8;
	[sflag:s11] =	ssyncadd.s32 $0xFFFFD800  }
0x1b7: {  	_ =	swait.ge [sflag:s1], $0x50  }
0x1b8: {  	[sflag:s1] =	ssyncset.done $0x0  }
0x1b9: {  	[sflag:s1] =	ssyncadd.s32 $0xFFFFFFB0  }
0x1ba: {  	_ =	swait.ge [sflag:s1], $0x50  }
0x1bb: {  	[sflag:s1] =	ssyncset.done $0x0  }
0x1bc: {  	s18 =	rddreg [dreg:$0xd];
	[sflag:s1] =	ssyncadd.s32 $0xFFFFFFB0;
	s1 =	simm.s32 $0x13C00  }
0x1bd: {  	[tilespmem:s6], [sflag:$0xC] =	stream.indirect.gather [hbm4b:s3+s19], $0x80, s1, s19, $0xb8;
	[tilespmem:$0x1E080] =	vst v63  }
0x1be: {  	s31 =	rddreg [dreg:$0xc];
	s16 =	sadd.s32 s15, s18;
	s18 =	simm.s32 $0x13A00  }
0x1bf: {  	[tilespmem:s18], [sflag:$0x4] =	stream.linear.gather [hbm4b:s16+s4], $0x50, $0x38;
	[tilespmem:$0x1E080] =	vst v63  }
0x1c0: {  	s17 =	sadd.s32 s15, s31;
	s31 =	simm.s32 $0x9  }
0x1c1: {  	[tilespmem:s25], [sflag:$0x4] =	stream.linear.gather [hbm4b:s17+s4], $0x50, $0x38;
	[tilespmem:$0x1E080] =	vst v63  }
0x1c2: {  	_ =	swait.ge [sflag:s31], $0x2800  }
0x1c3: {  	[sflag:s31] =	ssyncset.done $0x0  }
0x1c4: {  	s21 =	simm.s32 $0x13E80;
	s8 =	simm.s32 $0x14080;
	[sflag:s31] =	ssyncadd.s32 $0xFFFFD800  }
0x1c5: {  	[spmem:s5] =	stream.indirect.scatter.add.f32 [tilespmem:s8], [sflag:$0xD], $0x80, s21, s19, $0xb8;
	[tilespmem:$0x1E080] =	vst v63  }
0x1c6: {  	_ =	swait.ge [sflag:s28], $0x2800  }
0x1c7: {  	[sflag:s28] =	ssyncset.done $0x0  }
0x1c8: {  	s17 =	simm.s32 $0x1;
	[sflag:s28] =	ssyncadd.s32 $0xFFFFD800  }
0x1c9: {  	_ =	swait.ge [sflag:s17], $0x50  }
0x1ca: {  	[sflag:s17] =	ssyncset.done $0x0  }
0x1cb: {  	[sflag:s17] =	ssyncadd.s32 $0xFFFFFFB0  }
0x1cc: {  	_ =	swait.ge [sflag:s17], $0x50  }
0x1cd: {  	[sflag:s17] =	ssyncset.done $0x0  }
0x1ce: {  	s16 =	rddreg [dreg:$0xb];
	[sflag:s17] =	ssyncadd.s32 $0xFFFFFFB0  }
0x1cf: {  	[tilespmem:s8], [sflag:$0x9] =	stream.indirect.gather [hbm4b:s3+s19], $0x80, s20, s19, $0xb8;
	[tilespmem:$0x1E080] =	vst v63  }
0x1d0: {  	s26 =	simm.s32 $0x13A80;
	s17 =	rddreg [dreg:$0xa];
	s16 =	sadd.s32 s15, s16  }
0x1d1: {  	[tilespmem:s26], [sflag:$0x5] =	stream.linear.gather [hbm4b:s16+s4], $0x50, $0x38;
	[tilespmem:$0x1E080] =	vst v63  }
0x1d2: {  	s25 =	simm.s32 $0xA;
	s20 =	sadd.s32 s15, s17;
	s26 =	simm.s32 $0x13E80  }
0x1d3: {  	[tilespmem:s26], [sflag:$0x5] =	stream.linear.gather [hbm4b:s20+s4], $0x50, $0x38;
	[tilespmem:$0x1E080] =	vst v63  }
0x1d4: {  	_ =	swait.ge [sflag:s25], $0x2800  }
0x1d5: {  	[sflag:s25] =	ssyncset.done $0x0  }
0x1d6: {  	s23 =	simm.s32 $0x13F00;
	[sflag:s25] =	ssyncadd.s32 $0xFFFFD800  }
0x1d7: {  	[spmem:s5] =	stream.indirect.scatter.add.f32 [tilespmem:s29], [sflag:$0xE], $0x80, s23, s19, $0xb8;
	[tilespmem:$0x1E080] =	vst v63  }
0x1d8: {  	_ =	swait.ge [sflag:s22], $0x2800  }
0x1d9: {  	[sflag:s22] =	ssyncset.done $0x0  }
0x1da: {  	s16 =	simm.s32 $0x2;
	[sflag:s22] =	ssyncadd.s32 $0xFFFFD800  }
0x1db: {  	_ =	swait.ge [sflag:s16], $0x50  }
0x1dc: {  	[sflag:s16] =	ssyncset.done $0x0  }
0x1dd: {  	[sflag:s16] =	ssyncadd.s32 $0xFFFFFFB0  }
0x1de: {  	_ =	swait.ge [sflag:s16], $0x50  }
0x1df: {  	[sflag:s16] =	ssyncset.done $0x0  }
0x1e0: {  	s20 =	rddreg [dreg:$0x9];
	[sflag:s16] =	ssyncadd.s32 $0xFFFFFFB0  }
0x1e1: {  	[tilespmem:s29], [sflag:$0xA] =	stream.indirect.gather [hbm4b:s3+s19], $0x80, s7, s19, $0xb8;
	[tilespmem:$0x1E080] =	vst v63  }
0x1e2: {  	s21 =	simm.s32 $0x13B00;
	s22 =	rddreg [dreg:$0x8];
	s16 =	sadd.s32 s15, s20  }
0x1e3: {  	[tilespmem:s21], [sflag:$0x6] =	stream.linear.gather [hbm4b:s16+s4], $0x50, $0x38;
	[tilespmem:$0x1E080] =	vst v63  }
0x1e4: {  	s7 =	sadd.s32 s15, s22  }
0x1e5: {  	[tilespmem:s23], [sflag:$0x6] =	stream.linear.gather [hbm4b:s7+s4], $0x50, $0x38;
	[tilespmem:$0x1E080] =	vst v63  }
0x1e6: {  	_ =	swait.ge [sflag:s12], $0x2800  }
0x1e7: {  	[sflag:s12] =	ssyncset.done $0x0  }
0x1e8: {  	[sflag:s12] =	ssyncadd.s32 $0xFFFFD800;
	s12 =	simm.s32 $0x13F80  }
0x1e9: {  	[spmem:s5] =	stream.indirect.scatter.add.f32 [tilespmem:s30], [sflag:$0xF], $0x80, s12, s19, $0xb8;
	[tilespmem:$0x1E080] =	vst v63  }
0x1ea: {  	_ =	swait.ge [sflag:s2], $0x2800  }
0x1eb: {  	[sflag:s2] =	ssyncset.done $0x0  }
0x1ec: {  	s22 =	simm.s32 $0x3;
	[sflag:s2] =	ssyncadd.s32 $0xFFFFD800  }
0x1ed: {  	_ =	swait.ge [sflag:s22], $0x50  }
0x1ee: {  	[sflag:s22] =	ssyncset.done $0x0  }
0x1ef: {  	[sflag:s22] =	ssyncadd.s32 $0xFFFFFFB0  }
0x1f0: {  	_ =	swait.ge [sflag:s22], $0x50  }
0x1f1: {  	[sflag:s22] =	ssyncset.done $0x0  }
0x1f2: {  	s29 =	rddreg [dreg:$0x7];
	[sflag:s22] =	ssyncadd.s32 $0xFFFFFFB0  }
0x1f3: {  	[tilespmem:s30], [sflag:$0xB] =	stream.indirect.gather [hbm4b:s3+s19], $0x80, s24, s19, $0xb8;
	[tilespmem:$0x1E080] =	vst v63  }
0x1f4: {  	s2 =	rddreg [dreg:$0x6];
	s16 =	sadd.s32 s15, s29  }
0x1f5: {  	[tilespmem:s9], [sflag:$0x7] =	stream.linear.gather [hbm4b:s16+s4], $0x50, $0x38;
	[tilespmem:$0x1E080] =	vst v63  }
0x1f6: {  	s9 =	sadd.s32 s15, s2  }
0x1f7: {  	[tilespmem:s12], [sflag:$0x7] =	stream.linear.gather [hbm4b:s9+s4], $0x50, $0x38;
	[tilespmem:$0x1E080] =	vst v63  }
0x1f8: {  	_ =	swait.ge [sflag:s0], $0x2800  }
0x1f9: {  	[sflag:s0] =	ssyncset.done $0x0  }
0x1fa: {  	s12 =	simm.s32 $0x14000;
	[sflag:s0] =	ssyncadd.s32 $0xFFFFD800  }
0x1fb: {  	[spmem:s5] =	stream.indirect.scatter.add.f32 [tilespmem:s6], [sflag:$0x10], $0x80, s12, s19, $0xb8;
	[tilespmem:$0x1E080] =	vst v63  }
0x1fc: {  	_ =	swait.ge [sflag:s11], $0x2800  }
0x1fd: {  	[sflag:s11] =	ssyncset.done $0x0  }
0x1fe: {  	s22 =	simm.s32 $0x4;
	[sflag:s11] =	ssyncadd.s32 $0xFFFFD800  }
0x1ff: {  	_ =	swait.ge [sflag:s22], $0x50  }
0x200: {  	[sflag:s22] =	ssyncset.done $0x0  }
0x201: {  	[sflag:s22] =	ssyncadd.s32 $0xFFFFFFB0  }
0x202: {  	_ =	swait.ge [sflag:s22], $0x50  }
0x203: {  	p0 =	sne.s32 s13, $0x410;
	s13 =	sadd.s32 $0x50, s13;
	[sflag:s22] =	ssyncset.done $0x0  }
0x204: {  	s14 =	sadd.s32 $0x280, s14;
	s29 =	rddreg [dreg:$0x5];
	[sflag:s22] =	ssyncadd.s32 $0xFFFFFFB0  }
0x205: {  	[tilespmem:s6], [sflag:$0xC] =	stream.indirect.gather [hbm4b:s3+s19], $0x80, s18, s19, $0xb8;
	[tilespmem:$0x1E080] =	vst v63  }
0x206: {  	s28 =	simm.s32 $0x14000;
	s30 =	rddreg [dreg:$0x4];
	s16 =	sadd.s32 s15, s29  }
0x207: {  	[tilespmem:s1], [sflag:$0x8] =	stream.linear.gather [hbm4b:s16+s4], $0x50, $0x38;
	[tilespmem:$0x1E080] =	vst v63  }
.Ltmp1:
0x208: {  	s17 =	smov.u32 s10;
	s15 =	sadd.s32 s15, s30;
	(pc) =	sbr.rel @p0 .LBB2_4-.Ltmp1, $4  }
0x209: {  	[tilespmem:s12], [sflag:$0x8] =	stream.linear.gather [hbm4b:s15+s4], $0x50, $0x38;
	[tilespmem:$0x1E080] =	vst v63  }
0x20a: {  	s10 =	simm.s32 $0x13A80;
	s20 =	simm.s32 $0x13B80;
	_ =	swait.ge [sflag:s31], $0x2800  }
0x20b: {  	s7 =	simm.s32 $0x13C00;
	s24 =	simm.s32 $0x13F80;
	[sflag:s31] =	ssyncset.done $0x0  }
0x20c: {  	s18 =	simm.s32 $0x5;
	s16 =	simm.s32 $0x13C80;
	[sflag:s31] =	ssyncadd.s32 $0xFFFFD800  }
0x20d: {  	[spmem:s5] =	stream.indirect.scatter.add.f32 [tilespmem:s8], [sflag:$0xD], $0x80, s16, s19, $0xb8;
	[tilespmem:$0x1E080] =	vst v63  }
0x20e: {  	s6 =	simm.s32 $0xD  }
0x20f: {  	_ =	swait.ge [sflag:s6], $0x2800  }
0x210: {  	[sflag:s6] =	ssyncset.done $0x0  }
0x211: {  	[sflag:s6] =	ssyncadd.s32 $0xFFFFD800  }
0x212: {  	_ =	swait.ge [sflag:s18], $0x50  }
0x213: {  	[sflag:s18] =	ssyncset.done $0x0  }
0x214: {  	[sflag:s18] =	ssyncadd.s32 $0xFFFFFFB0  }
0x215: {  	_ =	swait.ge [sflag:s18], $0x50  }
0x216: {  	[sflag:s18] =	ssyncset.done $0x0  }
0x217: {  	s15 =	sld [smem:$0x7DF];
	[sflag:s18] =	ssyncadd.s32 $0xFFFFFFB0  }
0x218: {  	[tilespmem:s8], [sflag:$0x9] =	stream.indirect.gather [hbm4b:s3+s19], $0x80, s10, s19, $0xb8;
	[tilespmem:$0x1E080] =	vst v63  }
0x219: {  	s14 =	simm.s32 $0x13880;
	s18 =	sld [smem:$0x7E0]  }
0x21a: {  	[tilespmem:s14], [sflag:$0x1] =	stream.linear.gather [hbm4b:s15+s4], $0x50, $0x38;
	[tilespmem:$0x1E080] =	vst v63  }
0x21b: {  	_ = 	snop  }
0x21c: {  	[tilespmem:s16], [sflag:$0x1] =	stream.linear.gather [hbm4b:s18+s4], $0x50, $0x38;
	[tilespmem:$0x1E080] =	vst v63  }
0x21d: {  	_ =	swait.ge [sflag:s25], $0x2800  }
0x21e: {  	s29 =	simm.s32 $0x16880;
	[sflag:s25] =	ssyncset.done $0x0  }
0x21f: {  	s22 =	simm.s32 $0xE;
	[sflag:s25] =	ssyncadd.s32 $0xFFFFD800;
	s25 =	simm.s32 $0x13D00  }
0x220: {  	[spmem:s5] =	stream.indirect.scatter.add.f32 [tilespmem:s29], [sflag:$0xE], $0x80, s25, s19, $0xb8;
	[tilespmem:$0x1E080] =	vst v63  }
0x221: {  	_ =	swait.ge [sflag:s22], $0x2800  }
0x222: {  	[sflag:s22] =	ssyncset.done $0x0  }
0x223: {  	s0 =	simm.s32 $0x6;
	[sflag:s22] =	ssyncadd.s32 $0xFFFFD800  }
0x224: {  	_ =	swait.ge [sflag:s0], $0x50  }
0x225: {  	[sflag:s0] =	ssyncset.done $0x0  }
0x226: {  	[sflag:s0] =	ssyncadd.s32 $0xFFFFFFB0  }
0x227: {  	_ =	swait.ge [sflag:s0], $0x50  }
0x228: {  	[sflag:s0] =	ssyncset.done $0x0  }
0x229: {  	[sflag:s0] =	ssyncadd.s32 $0xFFFFFFB0  }
0x22a: {  	[tilespmem:s29], [sflag:$0xA] =	stream.indirect.gather [hbm4b:s3+s19], $0x80, s21, s19, $0xb8;
	[tilespmem:$0x1E080] =	vst v63  }
0x22b: {  	s21 =	sld [smem:$0x7E1];
	_ =	sdelay $0x1  }
0x22c: {  	s8 =	simm.s32 $0x13900;
	s30 =	sld [smem:$0x7E2]  }
0x22d: {  	[tilespmem:s8], [sflag:$0x2] =	stream.linear.gather [hbm4b:s21+s4], $0x50, $0x38;
	[tilespmem:$0x1E080] =	vst v63  }
0x22e: {  	s12 =	simm.s32 $0xB  }
0x22f: {  	[tilespmem:s25], [sflag:$0x2] =	stream.linear.gather [hbm4b:s30+s4], $0x50, $0x38;
	[tilespmem:$0x1E080] =	vst v63  }
0x230: {  	_ =	swait.ge [sflag:s12], $0x2800  }
0x231: {  	s2 =	simm.s32 $0xF;
	[sflag:s12] =	ssyncset.done $0x0  }
0x232: {  	s21 =	simm.s32 $0x13D80;
	s30 =	simm.s32 $0x19080;
	[sflag:s12] =	ssyncadd.s32 $0xFFFFD800  }
0x233: {  	[spmem:s5] =	stream.indirect.scatter.add.f32 [tilespmem:s30], [sflag:$0xF], $0x80, s21, s19, $0xb8;
	[tilespmem:$0x1E080] =	vst v63  }
0x234: {  	_ =	swait.ge [sflag:s2], $0x2800  }
0x235: {  	[sflag:s2] =	ssyncset.done $0x0  }
0x236: {  	s31 =	simm.s32 $0x7;
	[sflag:s2] =	ssyncadd.s32 $0xFFFFD800  }
0x237: {  	_ =	swait.ge [sflag:s31], $0x50  }
0x238: {  	[sflag:s31] =	ssyncset.done $0x0  }
0x239: {  	[sflag:s31] =	ssyncadd.s32 $0xFFFFFFB0  }
0x23a: {  	_ =	swait.ge [sflag:s31], $0x50  }
0x23b: {  	[sflag:s31] =	ssyncset.done $0x0  }
0x23c: {  	s0 =	sld [smem:$0x7E3];
	[sflag:s31] =	ssyncadd.s32 $0xFFFFFFB0  }
0x23d: {  	[tilespmem:s30], [sflag:$0xB] =	stream.indirect.gather [hbm4b:s3+s19], $0x80, s20, s19, $0xb8;
	[tilespmem:$0x1E080] =	vst v63  }
0x23e: {  	s9 =	simm.s32 $0x13980;
	s1 =	sld [smem:$0x7E4]  }
0x23f: {  	[tilespmem:s9], [sflag:$0x3] =	stream.linear.gather [hbm4b:s0+s4], $0x50, $0x38;
	[tilespmem:$0x1E080] =	vst v63  }
0x240: {  	s31 =	simm.s32 $0xC  }
0x241: {  	[tilespmem:s21], [sflag:$0x3] =	stream.linear.gather [hbm4b:s1+s4], $0x50, $0x38;
	[tilespmem:$0x1E080] =	vst v63  }
0x242: {  	_ =	swait.ge [sflag:s31], $0x2800  }
0x243: {  	s11 =	simm.s32 $0x10;
	[sflag:s31] =	ssyncset.done $0x0  }
0x244: {  	s20 =	simm.s32 $0x13E00;
	s0 =	simm.s32 $0x1B880;
	[sflag:s31] =	ssyncadd.s32 $0xFFFFD800  }
0x245: {  	[spmem:s5] =	stream.indirect.scatter.add.f32 [tilespmem:s0], [sflag:$0x10], $0x80, s20, s19, $0xb8;
	[tilespmem:$0x1E080] =	vst v63  }
0x246: {  	_ =	swait.ge [sflag:s11], $0x2800  }
0x247: {  	[sflag:s11] =	ssyncset.done $0x0  }
0x248: {  	s1 =	simm.s32 $0x8;
	[sflag:s11] =	ssyncadd.s32 $0xFFFFD800  }
0x249: {  	_ =	swait.ge [sflag:s1], $0x50  }
0x24a: {  	[sflag:s1] =	ssyncset.done $0x0  }
0x24b: {  	[sflag:s1] =	ssyncadd.s32 $0xFFFFFFB0  }
0x24c: {  	_ =	swait.ge [sflag:s1], $0x50  }
0x24d: {  	[sflag:s1] =	ssyncset.done $0x0  }
0x24e: {  	[sflag:s1] =	ssyncadd.s32 $0xFFFFFFB0  }
0x24f: {  	[tilespmem:s0], [sflag:$0xC] =	stream.indirect.gather [hbm4b:s3+s19], $0x80, s7, s19, $0xb8;
	[tilespmem:$0x1E080] =	vst v63  }
0x250: {  	s7 =	sld [smem:$0x7E7];
	_ =	sdelay $0x1  }
0x251: {  	s18 =	simm.s32 $0x13A00;
	s1 =	sld [smem:$0x7E8]  }
0x252: {  	[tilespmem:s18], [sflag:$0x4] =	stream.linear.gather [hbm4b:s7+s4], $0x50, $0x38;
	[tilespmem:$0x1E080] =	vst v63  }
0x253: {  	_ = 	snop  }
0x254: {  	[tilespmem:s20], [sflag:$0x4] =	stream.linear.gather [hbm4b:s1+s4], $0x50, $0x38;
	[tilespmem:$0x1E080] =	vst v63  }
0x255: {  	s1 =	simm.s32 $0x9  }
0x256: {  	_ =	swait.ge [sflag:s1], $0x2800  }
0x257: {  	[sflag:s1] =	ssyncset.done $0x0  }
0x258: {  	s13 =	simm.s32 $0x14080;
	[sflag:s1] =	ssyncadd.s32 $0xFFFFD800  }
0x259: {  	[spmem:s5] =	stream.indirect.scatter.add.f32 [tilespmem:s13], [sflag:$0xD], $0x80, s26, s19, $0xb8;
	[tilespmem:$0x1E080] =	vst v63  }
0x25a: {  	_ =	swait.ge [sflag:s6], $0x2800  }
0x25b: {  	[sflag:s6] =	ssyncset.done $0x0  }
0x25c: {  	s7 =	simm.s32 $0x1;
	[sflag:s6] =	ssyncadd.s32 $0xFFFFD800  }
0x25d: {  	_ =	swait.ge [sflag:s7], $0x50  }
0x25e: {  	[sflag:s7] =	ssyncset.done $0x0  }
0x25f: {  	[sflag:s7] =	ssyncadd.s32 $0xFFFFFFB0  }
0x260: {  	_ =	swait.ge [sflag:s7], $0x50  }
0x261: {  	[sflag:s7] =	ssyncset.done $0x0  }
0x262: {  	[sflag:s7] =	ssyncadd.s32 $0xFFFFFFB0;
	s7 =	sld [smem:$0x7E9]  }
0x263: {  	[tilespmem:s13], [sflag:$0x9] =	stream.indirect.gather [hbm4b:s3+s19], $0x80, s14, s19, $0xb8;
	[tilespmem:$0x1E080] =	vst v63  }
0x264: {  	s14 =	simm.s32 $0x13A80  }
0x265: {  	[tilespmem:s14], [sflag:$0x5] =	stream.linear.gather [hbm4b:s7+s4], $0x50, $0x38;
	[tilespmem:$0x1E080] =	vst v63  }
0x266: {  	s7 =	sld [smem:$0x7EA];
	_ =	sdelay $0x1  }
0x267: {  	s15 =	simm.s32 $0xA  }
0x268: {  	[tilespmem:s26], [sflag:$0x5] =	stream.linear.gather [hbm4b:s7+s4], $0x50, $0x38;
	[tilespmem:$0x1E080] =	vst v63  }
0x269: {  	_ =	swait.ge [sflag:s15], $0x2800  }
0x26a: {  	[sflag:s15] =	ssyncset.done $0x0  }
0x26b: {  	[sflag:s15] =	ssyncadd.s32 $0xFFFFD800  }
0x26c: {  	[spmem:s5] =	stream.indirect.scatter.add.f32 [tilespmem:s29], [sflag:$0xE], $0x80, s23, s19, $0xb8;
	[tilespmem:$0x1E080] =	vst v63  }
0x26d: {  	_ =	swait.ge [sflag:s22], $0x2800  }
0x26e: {  	[sflag:s22] =	ssyncset.done $0x0  }
0x26f: {  	s7 =	simm.s32 $0x2;
	[sflag:s22] =	ssyncadd.s32 $0xFFFFD800  }
0x270: {  	_ =	swait.ge [sflag:s7], $0x50  }
0x271: {  	[sflag:s7] =	ssyncset.done $0x0  }
0x272: {  	[sflag:s7] =	ssyncadd.s32 $0xFFFFFFB0  }
0x273: {  	_ =	swait.ge [sflag:s7], $0x50  }
0x274: {  	[sflag:s7] =	ssyncset.done $0x0  }
0x275: {  	[sflag:s7] =	ssyncadd.s32 $0xFFFFFFB0  }
0x276: {  	[tilespmem:s29], [sflag:$0xA] =	stream.indirect.gather [hbm4b:s3+s19], $0x80, s8, s19, $0xb8;
	[tilespmem:$0x1E080] =	vst v63  }
0x277: {  	_ =	swait.ge [sflag:s12], $0x2800  }
0x278: {  	[sflag:s12] =	ssyncset.done $0x0  }
0x279: {  	[sflag:s12] =	ssyncadd.s32 $0xFFFFD800  }
0x27a: {  	[spmem:s5] =	stream.indirect.scatter.add.f32 [tilespmem:s30], [sflag:$0xF], $0x80, s24, s19, $0xb8;
	[tilespmem:$0x1E080] =	vst v63  }
0x27b: {  	_ =	swait.ge [sflag:s2], $0x2800  }
0x27c: {  	[sflag:s2] =	ssyncset.done $0x0  }
0x27d: {  	s10 =	simm.s32 $0x3;
	[sflag:s2] =	ssyncadd.s32 $0xFFFFD800  }
0x27e: {  	_ =	swait.ge [sflag:s10], $0x50  }
0x27f: {  	[sflag:s10] =	ssyncset.done $0x0  }
0x280: {  	[sflag:s10] =	ssyncadd.s32 $0xFFFFFFB0  }
0x281: {  	_ =	swait.ge [sflag:s10], $0x50  }
0x282: {  	[sflag:s10] =	ssyncset.done $0x0  }
0x283: {  	[sflag:s10] =	ssyncadd.s32 $0xFFFFFFB0  }
0x284: {  	[tilespmem:s30], [sflag:$0xB] =	stream.indirect.gather [hbm4b:s3+s19], $0x80, s9, s19, $0xb8;
	[tilespmem:$0x1E080] =	vst v63  }
0x285: {  	_ =	swait.ge [sflag:s31], $0x2800  }
0x286: {  	[sflag:s31] =	ssyncset.done $0x0  }
0x287: {  	[sflag:s31] =	ssyncadd.s32 $0xFFFFD800  }
0x288: {  	[spmem:s5] =	stream.indirect.scatter.add.f32 [tilespmem:s0], [sflag:$0x10], $0x80, s28, s19, $0xb8;
	[tilespmem:$0x1E080] =	vst v63  }
0x289: {  	_ =	swait.ge [sflag:s11], $0x2800  }
0x28a: {  	[sflag:s11] =	ssyncset.done $0x0  }
0x28b: {  	s24 =	simm.s32 $0x4;
	[sflag:s11] =	ssyncadd.s32 $0xFFFFD800  }
0x28c: {  	_ =	swait.ge [sflag:s24], $0x50  }
0x28d: {  	[sflag:s24] =	ssyncset.done $0x0  }
0x28e: {  	[sflag:s24] =	ssyncadd.s32 $0xFFFFFFB0  }
0x28f: {  	_ =	swait.ge [sflag:s24], $0x50  }
0x290: {  	[sflag:s24] =	ssyncset.done $0x0  }
0x291: {  	[sflag:s24] =	ssyncadd.s32 $0xFFFFFFB0  }
0x292: {  	[tilespmem:s0], [sflag:$0xC] =	stream.indirect.gather [hbm4b:s3+s19], $0x80, s18, s19, $0xb8;
	[tilespmem:$0x1E080] =	vst v63  }
0x293: {  	_ =	swait.ge [sflag:s1], $0x2800  }
0x294: {  	[sflag:s1] =	ssyncset.done $0x0  }
0x295: {  	[sflag:s1] =	ssyncadd.s32 $0xFFFFD800  }
0x296: {  	[spmem:s5] =	stream.indirect.scatter.add.f32 [tilespmem:s13], [sflag:$0xD], $0x80, s16, s19, $0xb8;
	[tilespmem:$0x1E080] =	vst v63  }
0x297: {  	_ =	swait.ge [sflag:s6], $0x2800  }
0x298: {  	[sflag:s6] =	ssyncset.done $0x0  }
0x299: {  	s18 =	simm.s32 $0x5;
	[sflag:s6] =	ssyncadd.s32 $0xFFFFD800  }
0x29a: {  	_ =	swait.ge [sflag:s18], $0x50  }
0x29b: {  	[sflag:s18] =	ssyncset.done $0x0  }
0x29c: {  	[sflag:s18] =	ssyncadd.s32 $0xFFFFFFB0  }
0x29d: {  	_ =	swait.ge [sflag:s18], $0x50  }
0x29e: {  	[sflag:s18] =	ssyncset.done $0x0  }
0x29f: {  	[sflag:s18] =	ssyncadd.s32 $0xFFFFFFB0  }
0x2a0: {  	[tilespmem:s13], [sflag:$0x9] =	stream.indirect.gather [hbm4b:s3+s19], $0x80, s14, s19, $0xb8;
	[tilespmem:$0x1E080] =	vst v63  }
0x2a1: {  	_ =	swait.ge [sflag:s15], $0x2800  }
0x2a2: {  	[sflag:s15] =	ssyncset.done $0x0  }
0x2a3: {  	[sflag:s15] =	ssyncadd.s32 $0xFFFFD800  }
0x2a4: {  	[spmem:s5] =	stream.indirect.scatter.add.f32 [tilespmem:s29], [sflag:$0xE], $0x80, s25, s19, $0xb8;
	[tilespmem:$0x1E080] =	vst v63  }
0x2a5: {  	_ =	swait.ge [sflag:s12], $0x2800  }
0x2a6: {  	[sflag:s12] =	ssyncset.done $0x0  }
0x2a7: {  	[sflag:s12] =	ssyncadd.s32 $0xFFFFD800  }
0x2a8: {  	[spmem:s5] =	stream.indirect.scatter.add.f32 [tilespmem:s30], [sflag:$0xF], $0x80, s21, s19, $0xb8;
	[tilespmem:$0x1E080] =	vst v63  }
0x2a9: {  	_ =	swait.ge [sflag:s31], $0x2800  }
0x2aa: {  	[sflag:s31] =	ssyncset.done $0x0  }
0x2ab: {  	[sflag:s31] =	ssyncadd.s32 $0xFFFFD800  }
0x2ac: {  	[spmem:s5] =	stream.indirect.scatter.add.f32 [tilespmem:s0], [sflag:$0x10], $0x80, s20, s19, $0xb8;
	[tilespmem:$0x1E080] =	vst v63  }
0x2ad: {  	_ =	swait.ge [sflag:s1], $0x2800  }
0x2ae: {  	[sflag:s1] =	ssyncset.done $0x0  }
0x2af: {  	s8 =	simm.s32 $0x14080;
	[sflag:s1] =	ssyncadd.s32 $0xFFFFD800  }
0x2b0: {  	[spmem:s5] =	stream.indirect.scatter.add.f32 [tilespmem:s8], [sflag:$0xD], $0x80, s26, s19, $0xb8;
	[tilespmem:$0x1E080] =	vst v63  }
0x2b1: {  	_ =	swait.ge [sflag:s6], $0x2800  }
0x2b2: {  	[sflag:s6] =	ssyncset.done $0x0  }
0x2b3: {  	[sflag:s6] =	ssyncadd.s32 $0xFFFFD800  }
0x2b4: {  	_ =	swait.ge [sflag:s22], $0x2800  }
0x2b5: {  	[sflag:s22] =	ssyncset.done $0x0  }
0x2b6: {  	[sflag:s22] =	ssyncadd.s32 $0xFFFFD800  }
0x2b7: {  	_ =	swait.ge [sflag:s2], $0x2800  }
0x2b8: {  	[sflag:s2] =	ssyncset.done $0x0  }
0x2b9: {  	[sflag:s2] =	ssyncadd.s32 $0xFFFFD800  }
0x2ba: {  	_ =	swait.ge [sflag:s11], $0x2800  }
0x2bb: {  	[sflag:s11] =	ssyncset.done $0x0  }
0x2bc: {  	[sflag:s11] =	ssyncadd.s32 $0xFFFFD800  }
0x2bd: {  	[bflag:$0x0] =	sbarrier.arrive $0xFFFF  }
0x2be: {  	s16 =	sld [smem:$0x7FD]  }
0x2bf: {  	s25 =	stileid.u32;
	s28 =	sld [smem:$0x7EB]  }
0x2c0: {  	s13 =	sshll.u32 s25, $0x6  }
0x2c1: {  	s29 =	simm.s32 $0x11;
	s13 =	sor.u32 $0x1C11, s13;
	s26 =	sshrl.u32 s16, $0x3  }
0x2c2: {  	[hbm:s28], [sflag:s13] =	dma.local [spmem:s26], $0x2800  }
0x2c3: {  	_ =	swait.ge [sflag:s29], $0x2800  }
0x2c4: {  	s30 =	sld [smem:$0x7DD]  }
0x2c5: {  	s31 =	sld [smem:$0x7EC];
	_ =	sdelay $0x1  }
0x2c6: {  	s14 =	sadd.s32 $0x1, s30  }
0x2c7: {  	p0 =	sne.s32 s14, s31  }
.Ltmp2:
0x2c8: {  	_ = 	snop;
	(pc) =	sbr.rel @p0 .LBB2_1-.Ltmp2, $3  }
0x2c9: {  	_ =	sdelay $0x1  }
0x2ca: {  	[sflag:s29] =	ssyncset.done $0x0  }
0x2cb: {  	s1 =	smov.u32 s5;
	s12 =	rddreg [dreg:$0x12];
	[sflag:s29] =	ssyncadd.s32 $0xFFFFD800  }
0x2cc: {  	_ =	sfence.sel $0x180000  }
0x2cd: {  	[bflag:$0x0] =	sbarrier.arrive $0xFFFF  }
0x2ce: {  	_ =	strace $0x9000004A  }
0x2cf: {  	s0 =	stileid.u32;
	[bflag:$0x2] =	sbarrier.arrive $0xFFFF  }
0x2d0: {  	p0 =	sne.s32 s0, $0x0;
	s0 =	rddreg [dreg:$0x3]  }
0x2d1: {  	s0 =	sadd.s32 @!p0 $0x100000, s0  }
0x2d2: {  	[sflag:s0] =	ssyncadd.tile.s32 @!p0 $0x1;
	_ =	shalt  }
.Lfunc_end2:
_tile_overlayer_lowered:
.L_overlay_start_2:
0x2d3: {  	(tag) =	ssettag $0x2  }
0x2d4: {  	s0 =	rddreg [dreg:$0x0];
	s2 =	stileid.u32  }
0x2d5: {  	s1 =	rddreg [dreg:$0x1];
	p0 =	sne.s32 s2, $0x0  }
0x2d6: {  	s3 =	rddreg [dreg:$0x2];
	[bflag:$0x3] =	sbarrier.arrive $0xFFFF;
	s2 =	simm.s32 @!p0 $0x1C11  }
0x2d7: {  	[timem:s3], [sflag:s2] =	dma.local @!p0 [hbm:s0], s1  }
0x2d8: {  	s0 =	simm.s32 @!p0 $0x11  }
0x2d9: {  	_ =	swait.ge @!p0 [sflag:s0], s1  }
0x2da: {  	s1 =	ssub.s32 @!p0 $0x0, s1;
	[sflag:s0] =	ssyncset.done @!p0 $0x0  }
0x2db: {  	[sflag:s0] =	ssyncadd.s32 @!p0 s1  }
0x2dc: {  	[bflag:$0x3] =	sbarrier.arrive $0xFFFF  }
0x2dd: {  	_ =	shalt  }

// kernel: kernel.14.cloned.1.call-start
scs
__scs_entry_jumppad:
0x0: {  	(pc) =	sbr.rel $0x88, $3  }
0x1: {  	(tag) =	ssettag $0x0;
	lr =	simm.s32 $0x1  }
0x2: {  	[smem:$0x3F9B] =	sst lr;
	_ =	strace $0xD0000000  }
0x3: {  	_ = 	snop  }
0x4: {  	_ = 	snop  }
0x5: {  	_ = 	snop  }
0x6: {  	_ = 	snop  }
0x7: {  	_ = 	snop  }
__scs_overlays_trampoline_lowered:
0x8: {  	[smem:$0x3FAA] =	sst s0  }
0x9: {  	[smem:$0x3FAB] =	sst s1  }
0xa: {  	[smem:$0x3FAC] =	sst s2  }
0xb: {  	[smem:$0x3FAD] =	sst s3  }
0xc: {  	[smem:$0x3FAE] =	sst s4  }
0xd: {  	[smem:$0x3FAF] =	sst s5  }
0xe: {  	[smem:$0x3FB0] =	sst s6  }
0xf: {  	[smem:$0x3FB1] =	sst s7  }
0x10: {  	[smem:$0x3FB2] =	sst s8  }
0x11: {  	[smem:$0x3FB3] =	sst s9;
	s0 =	simm.s32 @!p0 $0x0  }
0x12: {  	s1 =	sld [smem:$0x3F99];
	s0 =	simm.s32 @p0 $0x1  }
0x13: {  	[smem:$0x3FB4] =	sst s0;
	s0 =	simm.s32 @!p1 $0x0  }
0x14: {  	s2 =	sld [smem:$0x3F98];
	s0 =	simm.s32 @p1 $0x1  }
0x15: {  	[smem:$0x3FB5] =	sst s0;
	s0 =	simm.s32 @!p2 $0x0  }
0x16: {  	s3 =	sld [smem:$0x3FDB];
	s0 =	simm.s32 @p2 $0x1  }
0x17: {  	s4 =	simm.s32 $0x1BF5;
	[smem:$0x3FB7] =	sst s0  }
0x18: {  	s0 =	sld [smem:$0x3F9A];
	_ =	swait.ge [sflag:s4], $0x0  }
0x19: {  	s7 =	sld [smem:$0x3F9B]  }
0x1a: {  	s8 =	sadd.s32 $0xFFFFE003, lr  }
0x1b: {  	s9 =	sadd.s32 $0xFFFFFEF7, lr;
	s5 =	simm.s32 $0xFFFFFFFF;
	p2 =	slt.u32 s8, $0xFFFFF086  }
0x1c: {  	p1 =	slt.u32 s9, $0xF7A;
	s5 =	simm.s32 @!p2 $0x0  }
0x1d: {  	s5 =	simm.s32 @p1 $0x1;
	p0 =	seq.s32 s7, s2  }
0x1e: {  	s7 =	smul.u32 @!p0 $0xF7A, s2;
	p2 =	seq.s32 @!p0 s5, $0x0  }
0x1f: {  	s9 =	smul.u32 $0xF7A, s1;
	s8 =	simm.s32 @!p0 $0x1BF5;
	p2 =	por !p2, p0  }
0x20: {  	[sflag:s8] =	ssyncset.s32 @!p0 $0xFFFFF086;
	s6 =	sadd.s32 @!p0 s3, s7;
	s7 =	simm.s32 @!p0 $0x108  }
0x21: {  	s3 =	sadd.s32 s3, s9;
	s6 =	sadd.s32 @!p0 $0x88, s6;
	s7 =	simm.s32 @p2 $0x1082  }
0x22: {  	[simem:s7], [sflag:s8] =	dma.local @!p0 [hbm:s6], $0xF7A  }
0x23: {  	s9 =	sor.u32 $0xD0000000, s2;
	s6 =	simm.s32 $0x108;
	_ =	swait.ge @!p0 [sflag:s8], $0x0  }
0x24: {  	s3 =	sadd.s32 $0x88, s3;
	s6 =	simm.s32 @!p1 $0x1082;
	[sflag:s4] =	ssyncset.s32 $0xFFFFF086  }
0x25: {  	[simem:s6], [sflag:s4] =	dma.local [hbm:s3], $0xF7A  }
0x26: {  	[smem:$0x3F9B] =	sst s1;
	(tag) =	ssettag s2;
	_ =	strace s9  }
0x27: {  	s1 =	sld [smem:$0x3FAB]  }
0x28: {  	s2 =	sld [smem:$0x3FAC]  }
0x29: {  	s4 =	sld [smem:$0x3FAE]  }
0x2a: {  	p0 =	seq.s32 s5, $0x0;
	s5 =	sld [smem:$0x3FAF]  }
0x2b: {  	s6 =	sld [smem:$0x3FB0]  }
0x2c: {  	s7 =	sld [smem:$0x3FB1]  }
0x2d: {  	s3 =	simm.s32 $0x108;
	s8 =	sld [smem:$0x3FB2]  }
0x2e: {  	s3 =	simm.s32 @!p0 $0x1082;
	s9 =	sld [smem:$0x3FB3]  }
0x2f: {  	lr =	sadd.s32 s0, s3;
	s0 =	sld [smem:$0x3FAA]  }
0x30: {  	s3 =	sld [smem:$0x3FAD]  }
0x31: {  	[smem:$0x3FB6] =	sst s10  }
0x32: {  	s10 =	sld [smem:$0x3FB4];
	_ =	sdelay $0x3  }
0x33: {  	p0 =	seq.s32 s10, $0x1;
	s10 =	sld [smem:$0x3FB6];
	_ =	sdelay $0x3  }
0x34: {  	[smem:$0x3FB6] =	sst s10  }
0x35: {  	s10 =	sld [smem:$0x3FB5];
	_ =	sdelay $0x3  }
0x36: {  	p1 =	seq.s32 s10, $0x1;
	s10 =	sld [smem:$0x3FB6];
	_ =	sdelay $0x3  }
0x37: {  	[smem:$0x3FB6] =	sst s10  }
0x38: {  	s10 =	sld [smem:$0x3FB7]  }
0x39: {  	_ = 	snop;
	(pc) =	sbr.ind lr, $3  }
0x3a: {  	_ = 	snop  }
0x3b: {  	_ = 	snop  }
0x3c: {  	p2 =	seq.s32 s10, $0x1;
	s10 =	sld [smem:$0x3FB6]  }
0x3d: {  	_ =	shalt  }
0x3e: {  	_ =	shalt  }
0x3f: {  	_ =	shalt  }
0x40: {  	_ =	shalt  }
0x41: {  	_ =	shalt  }
0x42: {  	_ =	shalt  }
0x43: {  	_ =	shalt  }
0x44: {  	_ =	shalt  }
0x45: {  	_ =	shalt  }
0x46: {  	_ =	shalt  }
0x47: {  	_ =	shalt  }
0x48: {  	_ =	shalt  }
0x49: {  	_ =	shalt  }
0x4a: {  	_ =	shalt  }
0x4b: {  	_ =	shalt  }
0x4c: {  	_ =	shalt  }
0x4d: {  	_ =	shalt  }
0x4e: {  	_ =	shalt  }
0x4f: {  	_ =	shalt  }
0x50: {  	_ =	shalt  }
0x51: {  	_ =	shalt  }
0x52: {  	_ =	shalt  }
0x53: {  	_ =	shalt  }
0x54: {  	_ =	shalt  }
0x55: {  	_ =	shalt  }
0x56: {  	_ =	shalt  }
0x57: {  	_ =	shalt  }
0x58: {  	_ =	shalt  }
0x59: {  	_ =	shalt  }
0x5a: {  	_ =	shalt  }
0x5b: {  	_ =	shalt  }
0x5c: {  	_ =	shalt  }
0x5d: {  	_ =	shalt  }
0x5e: {  	_ =	shalt  }
0x5f: {  	_ =	shalt  }
0x60: {  	_ =	shalt  }
0x61: {  	_ =	shalt  }
0x62: {  	_ =	shalt  }
0x63: {  	_ =	shalt  }
0x64: {  	_ =	shalt  }
0x65: {  	_ =	shalt  }
0x66: {  	_ =	shalt  }
0x67: {  	_ =	shalt  }
0x68: {  	_ =	shalt  }
0x69: {  	_ =	shalt  }
0x6a: {  	_ =	shalt  }
0x6b: {  	_ =	shalt  }
0x6c: {  	_ =	shalt  }
0x6d: {  	_ =	shalt  }
0x6e: {  	_ =	shalt  }
0x6f: {  	_ =	shalt  }
0x70: {  	_ =	shalt  }
0x71: {  	_ =	shalt  }
0x72: {  	_ =	shalt  }
0x73: {  	_ =	shalt  }
0x74: {  	_ =	shalt  }
0x75: {  	_ =	shalt  }
0x76: {  	_ =	shalt  }
0x77: {  	_ =	shalt  }
0x78: {  	_ =	shalt  }
0x79: {  	_ =	shalt  }
0x7a: {  	_ =	shalt  }
0x7b: {  	_ =	shalt  }
0x7c: {  	_ =	shalt  }
0x7d: {  	_ =	shalt  }
0x7e: {  	_ =	shalt  }
0x7f: {  	_ =	shalt  }
0x80: {  	_ =	shalt  }
0x81: {  	_ =	shalt  }
0x82: {  	_ =	shalt  }
0x83: {  	_ =	shalt  }
0x84: {  	_ =	shalt  }
0x85: {  	_ =	shalt  }
0x86: {  	_ =	shalt  }
0x87: {  	_ =	shalt  }
.Lfunc_end0:
.L_simem_size_0:
called_computation.2_lowered:
.L_overlay_start_0:
0x88: {  	s2 =	sld [smem:$0x3FD9]  }
0x89: {  	s3 =	sld [smem:$0x3FFE];
	_ =	sdelay $0x1  }
0x8a: {  	s1 =	srdreg.scid  }
0x8b: {  	s0 =	sand.u32 $0x1, s1  }
0x8c: {  	s17 =	sshll.u32 s0, $0xA;
	s2 =	sadd.s32 s3, s2  }
0x8d: {  	s2 =	sadd.s32 s2, s17  }
0x8e: {  	[smem:$0x3FC2] =	sst s2  }
0x8f: {  	_ = 	snop  }
0x90: {  	s2 =	sld [smem:$0x3FD0];
	(tm) =	ssettm $0x1  }
0x91: {  	s18 =	sld [smem:$0x3FFB];
	_ =	sdelay $0x3  }
0x92: {  	_ =	strace s18  }
0x93: {  	s3 =	sld [smem:$0x3FFC];
	_ =	sdelay $0x3  }
0x94: {  	_ =	strace s3  }
0x95: {  	s3 =	sld [smem:$0x3FFD];
	_ =	sdelay $0x3  }
0x96: {  	_ =	strace s3  }
0x97: {  	_ =	strace $0x8FFFFFFF  }
0x98: {  	s19 =	sld [smem:$0x3FDB];
	_ =	sdelay $0x1  }
0x99: {  	s4 =	simm.s32 $_scs_section_size  }
0x9a: {  	s5 =	simm.s32 $_size__tile_overlayer_lowered;
	s6 =	simm.s32 $_tile_overlayer_lowered  }
0x9b: {  	s22 =	simm.s32 $0x1BFF;
	s21 =	sshll.u32 s6, $0x1;
	s3 =	sadd.s32 s4, s19  }
0x9c: {  	s7 =	simm.s32 $0x0;
	s20 =	sshll.u32 s5, $0x1;
	s5 =	sadd.s32 s21, s3  }
0x9d: {  	[timem:s7], [sflag:s22] =	dma.local [hbm:s5], s20  }
0x9e: {  	_ =	swait.ge [sflag:s22], s20  }
0x9f: {  	s4 =	ssub.s32 $0x0, s20;
	[sflag:s22] =	ssyncset.done $0x0  }
0xa0: {  	[sflag:s22] =	ssyncadd.s32 s4;
	_ =	sdelay $0x1  }
0xa1: {  	s23 =	simm.s32 $0x1B8B  }
0xa2: {  	_ =	swait.ge [sflag:s23], $0x1  }
0xa3: {  	[sflag:s23] =	ssyncset.done $0x0  }
0xa4: {  	s25 =	simm.s32 $0x1B8E;
	s24 =	sld [smem:$0x3FFE];
	[sflag:s23] =	ssyncadd.s32 $0xFFFFFFFF  }
0xa5: {  	s26 =	simm.s32 $execute0_lowered;
	[smem:$0x3FD2] =	sst s25  }
0xa6: {  	s5 =	sshll.u32 s26, $0x1;
	_ =	strace $0x8000004C;
	[dreg:$0x1] =	wrdreg $0xFFFFFFFF  }
0xa7: {  	s28 =	simm.s32 $_size_execute0_lowered;
	s3 =	sadd.s32 s3, s5;
	[dreg:$0x0] =	wrdreg $0x0  }
0xa8: {  	s5 =	sshll.u32 s28, $0x1;
	[dreg:$0x2] =	wrdreg s3  }
0xa9: {  	[dreg:$0x3] =	wrdreg s5  }
0xaa: {  	[dreg:$0x4] =	wrdreg $0xC0  }
0xab: {  	_ =	task [dreg:s7], $0x5FFFF  }
0xac: {  	[dreg:$0x1] =	wrdreg $0xFFFFFFFF  }
0xad: {  	[dreg:$0x0] =	wrdreg $0x60  }
0xae: {  	[dreg:$0x2] =	wrdreg s2  }
0xaf: {  	[dreg:$0x3] =	wrdreg s24  }
0xb0: {  	[dreg:$0x4] =	wrdreg $0x0  }
0xb1: {  	[dreg:$0x5] =	wrdreg $0x9  }
0xb2: {  	_ =	task.clear_ibuf [dreg:s7], $0x6FFFF;
	_ =	strace $0x9000004C  }
0xb3: {  	s29 =	simm.s32 $0x9;
	_ =	strace $0x8000004E  }
0xb4: {  	_ =	swait.ge [sflag:s29], $0x1  }
0xb5: {  	[sflag:s29] =	ssyncadd.s32 $0xFFFFFFFF  }
0xb6: {  	_ =	strace $0x9000004E  }
0xb7: {  	_ =	sfence  }
0xb8: {  	s30 =	sld [smem:$0x0];
	_ =	sdelay $0x2  }
0xb9: {  	s31 =	sshll.u32 s1, $0xD;
	s1 =	sshrl.u32 s1, $0x2  }
0xba: {  	s3 =	sand.u32 $0x4000, s31;
	s1 =	sadd.s32 s1, s30  }
0xbb: {  	s0 =	sor.u32 s3, s0;
	s1 =	sshll.u32 s1, $0x11  }
0xbc: {  	s0 =	sor.u32 s1, s0  }
0xbd: {  	s0 =	sadd.s32 $0x8F2B, s0  }
0xbe: {  	[sflag:s0] =	ssyncadd.remote.s32 $0x1  }
0xbf: {  	_ =	sfence.sel $0xFFFF  }
0xc0: {  	[dreg:$0x0] =	wrdreg $0xFFFFFFFF;
	(pc) =	sbr.abs _section_cstart, $3  }
0xc1: {  	[dreg:$0x1] =	wrdreg $0xFFFFFFFF  }
0xc2: {  	_ =	task.clear_ibuf [dreg:s7], $0x2FFFF;
	_ =	strace $0x9FFFFFFF  }
0xc3: {  	(tm) =	ssettm $0x7FFFFFFF  }
tec
execute0_lowered:
.L_overlay_start_1:
0x0: {  	(tag) =	ssettag $0x1  }
0x1: {  	s3 =	rddreg [dreg:$0x0]  }
0x2: {  	s0 =	rddreg [dreg:$0x1]  }
0x3: {  	s1 =	rddreg [dreg:$0x2];
	s11 =	stileid.u32  }
0x4: {  	s2 =	srdreg.scid;
	s7 =	smul.u32 $0x13800, s11  }
0x5: {  	s4 =	simm.s32 $0x0;
	s6 =	sand.u32 $0x1, s2;
	s19 =	smul.u32 $0x2710, s11  }
0x6: {  	[smem:$0x7FF] =	sst s4;
	s2 =	smul.u32 $0x138800, s6  }
0x7: {  	s5 =	sshll.u32 s6, $0x4;
	s10 =	ssub.s32 $0x2, s6;
	s6 =	smul.u32 $0x27100, s6  }
0x8: {  	s17 =	sadd.s32 $0x2000, s0;
	s12 =	sadd.s32 $0xBE00, s0;
	_ =	strace $0x8000004D  }
0x9: {  	[dreg:$0x12] =	wrdreg s12;
	s5 =	sor.u32 s11, s5;
	s6 =	sadd.s32 s19, s6  }
0xa: {  	s5 =	smul.u32 $0x2710, s5;
	s2 =	sadd.s32 s7, s2;
	s24 =	sadd.s32 $0x4B0, s6  }
0xb: {  	s8 =	sshrl.u32 s10, $0x1;
	s2 =	sshrl.u32 s2, $0x3;
	s26 =	sshrl.u32 s24, $0x3  }
0xc: {  	s5 =	sshrl.u32 s5, $0x3;
	s2 =	sadd.s32 s2, s0;
	s28 =	sadd.s32 s26, s12  }
0xd: {  	s0 =	ssub.s32 s10, s8;
	s2 =	sadd.s32 $0x15C00, s2;
	[dreg:$0x4] =	wrdreg s28  }
0xe: {  	s9 =	sadd.s32 $0xA, s5;
	s0 =	smax.u32 s0, $0x1;
	[smem:$0x7EB] =	sst s2  }
0xf: {  	s13 =	sadd.s32 s17, s9;
	[smem:$0x7EC] =	sst s0  }
0x10: {  	s15 =	sadd.s32 $0x14, s5;
	s14 =	sadd.s32 s12, s9;
	[dreg:$0x13] =	wrdreg s13  }
0x11: {  	s16 =	sadd.s32 s17, s15;
	[dreg:$0x14] =	wrdreg s14  }
0x12: {  	s18 =	sadd.s32 $0x1E, s5;
	s7 =	sadd.s32 s12, s15;
	[dreg:$0x15] =	wrdreg s16  }
0x13: {  	s10 =	sadd.s32 $0x460, s6;
	s20 =	sadd.s32 s17, s18;
	[dreg:$0x16] =	wrdreg s7  }
0x14: {  	s21 =	sadd.s32 $0x28, s5;
	s8 =	sadd.s32 s12, s18;
	[dreg:$0x17] =	wrdreg s20  }
0x15: {  	s23 =	sadd.s32 $0x32, s5;
	s22 =	sadd.s32 s17, s21;
	[dreg:$0x18] =	wrdreg s8  }
0x16: {  	s29 =	sshrl.u32 s10, $0x3;
	s25 =	sadd.s32 s17, s23;
	[dreg:$0x19] =	wrdreg s22  }
0x17: {  	s31 =	sadd.s32 $0x410, s6;
	s30 =	sadd.s32 s29, s12;
	[dreg:$0x1b] =	wrdreg s25  }
0x18: {  	s10 =	sshrl.u32 s31, $0x3;
	s9 =	sadd.s32 s29, s17;
	[dreg:$0x6] =	wrdreg s30  }
0x19: {  	s15 =	sadd.s32 s10, s17;
	[dreg:$0x7] =	wrdreg s9  }
0x1a: {  	s19 =	sadd.s32 $0x370, s6;
	s7 =	sadd.s32 s12, s21;
	[dreg:$0x9] =	wrdreg s15  }
0x1b: {  	s28 =	sadd.s32 $0x2D0, s6;
	s13 =	sadd.s32 s10, s12;
	[dreg:$0x1a] =	wrdreg s7  }
0x1c: {  	s30 =	sshrl.u32 s28, $0x3;
	s28 =	sadd.s32 s12, s5;
	[dreg:$0x8] =	wrdreg s13  }
0x1d: {  	s21 =	sshrl.u32 s19, $0x3;
	s7 =	sadd.s32 s12, s23;
	[smem:$0x7E6] =	sst s28  }
0x1e: {  	s22 =	sadd.s32 s21, s12;
	[dreg:$0x1c] =	wrdreg s7  }
0x1f: {  	s8 =	sadd.s32 $0x3C, s5;
	s24 =	sadd.s32 s21, s17;
	[dreg:$0xc] =	wrdreg s22  }
0x20: {  	s31 =	sadd.s32 s17, s8;
	[dreg:$0xd] =	wrdreg s24  }
0x21: {  	s8 =	sadd.s32 s12, s8;
	[dreg:$0x1d] =	wrdreg s31  }
0x22: {  	s10 =	sadd.s32 s30, s12;
	[dreg:$0x1e] =	wrdreg s8  }
0x23: {  	s15 =	sadd.s32 $0x4B0, s5;
	s13 =	sadd.s32 s30, s17;
	[dreg:$0x10] =	wrdreg s10  }
0x24: {  	s14 =	sadd.s32 $0x3C0, s6;
	s19 =	sadd.s32 s17, s15;
	[dreg:$0x11] =	wrdreg s13  }
0x25: {  	s16 =	sshrl.u32 s14, $0x3;
	s7 =	sadd.s32 s26, s17;
	[smem:$0x7DF] =	sst s19  }
0x26: {  	s23 =	sadd.s32 $0x320, s6;
	s18 =	sadd.s32 s16, s12;
	[dreg:$0x5] =	wrdreg s7  }
0x27: {  	s14 =	sadd.s32 $0x46, s5;
	s20 =	sadd.s32 s16, s17;
	[dreg:$0xa] =	wrdreg s18  }
0x28: {  	s21 =	sadd.s32 $0x4BA, s5;
	s16 =	sadd.s32 s17, s14;
	[dreg:$0xb] =	wrdreg s20  }
0x29: {  	s25 =	sshrl.u32 s23, $0x3;
	s23 =	sadd.s32 s17, s21;
	[dreg:$0x1f] =	wrdreg s16  }
0x2a: {  	s13 =	sadd.s32 $0x280, s6;
	[smem:$0x7E1] =	sst s23  }
0x2b: {  	s26 =	sadd.s32 s25, s12;
	[smem:$0x7ED] =	sst s13  }
0x2c: {  	s29 =	sadd.s32 s25, s17;
	[dreg:$0xe] =	wrdreg s26  }
0x2d: {  	s18 =	sadd.s32 s12, s14;
	[dreg:$0xf] =	wrdreg s29  }
0x2e: {  	s20 =	sadd.s32 s12, s15;
	[smem:$0x7DE] =	sst s18  }
0x2f: {  	s22 =	sadd.s32 $0x4C4, s5;
	s7 =	sadd.s32 s12, s21;
	[smem:$0x7E0] =	sst s20  }
0x30: {  	s30 =	smul.u32 $0x4E000, s11;
	s24 =	sadd.s32 s17, s22;
	[smem:$0x7E2] =	sst s7  }
0x31: {  	s25 =	sadd.s32 s12, s22;
	[smem:$0x7E3] =	sst s24  }
0x32: {  	s11 =	sshrl.u32 s30, $0x2;
	[smem:$0x7E4] =	sst s25;
	s26 =	sadd.s32 s17, s5  }
0x33: {  	s29 =	sadd.s32 $0x4CE, s5;
	s16 =	sadd.s32 s11, s1;
	[smem:$0x7E5] =	sst s26  }
0x34: {  	s31 =	sadd.s32 s17, s29;
	[smem:$0x7FD] =	sst s16  }
0x35: {  	s5 =	sadd.s32 $0x4D8, s5;
	s7 =	sadd.s32 s12, s29;
	[smem:$0x7E7] =	sst s31  }
0x36: {  	s10 =	sadd.s32 s17, s5;
	[smem:$0x7E8] =	sst s7  }
0x37: {  	s5 =	sadd.s32 s12, s5;
	[smem:$0x7E9] =	sst s10  }
0x38: {  	s14 =	sadd.s32 $0x1400, s16;
	[smem:$0x7EA] =	sst s5  }
0x39: {  	s15 =	sadd.s32 $0x2800, s16;
	[smem:$0x7EE] =	sst s14  }
0x3a: {  	s18 =	sadd.s32 $0x3C00, s16;
	[smem:$0x7EF] =	sst s15  }
0x3b: {  	s19 =	sadd.s32 $0x5000, s16;
	[smem:$0x7F0] =	sst s18  }
0x3c: {  	s20 =	sadd.s32 $0x6400, s16;
	[smem:$0x7F1] =	sst s19  }
0x3d: {  	s21 =	sadd.s32 $0x7800, s16;
	[smem:$0x7F2] =	sst s20  }
0x3e: {  	s22 =	sadd.s32 $0x8C00, s16;
	[smem:$0x7F3] =	sst s21  }
0x3f: {  	s23 =	sadd.s32 $0xA000, s16;
	[smem:$0x7F4] =	sst s22  }
0x40: {  	s24 =	sadd.s32 $0xB400, s16;
	[smem:$0x7F5] =	sst s23  }
0x41: {  	s25 =	sadd.s32 $0xC800, s16;
	[smem:$0x7F6] =	sst s24  }
0x42: {  	s26 =	sadd.s32 $0xDC00, s16;
	[smem:$0x7F7] =	sst s25  }
0x43: {  	s28 =	sadd.s32 $0xF000, s16;
	[smem:$0x7F8] =	sst s26  }
0x44: {  	s29 =	sadd.s32 $0x10400, s16;
	[smem:$0x7F9] =	sst s28  }
0x45: {  	s30 =	sadd.s32 $0x11800, s16;
	[smem:$0x7FA] =	sst s29  }
0x46: {  	s8 =	simm.s32 $0x14080;
	[smem:$0x7FB] =	sst s30  }
0x47: {  	s31 =	sadd.s32 $0x12C00, s16;
	s23 =	simm.s32 $0x13F00;
	s19 =	simm.s32 $0x50  }
0x48: {  	v0 =	vimm.f32 $0.0e+00;
	s18 =	simm.s32 $0x5;
	s14 =	simm.s32 $0x0;
	[smem:$0x7FC] =	sst s31  }
.LBB2_1:
0x49: {  	[smem:$0x7DD] =	sst s14;
	s13 =	simm.s32 $0x0;
	s14 =	simm.s32 $0x200  }
.LBB2_2:
0x4a: {  	p0 =	sne.s32 s14, $0x9E00;
	[tilespmem:s13+$0x140F0] =	vst v0  }
0x4b: {  	[tilespmem:s13+$0x14080] =	vst v0  }
0x4c: {  	[tilespmem:s13+$0x14090] =	vst v0  }
.Ltmp0:
0x4d: {  	[tilespmem:s13+$0x140A0] =	vst v0;
	(pc) =	sbr.rel @p0 .LBB2_2-.Ltmp0, $4  }
0x4e: {  	[tilespmem:s13+$0x140B0] =	vst v0  }
0x4f: {  	[tilespmem:s13+$0x140C0] =	vst v0  }
0x50: {  	[tilespmem:s13+$0x140D0] =	vst v0  }
0x51: {  	[tilespmem:s13+$0x140E0] =	vst v0;
	s13 =	sshra.s32 s14, $0x2;
	s14 =	sadd.s32 $0x200, s14  }
0x52: {  	[tilespmem:s13+$0x140F0] =	vst v0  }
0x53: {  	[tilespmem:s13+$0x14080] =	vst v0  }
0x54: {  	[tilespmem:s13+$0x14090] =	vst v0  }
0x55: {  	[tilespmem:s13+$0x140A0] =	vst v0  }
0x56: {  	[tilespmem:s13+$0x140B0] =	vst v0  }
0x57: {  	[tilespmem:s13+$0x140C0] =	vst v0  }
0x58: {  	[tilespmem:s13+$0x140D0] =	vst v0  }
0x59: {  	[tilespmem:s13+$0x140E0] =	vst v0;
	s10 =	simm.s32 $0x11  }
0x5a: {  	[spmem:s16] =	stream.linear.scatter [tilespmem:s8], [sflag:$0x11], $0x1400, $0x38;
	[tilespmem:$0x1E080] =	vst v63  }
0x5b: {  	_ =	swait.ge [sflag:s10], $0x1400  }
0x5c: {  	s5 =	sld [smem:$0x7EE]  }
0x5d: {  	[sflag:s10] =	ssyncset.done $0x0  }
0x5e: {  	s26 =	simm.s32 $0x14080;
	[sflag:s10] =	ssyncadd.s32 $0xFFFFEC00  }
0x5f: {  	[spmem:s5] =	stream.linear.scatter [tilespmem:s26], [sflag:$0x11], $0x1400, $0x38;
	[tilespmem:$0x1E080] =	vst v63  }
0x60: {  	_ =	swait.ge [sflag:s10], $0x1400  }
0x61: {  	s6 =	sld [smem:$0x7EF]  }
0x62: {  	[sflag:s10] =	ssyncset.done $0x0  }
0x63: {  	[sflag:s10] =	ssyncadd.s32 $0xFFFFEC00  }
0x64: {  	[spmem:s6] =	stream.linear.scatter [tilespmem:s26], [sflag:$0x11], $0x1400, $0x38;
	[tilespmem:$0x1E080] =	vst v63  }
0x65: {  	_ =	swait.ge [sflag:s10], $0x1400  }
0x66: {  	s7 =	sld [smem:$0x7F0]  }
0x67: {  	[sflag:s10] =	ssyncset.done $0x0  }
0x68: {  	[sflag:s10] =	ssyncadd.s32 $0xFFFFEC00  }
0x69: {  	[spmem:s7] =	stream.linear.scatter [tilespmem:s26], [sflag:$0x11], $0x1400, $0x38;
	[tilespmem:$0x1E080] =	vst v63  }
0x6a: {  	_ =	swait.ge [sflag:s10], $0x1400  }
0x6b: {  	s9 =	sld [smem:$0x7F1]  }
0x6c: {  	[sflag:s10] =	ssyncset.done $0x0  }
0x6d: {  	[sflag:s10] =	ssyncadd.s32 $0xFFFFEC00  }
0x6e: {  	[spmem:s9] =	stream.linear.scatter [tilespmem:s26], [sflag:$0x11], $0x1400, $0x38;
	[tilespmem:$0x1E080] =	vst v63  }
0x6f: {  	_ =	swait.ge [sflag:s10], $0x1400  }
0x70: {  	s11 =	sld [smem:$0x7F2]  }
0x71: {  	[sflag:s10] =	ssyncset.done $0x0  }
0x72: {  	[sflag:s10] =	ssyncadd.s32 $0xFFFFEC00  }
0x73: {  	[spmem:s11] =	stream.linear.scatter [tilespmem:s26], [sflag:$0x11], $0x1400, $0x38;
	[tilespmem:$0x1E080] =	vst v63  }
0x74: {  	_ =	swait.ge [sflag:s10], $0x1400  }
0x75: {  	s13 =	sld [smem:$0x7F3]  }
0x76: {  	[sflag:s10] =	ssyncset.done $0x0  }
0x77: {  	[sflag:s10] =	ssyncadd.s32 $0xFFFFEC00  }
0x78: {  	[spmem:s13] =	stream.linear.scatter [tilespmem:s26], [sflag:$0x11], $0x1400, $0x38;
	[tilespmem:$0x1E080] =	vst v63  }
0x79: {  	_ =	swait.ge [sflag:s10], $0x1400  }
0x7a: {  	s14 =	sld [smem:$0x7F4]  }
0x7b: {  	[sflag:s10] =	ssyncset.done $0x0  }
0x7c: {  	[sflag:s10] =	ssyncadd.s32 $0xFFFFEC00  }
0x7d: {  	[spmem:s14] =	stream.linear.scatter [tilespmem:s26], [sflag:$0x11], $0x1400, $0x38;
	[tilespmem:$0x1E080] =	vst v63  }
0x7e: {  	_ =	swait.ge [sflag:s10], $0x1400  }
0x7f: {  	s15 =	sld [smem:$0x7F5]  }
0x80: {  	[sflag:s10] =	ssyncset.done $0x0  }
0x81: {  	[sflag:s10] =	ssyncadd.s32 $0xFFFFEC00  }
0x82: {  	[spmem:s15] =	stream.linear.scatter [tilespmem:s26], [sflag:$0x11], $0x1400, $0x38;
	[tilespmem:$0x1E080] =	vst v63  }
0x83: {  	_ =	swait.ge [sflag:s10], $0x1400  }
0x84: {  	s16 =	sld [smem:$0x7F6]  }
0x85: {  	[sflag:s10] =	ssyncset.done $0x0  }
0x86: {  	[sflag:s10] =	ssyncadd.s32 $0xFFFFEC00  }
0x87: {  	[spmem:s16] =	stream.linear.scatter [tilespmem:s26], [sflag:$0x11], $0x1400, $0x38;
	[tilespmem:$0x1E080] =	vst v63  }
0x88: {  	_ =	swait.ge [sflag:s10], $0x1400  }
0x89: {  	s20 =	sld [smem:$0x7F7]  }
0x8a: {  	[sflag:s10] =	ssyncset.done $0x0  }
0x8b: {  	[sflag:s10] =	ssyncadd.s32 $0xFFFFEC00  }
0x8c: {  	[spmem:s20] =	stream.linear.scatter [tilespmem:s26], [sflag:$0x11], $0x1400, $0x38;
	[tilespmem:$0x1E080] =	vst v63  }
0x8d: {  	_ =	swait.ge [sflag:s10], $0x1400  }
0x8e: {  	s21 =	sld [smem:$0x7F8]  }
0x8f: {  	[sflag:s10] =	ssyncset.done $0x0  }
0x90: {  	[sflag:s10] =	ssyncadd.s32 $0xFFFFEC00  }
0x91: {  	[spmem:s21] =	stream.linear.scatter [tilespmem:s26], [sflag:$0x11], $0x1400, $0x38;
	[tilespmem:$0x1E080] =	vst v63  }
0x92: {  	_ =	swait.ge [sflag:s10], $0x1400  }
0x93: {  	s22 =	sld [smem:$0x7F9]  }
0x94: {  	[sflag:s10] =	ssyncset.done $0x0  }
0x95: {  	[sflag:s10] =	ssyncadd.s32 $0xFFFFEC00  }
0x96: {  	[spmem:s22] =	stream.linear.scatter [tilespmem:s26], [sflag:$0x11], $0x1400, $0x38;
	[tilespmem:$0x1E080] =	vst v63  }
0x97: {  	_ =	swait.ge [sflag:s10], $0x1400  }
0x98: {  	s24 =	sld [smem:$0x7FA]  }
0x99: {  	[sflag:s10] =	ssyncset.done $0x0  }
0x9a: {  	[sflag:s10] =	ssyncadd.s32 $0xFFFFEC00  }
0x9b: {  	[spmem:s24] =	stream.linear.scatter [tilespmem:s26], [sflag:$0x11], $0x1400, $0x38;
	[tilespmem:$0x1E080] =	vst v63  }
0x9c: {  	_ =	swait.ge [sflag:s10], $0x1400  }
0x9d: {  	s25 =	sld [smem:$0x7FB]  }
0x9e: {  	[sflag:s10] =	ssyncset.done $0x0  }
0x9f: {  	[sflag:s10] =	ssyncadd.s32 $0xFFFFEC00  }
0xa0: {  	[spmem:s25] =	stream.linear.scatter [tilespmem:s26], [sflag:$0x11], $0x1400, $0x38;
	[tilespmem:$0x1E080] =	vst v63  }
0xa1: {  	_ =	swait.ge [sflag:s10], $0x1400  }
0xa2: {  	s28 =	sld [smem:$0x7FC]  }
0xa3: {  	[sflag:s10] =	ssyncset.done $0x0  }
0xa4: {  	[sflag:s10] =	ssyncadd.s32 $0xFFFFEC00  }
0xa5: {  	[spmem:s28] =	stream.linear.scatter [tilespmem:s26], [sflag:$0x11], $0x1400, $0x38;
	[tilespmem:$0x1E080] =	vst v63  }
0xa6: {  	_ =	swait.ge [sflag:s10], $0x1400  }
0xa7: {  	[sflag:s10] =	ssyncset.done $0x0  }
0xa8: {  	[sflag:s10] =	ssyncadd.s32 $0xFFFFEC00  }
0xa9: {  	[bflag:$0x0] =	sbarrier.arrive $0xFFFF  }
0xaa: {  	s29 =	sld [smem:$0x7E5];
	_ =	sdelay $0x1  }
0xab: {  	s13 =	simm.s32 $0x0;
	s24 =	simm.s32 $0x13880;
	s30 =	sld [smem:$0x7E6]  }
0xac: {  	[tilespmem:s24], [sflag:$0x1] =	stream.linear.gather [hbm4b:s29+s13], $0x50, $0x38;
	[tilespmem:$0x1E080] =	vst v63  }
0xad: {  	s16 =	simm.s32 $0x13C80  }
0xae: {  	[tilespmem:s16], [sflag:$0x1] =	stream.linear.gather [hbm4b:s30+s13], $0x50, $0x38;
	[tilespmem:$0x1E080] =	vst v63  }
0xaf: {  	s0 =	simm.s32 $0x13900;
	s31 =	rddreg [dreg:$0x13]  }
0xb0: {  	[tilespmem:s0], [sflag:$0x2] =	stream.linear.gather [hbm4b:s31+s13], $0x50, $0x38;
	[tilespmem:$0x1E080] =	vst v63  }
0xb1: {  	s5 =	simm.s32 $0x13D00;
	s2 =	rddreg [dreg:$0x14]  }
0xb2: {  	[tilespmem:s5], [sflag:$0x2] =	stream.linear.gather [hbm4b:s2+s13], $0x50, $0x38;
	[tilespmem:$0x1E080] =	vst v63  }
0xb3: {  	s7 =	simm.s32 $0x13980;
	s6 =	rddreg [dreg:$0x15]  }
0xb4: {  	[tilespmem:s7], [sflag:$0x3] =	stream.linear.gather [hbm4b:s6+s13], $0x50, $0x38;
	[tilespmem:$0x1E080] =	vst v63  }
0xb5: {  	s25 =	simm.s32 $0x13D80;
	s10 =	rddreg [dreg:$0x16]  }
0xb6: {  	[tilespmem:s25], [sflag:$0x3] =	stream.linear.gather [hbm4b:s10+s13], $0x50, $0x38;
	[tilespmem:$0x1E080] =	vst v63  }
0xb7: {  	s14 =	simm.s32 $0x13A00;
	s11 =	rddreg [dreg:$0x17]  }
0xb8: {  	[tilespmem:s14], [sflag:$0x4] =	stream.linear.gather [hbm4b:s11+s13], $0x50, $0x38;
	[tilespmem:$0x1E080] =	vst v63  }
0xb9: {  	s15 =	rddreg [dreg:$0x18];
	s2 =	simm.s32 $0x13E00  }
0xba: {  	[tilespmem:s2], [sflag:$0x4] =	stream.linear.gather [hbm4b:s15+s13], $0x50, $0x38;
	[tilespmem:$0x1E080] =	vst v63  }
0xbb: {  	s20 =	rddreg [dreg:$0x19];
	s10 =	simm.s32 $0x13A80  }
0xbc: {  	[tilespmem:s10], [sflag:$0x5] =	stream.linear.gather [hbm4b:s20+s13], $0x50, $0x38;
	[tilespmem:$0x1E080] =	vst v63  }
0xbd: {  	s22 =	simm.s32 $0x13E80;
	s21 =	rddreg [dreg:$0x1a]  }
0xbe: {  	[tilespmem:s22], [sflag:$0x5] =	stream.linear.gather [hbm4b:s21+s13], $0x50, $0x38;
	[tilespmem:$0x1E080] =	vst v63  }
0xbf: {  	s28 =	rddreg [dreg:$0x1b];
	s6 =	simm.s32 $0x13B00  }
0xc0: {  	[tilespmem:s6], [sflag:$0x6] =	stream.linear.gather [hbm4b:s28+s13], $0x50, $0x38;
	[tilespmem:$0x1E080] =	vst v63  }
0xc1: {  	s29 =	rddreg [dreg:$0x1c]  }
0xc2: {  	[tilespmem:s23], [sflag:$0x6] =	stream.linear.gather [hbm4b:s29+s13], $0x50, $0x38;
	[tilespmem:$0x1E080] =	vst v63  }
0xc3: {  	s30 =	rddreg [dreg:$0x1d];
	s31 =	simm.s32 $0x13B80  }
0xc4: {  	[tilespmem:s31], [sflag:$0x7] =	stream.linear.gather [hbm4b:s30+s13], $0x50, $0x38;
	[tilespmem:$0x1E080] =	vst v63  }
0xc5: {  	s11 =	simm.s32 $0x13F80;
	s2 =	rddreg [dreg:$0x1e];
	s21 =	simm.s32 $0x1  }
0xc6: {  	[tilespmem:s11], [sflag:$0x7] =	stream.linear.gather [hbm4b:s2+s13], $0x50, $0x38;
	[tilespmem:$0x1E080] =	vst v63  }
0xc7: {  	_ =	swait.ge [sflag:s21], $0x50  }
0xc8: {  	[sflag:s21] =	ssyncset.done $0x0  }
0xc9: {  	[sflag:s21] =	ssyncadd.s32 $0xFFFFFFB0  }
0xca: {  	_ =	swait.ge [sflag:s21], $0x50  }
0xcb: {  	[sflag:s21] =	ssyncset.done $0x0  }
0xcc: {  	s2 =	simm.s32 $0x2;
	[sflag:s21] =	ssyncadd.s32 $0xFFFFFFB0  }
0xcd: {  	[tilespmem:s26], [sflag:$0x9] =	stream.indirect.gather [hbm4b:s3+s19], $0x80, s24, s19, $0xb8;
	[tilespmem:$0x1E080] =	vst v63  }
0xce: {  	_ =	swait.ge [sflag:s2], $0x50  }
0xcf: {  	[sflag:s2] =	ssyncset.done $0x0  }
0xd0: {  	[sflag:s2] =	ssyncadd.s32 $0xFFFFFFB0  }
0xd1: {  	_ =	swait.ge [sflag:s2], $0x50  }
0xd2: {  	s9 =	simm.s32 $0x13900;
	[sflag:s2] =	ssyncset.done $0x0  }
0xd3: {  	s15 =	simm.s32 $0x3;
	s29 =	simm.s32 $0x16880;
	[sflag:s2] =	ssyncadd.s32 $0xFFFFFFB0  }
0xd4: {  	[tilespmem:s29], [sflag:$0xA] =	stream.indirect.gather [hbm4b:s3+s19], $0x80, s9, s19, $0xb8;
	[tilespmem:$0x1E080] =	vst v63  }
0xd5: {  	_ =	swait.ge [sflag:s15], $0x50  }
0xd6: {  	[sflag:s15] =	ssyncset.done $0x0  }
0xd7: {  	[sflag:s15] =	ssyncadd.s32 $0xFFFFFFB0  }
0xd8: {  	_ =	swait.ge [sflag:s15], $0x50  }
0xd9: {  	s7 =	simm.s32 $0x13980;
	[sflag:s15] =	ssyncset.done $0x0  }
0xda: {  	s22 =	simm.s32 $0x4;
	s30 =	simm.s32 $0x19080;
	[sflag:s15] =	ssyncadd.s32 $0xFFFFFFB0  }
0xdb: {  	[tilespmem:s30], [sflag:$0xB] =	stream.indirect.gather [hbm4b:s3+s19], $0x80, s7, s19, $0xb8;
	[tilespmem:$0x1E080] =	vst v63  }
0xdc: {  	_ =	swait.ge [sflag:s22], $0x50  }
0xdd: {  	[sflag:s22] =	ssyncset.done $0x0  }
0xde: {  	[sflag:s22] =	ssyncadd.s32 $0xFFFFFFB0  }
0xdf: {  	_ =	swait.ge [sflag:s22], $0x50  }
0xe0: {  	s0 =	simm.s32 $0x13A00;
	[sflag:s22] =	ssyncset.done $0x0  }
0xe1: {  	s14 =	simm.s32 $0x1B880;
	s20 =	rddreg [dreg:$0x1f];
	[sflag:s22] =	ssyncadd.s32 $0xFFFFFFB0  }
0xe2: {  	[tilespmem:s14], [sflag:$0xC] =	stream.indirect.gather [hbm4b:s3+s19], $0x80, s0, s19, $0xb8;
	[tilespmem:$0x1E080] =	vst v63  }
0xe3: {  	s28 =	simm.s32 $0x13C00;
	s0 =	sld [smem:$0x7DE]  }
0xe4: {  	[tilespmem:s28], [sflag:$0x8] =	stream.linear.gather [hbm4b:s20+s13], $0x50, $0x38;
	[tilespmem:$0x1E080] =	vst v63  }
0xe5: {  	s9 =	simm.s32 $0x9;
	s7 =	simm.s32 $0x14000  }
0xe6: {  	[tilespmem:s7], [sflag:$0x8] =	stream.linear.gather [hbm4b:s0+s13], $0x50, $0x38;
	[tilespmem:$0x1E080] =	vst v63  }
0xe7: {  	_ =	swait.ge [sflag:s9], $0x2800  }
0xe8: {  	[sflag:s9] =	ssyncset.done $0x0  }
0xe9: {  	s28 =	simm.s32 $0xD;
	[sflag:s9] =	ssyncadd.s32 $0xFFFFD800  }
0xea: {  	[spmem:s1] =	stream.indirect.scatter.add.f32 [tilespmem:s26], [sflag:$0xD], $0x80, s16, s19, $0xb8;
	[tilespmem:$0x1E080] =	vst v63  }
0xeb: {  	_ =	swait.ge [sflag:s28], $0x2800  }
0xec: {  	[sflag:s28] =	ssyncset.done $0x0  }
0xed: {  	[sflag:s28] =	ssyncadd.s32 $0xFFFFD800  }
0xee: {  	_ =	swait.ge [sflag:s18], $0x50  }
0xef: {  	[sflag:s18] =	ssyncset.done $0x0  }
0xf0: {  	[sflag:s18] =	ssyncadd.s32 $0xFFFFFFB0  }
0xf1: {  	_ =	swait.ge [sflag:s18], $0x50  }
0xf2: {  	[sflag:s18] =	ssyncset.done $0x0;
	s20 =	sld [smem:$0x7ED]  }
0xf3: {  	[sflag:s18] =	ssyncadd.s32 $0xFFFFFFB0  }
0xf4: {  	[tilespmem:s26], [sflag:$0x9] =	stream.indirect.gather [hbm4b:s3+s19], $0x80, s10, s19, $0xb8;
	[tilespmem:$0x1E080] =	vst v63  }
0xf5: {  	s8 =	sshrl.u32 s20, $0x3  }
0xf6: {  	s14 =	sadd.s32 s17, s8  }
0xf7: {  	[tilespmem:s24], [sflag:$0x1] =	stream.linear.gather [hbm4b:s14+s4], $0x50, $0x38;
	[tilespmem:$0x1E080] =	vst v63  }
0xf8: {  	s13 =	sadd.s32 s12, s8;
	s12 =	simm.s32 $0xA  }
0xf9: {  	[tilespmem:s16], [sflag:$0x1] =	stream.linear.gather [hbm4b:s13+s4], $0x50, $0x38;
	[tilespmem:$0x1E080] =	vst v63  }
0xfa: {  	_ =	swait.ge [sflag:s12], $0x2800  }
0xfb: {  	[sflag:s12] =	ssyncset.done $0x0  }
0xfc: {  	s7 =	simm.s32 $0xE;
	[sflag:s12] =	ssyncadd.s32 $0xFFFFD800  }
0xfd: {  	[spmem:s1] =	stream.indirect.scatter.add.f32 [tilespmem:s29], [sflag:$0xE], $0x80, s5, s19, $0xb8;
	[tilespmem:$0x1E080] =	vst v63  }
0xfe: {  	_ =	swait.ge [sflag:s7], $0x2800  }
0xff: {  	[sflag:s7] =	ssyncset.done $0x0  }
0x100: {  	s14 =	simm.s32 $0x6;
	[sflag:s7] =	ssyncadd.s32 $0xFFFFD800  }
0x101: {  	_ =	swait.ge [sflag:s14], $0x50  }
0x102: {  	[sflag:s14] =	ssyncset.done $0x0  }
0x103: {  	[sflag:s14] =	ssyncadd.s32 $0xFFFFFFB0  }
0x104: {  	_ =	swait.ge [sflag:s14], $0x50  }
0x105: {  	[sflag:s14] =	ssyncset.done $0x0  }
0x106: {  	s8 =	rddreg [dreg:$0x11];
	[sflag:s14] =	ssyncadd.s32 $0xFFFFFFB0  }
0x107: {  	[tilespmem:s29], [sflag:$0xA] =	stream.indirect.gather [hbm4b:s3+s19], $0x80, s6, s19, $0xb8;
	[tilespmem:$0x1E080] =	vst v63  }
0x108: {  	s11 =	simm.s32 $0x13900;
	s12 =	rddreg [dreg:$0x10];
	s13 =	sadd.s32 $0x0, s8  }
0x109: {  	[tilespmem:s11], [sflag:$0x2] =	stream.linear.gather [hbm4b:s13+s4], $0x50, $0x38;
	[tilespmem:$0x1E080] =	vst v63  }
0x10a: {  	s0 =	sadd.s32 $0x0, s12;
	s12 =	simm.s32 $0xB  }
0x10b: {  	[tilespmem:s5], [sflag:$0x2] =	stream.linear.gather [hbm4b:s0+s4], $0x50, $0x38;
	[tilespmem:$0x1E080] =	vst v63  }
0x10c: {  	_ =	swait.ge [sflag:s12], $0x2800  }
0x10d: {  	[sflag:s12] =	ssyncset.done $0x0  }
0x10e: {  	s8 =	simm.s32 $0xF;
	[sflag:s12] =	ssyncadd.s32 $0xFFFFD800  }
0x10f: {  	[spmem:s1] =	stream.indirect.scatter.add.f32 [tilespmem:s30], [sflag:$0xF], $0x80, s25, s19, $0xb8;
	[tilespmem:$0x1E080] =	vst v63  }
0x110: {  	_ =	swait.ge [sflag:s8], $0x2800  }
0x111: {  	[sflag:s8] =	ssyncset.done $0x0  }
0x112: {  	s5 =	simm.s32 $0x7;
	[sflag:s8] =	ssyncadd.s32 $0xFFFFD800  }
0x113: {  	_ =	swait.ge [sflag:s5], $0x50  }
0x114: {  	[sflag:s5] =	ssyncset.done $0x0  }
0x115: {  	[sflag:s5] =	ssyncadd.s32 $0xFFFFFFB0  }
0x116: {  	_ =	swait.ge [sflag:s5], $0x50  }
0x117: {  	[sflag:s5] =	ssyncset.done $0x0  }
0x118: {  	s6 =	rddreg [dreg:$0xf];
	[sflag:s5] =	ssyncadd.s32 $0xFFFFFFB0;
	s5 =	simm.s32 $0x13B80  }
0x119: {  	[tilespmem:s30], [sflag:$0xB] =	stream.indirect.gather [hbm4b:s3+s19], $0x80, s5, s19, $0xb8;
	[tilespmem:$0x1E080] =	vst v63  }
0x11a: {  	s11 =	rddreg [dreg:$0xe];
	s13 =	sadd.s32 $0x0, s6;
	s6 =	simm.s32 $0x13980  }
0x11b: {  	[tilespmem:s6], [sflag:$0x3] =	stream.linear.gather [hbm4b:s13+s4], $0x50, $0x38;
	[tilespmem:$0x1E080] =	vst v63  }
0x11c: {  	s11 =	sadd.s32 $0x0, s11;
	s6 =	simm.s32 $0xC  }
0x11d: {  	[tilespmem:s25], [sflag:$0x3] =	stream.linear.gather [hbm4b:s11+s4], $0x50, $0x38;
	[tilespmem:$0x1E080] =	vst v63  }
0x11e: {  	_ =	swait.ge [sflag:s6], $0x2800  }
0x11f: {  	s31 =	simm.s32 $0x1B880;
	[sflag:s6] =	ssyncset.done $0x0  }
0x120: {  	s0 =	simm.s32 $0x13E00;
	s11 =	simm.s32 $0x10;
	[sflag:s6] =	ssyncadd.s32 $0xFFFFD800  }
0x121: {  	[spmem:s1] =	stream.indirect.scatter.add.f32 [tilespmem:s31], [sflag:$0x10], $0x80, s0, s19, $0xb8;
	[tilespmem:$0x1E080] =	vst v63  }
0x122: {  	_ =	swait.ge [sflag:s11], $0x2800  }
0x123: {  	[sflag:s11] =	ssyncset.done $0x0  }
0x124: {  	s14 =	simm.s32 $0x8;
	[sflag:s11] =	ssyncadd.s32 $0xFFFFD800  }
0x125: {  	_ =	swait.ge [sflag:s14], $0x50  }
0x126: {  	[sflag:s14] =	ssyncset.done $0x0  }
0x127: {  	[sflag:s14] =	ssyncadd.s32 $0xFFFFFFB0  }
0x128: {  	_ =	swait.ge [sflag:s14], $0x50  }
0x129: {  	s5 =	smov.u32 s1;
	[sflag:s14] =	ssyncset.done $0x0  }
0x12a: {  	s1 =	simm.s32 $0x13C00;
	s13 =	rddreg [dreg:$0xd];
	[sflag:s14] =	ssyncadd.s32 $0xFFFFFFB0  }
0x12b: {  	[tilespmem:s31], [sflag:$0xC] =	stream.indirect.gather [hbm4b:s3+s19], $0x80, s1, s19, $0xb8;
	[tilespmem:$0x1E080] =	vst v63  }
0x12c: {  	s14 =	rddreg [dreg:$0xc];
	s13 =	sadd.s32 $0x0, s13;
	s1 =	simm.s32 $0x13A00  }
0x12d: {  	[tilespmem:s1], [sflag:$0x4] =	stream.linear.gather [hbm4b:s13+s4], $0x50, $0x38;
	[tilespmem:$0x1E080] =	vst v63  }
0x12e: {  	s1 =	sadd.s32 $0x0, s14  }
0x12f: {  	[tilespmem:s0], [sflag:$0x4] =	stream.linear.gather [hbm4b:s1+s4], $0x50, $0x38;
	[tilespmem:$0x1E080] =	vst v63  }
0x130: {  	_ =	swait.ge [sflag:s9], $0x2800  }
0x131: {  	[sflag:s9] =	ssyncset.done $0x0  }
0x132: {  	s14 =	simm.s32 $0x13E80;
	[sflag:s9] =	ssyncadd.s32 $0xFFFFD800  }
0x133: {  	[spmem:s5] =	stream.indirect.scatter.add.f32 [tilespmem:s26], [sflag:$0xD], $0x80, s14, s19, $0xb8;
	[tilespmem:$0x1E080] =	vst v63  }
0x134: {  	_ =	swait.ge [sflag:s28], $0x2800  }
0x135: {  	[sflag:s28] =	ssyncset.done $0x0  }
0x136: {  	[sflag:s28] =	ssyncadd.s32 $0xFFFFD800  }
0x137: {  	_ =	swait.ge [sflag:s21], $0x50  }
0x138: {  	[sflag:s21] =	ssyncset.done $0x0  }
0x139: {  	[sflag:s21] =	ssyncadd.s32 $0xFFFFFFB0  }
0x13a: {  	_ =	swait.ge [sflag:s21], $0x50  }
0x13b: {  	[sflag:s21] =	ssyncset.done $0x0  }
0x13c: {  	s28 =	rddreg [dreg:$0xb];
	[sflag:s21] =	ssyncadd.s32 $0xFFFFFFB0  }
0x13d: {  	[tilespmem:s26], [sflag:$0x9] =	stream.indirect.gather [hbm4b:s3+s19], $0x80, s24, s19, $0xb8;
	[tilespmem:$0x1E080] =	vst v63  }
0x13e: {  	s0 =	rddreg [dreg:$0xa];
	s13 =	sadd.s32 $0x0, s28  }
0x13f: {  	[tilespmem:s10], [sflag:$0x5] =	stream.linear.gather [hbm4b:s13+s4], $0x50, $0x38;
	[tilespmem:$0x1E080] =	vst v63  }
0x140: {  	s25 =	simm.s32 $0xA;
	s1 =	simm.s32 $0x13E80;
	s14 =	sadd.s32 $0x0, s0  }
0x141: {  	[tilespmem:s1], [sflag:$0x5] =	stream.linear.gather [hbm4b:s14+s4], $0x50, $0x38;
	[tilespmem:$0x1E080] =	vst v63  }
0x142: {  	_ =	swait.ge [sflag:s25], $0x2800  }
0x143: {  	[sflag:s25] =	ssyncset.done $0x0  }
0x144: {  	[sflag:s25] =	ssyncadd.s32 $0xFFFFD800  }
0x145: {  	[spmem:s5] =	stream.indirect.scatter.add.f32 [tilespmem:s29], [sflag:$0xE], $0x80, s23, s19, $0xb8;
	[tilespmem:$0x1E080] =	vst v63  }
0x146: {  	_ =	swait.ge [sflag:s7], $0x2800  }
0x147: {  	[sflag:s7] =	ssyncset.done $0x0  }
0x148: {  	[sflag:s7] =	ssyncadd.s32 $0xFFFFD800  }
0x149: {  	_ =	swait.ge [sflag:s2], $0x50  }
0x14a: {  	[sflag:s2] =	ssyncset.done $0x0  }
0x14b: {  	[sflag:s2] =	ssyncadd.s32 $0xFFFFFFB0  }
0x14c: {  	_ =	swait.ge [sflag:s2], $0x50  }
0x14d: {  	[sflag:s2] =	ssyncset.done $0x0  }
0x14e: {  	s1 =	simm.s32 $0x13900;
	s26 =	rddreg [dreg:$0x9];
	[sflag:s2] =	ssyncadd.s32 $0xFFFFFFB0  }
0x14f: {  	[tilespmem:s29], [sflag:$0xA] =	stream.indirect.gather [hbm4b:s3+s19], $0x80, s1, s19, $0xb8;
	[tilespmem:$0x1E080] =	vst v63  }
0x150: {  	s24 =	simm.s32 $0x13B00;
	s28 =	rddreg [dreg:$0x8];
	s13 =	sadd.s32 $0x0, s26  }
0x151: {  	[tilespmem:s24], [sflag:$0x6] =	stream.linear.gather [hbm4b:s13+s4], $0x50, $0x38;
	[tilespmem:$0x1E080] =	vst v63  }
0x152: {  	s2 =	sadd.s32 $0x0, s28  }
0x153: {  	[tilespmem:s23], [sflag:$0x6] =	stream.linear.gather [hbm4b:s2+s4], $0x50, $0x38;
	[tilespmem:$0x1E080] =	vst v63  }
0x154: {  	_ =	swait.ge [sflag:s12], $0x2800  }
0x155: {  	[sflag:s12] =	ssyncset.done $0x0  }
0x156: {  	s7 =	simm.s32 $0x13F80;
	[sflag:s12] =	ssyncadd.s32 $0xFFFFD800  }
0x157: {  	[spmem:s5] =	stream.indirect.scatter.add.f32 [tilespmem:s30], [sflag:$0xF], $0x80, s7, s19, $0xb8;
	[tilespmem:$0x1E080] =	vst v63  }
0x158: {  	_ =	swait.ge [sflag:s8], $0x2800  }
0x159: {  	[sflag:s8] =	ssyncset.done $0x0  }
0x15a: {  	[sflag:s8] =	ssyncadd.s32 $0xFFFFD800  }
0x15b: {  	_ =	swait.ge [sflag:s15], $0x50  }
0x15c: {  	[sflag:s15] =	ssyncset.done $0x0  }
0x15d: {  	[sflag:s15] =	ssyncadd.s32 $0xFFFFFFB0  }
0x15e: {  	_ =	swait.ge [sflag:s15], $0x50  }
0x15f: {  	[sflag:s15] =	ssyncset.done $0x0  }
0x160: {  	s8 =	rddreg [dreg:$0x7];
	[sflag:s15] =	ssyncadd.s32 $0xFFFFFFB0;
	s15 =	simm.s32 $0x13980  }
0x161: {  	[tilespmem:s30], [sflag:$0xB] =	stream.indirect.gather [hbm4b:s3+s19], $0x80, s15, s19, $0xb8;
	[tilespmem:$0x1E080] =	vst v63  }
0x162: {  	s21 =	simm.s32 $0x13B80;
	s12 =	rddreg [dreg:$0x6];
	s13 =	sadd.s32 $0x0, s8  }
0x163: {  	[tilespmem:s21], [sflag:$0x7] =	stream.linear.gather [hbm4b:s13+s4], $0x50, $0x38;
	[tilespmem:$0x1E080] =	vst v63  }
0x164: {  	s23 =	sadd.s32 $0x0, s12  }
0x165: {  	[tilespmem:s7], [sflag:$0x7] =	stream.linear.gather [hbm4b:s23+s4], $0x50, $0x38;
	[tilespmem:$0x1E080] =	vst v63  }
0x166: {  	_ =	swait.ge [sflag:s6], $0x2800  }
0x167: {  	[sflag:s6] =	ssyncset.done $0x0  }
0x168: {  	s26 =	simm.s32 $0x1B880;
	s24 =	simm.s32 $0x14000;
	[sflag:s6] =	ssyncadd.s32 $0xFFFFD800  }
0x169: {  	[spmem:s5] =	stream.indirect.scatter.add.f32 [tilespmem:s26], [sflag:$0x10], $0x80, s24, s19, $0xb8;
	[tilespmem:$0x1E080] =	vst v63  }
0x16a: {  	_ =	swait.ge [sflag:s11], $0x2800  }
0x16b: {  	[sflag:s11] =	ssyncset.done $0x0  }
0x16c: {  	[sflag:s11] =	ssyncadd.s32 $0xFFFFD800  }
0x16d: {  	_ =	swait.ge [sflag:s22], $0x50  }
0x16e: {  	[sflag:s22] =	ssyncset.done $0x0  }
0x16f: {  	[sflag:s22] =	ssyncadd.s32 $0xFFFFFFB0  }
0x170: {  	_ =	swait.ge [sflag:s22], $0x50  }
0x171: {  	[sflag:s22] =	ssyncset.done $0x0  }
0x172: {  	s30 =	simm.s32 $0x13A00;
	s28 =	rddreg [dreg:$0x5];
	[sflag:s22] =	ssyncadd.s32 $0xFFFFFFB0  }
0x173: {  	[tilespmem:s26], [sflag:$0xC] =	stream.indirect.gather [hbm4b:s3+s19], $0x80, s30, s19, $0xb8;
	[tilespmem:$0x1E080] =	vst v63  }
0x174: {  	s31 =	simm.s32 $0x13C00;
	s29 =	rddreg [dreg:$0x4];
	s13 =	sadd.s32 $0x0, s28  }
0x175: {  	[tilespmem:s31], [sflag:$0x8] =	stream.linear.gather [hbm4b:s13+s4], $0x50, $0x38;
	[tilespmem:$0x1E080] =	vst v63  }
0x176: {  	s31 =	sadd.s32 $0x0, s29  }
0x177: {  	[tilespmem:s24], [sflag:$0x8] =	stream.linear.gather [hbm4b:s31+s4], $0x50, $0x38;
	[tilespmem:$0x1E080] =	vst v63  }
0x178: {  	_ =	swait.ge [sflag:s9], $0x2800  }
0x179: {  	s14 =	sadd.s32 $0x280, s20;
	[sflag:s9] =	ssyncset.done $0x0  }
0x17a: {  	s8 =	simm.s32 $0x14080;
	s13 =	simm.s32 $0x50;
	[sflag:s9] =	ssyncadd.s32 $0xFFFFD800  }
.LBB2_4:
0x17b: {  	[spmem:s5] =	stream.indirect.scatter.add.f32 [tilespmem:s8], [sflag:$0xD], $0x80, s16, s19, $0xb8;
	[tilespmem:$0x1E080] =	vst v63  }
0x17c: {  	s28 =	simm.s32 $0xD  }
0x17d: {  	_ =	swait.ge [sflag:s28], $0x2800  }
0x17e: {  	[sflag:s28] =	ssyncset.done $0x0  }
0x17f: {  	[sflag:s28] =	ssyncadd.s32 $0xFFFFD800  }
0x180: {  	_ =	swait.ge [sflag:s18], $0x50  }
0x181: {  	[sflag:s18] =	ssyncset.done $0x0  }
0x182: {  	[sflag:s18] =	ssyncadd.s32 $0xFFFFFFB0  }
0x183: {  	_ =	swait.ge [sflag:s18], $0x50  }
0x184: {  	[sflag:s18] =	ssyncset.done $0x0  }
0x185: {  	s26 =	simm.s32 $0x14080;
	s9 =	sshrl.u32 s14, $0x3;
	[sflag:s18] =	ssyncadd.s32 $0xFFFFFFB0  }
0x186: {  	[tilespmem:s26], [sflag:$0x9] =	stream.indirect.gather [hbm4b:s3+s19], $0x80, s10, s19, $0xb8;
	[tilespmem:$0x1E080] =	vst v63  }
0x187: {  	s20 =	simm.s32 $0x13880;
	s11 =	sadd.s32 s17, s9;
	s0 =	rddreg [dreg:$0x12]  }
0x188: {  	[tilespmem:s20], [sflag:$0x1] =	stream.linear.gather [hbm4b:s11+s4], $0x50, $0x38;
	[tilespmem:$0x1E080] =	vst v63  }
0x189: {  	s7 =	simm.s32 $0x13C80;
	s16 =	sadd.s32 s0, s9  }
0x18a: {  	[tilespmem:s7], [sflag:$0x1] =	stream.linear.gather [hbm4b:s16+s4], $0x50, $0x38;
	[tilespmem:$0x1E080] =	vst v63  }
0x18b: {  	_ =	swait.ge [sflag:s25], $0x2800  }
0x18c: {  	s12 =	simm.s32 $0x13D00;
	[sflag:s25] =	ssyncset.done $0x0  }
0x18d: {  	s29 =	simm.s32 $0x16880;
	s22 =	simm.s32 $0xE;
	[sflag:s25] =	ssyncadd.s32 $0xFFFFD800  }
0x18e: {  	[spmem:s5] =	stream.indirect.scatter.add.f32 [tilespmem:s29], [sflag:$0xE], $0x80, s12, s19, $0xb8;
	[tilespmem:$0x1E080] =	vst v63  }
0x18f: {  	_ =	swait.ge [sflag:s22], $0x2800  }
0x190: {  	[sflag:s22] =	ssyncset.done $0x0  }
0x191: {  	s10 =	smov.u32 s17;
	s17 =	simm.s32 $0x6;
	[sflag:s22] =	ssyncadd.s32 $0xFFFFD800  }
0x192: {  	_ =	swait.ge [sflag:s17], $0x50  }
0x193: {  	[sflag:s17] =	ssyncset.done $0x0  }
0x194: {  	[sflag:s17] =	ssyncadd.s32 $0xFFFFFFB0  }
0x195: {  	_ =	swait.ge [sflag:s17], $0x50  }
0x196: {  	s15 =	smov.u32 s13;
	[sflag:s17] =	ssyncset.done $0x0  }
0x197: {  	s23 =	simm.s32 $0x13B00;
	s18 =	rddreg [dreg:$0x11];
	[sflag:s17] =	ssyncadd.s32 $0xFFFFFFB0  }
0x198: {  	[tilespmem:s29], [sflag:$0xA] =	stream.indirect.gather [hbm4b:s3+s19], $0x80, s23, s19, $0xb8;
	[tilespmem:$0x1E080] =	vst v63  }
0x199: {  	s7 =	simm.s32 $0x13900;
	s24 =	rddreg [dreg:$0x10];
	s16 =	sadd.s32 s15, s18  }
0x19a: {  	[tilespmem:s7], [sflag:$0x2] =	stream.linear.gather [hbm4b:s16+s4], $0x50, $0x38;
	[tilespmem:$0x1E080] =	vst v63  }
0x19b: {  	s30 =	sadd.s32 s15, s24  }
0x19c: {  	[tilespmem:s12], [sflag:$0x2] =	stream.linear.gather [hbm4b:s30+s4], $0x50, $0x38;
	[tilespmem:$0x1E080] =	vst v63  }
0x19d: {  	s12 =	simm.s32 $0xB  }
0x19e: {  	_ =	swait.ge [sflag:s12], $0x2800  }
0x19f: {  	s31 =	simm.s32 $0x13D80;
	[sflag:s12] =	ssyncset.done $0x0  }
0x1a0: {  	s2 =	simm.s32 $0xF;
	s30 =	simm.s32 $0x19080;
	[sflag:s12] =	ssyncadd.s32 $0xFFFFD800  }
0x1a1: {  	[spmem:s5] =	stream.indirect.scatter.add.f32 [tilespmem:s30], [sflag:$0xF], $0x80, s31, s19, $0xb8;
	[tilespmem:$0x1E080] =	vst v63  }
0x1a2: {  	_ =	swait.ge [sflag:s2], $0x2800  }
0x1a3: {  	[sflag:s2] =	ssyncset.done $0x0  }
0x1a4: {  	s1 =	simm.s32 $0x7;
	[sflag:s2] =	ssyncadd.s32 $0xFFFFD800  }
0x1a5: {  	_ =	swait.ge [sflag:s1], $0x50  }
0x1a6: {  	[sflag:s1] =	ssyncset.done $0x0  }
0x1a7: {  	[sflag:s1] =	ssyncadd.s32 $0xFFFFFFB0  }
0x1a8: {  	_ =	swait.ge [sflag:s1], $0x50  }
0x1a9: {  	[sflag:s1] =	ssyncset.done $0x0  }
0x1aa: {  	s9 =	simm.s32 $0x13B80;
	s6 =	rddreg [dreg:$0xf];
	[sflag:s1] =	ssyncadd.s32 $0xFFFFFFB0  }
0x1ab: {  	[tilespmem:s30], [sflag:$0xB] =	stream.indirect.gather [hbm4b:s3+s19], $0x80, s9, s19, $0xb8;
	[tilespmem:$0x1E080] =	vst v63  }
0x1ac: {  	s24 =	simm.s32 $0x13980;
	s11 =	rddreg [dreg:$0xe];
	s16 =	sadd.s32 s15, s6  }
0x1ad: {  	[tilespmem:s24], [sflag:$0x3] =	stream.linear.gather [hbm4b:s16+s4], $0x50, $0x38;
	[tilespmem:$0x1E080] =	vst v63  }
0x1ae: {  	s0 =	simm.s32 $0xC;
	s17 =	sadd.s32 s15, s11  }
0x1af: {  	[tilespmem:s31], [sflag:$0x3] =	stream.linear.gather [hbm4b:s17+s4], $0x50, $0x38;
	[tilespmem:$0x1E080] =	vst v63  }
0x1b0: {  	_ =	swait.ge [sflag:s0], $0x2800  }
0x1b1: {  	s25 =	simm.s32 $0x13E00;
	[sflag:s0] =	ssyncset.done $0x0  }
0x1b2: {  	s6 =	simm.s32 $0x1B880;
	s11 =	simm.s32 $0x10;
	[sflag:s0] =	ssyncadd.s32 $0xFFFFD800  }
0x1b3: {  	[spmem:s5] =	stream.indirect.scatter.add.f32 [tilespmem:s6], [sflag:$0x10], $0x80, s25, s19, $0xb8;
	[tilespmem:$0x1E080] =	vst v63  }
0x1b4: {  	_ =	swait.ge [sflag:s11], $0x2800  }
0x1b5: {  	[sflag:s11] =	ssyncset.done $0x0  }
0x1b6: {  	s1 =	simm.s32 $0x8;
	[sflag:s11] =	ssyncadd.s32 $0xFFFFD800  }
0x1b7: {  	_ =	swait.ge [sflag:s1], $0x50  }
0x1b8: {  	[sflag:s1] =	ssyncset.done $0x0  }
0x1b9: {  	[sflag:s1] =	ssyncadd.s32 $0xFFFFFFB0  }
0x1ba: {  	_ =	swait.ge [sflag:s1], $0x50  }
0x1bb: {  	[sflag:s1] =	ssyncset.done $0x0  }
0x1bc: {  	s18 =	rddreg [dreg:$0xd];
	[sflag:s1] =	ssyncadd.s32 $0xFFFFFFB0;
	s1 =	simm.s32 $0x13C00  }
0x1bd: {  	[tilespmem:s6], [sflag:$0xC] =	stream.indirect.gather [hbm4b:s3+s19], $0x80, s1, s19, $0xb8;
	[tilespmem:$0x1E080] =	vst v63  }
0x1be: {  	s31 =	rddreg [dreg:$0xc];
	s16 =	sadd.s32 s15, s18;
	s18 =	simm.s32 $0x13A00  }
0x1bf: {  	[tilespmem:s18], [sflag:$0x4] =	stream.linear.gather [hbm4b:s16+s4], $0x50, $0x38;
	[tilespmem:$0x1E080] =	vst v63  }
0x1c0: {  	s17 =	sadd.s32 s15, s31;
	s31 =	simm.s32 $0x9  }
0x1c1: {  	[tilespmem:s25], [sflag:$0x4] =	stream.linear.gather [hbm4b:s17+s4], $0x50, $0x38;
	[tilespmem:$0x1E080] =	vst v63  }
0x1c2: {  	_ =	swait.ge [sflag:s31], $0x2800  }
0x1c3: {  	[sflag:s31] =	ssyncset.done $0x0  }
0x1c4: {  	s21 =	simm.s32 $0x13E80;
	s8 =	simm.s32 $0x14080;
	[sflag:s31] =	ssyncadd.s32 $0xFFFFD800  }
0x1c5: {  	[spmem:s5] =	stream.indirect.scatter.add.f32 [tilespmem:s8], [sflag:$0xD], $0x80, s21, s19, $0xb8;
	[tilespmem:$0x1E080] =	vst v63  }
0x1c6: {  	_ =	swait.ge [sflag:s28], $0x2800  }
0x1c7: {  	[sflag:s28] =	ssyncset.done $0x0  }
0x1c8: {  	s17 =	simm.s32 $0x1;
	[sflag:s28] =	ssyncadd.s32 $0xFFFFD800  }
0x1c9: {  	_ =	swait.ge [sflag:s17], $0x50  }
0x1ca: {  	[sflag:s17] =	ssyncset.done $0x0  }
0x1cb: {  	[sflag:s17] =	ssyncadd.s32 $0xFFFFFFB0  }
0x1cc: {  	_ =	swait.ge [sflag:s17], $0x50  }
0x1cd: {  	[sflag:s17] =	ssyncset.done $0x0  }
0x1ce: {  	s16 =	rddreg [dreg:$0xb];
	[sflag:s17] =	ssyncadd.s32 $0xFFFFFFB0  }
0x1cf: {  	[tilespmem:s8], [sflag:$0x9] =	stream.indirect.gather [hbm4b:s3+s19], $0x80, s20, s19, $0xb8;
	[tilespmem:$0x1E080] =	vst v63  }
0x1d0: {  	s26 =	simm.s32 $0x13A80;
	s17 =	rddreg [dreg:$0xa];
	s16 =	sadd.s32 s15, s16  }
0x1d1: {  	[tilespmem:s26], [sflag:$0x5] =	stream.linear.gather [hbm4b:s16+s4], $0x50, $0x38;
	[tilespmem:$0x1E080] =	vst v63  }
0x1d2: {  	s25 =	simm.s32 $0xA;
	s20 =	sadd.s32 s15, s17;
	s26 =	simm.s32 $0x13E80  }
0x1d3: {  	[tilespmem:s26], [sflag:$0x5] =	stream.linear.gather [hbm4b:s20+s4], $0x50, $0x38;
	[tilespmem:$0x1E080] =	vst v63  }
0x1d4: {  	_ =	swait.ge [sflag:s25], $0x2800  }
0x1d5: {  	[sflag:s25] =	ssyncset.done $0x0  }
0x1d6: {  	s23 =	simm.s32 $0x13F00;
	[sflag:s25] =	ssyncadd.s32 $0xFFFFD800  }
0x1d7: {  	[spmem:s5] =	stream.indirect.scatter.add.f32 [tilespmem:s29], [sflag:$0xE], $0x80, s23, s19, $0xb8;
	[tilespmem:$0x1E080] =	vst v63  }
0x1d8: {  	_ =	swait.ge [sflag:s22], $0x2800  }
0x1d9: {  	[sflag:s22] =	ssyncset.done $0x0  }
0x1da: {  	s16 =	simm.s32 $0x2;
	[sflag:s22] =	ssyncadd.s32 $0xFFFFD800  }
0x1db: {  	_ =	swait.ge [sflag:s16], $0x50  }
0x1dc: {  	[sflag:s16] =	ssyncset.done $0x0  }
0x1dd: {  	[sflag:s16] =	ssyncadd.s32 $0xFFFFFFB0  }
0x1de: {  	_ =	swait.ge [sflag:s16], $0x50  }
0x1df: {  	[sflag:s16] =	ssyncset.done $0x0  }
0x1e0: {  	s20 =	rddreg [dreg:$0x9];
	[sflag:s16] =	ssyncadd.s32 $0xFFFFFFB0  }
0x1e1: {  	[tilespmem:s29], [sflag:$0xA] =	stream.indirect.gather [hbm4b:s3+s19], $0x80, s7, s19, $0xb8;
	[tilespmem:$0x1E080] =	vst v63  }
0x1e2: {  	s21 =	simm.s32 $0x13B00;
	s22 =	rddreg [dreg:$0x8];
	s16 =	sadd.s32 s15, s20  }
0x1e3: {  	[tilespmem:s21], [sflag:$0x6] =	stream.linear.gather [hbm4b:s16+s4], $0x50, $0x38;
	[tilespmem:$0x1E080] =	vst v63  }
0x1e4: {  	s7 =	sadd.s32 s15, s22  }
0x1e5: {  	[tilespmem:s23], [sflag:$0x6] =	stream.linear.gather [hbm4b:s7+s4], $0x50, $0x38;
	[tilespmem:$0x1E080] =	vst v63  }
0x1e6: {  	_ =	swait.ge [sflag:s12], $0x2800  }
0x1e7: {  	[sflag:s12] =	ssyncset.done $0x0  }
0x1e8: {  	[sflag:s12] =	ssyncadd.s32 $0xFFFFD800;
	s12 =	simm.s32 $0x13F80  }
0x1e9: {  	[spmem:s5] =	stream.indirect.scatter.add.f32 [tilespmem:s30], [sflag:$0xF], $0x80, s12, s19, $0xb8;
	[tilespmem:$0x1E080] =	vst v63  }
0x1ea: {  	_ =	swait.ge [sflag:s2], $0x2800  }
0x1eb: {  	[sflag:s2] =	ssyncset.done $0x0  }
0x1ec: {  	s22 =	simm.s32 $0x3;
	[sflag:s2] =	ssyncadd.s32 $0xFFFFD800  }
0x1ed: {  	_ =	swait.ge [sflag:s22], $0x50  }
0x1ee: {  	[sflag:s22] =	ssyncset.done $0x0  }
0x1ef: {  	[sflag:s22] =	ssyncadd.s32 $0xFFFFFFB0  }
0x1f0: {  	_ =	swait.ge [sflag:s22], $0x50  }
0x1f1: {  	[sflag:s22] =	ssyncset.done $0x0  }
0x1f2: {  	s29 =	rddreg [dreg:$0x7];
	[sflag:s22] =	ssyncadd.s32 $0xFFFFFFB0  }
0x1f3: {  	[tilespmem:s30], [sflag:$0xB] =	stream.indirect.gather [hbm4b:s3+s19], $0x80, s24, s19, $0xb8;
	[tilespmem:$0x1E080] =	vst v63  }
0x1f4: {  	s2 =	rddreg [dreg:$0x6];
	s16 =	sadd.s32 s15, s29  }
0x1f5: {  	[tilespmem:s9], [sflag:$0x7] =	stream.linear.gather [hbm4b:s16+s4], $0x50, $0x38;
	[tilespmem:$0x1E080] =	vst v63  }
0x1f6: {  	s9 =	sadd.s32 s15, s2  }
0x1f7: {  	[tilespmem:s12], [sflag:$0x7] =	stream.linear.gather [hbm4b:s9+s4], $0x50, $0x38;
	[tilespmem:$0x1E080] =	vst v63  }
0x1f8: {  	_ =	swait.ge [sflag:s0], $0x2800  }
0x1f9: {  	[sflag:s0] =	ssyncset.done $0x0  }
0x1fa: {  	s12 =	simm.s32 $0x14000;
	[sflag:s0] =	ssyncadd.s32 $0xFFFFD800  }
0x1fb: {  	[spmem:s5] =	stream.indirect.scatter.add.f32 [tilespmem:s6], [sflag:$0x10], $0x80, s12, s19, $0xb8;
	[tilespmem:$0x1E080] =	vst v63  }
0x1fc: {  	_ =	swait.ge [sflag:s11], $0x2800  }
0x1fd: {  	[sflag:s11] =	ssyncset.done $0x0  }
0x1fe: {  	s22 =	simm.s32 $0x4;
	[sflag:s11] =	ssyncadd.s32 $0xFFFFD800  }
0x1ff: {  	_ =	swait.ge [sflag:s22], $0x50  }
0x200: {  	[sflag:s22] =	ssyncset.done $0x0  }
0x201: {  	[sflag:s22] =	ssyncadd.s32 $0xFFFFFFB0  }
0x202: {  	_ =	swait.ge [sflag:s22], $0x50  }
0x203: {  	p0 =	sne.s32 s13, $0x410;
	s13 =	sadd.s32 $0x50, s13;
	[sflag:s22] =	ssyncset.done $0x0  }
0x204: {  	s14 =	sadd.s32 $0x280, s14;
	s29 =	rddreg [dreg:$0x5];
	[sflag:s22] =	ssyncadd.s32 $0xFFFFFFB0  }
0x205: {  	[tilespmem:s6], [sflag:$0xC] =	stream.indirect.gather [hbm4b:s3+s19], $0x80, s18, s19, $0xb8;
	[tilespmem:$0x1E080] =	vst v63  }
0x206: {  	s28 =	simm.s32 $0x14000;
	s30 =	rddreg [dreg:$0x4];
	s16 =	sadd.s32 s15, s29  }
0x207: {  	[tilespmem:s1], [sflag:$0x8] =	stream.linear.gather [hbm4b:s16+s4], $0x50, $0x38;
	[tilespmem:$0x1E080] =	vst v63  }
.Ltmp1:
0x208: {  	s17 =	smov.u32 s10;
	s15 =	sadd.s32 s15, s30;
	(pc) =	sbr.rel @p0 .LBB2_4-.Ltmp1, $4  }
0x209: {  	[tilespmem:s12], [sflag:$0x8] =	stream.linear.gather [hbm4b:s15+s4], $0x50, $0x38;
	[tilespmem:$0x1E080] =	vst v63  }
0x20a: {  	s10 =	simm.s32 $0x13A80;
	s20 =	simm.s32 $0x13B80;
	_ =	swait.ge [sflag:s31], $0x2800  }
0x20b: {  	s7 =	simm.s32 $0x13C00;
	s24 =	simm.s32 $0x13F80;
	[sflag:s31] =	ssyncset.done $0x0  }
0x20c: {  	s18 =	simm.s32 $0x5;
	s16 =	simm.s32 $0x13C80;
	[sflag:s31] =	ssyncadd.s32 $0xFFFFD800  }
0x20d: {  	[spmem:s5] =	stream.indirect.scatter.add.f32 [tilespmem:s8], [sflag:$0xD], $0x80, s16, s19, $0xb8;
	[tilespmem:$0x1E080] =	vst v63  }
0x20e: {  	s6 =	simm.s32 $0xD  }
0x20f: {  	_ =	swait.ge [sflag:s6], $0x2800  }
0x210: {  	[sflag:s6] =	ssyncset.done $0x0  }
0x211: {  	[sflag:s6] =	ssyncadd.s32 $0xFFFFD800  }
0x212: {  	_ =	swait.ge [sflag:s18], $0x50  }
0x213: {  	[sflag:s18] =	ssyncset.done $0x0  }
0x214: {  	[sflag:s18] =	ssyncadd.s32 $0xFFFFFFB0  }
0x215: {  	_ =	swait.ge [sflag:s18], $0x50  }
0x216: {  	[sflag:s18] =	ssyncset.done $0x0  }
0x217: {  	s15 =	sld [smem:$0x7DF];
	[sflag:s18] =	ssyncadd.s32 $0xFFFFFFB0  }
0x218: {  	[tilespmem:s8], [sflag:$0x9] =	stream.indirect.gather [hbm4b:s3+s19], $0x80, s10, s19, $0xb8;
	[tilespmem:$0x1E080] =	vst v63  }
0x219: {  	s14 =	simm.s32 $0x13880;
	s18 =	sld [smem:$0x7E0]  }
0x21a: {  	[tilespmem:s14], [sflag:$0x1] =	stream.linear.gather [hbm4b:s15+s4], $0x50, $0x38;
	[tilespmem:$0x1E080] =	vst v63  }
0x21b: {  	_ = 	snop  }
0x21c: {  	[tilespmem:s16], [sflag:$0x1] =	stream.linear.gather [hbm4b:s18+s4], $0x50, $0x38;
	[tilespmem:$0x1E080] =	vst v63  }
0x21d: {  	_ =	swait.ge [sflag:s25], $0x2800  }
0x21e: {  	s29 =	simm.s32 $0x16880;
	[sflag:s25] =	ssyncset.done $0x0  }
0x21f: {  	s22 =	simm.s32 $0xE;
	[sflag:s25] =	ssyncadd.s32 $0xFFFFD800;
	s25 =	simm.s32 $0x13D00  }
0x220: {  	[spmem:s5] =	stream.indirect.scatter.add.f32 [tilespmem:s29], [sflag:$0xE], $0x80, s25, s19, $0xb8;
	[tilespmem:$0x1E080] =	vst v63  }
0x221: {  	_ =	swait.ge [sflag:s22], $0x2800  }
0x222: {  	[sflag:s22] =	ssyncset.done $0x0  }
0x223: {  	s0 =	simm.s32 $0x6;
	[sflag:s22] =	ssyncadd.s32 $0xFFFFD800  }
0x224: {  	_ =	swait.ge [sflag:s0], $0x50  }
0x225: {  	[sflag:s0] =	ssyncset.done $0x0  }
0x226: {  	[sflag:s0] =	ssyncadd.s32 $0xFFFFFFB0  }
0x227: {  	_ =	swait.ge [sflag:s0], $0x50  }
0x228: {  	[sflag:s0] =	ssyncset.done $0x0  }
0x229: {  	[sflag:s0] =	ssyncadd.s32 $0xFFFFFFB0  }
0x22a: {  	[tilespmem:s29], [sflag:$0xA] =	stream.indirect.gather [hbm4b:s3+s19], $0x80, s21, s19, $0xb8;
	[tilespmem:$0x1E080] =	vst v63  }
0x22b: {  	s21 =	sld [smem:$0x7E1];
	_ =	sdelay $0x1  }
0x22c: {  	s8 =	simm.s32 $0x13900;
	s30 =	sld [smem:$0x7E2]  }
0x22d: {  	[tilespmem:s8], [sflag:$0x2] =	stream.linear.gather [hbm4b:s21+s4], $0x50, $0x38;
	[tilespmem:$0x1E080] =	vst v63  }
0x22e: {  	s12 =	simm.s32 $0xB  }
0x22f: {  	[tilespmem:s25], [sflag:$0x2] =	stream.linear.gather [hbm4b:s30+s4], $0x50, $0x38;
	[tilespmem:$0x1E080] =	vst v63  }
0x230: {  	_ =	swait.ge [sflag:s12], $0x2800  }
0x231: {  	s2 =	simm.s32 $0xF;
	[sflag:s12] =	ssyncset.done $0x0  }
0x232: {  	s21 =	simm.s32 $0x13D80;
	s30 =	simm.s32 $0x19080;
	[sflag:s12] =	ssyncadd.s32 $0xFFFFD800  }
0x233: {  	[spmem:s5] =	stream.indirect.scatter.add.f32 [tilespmem:s30], [sflag:$0xF], $0x80, s21, s19, $0xb8;
	[tilespmem:$0x1E080] =	vst v63  }
0x234: {  	_ =	swait.ge [sflag:s2], $0x2800  }
0x235: {  	[sflag:s2] =	ssyncset.done $0x0  }
0x236: {  	s31 =	simm.s32 $0x7;
	[sflag:s2] =	ssyncadd.s32 $0xFFFFD800  }
0x237: {  	_ =	swait.ge [sflag:s31], $0x50  }
0x238: {  	[sflag:s31] =	ssyncset.done $0x0  }
0x239: {  	[sflag:s31] =	ssyncadd.s32 $0xFFFFFFB0  }
0x23a: {  	_ =	swait.ge [sflag:s31], $0x50  }
0x23b: {  	[sflag:s31] =	ssyncset.done $0x0  }
0x23c: {  	s0 =	sld [smem:$0x7E3];
	[sflag:s31] =	ssyncadd.s32 $0xFFFFFFB0  }
0x23d: {  	[tilespmem:s30], [sflag:$0xB] =	stream.indirect.gather [hbm4b:s3+s19], $0x80, s20, s19, $0xb8;
	[tilespmem:$0x1E080] =	vst v63  }
0x23e: {  	s9 =	simm.s32 $0x13980;
	s1 =	sld [smem:$0x7E4]  }
0x23f: {  	[tilespmem:s9], [sflag:$0x3] =	stream.linear.gather [hbm4b:s0+s4], $0x50, $0x38;
	[tilespmem:$0x1E080] =	vst v63  }
0x240: {  	s31 =	simm.s32 $0xC  }
0x241: {  	[tilespmem:s21], [sflag:$0x3] =	stream.linear.gather [hbm4b:s1+s4], $0x50, $0x38;
	[tilespmem:$0x1E080] =	vst v63  }
0x242: {  	_ =	swait.ge [sflag:s31], $0x2800  }
0x243: {  	s11 =	simm.s32 $0x10;
	[sflag:s31] =	ssyncset.done $0x0  }
0x244: {  	s20 =	simm.s32 $0x13E00;
	s0 =	simm.s32 $0x1B880;
	[sflag:s31] =	ssyncadd.s32 $0xFFFFD800  }
0x245: {  	[spmem:s5] =	stream.indirect.scatter.add.f32 [tilespmem:s0], [sflag:$0x10], $0x80, s20, s19, $0xb8;
	[tilespmem:$0x1E080] =	vst v63  }
0x246: {  	_ =	swait.ge [sflag:s11], $0x2800  }
0x247: {  	[sflag:s11] =	ssyncset.done $0x0  }
0x248: {  	s1 =	simm.s32 $0x8;
	[sflag:s11] =	ssyncadd.s32 $0xFFFFD800  }
0x249: {  	_ =	swait.ge [sflag:s1], $0x50  }
0x24a: {  	[sflag:s1] =	ssyncset.done $0x0  }
0x24b: {  	[sflag:s1] =	ssyncadd.s32 $0xFFFFFFB0  }
0x24c: {  	_ =	swait.ge [sflag:s1], $0x50  }
0x24d: {  	[sflag:s1] =	ssyncset.done $0x0  }
0x24e: {  	[sflag:s1] =	ssyncadd.s32 $0xFFFFFFB0  }
0x24f: {  	[tilespmem:s0], [sflag:$0xC] =	stream.indirect.gather [hbm4b:s3+s19], $0x80, s7, s19, $0xb8;
	[tilespmem:$0x1E080] =	vst v63  }
0x250: {  	s7 =	sld [smem:$0x7E7];
	_ =	sdelay $0x1  }
0x251: {  	s18 =	simm.s32 $0x13A00;
	s1 =	sld [smem:$0x7E8]  }
0x252: {  	[tilespmem:s18], [sflag:$0x4] =	stream.linear.gather [hbm4b:s7+s4], $0x50, $0x38;
	[tilespmem:$0x1E080] =	vst v63  }
0x253: {  	_ = 	snop  }
0x254: {  	[tilespmem:s20], [sflag:$0x4] =	stream.linear.gather [hbm4b:s1+s4], $0x50, $0x38;
	[tilespmem:$0x1E080] =	vst v63  }
0x255: {  	s1 =	simm.s32 $0x9  }
0x256: {  	_ =	swait.ge [sflag:s1], $0x2800  }
0x257: {  	[sflag:s1] =	ssyncset.done $0x0  }
0x258: {  	s13 =	simm.s32 $0x14080;
	[sflag:s1] =	ssyncadd.s32 $0xFFFFD800  }
0x259: {  	[spmem:s5] =	stream.indirect.scatter.add.f32 [tilespmem:s13], [sflag:$0xD], $0x80, s26, s19, $0xb8;
	[tilespmem:$0x1E080] =	vst v63  }
0x25a: {  	_ =	swait.ge [sflag:s6], $0x2800  }
0x25b: {  	[sflag:s6] =	ssyncset.done $0x0  }
0x25c: {  	s7 =	simm.s32 $0x1;
	[sflag:s6] =	ssyncadd.s32 $0xFFFFD800  }
0x25d: {  	_ =	swait.ge [sflag:s7], $0x50  }
0x25e: {  	[sflag:s7] =	ssyncset.done $0x0  }
0x25f: {  	[sflag:s7] =	ssyncadd.s32 $0xFFFFFFB0  }
0x260: {  	_ =	swait.ge [sflag:s7], $0x50  }
0x261: {  	[sflag:s7] =	ssyncset.done $0x0  }
0x262: {  	[sflag:s7] =	ssyncadd.s32 $0xFFFFFFB0;
	s7 =	sld [smem:$0x7E9]  }
0x263: {  	[tilespmem:s13], [sflag:$0x9] =	stream.indirect.gather [hbm4b:s3+s19], $0x80, s14, s19, $0xb8;
	[tilespmem:$0x1E080] =	vst v63  }
0x264: {  	s14 =	simm.s32 $0x13A80  }
0x265: {  	[tilespmem:s14], [sflag:$0x5] =	stream.linear.gather [hbm4b:s7+s4], $0x50, $0x38;
	[tilespmem:$0x1E080] =	vst v63  }
0x266: {  	s7 =	sld [smem:$0x7EA];
	_ =	sdelay $0x1  }
0x267: {  	s15 =	simm.s32 $0xA  }
0x268: {  	[tilespmem:s26], [sflag:$0x5] =	stream.linear.gather [hbm4b:s7+s4], $0x50, $0x38;
	[tilespmem:$0x1E080] =	vst v63  }
0x269: {  	_ =	swait.ge [sflag:s15], $0x2800  }
0x26a: {  	[sflag:s15] =	ssyncset.done $0x0  }
0x26b: {  	[sflag:s15] =	ssyncadd.s32 $0xFFFFD800  }
0x26c: {  	[spmem:s5] =	stream.indirect.scatter.add.f32 [tilespmem:s29], [sflag:$0xE], $0x80, s23, s19, $0xb8;
	[tilespmem:$0x1E080] =	vst v63  }
0x26d: {  	_ =	swait.ge [sflag:s22], $0x2800  }
0x26e: {  	[sflag:s22] =	ssyncset.done $0x0  }
0x26f: {  	s7 =	simm.s32 $0x2;
	[sflag:s22] =	ssyncadd.s32 $0xFFFFD800  }
0x270: {  	_ =	swait.ge [sflag:s7], $0x50  }
0x271: {  	[sflag:s7] =	ssyncset.done $0x0  }
0x272: {  	[sflag:s7] =	ssyncadd.s32 $0xFFFFFFB0  }
0x273: {  	_ =	swait.ge [sflag:s7], $0x50  }
0x274: {  	[sflag:s7] =	ssyncset.done $0x0  }
0x275: {  	[sflag:s7] =	ssyncadd.s32 $0xFFFFFFB0  }
0x276: {  	[tilespmem:s29], [sflag:$0xA] =	stream.indirect.gather [hbm4b:s3+s19], $0x80, s8, s19, $0xb8;
	[tilespmem:$0x1E080] =	vst v63  }
0x277: {  	_ =	swait.ge [sflag:s12], $0x2800  }
0x278: {  	[sflag:s12] =	ssyncset.done $0x0  }
0x279: {  	[sflag:s12] =	ssyncadd.s32 $0xFFFFD800  }
0x27a: {  	[spmem:s5] =	stream.indirect.scatter.add.f32 [tilespmem:s30], [sflag:$0xF], $0x80, s24, s19, $0xb8;
	[tilespmem:$0x1E080] =	vst v63  }
0x27b: {  	_ =	swait.ge [sflag:s2], $0x2800  }
0x27c: {  	[sflag:s2] =	ssyncset.done $0x0  }
0x27d: {  	s10 =	simm.s32 $0x3;
	[sflag:s2] =	ssyncadd.s32 $0xFFFFD800  }
0x27e: {  	_ =	swait.ge [sflag:s10], $0x50  }
0x27f: {  	[sflag:s10] =	ssyncset.done $0x0  }
0x280: {  	[sflag:s10] =	ssyncadd.s32 $0xFFFFFFB0  }
0x281: {  	_ =	swait.ge [sflag:s10], $0x50  }
0x282: {  	[sflag:s10] =	ssyncset.done $0x0  }
0x283: {  	[sflag:s10] =	ssyncadd.s32 $0xFFFFFFB0  }
0x284: {  	[tilespmem:s30], [sflag:$0xB] =	stream.indirect.gather [hbm4b:s3+s19], $0x80, s9, s19, $0xb8;
	[tilespmem:$0x1E080] =	vst v63  }
0x285: {  	_ =	swait.ge [sflag:s31], $0x2800  }
0x286: {  	[sflag:s31] =	ssyncset.done $0x0  }
0x287: {  	[sflag:s31] =	ssyncadd.s32 $0xFFFFD800  }
0x288: {  	[spmem:s5] =	stream.indirect.scatter.add.f32 [tilespmem:s0], [sflag:$0x10], $0x80, s28, s19, $0xb8;
	[tilespmem:$0x1E080] =	vst v63  }
0x289: {  	_ =	swait.ge [sflag:s11], $0x2800  }
0x28a: {  	[sflag:s11] =	ssyncset.done $0x0  }
0x28b: {  	s24 =	simm.s32 $0x4;
	[sflag:s11] =	ssyncadd.s32 $0xFFFFD800  }
0x28c: {  	_ =	swait.ge [sflag:s24], $0x50  }
0x28d: {  	[sflag:s24] =	ssyncset.done $0x0  }
0x28e: {  	[sflag:s24] =	ssyncadd.s32 $0xFFFFFFB0  }
0x28f: {  	_ =	swait.ge [sflag:s24], $0x50  }
0x290: {  	[sflag:s24] =	ssyncset.done $0x0  }
0x291: {  	[sflag:s24] =	ssyncadd.s32 $0xFFFFFFB0  }
0x292: {  	[tilespmem:s0], [sflag:$0xC] =	stream.indirect.gather [hbm4b:s3+s19], $0x80, s18, s19, $0xb8;
	[tilespmem:$0x1E080] =	vst v63  }
0x293: {  	_ =	swait.ge [sflag:s1], $0x2800  }
0x294: {  	[sflag:s1] =	ssyncset.done $0x0  }
0x295: {  	[sflag:s1] =	ssyncadd.s32 $0xFFFFD800  }
0x296: {  	[spmem:s5] =	stream.indirect.scatter.add.f32 [tilespmem:s13], [sflag:$0xD], $0x80, s16, s19, $0xb8;
	[tilespmem:$0x1E080] =	vst v63  }
0x297: {  	_ =	swait.ge [sflag:s6], $0x2800  }
0x298: {  	[sflag:s6] =	ssyncset.done $0x0  }
0x299: {  	s18 =	simm.s32 $0x5;
	[sflag:s6] =	ssyncadd.s32 $0xFFFFD800  }
0x29a: {  	_ =	swait.ge [sflag:s18], $0x50  }
0x29b: {  	[sflag:s18] =	ssyncset.done $0x0  }
0x29c: {  	[sflag:s18] =	ssyncadd.s32 $0xFFFFFFB0  }
0x29d: {  	_ =	swait.ge [sflag:s18], $0x50  }
0x29e: {  	[sflag:s18] =	ssyncset.done $0x0  }
0x29f: {  	[sflag:s18] =	ssyncadd.s32 $0xFFFFFFB0  }
0x2a0: {  	[tilespmem:s13], [sflag:$0x9] =	stream.indirect.gather [hbm4b:s3+s19], $0x80, s14, s19, $0xb8;
	[tilespmem:$0x1E080] =	vst v63  }
0x2a1: {  	_ =	swait.ge [sflag:s15], $0x2800  }
0x2a2: {  	[sflag:s15] =	ssyncset.done $0x0  }
0x2a3: {  	[sflag:s15] =	ssyncadd.s32 $0xFFFFD800  }
0x2a4: {  	[spmem:s5] =	stream.indirect.scatter.add.f32 [tilespmem:s29], [sflag:$0xE], $0x80, s25, s19, $0xb8;
	[tilespmem:$0x1E080] =	vst v63  }
0x2a5: {  	_ =	swait.ge [sflag:s12], $0x2800  }
0x2a6: {  	[sflag:s12] =	ssyncset.done $0x0  }
0x2a7: {  	[sflag:s12] =	ssyncadd.s32 $0xFFFFD800  }
0x2a8: {  	[spmem:s5] =	stream.indirect.scatter.add.f32 [tilespmem:s30], [sflag:$0xF], $0x80, s21, s19, $0xb8;
	[tilespmem:$0x1E080] =	vst v63  }
0x2a9: {  	_ =	swait.ge [sflag:s31], $0x2800  }
0x2aa: {  	[sflag:s31] =	ssyncset.done $0x0  }
0x2ab: {  	[sflag:s31] =	ssyncadd.s32 $0xFFFFD800  }
0x2ac: {  	[spmem:s5] =	stream.indirect.scatter.add.f32 [tilespmem:s0], [sflag:$0x10], $0x80, s20, s19, $0xb8;
	[tilespmem:$0x1E080] =	vst v63  }
0x2ad: {  	_ =	swait.ge [sflag:s1], $0x2800  }
0x2ae: {  	[sflag:s1] =	ssyncset.done $0x0  }
0x2af: {  	s8 =	simm.s32 $0x14080;
	[sflag:s1] =	ssyncadd.s32 $0xFFFFD800  }
0x2b0: {  	[spmem:s5] =	stream.indirect.scatter.add.f32 [tilespmem:s8], [sflag:$0xD], $0x80, s26, s19, $0xb8;
	[tilespmem:$0x1E080] =	vst v63  }
0x2b1: {  	_ =	swait.ge [sflag:s6], $0x2800  }
0x2b2: {  	[sflag:s6] =	ssyncset.done $0x0  }
0x2b3: {  	[sflag:s6] =	ssyncadd.s32 $0xFFFFD800  }
0x2b4: {  	_ =	swait.ge [sflag:s22], $0x2800  }
0x2b5: {  	[sflag:s22] =	ssyncset.done $0x0  }
0x2b6: {  	[sflag:s22] =	ssyncadd.s32 $0xFFFFD800  }
0x2b7: {  	_ =	swait.ge [sflag:s2], $0x2800  }
0x2b8: {  	[sflag:s2] =	ssyncset.done $0x0  }
0x2b9: {  	[sflag:s2] =	ssyncadd.s32 $0xFFFFD800  }
0x2ba: {  	_ =	swait.ge [sflag:s11], $0x2800  }
0x2bb: {  	[sflag:s11] =	ssyncset.done $0x0  }
0x2bc: {  	[sflag:s11] =	ssyncadd.s32 $0xFFFFD800  }
0x2bd: {  	[bflag:$0x0] =	sbarrier.arrive $0xFFFF  }
0x2be: {  	s16 =	sld [smem:$0x7FD]  }
0x2bf: {  	s25 =	stileid.u32;
	s28 =	sld [smem:$0x7EB]  }
0x2c0: {  	s13 =	sshll.u32 s25, $0x6  }
0x2c1: {  	s29 =	simm.s32 $0x11;
	s13 =	sor.u32 $0x1C11, s13;
	s26 =	sshrl.u32 s16, $0x3  }
0x2c2: {  	[hbm:s28], [sflag:s13] =	dma.local [spmem:s26], $0x2800  }
0x2c3: {  	_ =	swait.ge [sflag:s29], $0x2800  }
0x2c4: {  	s30 =	sld [smem:$0x7DD]  }
0x2c5: {  	s31 =	sld [smem:$0x7EC];
	_ =	sdelay $0x1  }
0x2c6: {  	s14 =	sadd.s32 $0x1, s30  }
0x2c7: {  	p0 =	sne.s32 s14, s31  }
.Ltmp2:
0x2c8: {  	_ = 	snop;
	(pc) =	sbr.rel @p0 .LBB2_1-.Ltmp2, $3  }
0x2c9: {  	_ =	sdelay $0x1  }
0x2ca: {  	[sflag:s29] =	ssyncset.done $0x0  }
0x2cb: {  	s1 =	smov.u32 s5;
	s12 =	rddreg [dreg:$0x12];
	[sflag:s29] =	ssyncadd.s32 $0xFFFFD800  }
0x2cc: {  	_ =	sfence.sel $0x180000  }
0x2cd: {  	[bflag:$0x0] =	sbarrier.arrive $0xFFFF  }
0x2ce: {  	_ =	strace $0x9000004D  }
0x2cf: {  	s0 =	stileid.u32;
	[bflag:$0x2] =	sbarrier.arrive $0xFFFF  }
0x2d0: {  	p0 =	sne.s32 s0, $0x0;
	s0 =	rddreg [dreg:$0x3]  }
0x2d1: {  	s0 =	sadd.s32 @!p0 $0x100000, s0  }
0x2d2: {  	[sflag:s0] =	ssyncadd.tile.s32 @!p0 $0x1;
	_ =	shalt  }
.Lfunc_end2:
_tile_overlayer_lowered:
.L_overlay_start_2:
0x2d3: {  	(tag) =	ssettag $0x2  }
0x2d4: {  	s0 =	rddreg [dreg:$0x0];
	s2 =	stileid.u32  }
0x2d5: {  	s1 =	rddreg [dreg:$0x1];
	p0 =	sne.s32 s2, $0x0  }
0x2d6: {  	s3 =	rddreg [dreg:$0x2];
	[bflag:$0x3] =	sbarrier.arrive $0xFFFF;
	s2 =	simm.s32 @!p0 $0x1C11  }
0x2d7: {  	[timem:s3], [sflag:s2] =	dma.local @!p0 [hbm:s0], s1  }
0x2d8: {  	s0 =	simm.s32 @!p0 $0x11  }
0x2d9: {  	_ =	swait.ge @!p0 [sflag:s0], s1  }
0x2da: {  	s1 =	ssub.s32 @!p0 $0x0, s1;
	[sflag:s0] =	ssyncset.done @!p0 $0x0  }
0x2db: {  	[sflag:s0] =	ssyncadd.s32 @!p0 s1  }
0x2dc: {  	[bflag:$0x3] =	sbarrier.arrive $0xFFFF  }
0x2dd: {  	_ =	shalt  }

// kernel: kernel.8.cloned.1.call-start
scs
__scs_entry_jumppad:
0x0: {  	(pc) =	sbr.rel $0x88, $3  }
0x1: {  	(tag) =	ssettag $0x0;
	lr =	simm.s32 $0x1  }
0x2: {  	[smem:$0x3F9B] =	sst lr;
	_ =	strace $0xD0000000  }
0x3: {  	_ = 	snop  }
0x4: {  	_ = 	snop  }
0x5: {  	_ = 	snop  }
0x6: {  	_ = 	snop  }
0x7: {  	_ = 	snop  }
__scs_overlays_trampoline_lowered:
0x8: {  	[smem:$0x3FAA] =	sst s0  }
0x9: {  	[smem:$0x3FAB] =	sst s1  }
0xa: {  	[smem:$0x3FAC] =	sst s2  }
0xb: {  	[smem:$0x3FAD] =	sst s3  }
0xc: {  	[smem:$0x3FAE] =	sst s4  }
0xd: {  	[smem:$0x3FAF] =	sst s5  }
0xe: {  	[smem:$0x3FB0] =	sst s6  }
0xf: {  	[smem:$0x3FB1] =	sst s7  }
0x10: {  	[smem:$0x3FB2] =	sst s8  }
0x11: {  	[smem:$0x3FB3] =	sst s9;
	s0 =	simm.s32 @!p0 $0x0  }
0x12: {  	s1 =	sld [smem:$0x3F99];
	s0 =	simm.s32 @p0 $0x1  }
0x13: {  	[smem:$0x3FB4] =	sst s0;
	s0 =	simm.s32 @!p1 $0x0  }
0x14: {  	s2 =	sld [smem:$0x3F98];
	s0 =	simm.s32 @p1 $0x1  }
0x15: {  	[smem:$0x3FB5] =	sst s0;
	s0 =	simm.s32 @!p2 $0x0  }
0x16: {  	s3 =	sld [smem:$0x3FDB];
	s0 =	simm.s32 @p2 $0x1  }
0x17: {  	s4 =	simm.s32 $0x1BF5;
	[smem:$0x3FB7] =	sst s0  }
0x18: {  	s0 =	sld [smem:$0x3F9A];
	_ =	swait.ge [sflag:s4], $0x0  }
0x19: {  	s7 =	sld [smem:$0x3F9B]  }
0x1a: {  	s8 =	sadd.s32 $0xFFFFE003, lr  }
0x1b: {  	s9 =	sadd.s32 $0xFFFFFEF7, lr;
	s5 =	simm.s32 $0xFFFFFFFF;
	p2 =	slt.u32 s8, $0xFFFFF086  }
0x1c: {  	p1 =	slt.u32 s9, $0xF7A;
	s5 =	simm.s32 @!p2 $0x0  }
0x1d: {  	s5 =	simm.s32 @p1 $0x1;
	p0 =	seq.s32 s7, s2  }
0x1e: {  	s7 =	smul.u32 @!p0 $0xF7A, s2;
	p2 =	seq.s32 @!p0 s5, $0x0  }
0x1f: {  	s9 =	smul.u32 $0xF7A, s1;
	s8 =	simm.s32 @!p0 $0x1BF5;
	p2 =	por !p2, p0  }
0x20: {  	[sflag:s8] =	ssyncset.s32 @!p0 $0xFFFFF086;
	s6 =	sadd.s32 @!p0 s3, s7;
	s7 =	simm.s32 @!p0 $0x108  }
0x21: {  	s3 =	sadd.s32 s3, s9;
	s6 =	sadd.s32 @!p0 $0x88, s6;
	s7 =	simm.s32 @p2 $0x1082  }
0x22: {  	[simem:s7], [sflag:s8] =	dma.local @!p0 [hbm:s6], $0xF7A  }
0x23: {  	s9 =	sor.u32 $0xD0000000, s2;
	s6 =	simm.s32 $0x108;
	_ =	swait.ge @!p0 [sflag:s8], $0x0  }
0x24: {  	s3 =	sadd.s32 $0x88, s3;
	s6 =	simm.s32 @!p1 $0x1082;
	[sflag:s4] =	ssyncset.s32 $0xFFFFF086  }
0x25: {  	[simem:s6], [sflag:s4] =	dma.local [hbm:s3], $0xF7A  }
0x26: {  	[smem:$0x3F9B] =	sst s1;
	(tag) =	ssettag s2;
	_ =	strace s9  }
0x27: {  	s1 =	sld [smem:$0x3FAB]  }
0x28: {  	s2 =	sld [smem:$0x3FAC]  }
0x29: {  	s4 =	sld [smem:$0x3FAE]  }
0x2a: {  	p0 =	seq.s32 s5, $0x0;
	s5 =	sld [smem:$0x3FAF]  }
0x2b: {  	s6 =	sld [smem:$0x3FB0]  }
0x2c: {  	s7 =	sld [smem:$0x3FB1]  }
0x2d: {  	s3 =	simm.s32 $0x108;
	s8 =	sld [smem:$0x3FB2]  }
0x2e: {  	s3 =	simm.s32 @!p0 $0x1082;
	s9 =	sld [smem:$0x3FB3]  }
0x2f: {  	lr =	sadd.s32 s0, s3;
	s0 =	sld [smem:$0x3FAA]  }
0x30: {  	s3 =	sld [smem:$0x3FAD]  }
0x31: {  	[smem:$0x3FB6] =	sst s10  }
0x32: {  	s10 =	sld [smem:$0x3FB4];
	_ =	sdelay $0x3  }
0x33: {  	p0 =	seq.s32 s10, $0x1;
	s10 =	sld [smem:$0x3FB6];
	_ =	sdelay $0x3  }
0x34: {  	[smem:$0x3FB6] =	sst s10  }
0x35: {  	s10 =	sld [smem:$0x3FB5];
	_ =	sdelay $0x3  }
0x36: {  	p1 =	seq.s32 s10, $0x1;
	s10 =	sld [smem:$0x3FB6];
	_ =	sdelay $0x3  }
0x37: {  	[smem:$0x3FB6] =	sst s10  }
0x38: {  	s10 =	sld [smem:$0x3FB7]  }
0x39: {  	_ = 	snop;
	(pc) =	sbr.ind lr, $3  }
0x3a: {  	_ = 	snop  }
0x3b: {  	_ = 	snop  }
0x3c: {  	p2 =	seq.s32 s10, $0x1;
	s10 =	sld [smem:$0x3FB6]  }
0x3d: {  	_ =	shalt  }
0x3e: {  	_ =	shalt  }
0x3f: {  	_ =	shalt  }
0x40: {  	_ =	shalt  }
0x41: {  	_ =	shalt  }
0x42: {  	_ =	shalt  }
0x43: {  	_ =	shalt  }
0x44: {  	_ =	shalt  }
0x45: {  	_ =	shalt  }
0x46: {  	_ =	shalt  }
0x47: {  	_ =	shalt  }
0x48: {  	_ =	shalt  }
0x49: {  	_ =	shalt  }
0x4a: {  	_ =	shalt  }
0x4b: {  	_ =	shalt  }
0x4c: {  	_ =	shalt  }
0x4d: {  	_ =	shalt  }
0x4e: {  	_ =	shalt  }
0x4f: {  	_ =	shalt  }
0x50: {  	_ =	shalt  }
0x51: {  	_ =	shalt  }
0x52: {  	_ =	shalt  }
0x53: {  	_ =	shalt  }
0x54: {  	_ =	shalt  }
0x55: {  	_ =	shalt  }
0x56: {  	_ =	shalt  }
0x57: {  	_ =	shalt  }
0x58: {  	_ =	shalt  }
0x59: {  	_ =	shalt  }
0x5a: {  	_ =	shalt  }
0x5b: {  	_ =	shalt  }
0x5c: {  	_ =	shalt  }
0x5d: {  	_ =	shalt  }
0x5e: {  	_ =	shalt  }
0x5f: {  	_ =	shalt  }
0x60: {  	_ =	shalt  }
0x61: {  	_ =	shalt  }
0x62: {  	_ =	shalt  }
0x63: {  	_ =	shalt  }
0x64: {  	_ =	shalt  }
0x65: {  	_ =	shalt  }
0x66: {  	_ =	shalt  }
0x67: {  	_ =	shalt  }
0x68: {  	_ =	shalt  }
0x69: {  	_ =	shalt  }
0x6a: {  	_ =	shalt  }
0x6b: {  	_ =	shalt  }
0x6c: {  	_ =	shalt  }
0x6d: {  	_ =	shalt  }
0x6e: {  	_ =	shalt  }
0x6f: {  	_ =	shalt  }
0x70: {  	_ =	shalt  }
0x71: {  	_ =	shalt  }
0x72: {  	_ =	shalt  }
0x73: {  	_ =	shalt  }
0x74: {  	_ =	shalt  }
0x75: {  	_ =	shalt  }
0x76: {  	_ =	shalt  }
0x77: {  	_ =	shalt  }
0x78: {  	_ =	shalt  }
0x79: {  	_ =	shalt  }
0x7a: {  	_ =	shalt  }
0x7b: {  	_ =	shalt  }
0x7c: {  	_ =	shalt  }
0x7d: {  	_ =	shalt  }
0x7e: {  	_ =	shalt  }
0x7f: {  	_ =	shalt  }
0x80: {  	_ =	shalt  }
0x81: {  	_ =	shalt  }
0x82: {  	_ =	shalt  }
0x83: {  	_ =	shalt  }
0x84: {  	_ =	shalt  }
0x85: {  	_ =	shalt  }
0x86: {  	_ =	shalt  }
0x87: {  	_ =	shalt  }
.Lfunc_end0:
.L_simem_size_0:
called_computation_lowered:
.L_overlay_start_0:
0x88: {  	s2 =	sld [smem:$0x3FD9]  }
0x89: {  	s3 =	sld [smem:$0x3FFE];
	_ =	sdelay $0x1  }
0x8a: {  	s1 =	srdreg.scid  }
0x8b: {  	s0 =	sand.u32 $0x1, s1  }
0x8c: {  	s17 =	sshll.u32 s0, $0xA;
	s2 =	sadd.s32 s3, s2  }
0x8d: {  	s2 =	sadd.s32 s2, s17  }
0x8e: {  	[smem:$0x3FC2] =	sst s2  }
0x8f: {  	_ = 	snop  }
0x90: {  	s2 =	sld [smem:$0x3FD0];
	(tm) =	ssettm $0x1  }
0x91: {  	s18 =	sld [smem:$0x3FFB];
	_ =	sdelay $0x3  }
0x92: {  	_ =	strace s18  }
0x93: {  	s3 =	sld [smem:$0x3FFC];
	_ =	sdelay $0x3  }
0x94: {  	_ =	strace s3  }
0x95: {  	s3 =	sld [smem:$0x3FFD];
	_ =	sdelay $0x3  }
0x96: {  	_ =	strace s3  }
0x97: {  	_ =	strace $0x8FFFFFFF  }
0x98: {  	s19 =	sld [smem:$0x3FDB];
	_ =	sdelay $0x1  }
0x99: {  	s4 =	simm.s32 $_scs_section_size  }
0x9a: {  	s5 =	simm.s32 $_size__tile_overlayer_lowered;
	s6 =	simm.s32 $_tile_overlayer_lowered  }
0x9b: {  	s22 =	simm.s32 $0x1BFF;
	s21 =	sshll.u32 s6, $0x1;
	s3 =	sadd.s32 s4, s19  }
0x9c: {  	s7 =	simm.s32 $0x0;
	s20 =	sshll.u32 s5, $0x1;
	s5 =	sadd.s32 s21, s3  }
0x9d: {  	[timem:s7], [sflag:s22] =	dma.local [hbm:s5], s20  }
0x9e: {  	_ =	swait.ge [sflag:s22], s20  }
0x9f: {  	s4 =	ssub.s32 $0x0, s20;
	[sflag:s22] =	ssyncset.done $0x0  }
0xa0: {  	[sflag:s22] =	ssyncadd.s32 s4;
	_ =	sdelay $0x1  }
0xa1: {  	s23 =	simm.s32 $0x1B8B  }
0xa2: {  	_ =	swait.ge [sflag:s23], $0x1  }
0xa3: {  	[sflag:s23] =	ssyncset.done $0x0  }
0xa4: {  	s25 =	simm.s32 $0x1B8E;
	s24 =	sld [smem:$0x3FFE];
	[sflag:s23] =	ssyncadd.s32 $0xFFFFFFFF  }
0xa5: {  	s26 =	simm.s32 $execute0_lowered;
	[smem:$0x3FD2] =	sst s25  }
0xa6: {  	s5 =	sshll.u32 s26, $0x1;
	_ =	strace $0x80000046;
	[dreg:$0x1] =	wrdreg $0xFFFFFFFF  }
0xa7: {  	s28 =	simm.s32 $_size_execute0_lowered;
	s3 =	sadd.s32 s3, s5;
	[dreg:$0x0] =	wrdreg $0x0  }
0xa8: {  	s5 =	sshll.u32 s28, $0x1;
	[dreg:$0x2] =	wrdreg s3  }
0xa9: {  	[dreg:$0x3] =	wrdreg s5  }
0xaa: {  	[dreg:$0x4] =	wrdreg $0xC0  }
0xab: {  	_ =	task [dreg:s7], $0x5FFFF  }
0xac: {  	[dreg:$0x1] =	wrdreg $0xFFFFFFFF  }
0xad: {  	[dreg:$0x0] =	wrdreg $0x60  }
0xae: {  	[dreg:$0x2] =	wrdreg s2  }
0xaf: {  	[dreg:$0x3] =	wrdreg s24  }
0xb0: {  	[dreg:$0x4] =	wrdreg $0x0  }
0xb1: {  	[dreg:$0x5] =	wrdreg $0x9  }
0xb2: {  	_ =	task.clear_ibuf [dreg:s7], $0x6FFFF;
	_ =	strace $0x90000046  }
0xb3: {  	s29 =	simm.s32 $0x9;
	_ =	strace $0x80000048  }
0xb4: {  	_ =	swait.ge [sflag:s29], $0x1  }
0xb5: {  	[sflag:s29] =	ssyncadd.s32 $0xFFFFFFFF  }
0xb6: {  	_ =	strace $0x90000048  }
0xb7: {  	_ =	sfence  }
0xb8: {  	s30 =	sld [smem:$0x0];
	_ =	sdelay $0x2  }
0xb9: {  	s31 =	sshll.u32 s1, $0xD;
	s1 =	sshrl.u32 s1, $0x2  }
0xba: {  	s3 =	sand.u32 $0x4000, s31;
	s1 =	sadd.s32 s1, s30  }
0xbb: {  	s0 =	sor.u32 s3, s0;
	s1 =	sshll.u32 s1, $0x11  }
0xbc: {  	s0 =	sor.u32 s1, s0  }
0xbd: {  	s0 =	sadd.s32 $0x8F2B, s0  }
0xbe: {  	[sflag:s0] =	ssyncadd.remote.s32 $0x1  }
0xbf: {  	_ =	sfence.sel $0xFFFF  }
0xc0: {  	[dreg:$0x0] =	wrdreg $0xFFFFFFFF;
	(pc) =	sbr.abs _section_cstart, $3  }
0xc1: {  	[dreg:$0x1] =	wrdreg $0xFFFFFFFF  }
0xc2: {  	_ =	task.clear_ibuf [dreg:s7], $0x2FFFF;
	_ =	strace $0x9FFFFFFF  }
0xc3: {  	(tm) =	ssettm $0x7FFFFFFF  }
tec
execute0_lowered:
.L_overlay_start_1:
0x0: {  	(tag) =	ssettag $0x1  }
0x1: {  	s4 =	rddreg [dreg:$0x0]  }
0x2: {  	s1 =	srdreg.scid;
	s5 =	rddreg [dreg:$0x1]  }
0x3: {  	s0 =	stileid.u32;
	s2 =	rddreg [dreg:$0x2];
	s3 =	simm.s32 $0x0  }
0x4: {  	s11 =	simm.s32 $0x50;
	s12 =	simm.s32 $0x4500;
	s13 =	simm.s32 $0x300  }
0x5: {  	s14 =	simm.s32 $0x380;
	s15 =	simm.s32 $0x400;
	s16 =	simm.s32 $0x1  }
0x6: {  	s17 =	simm.s32 $0x2;
	s18 =	simm.s32 $0x3;
	s19 =	simm.s32 $0x4  }
0x7: {  	s20 =	simm.s32 $0x4080;
	s6 =	sand.u32 $0x1, s1;
	s1 =	rddreg [dreg:$0x3]  }
0x8: {  	s23 =	simm.s32 $0x0;
	s7 =	smul.u32 $0x280, s0;
	[smem:$0x7FF] =	sst s3  }
0x9: {  	s10 =	sshll.u32 s0, $0xB;
	s21 =	sshll.u32 s0, $0x6;
	s8 =	smul.u32 $0x2800, s6  }
0xa: {  	_ =	strace $0x80000047;
	s9 =	ssub.s32 $0x2, s6;
	s31 =	sshll.u32 s6, $0xF  }
0xb: {  	s4 =	sadd.s32 s4, s10;
	s10 =	simm.s32 $0x4280;
	s8 =	sadd.s32 s7, s8  }
0xc: {  	s21 =	sor.u32 $0x1C05, s21;
	s30 =	sshrl.u32 s9, $0x1;
	s8 =	sshrl.u32 s8, $0x3  }
0xd: {  	s4 =	sadd.s32 s31, s4;
	s9 =	ssub.s32 s9, s30;
	s8 =	sadd.s32 s8, s5  }
0xe: {  	s5 =	sadd.s32 s7, s2;
	s7 =	smax.u32 s9, $0x1;
	s9 =	simm.s32 $0x5  }
0xf: {  	v0 =	vimm.f32 $0.0e+00;
	v1 =	vimm.f32 $1.000000000e+00;
	s6 =	sadd.s32 $0x15C00, s8;
	s8 =	simm.s32 $0x280;
	s22 =	sshrl.u32 s5, $0x3  }
.LBB2_1:
0x10: {  	[tilespmem:s8], [sflag:$0x5] =	stream.linear.gather [hbm4b:s4+s3], $0x3E80, $0x38;
	[tilespmem:$0x4580] =	vst v63  }
0x11: {  	_ =	swait.ge [sflag:s9], $0x3E80  }
0x12: {  	[sflag:s9] =	ssyncset.done $0x0  }
0x13: {  	[sflag:s9] =	ssyncadd.s32 $0xFFFFC180  }
0x14: {  	[tilespmem:$0x4280] =	vst v0  }
0x15: {  	[tilespmem:$0x4290] =	vst v0  }
0x16: {  	[tilespmem:$0x42A0] =	vst v0  }
0x17: {  	[tilespmem:$0x42B0] =	vst v0  }
0x18: {  	[tilespmem:$0x42C0] =	vst v0  }
0x19: {  	[tilespmem:$0x42D0] =	vst v0  }
0x1a: {  	[tilespmem:$0x42E0] =	vst v0  }
0x1b: {  	[tilespmem:$0x42F0] =	vst v0  }
0x1c: {  	[tilespmem:$0x4300] =	vst v0  }
0x1d: {  	[tilespmem:$0x4310] =	vst v0  }
0x1e: {  	[tilespmem:$0x4320] =	vst v0  }
0x1f: {  	[tilespmem:$0x4330] =	vst v0  }
0x20: {  	[tilespmem:$0x4340] =	vst v0  }
0x21: {  	[tilespmem:$0x4350] =	vst v0  }
0x22: {  	[tilespmem:$0x4360] =	vst v0  }
0x23: {  	[tilespmem:$0x4370] =	vst v0  }
0x24: {  	[tilespmem:$0x4380] =	vst v0  }
0x25: {  	[tilespmem:$0x4390] =	vst v0  }
0x26: {  	[tilespmem:$0x43A0] =	vst v0  }
0x27: {  	[tilespmem:$0x43B0] =	vst v0  }
0x28: {  	[tilespmem:$0x43C0] =	vst v0  }
0x29: {  	[tilespmem:$0x43D0] =	vst v0  }
0x2a: {  	[tilespmem:$0x43E0] =	vst v0  }
0x2b: {  	[tilespmem:$0x43F0] =	vst v0  }
0x2c: {  	[tilespmem:$0x4400] =	vst v0  }
0x2d: {  	[tilespmem:$0x4410] =	vst v0  }
0x2e: {  	[tilespmem:$0x4420] =	vst v0  }
0x2f: {  	[tilespmem:$0x4430] =	vst v0  }
0x30: {  	[tilespmem:$0x4440] =	vst v0  }
0x31: {  	[tilespmem:$0x4450] =	vst v0  }
0x32: {  	[tilespmem:$0x4460] =	vst v0  }
0x33: {  	[tilespmem:$0x4470] =	vst v0  }
0x34: {  	[tilespmem:$0x4480] =	vst v0  }
0x35: {  	[tilespmem:$0x4490] =	vst v0  }
0x36: {  	[tilespmem:$0x44A0] =	vst v0  }
0x37: {  	[tilespmem:$0x44B0] =	vst v0  }
0x38: {  	[tilespmem:$0x44C0] =	vst v0  }
0x39: {  	[tilespmem:$0x44D0] =	vst v0  }
0x3a: {  	[tilespmem:$0x44E0] =	vst v0  }
0x3b: {  	[tilespmem:$0x44F0] =	vst v0  }
0x3c: {  	[tilespmem:$0x4500] =	vst v1  }
0x3d: {  	[tilespmem:$0x4510] =	vst v1  }
0x3e: {  	[tilespmem:$0x4520] =	vst v1  }
0x3f: {  	[tilespmem:$0x4530] =	vst v1  }
0x40: {  	[tilespmem:$0x4540] =	vst v1  }
0x41: {  	[spmem:s5] =	stream.linear.scatter [tilespmem:s10], [sflag:$0x5], $0x280, $0x38;
	[tilespmem:$0x4580] =	vst v63  }
0x42: {  	_ =	swait.ge [sflag:s9], $0x280  }
0x43: {  	[sflag:s9] =	ssyncset.done $0x0  }
0x44: {  	[sflag:s9] =	ssyncadd.s32 $0xFFFFFD80  }
0x45: {  	[bflag:$0x0] =	sbarrier.arrive $0xFFFF  }
0x46: {  	[spmem:s2] =	stream.indirect.scatter.add.f32 [tilespmem:s12], [sflag:$0x1], $0x1, s8, s11, $0xb8;
	[tilespmem:$0x4580] =	vst v63  }
0x47: {  	_ = 	snop  }
0x48: {  	[spmem:s2] =	stream.indirect.scatter.add.f32 [tilespmem:s12], [sflag:$0x2], $0x1, s13, s11, $0xb8;
	[tilespmem:$0x4580] =	vst v63  }
0x49: {  	_ = 	snop  }
0x4a: {  	[spmem:s2] =	stream.indirect.scatter.add.f32 [tilespmem:s12], [sflag:$0x3], $0x1, s14, s11, $0xb8;
	[tilespmem:$0x4580] =	vst v63  }
0x4b: {  	_ = 	snop  }
0x4c: {  	[spmem:s2] =	stream.indirect.scatter.add.f32 [tilespmem:s12], [sflag:$0x4], $0x1, s15, s11, $0xb8;
	[tilespmem:$0x4580] =	vst v63  }
0x4d: {  	_ =	swait.ge [sflag:s16], $0x50  }
0x4e: {  	[sflag:s16] =	ssyncset.done $0x0  }
0x4f: {  	s24 =	simm.s32 $0x480;
	[sflag:s16] =	ssyncadd.s32 $0xFFFFFFB0  }
0x50: {  	[spmem:s2] =	stream.indirect.scatter.add.f32 [tilespmem:s12], [sflag:$0x1], $0x1, s24, s11, $0xb8;
	[tilespmem:$0x4580] =	vst v63  }
0x51: {  	_ =	swait.ge [sflag:s17], $0x50  }
0x52: {  	[sflag:s17] =	ssyncset.done $0x0  }
0x53: {  	s30 =	simm.s32 $0x500;
	[sflag:s17] =	ssyncadd.s32 $0xFFFFFFB0  }
0x54: {  	[spmem:s2] =	stream.indirect.scatter.add.f32 [tilespmem:s12], [sflag:$0x2], $0x1, s30, s11, $0xb8;
	[tilespmem:$0x4580] =	vst v63  }
0x55: {  	_ =	swait.ge [sflag:s18], $0x50  }
0x56: {  	[sflag:s18] =	ssyncset.done $0x0  }
0x57: {  	s31 =	simm.s32 $0x580;
	[sflag:s18] =	ssyncadd.s32 $0xFFFFFFB0  }
0x58: {  	[spmem:s2] =	stream.indirect.scatter.add.f32 [tilespmem:s12], [sflag:$0x3], $0x1, s31, s11, $0xb8;
	[tilespmem:$0x4580] =	vst v63  }
0x59: {  	_ =	swait.ge [sflag:s19], $0x50  }
0x5a: {  	[sflag:s19] =	ssyncset.done $0x0  }
0x5b: {  	s25 =	simm.s32 $0x600;
	s24 =	simm.s32 $0xFFFF1800;
	[sflag:s19] =	ssyncadd.s32 $0xFFFFFFB0  }
.LBB2_2:
0x5c: {  	[spmem:s2] =	stream.indirect.scatter.add.f32 [tilespmem:s12], [sflag:$0x4], $0x1, s25, s11, $0xb8;
	[tilespmem:$0x4580] =	vst v63  }
0x5d: {  	s25 =	smov.u32 s24  }
0x5e: {  	p0 =	sne.s32 s24, $0xFFFFF800;
	s24 =	sadd.s32 $0x800, s24;
	_ =	swait.ge [sflag:s16], $0x50  }
0x5f: {  	s25 =	sshra.s32 s25, $0x2;
	[sflag:s16] =	ssyncset.done $0x0  }
0x60: {  	s26 =	sadd.s32 $0x4080, s25;
	[sflag:s16] =	ssyncadd.s32 $0xFFFFFFB0  }
0x61: {  	[spmem:s2] =	stream.indirect.scatter.add.f32 [tilespmem:s12], [sflag:$0x1], $0x1, s26, s11, $0xb8;
	[tilespmem:$0x4580] =	vst v63  }
0x62: {  	_ =	swait.ge [sflag:s17], $0x50  }
0x63: {  	[sflag:s17] =	ssyncset.done $0x0  }
0x64: {  	s26 =	sadd.s32 $0x4100, s25;
	[sflag:s17] =	ssyncadd.s32 $0xFFFFFFB0  }
0x65: {  	[spmem:s2] =	stream.indirect.scatter.add.f32 [tilespmem:s12], [sflag:$0x2], $0x1, s26, s11, $0xb8;
	[tilespmem:$0x4580] =	vst v63  }
0x66: {  	_ =	swait.ge [sflag:s18], $0x50  }
0x67: {  	[sflag:s18] =	ssyncset.done $0x0  }
.Ltmp0:
0x68: {  	s26 =	sadd.s32 $0x4180, s25;
	[sflag:s18] =	ssyncadd.s32 $0xFFFFFFB0;
	(pc) =	sbr.rel @p0 .LBB2_2-.Ltmp0, $4  }
0x69: {  	[spmem:s2] =	stream.indirect.scatter.add.f32 [tilespmem:s12], [sflag:$0x3], $0x1, s26, s11, $0xb8;
	[tilespmem:$0x4580] =	vst v63  }
0x6a: {  	_ =	swait.ge [sflag:s19], $0x50  }
0x6b: {  	[sflag:s19] =	ssyncset.done $0x0  }
0x6c: {  	s25 =	sadd.s32 $0x4200, s25;
	[sflag:s19] =	ssyncadd.s32 $0xFFFFFFB0  }
0x6d: {  	[spmem:s2] =	stream.indirect.scatter.add.f32 [tilespmem:s12], [sflag:$0x4], $0x1, s25, s11, $0xb8;
	[tilespmem:$0x4580] =	vst v63  }
0x6e: {  	_ =	swait.ge [sflag:s16], $0x50  }
0x6f: {  	[sflag:s16] =	ssyncset.done $0x0  }
0x70: {  	[sflag:s16] =	ssyncadd.s32 $0xFFFFFFB0  }
0x71: {  	[spmem:s2] =	stream.indirect.scatter.add.f32 [tilespmem:s12], [sflag:$0x1], $0x1, s20, s11, $0xb8;
	[tilespmem:$0x4580] =	vst v63  }
0x72: {  	_ =	swait.ge [sflag:s16], $0x50  }
0x73: {  	[sflag:s16] =	ssyncset.done $0x0  }
0x74: {  	[sflag:s16] =	ssyncadd.s32 $0xFFFFFFB0  }
0x75: {  	_ =	swait.ge [sflag:s17], $0x50  }
0x76: {  	[sflag:s17] =	ssyncset.done $0x0  }
0x77: {  	[sflag:s17] =	ssyncadd.s32 $0xFFFFFFB0  }
0x78: {  	_ =	swait.ge [sflag:s18], $0x50  }
0x79: {  	[sflag:s18] =	ssyncset.done $0x0  }
0x7a: {  	[sflag:s18] =	ssyncadd.s32 $0xFFFFFFB0  }
0x7b: {  	_ =	swait.ge [sflag:s19], $0x50  }
0x7c: {  	s23 =	sadd.s32 $0x1, s23;
	[sflag:s19] =	ssyncset.done $0x0  }
0x7d: {  	p0 =	sne.s32 s23, s7;
	[sflag:s19] =	ssyncadd.s32 $0xFFFFFFB0  }
.Ltmp1:
0x7e: {  	[bflag:$0x0] =	sbarrier.arrive $0xFFFF;
	(pc) =	sbr.rel @p0 .LBB2_1-.Ltmp1, $4  }
0x7f: {  	[hbm:s6], [sflag:s21] =	dma.local [spmem:s22], $0x50  }
0x80: {  	_ =	swait.ge [sflag:s9], $0x50  }
0x81: {  	[sflag:s9] =	ssyncset.done $0x0  }
0x82: {  	[sflag:s9] =	ssyncadd.s32 $0xFFFFFFB0  }
0x83: {  	_ =	sfence.sel $0x180000  }
0x84: {  	[bflag:$0x0] =	sbarrier.arrive $0xFFFF  }
0x85: {  	p0 =	sne.s32 s0, $0x0;
	_ =	strace $0x90000047  }
0x86: {  	s0 =	sadd.s32 @!p0 $0x100000, s1;
	[bflag:$0x2] =	sbarrier.arrive $0xFFFF  }
0x87: {  	[sflag:s0] =	ssyncadd.tile.s32 @!p0 $0x1;
	_ =	shalt  }
.Lfunc_end2:
_tile_overlayer_lowered:
.L_overlay_start_2:
0x88: {  	(tag) =	ssettag $0x2  }
0x89: {  	s0 =	rddreg [dreg:$0x0];
	s2 =	stileid.u32  }
0x8a: {  	s1 =	rddreg [dreg:$0x1];
	p0 =	sne.s32 s2, $0x0  }
0x8b: {  	s3 =	rddreg [dreg:$0x2];
	[bflag:$0x3] =	sbarrier.arrive $0xFFFF;
	s2 =	simm.s32 @!p0 $0x1C05  }
0x8c: {  	[timem:s3], [sflag:s2] =	dma.local @!p0 [hbm:s0], s1  }
0x8d: {  	s0 =	simm.s32 @!p0 $0x5  }
0x8e: {  	_ =	swait.ge @!p0 [sflag:s0], s1  }
0x8f: {  	s1 =	ssub.s32 @!p0 $0x0, s1;
	[sflag:s0] =	ssyncset.done @!p0 $0x0  }
0x90: {  	[sflag:s0] =	ssyncadd.s32 @!p0 s1  }
0x91: {  	[bflag:$0x3] =	sbarrier.arrive $0xFFFF  }
0x92: {  	_ =	shalt  }

</sc_bundles>
